<compile_context>
chip_gen: v7x
topology: tpu7x:2x2x1
jax: 0.10.2.dev20260603
libtpu: 0.0.44.dev20260713+nightly
codegen_flags: <defaults>
</compile_context>

<pallas_src>
import functools

import jax
import jax.numpy as jnp
from jax import lax
from jax.experimental import pallas as pl
from jax.experimental.pallas import tpu as pltpu
from jax.experimental.pallas import tpu_sc as plsc

f32 = jnp.float32
i32 = jnp.int32

NC = 2
NS = 16
NW = NC * NS
LAN = 16
CHK = 1024
GRP = CHK // 128

_SC_PARAMS = pltpu.CompilerParams(needs_layout_passes=False,
                                  use_tc_tiling_on_sc=False)


def _full(v, dtype=i32):
    return jnp.full((LAN,), v, dtype=dtype)


def _body_a1(per_w, atoms16, rowr, colr, params, geo,
             pv, row2d, col2d, arow, acol, sbuf, sh_at, sem1, sem2):
    cid = lax.axis_index("c")
    sid = lax.axis_index("s")
    wid = cid * NS + sid
    npad = atoms16.shape[0]
    sl1 = npad // NS
    pltpu.sync_copy(params, pv)
    pltpu.sync_copy(atoms16.at[pl.ds(sid * sl1, sl1), :],
                    sh_at.at[pl.ds(sid * sl1, sl1), :])
    plsc.subcore_barrier()
    iot = lax.iota(i32, LAN)
    lbox = pv[1]
    gpw = per_w // 128

    def chunk(t, carry):
        g0 = wid * gpw + t * GRP
        e0 = wid * per_w + t * CHK
        c1 = pltpu.async_copy(rowr.at[pl.ds(g0, GRP), :], row2d, sem1)
        c2 = pltpu.async_copy(colr.at[pl.ds(g0, GRP), :], col2d, sem1)
        c1.wait()
        c2.wait()
        descs = []
        for g in range(GRP):
            descs.append(pltpu.async_copy(
                sh_at.at[row2d.at[g]], arow.at[pl.ds(g * 128, 128), :], sem2))
            descs.append(pltpu.async_copy(
                sh_at.at[col2d.at[g]], acol.at[pl.ds(g * 128, 128), :], sem2))
        for d in descs:
            d.wait()

        def step(j4, carry):
          for q in range(4):
            j = j4 * 4 + q
            lids = j * LAN + iot
            xr = plsc.load_gather(arow, [lids, _full(0)])
            yr = plsc.load_gather(arow, [lids, _full(1)])
            zr = plsc.load_gather(arow, [lids, _full(2)])
            tr = plsc.load_gather(arow, [lids, _full(3)])
            xc = plsc.load_gather(acol, [lids, _full(0)])
            yc = plsc.load_gather(acol, [lids, _full(1)])
            zc = plsc.load_gather(acol, [lids, _full(2)])
            tc = plsc.load_gather(acol, [lids, _full(3)])

            def mimage(d):
                u = d / lbox
                s = jnp.where(u > 0.5, 1.0, jnp.where(u < -0.5, -1.0, 0.0))
                return d - s * lbox

            plsc.store_scatter(sbuf, [_full(0), lids], mimage(xr - xc))
            plsc.store_scatter(sbuf, [_full(1), lids], mimage(yr - yc))
            plsc.store_scatter(sbuf, [_full(2), lids], mimage(zr - zc))
            plsc.store_scatter(sbuf, [_full(3), lids], tr)
            plsc.store_scatter(sbuf, [_full(4), lids], tc)
          return carry

        carry = lax.fori_loop(0, CHK // LAN // 4, step, carry)
        pltpu.sync_copy(sbuf, geo.at[:, pl.ds(e0, CHK)])
        return carry

    lax.fori_loop(0, per_w // CHK, chunk, jnp.zeros((LAN,), f32))


def _tc_r_body(geo_ref, r_ref):
    dx = geo_ref[0, :]
    dy = geo_ref[1, :]
    dz = geo_ref[2, :]
    r_ref[0, :] = jnp.sqrt(dx * dx + dy * dy + dz * dz + 1e-12)


def _body_a2(n_r, nt, per_w, geo, r_all, rowr, dens, densd, pairf, pairdf,
             params, zeros1, staged, rho_part, epair_part,
             tab_d, tab_dd, tab_p, tab_pd, pv, row2d, gbuf, rbuf,
             sbuf, fcolb, ev, sh_rho, sem1, sem2):
    cid = lax.axis_index("c")
    sid = lax.axis_index("s")
    wid = cid * NS + sid
    npad = rho_part.shape[0] // NC
    sl1 = npad // NS

    pltpu.sync_copy(dens, tab_d)
    pltpu.sync_copy(densd, tab_dd)
    pltpu.sync_copy(pairf, tab_p)
    pltpu.sync_copy(pairdf, tab_pd)
    pltpu.sync_copy(params, pv)
    pltpu.sync_copy(zeros1, sh_rho.at[pl.ds(sid * sl1, sl1)])
    plsc.subcore_barrier()

    iot = lax.iota(i32, LAN)
    cutv = pv[0]
    invdr = pv[2]
    rclip = pv[3]
    n_chunks = per_w // CHK
    gpw = per_w // 128

    def chunk(t, acc):
        g0 = wid * gpw + t * GRP
        e0 = wid * per_w + t * CHK
        c1 = pltpu.async_copy(rowr.at[pl.ds(g0, GRP), :], row2d, sem1)
        c2 = pltpu.async_copy(geo.at[:, pl.ds(e0, CHK)], gbuf, sem1)
        c3 = pltpu.async_copy(r_all.at[0, pl.ds(e0, CHK)], rbuf, sem1)
        c1.wait()
        c2.wait()
        c3.wait()

        def step(j4, acc):
          for q in range(4):
            j = j4 * 4 + q
            lids = j * LAN + iot
            dx = plsc.load_gather(gbuf, [_full(0), lids])
            dy = plsc.load_gather(gbuf, [_full(1), lids])
            dz = plsc.load_gather(gbuf, [_full(2), lids])
            tr = plsc.load_gather(gbuf, [_full(3), lids])
            tc = plsc.load_gather(gbuf, [_full(4), lids])
            r = plsc.load_gather(rbuf, [lids])
            wl = (r < cutv) & (r > 1e-6)
            wf = jnp.where(wl, 1.0, 0.0)
            rc = jnp.minimum(r, rclip)
            fidx = rc * invdr
            idxi = fidx.astype(i32)
            frac = fidx - idxi.astype(f32)
            nidxi = jnp.minimum(idxi + 1, n_r - 1)
            tci = tc.astype(i32)
            tri = tr.astype(i32)
            dbc = tci * n_r
            dbr = tri * n_r
            pb = (tri * nt + tci) * n_r

            v0 = plsc.load_gather(tab_d, [dbc + idxi])
            v1 = plsc.load_gather(tab_d, [dbc + nidxi])
            fcol = (v0 + frac * (v1 - v0)) * wf
            p0 = plsc.load_gather(tab_p, [pb + idxi])
            p1 = plsc.load_gather(tab_p, [pb + nidxi])
            acc = acc + (p0 + frac * (p1 - p0)) * wf
            q0 = plsc.load_gather(tab_pd, [pb + idxi])
            q1 = plsc.load_gather(tab_pd, [pb + nidxi])
            cval = (q0 + frac * (q1 - q0)) * wf
            a0 = plsc.load_gather(tab_dd, [dbc + idxi])
            a1 = plsc.load_gather(tab_dd, [dbc + nidxi])
            aval = (a0 + frac * (a1 - a0)) * wf
            b0 = plsc.load_gather(tab_dd, [dbr + idxi])
            b1 = plsc.load_gather(tab_dd, [dbr + nidxi])
            bval = (b0 + frac * (b1 - b0)) * wf
            rs = jnp.where(r > 1e-6, r, 1.0)
            plsc.store_scatter(sbuf, [_full(0), lids], aval)
            plsc.store_scatter(sbuf, [_full(1), lids], bval)
            plsc.store_scatter(sbuf, [_full(2), lids], cval)
            plsc.store_scatter(sbuf, [_full(3), lids], dx / rs)
            plsc.store_scatter(sbuf, [_full(4), lids], dy / rs)
            plsc.store_scatter(sbuf, [_full(5), lids], dz / rs)
            plsc.store_scatter(sbuf, [_full(6), lids], r)
            plsc.store_scatter(fcolb, [lids], fcol)
          return acc

        acc = lax.fori_loop(0, CHK // LAN // 4, step, acc)
        wcp = pltpu.async_copy(sbuf, staged.at[:, pl.ds(e0, CHK)], sem1)
        adds = [pltpu.async_copy(fcolb.at[pl.ds(g * 128, 128)],
                                 sh_rho.at[row2d.at[g]], sem2, add=True)
                for g in range(GRP)]
        for d in adds:
            d.wait()
        wcp.wait()
        return acc

    acc = lax.fori_loop(0, n_chunks, chunk, jnp.zeros((LAN,), f32))
    plsc.subcore_barrier()
    pltpu.sync_copy(sh_rho.at[pl.ds(sid * sl1, sl1)],
                    rho_part.at[pl.ds(cid * npad + sid * sl1, sl1)])
    ev[...] = acc
    pltpu.sync_copy(ev, epair_part.at[pl.ds(wid * 16, 16)])


def _body_b(n_rho, n_real, rho_part, types_pad, emb, embd, rm16, dr16,
            fp_out, eemb_part, tab_e, tab_ed, r0b, r1b, tyb, fpb,
            rmv, drv, ev, sem):
    cid = lax.axis_index("c")
    sid = lax.axis_index("s")
    wid = cid * NS + sid
    npad = fp_out.shape[0]
    apw = npad // NW
    s0 = wid * apw

    pltpu.sync_copy(emb, tab_e)
    pltpu.sync_copy(embd, tab_ed)
    pltpu.sync_copy(rm16, rmv)
    pltpu.sync_copy(dr16, drv)
    pltpu.sync_copy(rho_part.at[pl.ds(s0, apw)], r0b)
    pltpu.sync_copy(rho_part.at[pl.ds(npad + s0, apw)], r1b)
    pltpu.sync_copy(types_pad.at[pl.ds(s0, apw)], tyb)

    iot = lax.iota(i32, LAN)
    khi = float((n_rho - 1) * (1.0 - 1e-07))

    def step(j, acc):
        lids = j * LAN + iot
        rho = plsc.load_gather(r0b, [lids]) + plsc.load_gather(r1b, [lids])
        t = plsc.load_gather(tyb, [lids])
        rm = plsc.load_gather(rmv, [t])
        dr = plsc.load_gather(drv, [t])
        hi = rm + dr * khi
        rhoc = jnp.minimum(jnp.maximum(rho, rm), hi)
        rf = (rhoc - rm) / dr
        ri = rf.astype(i32)
        rfr = rf - ri.astype(f32)
        rn = jnp.minimum(ri + 1, n_rho - 1)
        eb = t * n_rho
        F0 = plsc.load_gather(tab_e, [eb + ri])
        F1 = plsc.load_gather(tab_e, [eb + rn])
        G0 = plsc.load_gather(tab_ed, [eb + ri])
        G1 = plsc.load_gather(tab_ed, [eb + rn])
        fpv = G0 + rfr * (G1 - G0)
        plsc.store_scatter(fpb, [lids], fpv)
        m = jnp.where(s0 + lids < n_real, 1.0, 0.0)
        return acc + (F0 + rfr * (F1 - F0)) * m

    acc = lax.fori_loop(0, apw // LAN, step, jnp.zeros((LAN,), f32))
    pltpu.sync_copy(fpb, fp_out.at[pl.ds(s0, apw)])
    ev[...] = acc
    pltpu.sync_copy(ev, eemb_part.at[pl.ds(wid * 16, 16)])


def _body_c(per_w, staged, rowr, colr, fp_in, zeros1, f_part, vir_part,
            st, row2d, col2d, fprb, fpcb, fxb, fyb, fzb, ev,
            sh_fx, sh_fy, sh_fz, sh_fp, sem1, sem2):
    cid = lax.axis_index("c")
    sid = lax.axis_index("s")
    wid = cid * NS + sid
    npad = f_part.shape[0] // (NC * 3)
    sl1 = npad // NS

    pltpu.sync_copy(zeros1, sh_fx.at[pl.ds(sid * sl1, sl1)])
    pltpu.sync_copy(zeros1, sh_fy.at[pl.ds(sid * sl1, sl1)])
    pltpu.sync_copy(zeros1, sh_fz.at[pl.ds(sid * sl1, sl1)])
    pltpu.sync_copy(fp_in.at[pl.ds(sid * sl1, sl1)],
                    sh_fp.at[pl.ds(sid * sl1, sl1)])
    plsc.subcore_barrier()

    iot = lax.iota(i32, LAN)
    n_chunks = per_w // CHK
    gpw = per_w // 128

    def chunk(t, acc):
        g0 = wid * gpw + t * GRP
        e0 = wid * per_w + t * CHK
        c1 = pltpu.async_copy(rowr.at[pl.ds(g0, GRP), :], row2d, sem1)
        c2 = pltpu.async_copy(colr.at[pl.ds(g0, GRP), :], col2d, sem1)
        c1.wait()
        c2.wait()
        descs = [pltpu.async_copy(staged.at[:, pl.ds(e0, CHK)], st, sem1)]
        for g in range(GRP):
            descs.append(pltpu.async_copy(
                sh_fp.at[row2d.at[g]], fprb.at[pl.ds(g * 128, 128)], sem2))
            descs.append(pltpu.async_copy(
                sh_fp.at[col2d.at[g]], fpcb.at[pl.ds(g * 128, 128)], sem2))
        for d in descs:
            d.wait()

        def step(j4, acc):
          for q in range(4):
            j = j4 * 4 + q
            lids = j * LAN + iot
            fpr = plsc.load_gather(fprb, [lids])
            fpc = plsc.load_gather(fpcb, [lids])
            a = plsc.load_gather(st, [_full(0), lids])
            b = plsc.load_gather(st, [_full(1), lids])
            cc = plsc.load_gather(st, [_full(2), lids])
            gx = plsc.load_gather(st, [_full(3), lids])
            gy = plsc.load_gather(st, [_full(4), lids])
            gz = plsc.load_gather(st, [_full(5), lids])
            r = plsc.load_gather(st, [_full(6), lids])
            fpair = fpr * a + fpc * b + cc
            acc = acc + fpair * r
            plsc.store_scatter(fxb, [lids], -(fpair * gx))
            plsc.store_scatter(fyb, [lids], -(fpair * gy))
            plsc.store_scatter(fzb, [lids], -(fpair * gz))
          return acc

        acc = lax.fori_loop(0, CHK // LAN // 4, step, acc)
        adds = []
        for g in range(GRP):
            adds.append(pltpu.async_copy(fxb.at[pl.ds(g * 128, 128)],
                                         sh_fx.at[row2d.at[g]], sem2, add=True))
            adds.append(pltpu.async_copy(fyb.at[pl.ds(g * 128, 128)],
                                         sh_fy.at[row2d.at[g]], sem2, add=True))
            adds.append(pltpu.async_copy(fzb.at[pl.ds(g * 128, 128)],
                                         sh_fz.at[row2d.at[g]], sem2, add=True))
        for d in adds:
            d.wait()
        return acc

    acc = lax.fori_loop(0, n_chunks, chunk, jnp.zeros((LAN,), f32))
    plsc.subcore_barrier()
    base = cid * 3 * npad + sid * sl1
    pltpu.sync_copy(sh_fx.at[pl.ds(sid * sl1, sl1)],
                    f_part.at[pl.ds(base, sl1)])
    pltpu.sync_copy(sh_fy.at[pl.ds(sid * sl1, sl1)],
                    f_part.at[pl.ds(base + npad, sl1)])
    pltpu.sync_copy(sh_fz.at[pl.ds(sid * sl1, sl1)],
                    f_part.at[pl.ds(base + 2 * npad, sl1)])
    ev[...] = acc
    pltpu.sync_copy(ev, vir_part.at[pl.ds(wid * 16, 16)])


def kernel(coords, edge_index, atom_types, density_table, density_deriv_table,
           pair_table, pair_deriv_table, embed_table, embed_deriv_table,
           embed_rho_min, embed_drho, cutoff, box_length):
    N = coords.shape[0]
    E = edge_index.shape[1]
    NT = density_table.shape[0]
    n_r = density_table.shape[1]
    n_rho = embed_table.shape[1]

    per_w = -(-E // (NW * CHK)) * CHK
    e_pad = NW * per_w
    npad = -(-N // (NW * 8)) * (NW * 8)
    sl1 = npad // NS

    cut = jnp.asarray(cutoff, f32)
    lbox = jnp.asarray(box_length, f32)
    inv_dr = 1.0 / (cut / (n_r - 1))
    rclip = cut * (1.0 - 1e-07)
    params = jnp.tile(jnp.stack([cut, lbox, inv_dr, rclip])[:, None],
                      (1, 16)).astype(f32)

    atoms16 = jnp.concatenate([coords, atom_types[:, None].astype(f32)], axis=1)
    atoms16 = jnp.pad(atoms16, ((0, npad - N), (0, 12)))
    rowr = jnp.pad(edge_index[0], (0, e_pad - E)).reshape(e_pad // 128, 128)
    colr = jnp.pad(edge_index[1], (0, e_pad - E)).reshape(e_pad // 128, 128)
    dens = density_table.reshape(-1)
    densd = density_deriv_table.reshape(-1)
    pairf = pair_table.reshape(-1)
    pairdf = pair_deriv_table.reshape(-1)
    emb = embed_table.reshape(-1)
    embd = embed_deriv_table.reshape(-1)
    rm16 = jnp.zeros((16,), f32).at[:NT].set(embed_rho_min)
    dr16 = jnp.ones((16,), f32).at[:NT].set(embed_drho)
    types_pad = jnp.pad(atom_types, (0, npad - N))
    zeros1 = jnp.zeros((sl1,), f32)

    mesh = plsc.VectorSubcoreMesh(core_axis_name="c", subcore_axis_name="s")

    ka1 = pl.kernel(
        functools.partial(_body_a1, per_w),
        out_type=jax.ShapeDtypeStruct((5, e_pad), f32),
        mesh=mesh,
        compiler_params=_SC_PARAMS,
        scratch_types=[
            pltpu.VMEM((4, 16), f32),
            pltpu.VMEM((GRP, 128), i32),
            pltpu.VMEM((GRP, 128), i32),
            pltpu.VMEM((CHK, 16), f32),
            pltpu.VMEM((CHK, 16), f32),
            pltpu.VMEM((5, CHK), f32),
            pltpu.VMEM_SHARED((npad, 16), f32),
            pltpu.SemaphoreType.DMA,
            pltpu.SemaphoreType.DMA,
        ],
    )
    geo = ka1(atoms16, rowr, colr, params)

    blk = 32768
    while e_pad % blk:
        blk //= 2
    r_all = pl.pallas_call(
        _tc_r_body,
        grid=(e_pad // blk,),
        in_specs=[pl.BlockSpec((5, blk), lambda i: (0, i))],
        out_specs=pl.BlockSpec((1, blk), lambda i: (0, i)),
        out_shape=jax.ShapeDtypeStruct((1, e_pad), f32),
    )(geo)

    ka2 = pl.kernel(
        functools.partial(_body_a2, n_r, NT, per_w),
        out_type=(
            jax.ShapeDtypeStruct((7, e_pad), f32),
            jax.ShapeDtypeStruct((NC * npad,), f32),
            jax.ShapeDtypeStruct((NW * 16,), f32),
        ),
        mesh=mesh,
        compiler_params=_SC_PARAMS,
        scratch_types=[
            pltpu.VMEM((NT * n_r,), f32),
            pltpu.VMEM((NT * n_r,), f32),
            pltpu.VMEM((NT * NT * n_r,), f32),
            pltpu.VMEM((NT * NT * n_r,), f32),
            pltpu.VMEM((4, 16), f32),
            pltpu.VMEM((GRP, 128), i32),
            pltpu.VMEM((5, CHK), f32),
            pltpu.VMEM((CHK,), f32),
            pltpu.VMEM((7, CHK), f32),
            pltpu.VMEM((CHK,), f32),
            pltpu.VMEM((16,), f32),
            pltpu.VMEM_SHARED((npad,), f32),
            pltpu.SemaphoreType.DMA,
            pltpu.SemaphoreType.DMA,
        ],
    )
    staged, rho_part, epair_part = ka2(geo, r_all, rowr, dens, densd,
                                       pairf, pairdf, params, zeros1)

    kb = pl.kernel(
        functools.partial(_body_b, n_rho, N),
        out_type=(
            jax.ShapeDtypeStruct((npad,), f32),
            jax.ShapeDtypeStruct((NW * 16,), f32),
        ),
        mesh=mesh,
        compiler_params=_SC_PARAMS,
        scratch_types=[
            pltpu.VMEM((NT * n_rho,), f32),
            pltpu.VMEM((NT * n_rho,), f32),
            pltpu.VMEM((npad // NW,), f32),
            pltpu.VMEM((npad // NW,), f32),
            pltpu.VMEM((npad // NW,), i32),
            pltpu.VMEM((npad // NW,), f32),
            pltpu.VMEM((16,), f32),
            pltpu.VMEM((16,), f32),
            pltpu.VMEM((16,), f32),
            pltpu.SemaphoreType.DMA,
        ],
    )
    fp_val, eemb_part = kb(rho_part, types_pad, emb, embd, rm16, dr16)

    kc = pl.kernel(
        functools.partial(_body_c, per_w),
        out_type=(
            jax.ShapeDtypeStruct((NC * 3 * npad,), f32),
            jax.ShapeDtypeStruct((NW * 16,), f32),
        ),
        mesh=mesh,
        compiler_params=_SC_PARAMS,
        scratch_types=[
            pltpu.VMEM((7, CHK), f32),
            pltpu.VMEM((GRP, 128), i32),
            pltpu.VMEM((GRP, 128), i32),
            pltpu.VMEM((CHK,), f32),
            pltpu.VMEM((CHK,), f32),
            pltpu.VMEM((CHK,), f32),
            pltpu.VMEM((CHK,), f32),
            pltpu.VMEM((CHK,), f32),
            pltpu.VMEM((16,), f32),
            pltpu.VMEM_SHARED((npad,), f32),
            pltpu.VMEM_SHARED((npad,), f32),
            pltpu.VMEM_SHARED((npad,), f32),
            pltpu.VMEM_SHARED((npad,), f32),
            pltpu.SemaphoreType.DMA,
            pltpu.SemaphoreType.DMA,
        ],
    )
    f_part, vir_part = kc(staged, rowr, colr, fp_val, zeros1)

    energy = jnp.sum(eemb_part) + 0.5 * jnp.sum(epair_part)
    virial = -0.5 * jnp.sum(vir_part)
    fp3 = f_part.reshape(NC, 3, npad)
    forces = (fp3[0] + fp3[1]).T[:N]
    return energy, forces, virial

# --- scband reference (transcript-rebuilt; emitter-appended) ---
"""Pipeline reference for scband-eamforce-cudaext-11854109737007 (READ-ONLY COPY).

The authoritative reference and input builder live on the scoring server;
editing this copy changes nothing except your own understanding.
"""

import jax, jax.numpy as jnp
import numpy as np


def setup_inputs(seed: int = 0) -> dict:
    key = jax.random.key(seed)
    ks = jax.random.split(key, 12)
    N = 50000
    E = 1600000
    NT = 2
    n_r = 8192
    n_rho = 4096
    L = 12.0
    cutoff = 6.0
    coords = jax.random.uniform(ks[0], (N, 3), dtype=jnp.float32) * L
    edge_index = jax.random.randint(ks[1], (2, E), 0, N, dtype=jnp.int32)
    atom_types = jax.random.randint(ks[2], (N,), 0, NT, dtype=jnp.int32)
    density_table = 0.1 * jax.random.normal(ks[3], (NT, n_r), dtype=jnp.float32)
    density_deriv_table = 0.1 * jax.random.normal(ks[4], (NT, n_r), dtype=jnp.float32)
    pair_table = 0.1 * jax.random.normal(ks[5], (NT, NT, n_r), dtype=jnp.float32)
    pair_deriv_table = 0.1 * jax.random.normal(ks[6], (NT, NT, n_r), dtype=jnp.float32)
    embed_table = 0.1 * jax.random.normal(ks[7], (NT, n_rho), dtype=jnp.float32)
    embed_deriv_table = 0.1 * jax.random.normal(ks[8], (NT, n_rho), dtype=jnp.float32)
    embed_rho_min = jnp.zeros((NT,), dtype=jnp.float32)
    embed_drho = jnp.full((NT,), 0.01, dtype=jnp.float32)
    return {"coords": coords, "edge_index": edge_index, "atom_types": atom_types,
            "density_table": density_table, "density_deriv_table": density_deriv_table,
            "pair_table": pair_table, "pair_deriv_table": pair_deriv_table,
            "embed_table": embed_table, "embed_deriv_table": embed_deriv_table,
            "embed_rho_min": embed_rho_min, "embed_drho": embed_drho,
            "cutoff": cutoff, "box_length": L}


def reference(coords, edge_index, atom_types, density_table, density_deriv_table,
              pair_table, pair_deriv_table, embed_table, embed_deriv_table,
              embed_rho_min, embed_drho, cutoff, box_length):
    N = coords.shape[0]
    n_r = density_table.shape[1]
    n_rho = embed_table.shape[1]
    r_max = cutoff
    dr = r_max / (n_r - 1)
    inv_dr = 1.0 / dr
    row = edge_index[0]
    col = edge_index[1]
    # minimum-image pairwise vectors and distances
    rij = coords[row] - coords[col]
    rij = rij - jnp.round(rij / box_length) * box_length
    r = jnp.sqrt(jnp.sum(rij * rij, axis=1) + 1e-12)
    mask = (r < cutoff) & (r > 1e-6)
    w = mask.astype(jnp.float32)
    # uniform-grid linear interpolation indices in r
    r_c = jnp.clip(r, 0.0, r_max * (1.0 - 1e-07))
    idx_f = r_c * inv_dr
    idx = idx_f.astype(jnp.int32)
    frac = idx_f - idx.astype(jnp.float32)
    nidx = jnp.minimum(idx + 1, n_r - 1)
    t_row = atom_types[row]
    t_col = atom_types[col]

    def interp_r(table2, tidx):
        v0 = table2[tidx, idx]
        v1 = table2[tidx, nidx]
        return v0 + frac * (v1 - v0)

    def interp_pair(table3):
        v0 = table3[t_row, t_col, idx]
        v1 = table3[t_row, t_col, nidx]
        return v0 + frac * (v1 - v0)

    # density pass: rho_i = sum_j f_{t_j}(r_ij)   (scatter-add over edges)
    f_col = interp_r(density_table, t_col) * w
    rho = jnp.zeros((N,), dtype=jnp.float32).at[row].add(f_col)
    # embedding energy F(rho), per-type uniform rho grid
    types = atom_types
    rho_min = embed_rho_min[types]
    drho = embed_drho[types]
    inv_drho = 1.0 / drho
    rho_c = jnp.clip(rho, rho_min, rho_min + drho * (n_rho - 1) * (1.0 - 1e-07))
    ridx_f = (rho_c - rho_min) * inv_drho
    ridx = ridx_f.astype(jnp.int32)
    rfrac = ridx_f - ridx.astype(jnp.float32)
    rnidx = jnp.minimum(ridx + 1, n_rho - 1)
    F0 = embed_table[types, ridx]
    F1 = embed_table[types, rnidx]
    F_val = F0 + rfrac * (F1 - F0)
    Fp0 = embed_deriv_table[types, ridx]
    Fp1 = embed_deriv_table[types, rnidx]
    Fp_val = Fp0 + rfrac * (Fp1 - Fp0)
    E_embed = jnp.sum(F_val)
    # pair energy (each undirected pair appears twice in edge list -> 0.5)
    phi = interp_pair(pair_table) * w
    dphi = interp_pair(pair_deriv_table) * w
    E_pair = 0.5 * jnp.sum(phi)
    # force pass
    df_col = interp_r(density_deriv_table, t_col) * w
    df_row = interp_r(density_deriv_table, t_row) * w
    fpair = Fp_val[row] * df_col + Fp_val[col] * df_row + dphi
    r_safe = jnp.where(r > 1e-6, r, 1.0)
    fvec = -(fpair / r_safe)[:, None] * rij
    forces = jnp.zeros_like(coords).at[row].add(fvec)
    virial = -0.5 * jnp.sum(fpair * r)
    energy = E_embed + E_pair
    return energy, forces, virial

if __name__ == "__main__":
    import jax
    _d = setup_inputs()
    print(jax.jit(kernel)(*tuple(_d.values())))

</pallas_src>

<mosaic_0001>
#map = affine_map<(d0, d1) -> (0, 0)>
module attributes {stable_mosaic.version = 14 : i64} {
  func.func @_body_a1(%arg0: i32, %arg1: i32, %arg2: memref<50176x16xf32, #tpu.memory_space<hbm>>, %arg3: memref<12544x128xi32, #tpu.memory_space<hbm>>, %arg4: memref<12544x128xi32, #tpu.memory_space<hbm>>, %arg5: memref<4x16xf32, #tpu.memory_space<hbm>>, %arg6: memref<5x1605632xf32, #tpu.memory_space<hbm>>, %arg7: memref<4x16xf32, #tpu.memory_space<vmem>>, %arg8: memref<8x128xi32, #tpu.memory_space<vmem>>, %arg9: memref<8x128xi32, #tpu.memory_space<vmem>>, %arg10: memref<1024x16xf32, #tpu.memory_space<vmem>>, %arg11: memref<1024x16xf32, #tpu.memory_space<vmem>>, %arg12: memref<5x1024xf32, #tpu.memory_space<vmem>>, %arg13: memref<50176x16xf32, #tpu.memory_space<vmem_shared>>, %arg14: memref<!tpu.dma_semaphore, #tpu.memory_space<semaphore_mem>>, %arg15: memref<!tpu.dma_semaphore, #tpu.memory_space<semaphore_mem>>) attributes {dimension_semantics = [#tpu.dimension_semantics<core_parallel>, #tpu.dimension_semantics<subcore_parallel>], iteration_bounds = array<i64: 2, 16>, scalar_prefetch = 0 : i64, scratch_operands = 9 : i64, tpu.core_type = #tpu.core_type<sc_vector_subcore>, window_params = [{transform_indices = #map}, {transform_indices = #map}, {transform_indices = #map}, {transform_indices = #map}, {transform_indices = #map}]} {
    %mul3A = arith.constant 16 : i32
    %mul3A_0 = arith.muli %arg0, %mul3A : i32
    %add3A = arith.addi %mul3A_0, %arg1 : i32
    "tpu.region"() ({
      %run_scoped3A = tpu.sem_alloc : memref<!tpu.dma_semaphore, #tpu.memory_space<semaphore_mem>>
      tpu.enqueue_dma source(%arg5 : memref<4x16xf32, #tpu.memory_space<hbm>>) target(%arg7 : memref<4x16xf32, #tpu.memory_space<vmem>>) target_semaphore(%run_scoped3A : memref<!tpu.dma_semaphore, #tpu.memory_space<semaphore_mem>>)
      tpu.wait_dma2 semaphore(%run_scoped3A : memref<!tpu.dma_semaphore, #tpu.memory_space<semaphore_mem>>) src(%arg5 : memref<4x16xf32, #tpu.memory_space<hbm>>) dst(%arg7 : memref<4x16xf32, #tpu.memory_space<vmem>>)
      tpu.yield
    }) : () -> ()
    %mul3A_1 = arith.constant 3136 : i32
    %mul3A_2 = arith.muli %arg1, %mul3A_1 : i32
    %mul3A_3 = arith.constant 3136 : i32
    %mul3A_4 = arith.muli %arg1, %mul3A_3 : i32
    "tpu.region"() ({
      %run_scoped3A = tpu.sem_alloc : memref<!tpu.dma_semaphore, #tpu.memory_space<semaphore_mem>>
      %dma_start3A = arith.constant 0 : i32
      %dma_start3A_13 = tpu.memref_slice %arg13[%mul3A_4, %dma_start3A] : memref<50176x16xf32, #tpu.memory_space<vmem_shared>> -> memref<3136x16xf32, #tpu.memory_space<vmem_shared>>
      %dma_start3A_14 = arith.constant 0 : i32
      %dma_start3A_15 = tpu.memref_slice %arg2[%mul3A_2, %dma_start3A_14] : memref<50176x16xf32, #tpu.memory_space<hbm>> -> memref<3136x16xf32, #tpu.memory_space<hbm>>
      tpu.enqueue_dma source(%dma_start3A_15 : memref<3136x16xf32, #tpu.memory_space<hbm>>) target(%dma_start3A_13 : memref<3136x16xf32, #tpu.memory_space<vmem_shared>>) target_semaphore(%run_scoped3A : memref<!tpu.dma_semaphore, #tpu.memory_space<semaphore_mem>>)
      %dma_wait3A = arith.constant 0 : i32
      %dma_wait3A_16 = tpu.memref_slice %arg13[%mul3A_4, %dma_wait3A] : memref<50176x16xf32, #tpu.memory_space<vmem_shared>> -> memref<3136x16xf32, #tpu.memory_space<vmem_shared>>
      %dma_wait3A_17 = arith.constant 0 : i32
      %dma_wait3A_18 = tpu.memref_slice %arg2[%mul3A_2, %dma_wait3A_17] : memref<50176x16xf32, #tpu.memory_space<hbm>> -> memref<3136x16xf32, #tpu.memory_space<hbm>>
      tpu.wait_dma2 semaphore(%run_scoped3A : memref<!tpu.dma_semaphore, #tpu.memory_space<semaphore_mem>>) src(%dma_wait3A_18 : memref<3136x16xf32, #tpu.memory_space<hbm>>) dst(%dma_wait3A_16 : memref<3136x16xf32, #tpu.memory_space<vmem_shared>>)
      tpu.yield
    }) : () -> ()
    %barrier3A = arith.constant 0 : index
    tpu.barrier barrier_id(%barrier3A)
    %iota3A = tpu.iota {dimensions = array<i32: 0>} : vector<16xi32>
    %get3A = arith.constant 1 : i32
    %get3A_5 = arith.index_cast %get3A : i32 to index
    %get3A_6 = arith.constant 0 : index
    %get3A_7 = tpu.vector_load %arg7[%get3A_5, %get3A_6] {strides = array<i32>} : memref<4x16xf32, #tpu.memory_space<vmem>>, vector<16xf32>,
    %broadcast_in_dim3A = arith.constant 0.000000e+00 : f32
    %broadcast_in_dim3A_8 = vector.broadcast %broadcast_in_dim3A : f32 to vector<16xf32>
    %scan3A = arith.constant 0 : i32
    %scan3A_9 = arith.constant 49 : i32
    %scan3A_10 = arith.addi %scan3A, %scan3A_9 : i32
    %scan3A_11 = arith.constant 1 : i32
    scf.for %scan3A_13 = %scan3A to %scan3A_10 step %scan3A_11  : i32 {
      %mul3A_14 = arith.constant 392 : i32
      %mul3A_15 = arith.muli %add3A, %mul3A_14 : i32
      %mul3A_16 = arith.constant 8 : i32
      %mul3A_17 = arith.muli %scan3A_13, %mul3A_16 : i32
      %add3A_18 = arith.addi %mul3A_15, %mul3A_17 : i32
      %mul3A_19 = arith.constant 50176 : i32
      %mul3A_20 = arith.muli %add3A, %mul3A_19 : i32
      %mul3A_21 = arith.constant 1024 : i32
      %mul3A_22 = arith.muli %scan3A_13, %mul3A_21 : i32
      %add3A_23 = arith.addi %mul3A_20, %mul3A_22 : i32
      %dma_start3A = arith.constant 0 : i32
      %dma_start3A_24 = tpu.memref_slice %arg3[%add3A_18, %dma_start3A] : memref<12544x128xi32, #tpu.memory_space<hbm>> -> memref<8x128xi32, #tpu.memory_space<hbm>>
      %dma_start3A_25 = arith.constant 0 : i32
      %dma_start3A_26 = tpu.memref_slice %arg3[%add3A_18, %dma_start3A_25] : memref<12544x128xi32, #tpu.memory_space<hbm>> -> memref<8x128xi32, #tpu.memory_space<hbm>>
      tpu.enqueue_dma source(%dma_start3A_26 : memref<8x128xi32, #tpu.memory_space<hbm>>) target(%arg8 : memref<8x128xi32, #tpu.memory_space<vmem>>) target_semaphore(%arg14 : memref<!tpu.dma_semaphore, #tpu.memory_space<semaphore_mem>>)
      %dma_start3A_27 = arith.constant 0 : i32
      %dma_start3A_28 = tpu.memref_slice %arg4[%add3A_18, %dma_start3A_27] : memref<12544x128xi32, #tpu.memory_space<hbm>> -> memref<8x128xi32, #tpu.memory_space<hbm>>
      %dma_start3A_29 = arith.constant 0 : i32
      %dma_start3A_30 = tpu.memref_slice %arg4[%add3A_18, %dma_start3A_29] : memref<12544x128xi32, #tpu.memory_space<hbm>> -> memref<8x128xi32, #tpu.memory_space<hbm>>
      tpu.enqueue_dma source(%dma_start3A_30 : memref<8x128xi32, #tpu.memory_space<hbm>>) target(%arg9 : memref<8x128xi32, #tpu.memory_space<vmem>>) target_semaphore(%arg14 : memref<!tpu.dma_semaphore, #tpu.memory_space<semaphore_mem>>)
      %dma_wait3A = arith.constant 0 : i32
      %dma_wait3A_31 = tpu.memref_slice %arg3[%add3A_18, %dma_wait3A] : memref<12544x128xi32, #tpu.memory_space<hbm>> -> memref<8x128xi32, #tpu.memory_space<hbm>>
      %dma_wait3A_32 = arith.constant 0 : i32
      %dma_wait3A_33 = tpu.memref_slice %arg3[%add3A_18, %dma_wait3A_32] : memref<12544x128xi32, #tpu.memory_space<hbm>> -> memref<8x128xi32, #tpu.memory_space<hbm>>
      tpu.wait_dma2 semaphore(%arg14 : memref<!tpu.dma_semaphore, #tpu.memory_space<semaphore_mem>>) src(%dma_wait3A_33 : memref<8x128xi32, #tpu.memory_space<hbm>>) dst(%arg8 : memref<8x128xi32, #tpu.memory_space<vmem>>)
      %dma_wait3A_34 = arith.constant 0 : i32
      %dma_wait3A_35 = tpu.memref_slice %arg4[%add3A_18, %dma_wait3A_34] : memref<12544x128xi32, #tpu.memory_space<hbm>> -> memref<8x128xi32, #tpu.memory_space<hbm>>
      %dma_wait3A_36 = arith.constant 0 : i32
      %dma_wait3A_37 = tpu.memref_slice %arg4[%add3A_18, %dma_wait3A_36] : memref<12544x128xi32, #tpu.memory_space<hbm>> -> memref<8x128xi32, #tpu.memory_space<hbm>>
      tpu.wait_dma2 semaphore(%arg14 : memref<!tpu.dma_semaphore, #tpu.memory_space<semaphore_mem>>) src(%dma_wait3A_37 : memref<8x128xi32, #tpu.memory_space<hbm>>) dst(%arg9 : memref<8x128xi32, #tpu.memory_space<vmem>>)
      %dma_start3A_38 = arith.constant 0 : i32
      %dma_start3A_39 = arith.constant 0 : i32
      %dma_start3A_40 = arith.constant 0 : i32
      %dma_start3A_41 = tpu.memref_slice %arg10[%dma_start3A_39, %dma_start3A_40] : memref<1024x16xf32, #tpu.memory_space<vmem>> -> memref<128x16xf32, #tpu.memory_space<vmem>>
      %dma_start3A_42 = arith.constant 0 : i32
      %dma_start3A_43 = tpu.memref_slice %arg8[%dma_start3A_38, %dma_start3A_42] : memref<8x128xi32, #tpu.memory_space<vmem>> -> memref<1x128xi32, #tpu.memory_space<vmem>>
      %dma_start3A_44 = tpu.memref_squeeze %dma_start3A_43 : memref<1x128xi32, #tpu.memory_space<vmem>> -> memref<128xi32, #tpu.memory_space<vmem>>
      %dma_start3A_45 = arith.constant 0 : i32
      %dma_start3A_46 = arith.constant 0 : i32
      %dma_start3A_47 = tpu.memref_slice %arg13[%dma_start3A_45, %dma_start3A_46] : memref<50176x16xf32, #tpu.memory_space<vmem_shared>> -> memref<50176x16xf32, #tpu.memory_space<vmem_shared>>
      tpu.enqueue_indirect_dma source(%dma_start3A_47 : memref<50176x16xf32, #tpu.memory_space<vmem_shared>>) target(%dma_start3A_41 : memref<128x16xf32, #tpu.memory_space<vmem>>) offsets(%dma_start3A_44 : memref<128xi32, #tpu.memory_space<vmem>>) semaphore(%arg15 : memref<!tpu.dma_semaphore, #tpu.memory_space<semaphore_mem>>)
      %dma_start3A_48 = arith.constant 0 : i32
      %dma_start3A_49 = arith.constant 0 : i32
      %dma_start3A_50 = arith.constant 0 : i32
      %dma_start3A_51 = tpu.memref_slice %arg11[%dma_start3A_49, %dma_start3A_50] : memref<1024x16xf32, #tpu.memory_space<vmem>> -> memref<128x16xf32, #tpu.memory_space<vmem>>
      %dma_start3A_52 = arith.constant 0 : i32
      %dma_start3A_53 = tpu.memref_slice %arg9[%dma_start3A_48, %dma_start3A_52] : memref<8x128xi32, #tpu.memory_space<vmem>> -> memref<1x128xi32, #tpu.memory_space<vmem>>
      %dma_start3A_54 = tpu.memref_squeeze %dma_start3A_53 : memref<1x128xi32, #tpu.memory_space<vmem>> -> memref<128xi32, #tpu.memory_space<vmem>>
      %dma_start3A_55 = arith.constant 0 : i32
      %dma_start3A_56 = arith.constant 0 : i32
      %dma_start3A_57 = tpu.memref_slice %arg13[%dma_start3A_55, %dma_start3A_56] : memref<50176x16xf32, #tpu.memory_space<vmem_shared>> -> memref<50176x16xf32, #tpu.memory_space<vmem_shared>>
      tpu.enqueue_indirect_dma source(%dma_start3A_57 : memref<50176x16xf32, #tpu.memory_space<vmem_shared>>) target(%dma_start3A_51 : memref<128x16xf32, #tpu.memory_space<vmem>>) offsets(%dma_start3A_54 : memref<128xi32, #tpu.memory_space<vmem>>) semaphore(%arg15 : memref<!tpu.dma_semaphore, #tpu.memory_space<semaphore_mem>>)
      %dma_start3A_58 = arith.constant 1 : i32
      %dma_start3A_59 = arith.constant 128 : i32
      %dma_start3A_60 = arith.constant 0 : i32
      %dma_start3A_61 = tpu.memref_slice %arg10[%dma_start3A_59, %dma_start3A_60] : memref<1024x16xf32, #tpu.memory_space<vmem>> -> memref<128x16xf32, #tpu.memory_space<vmem>>
      %dma_start3A_62 = arith.constant 0 : i32
      %dma_start3A_63 = tpu.memref_slice %arg8[%dma_start3A_58, %dma_start3A_62] : memref<8x128xi32, #tpu.memory_space<vmem>> -> memref<1x128xi32, #tpu.memory_space<vmem>>
      %dma_start3A_64 = tpu.memref_squeeze %dma_start3A_63 : memref<1x128xi32, #tpu.memory_space<vmem>> -> memref<128xi32, #tpu.memory_space<vmem>>
      %dma_start3A_65 = arith.constant 0 : i32
      %dma_start3A_66 = arith.constant 0 : i32
      %dma_start3A_67 = tpu.memref_slice %arg13[%dma_start3A_65, %dma_start3A_66] : memref<50176x16xf32, #tpu.memory_space<vmem_shared>> -> memref<50176x16xf32, #tpu.memory_space<vmem_shared>>
      tpu.enqueue_indirect_dma source(%dma_start3A_67 : memref<50176x16xf32, #tpu.memory_space<vmem_shared>>) target(%dma_start3A_61 : memref<128x16xf32, #tpu.memory_space<vmem>>) offsets(%dma_start3A_64 : memref<128xi32, #tpu.memory_space<vmem>>) semaphore(%arg15 : memref<!tpu.dma_semaphore, #tpu.memory_space<semaphore_mem>>)
      %dma_start3A_68 = arith.constant 1 : i32
      %dma_start3A_69 = arith.constant 128 : i32
      %dma_start3A_70 = arith.constant 0 : i32
      %dma_start3A_71 = tpu.memref_slice %arg11[%dma_start3A_69, %dma_start3A_70] : memref<1024x16xf32, #tpu.memory_space<vmem>> -> memref<128x16xf32, #tpu.memory_space<vmem>>
      %dma_start3A_72 = arith.constant 0 : i32
      %dma_start3A_73 = tpu.memref_slice %arg9[%dma_start3A_68, %dma_start3A_72] : memref<8x128xi32, #tpu.memory_space<vmem>> -> memref<1x128xi32, #tpu.memory_space<vmem>>
      %dma_start3A_74 = tpu.memref_squeeze %dma_start3A_73 : memref<1x128xi32, #tpu.memory_space<vmem>> -> memref<128xi32, #tpu.memory_space<vmem>>
      %dma_start3A_75 = arith.constant 0 : i32
      %dma_start3A_76 = arith.constant 0 : i32
      %dma_start3A_77 = tpu.memref_slice %arg13[%dma_start3A_75, %dma_start3A_76] : memref<50176x16xf32, #tpu.memory_space<vmem_shared>> -> memref<50176x16xf32, #tpu.memory_space<vmem_shared>>
      tpu.enqueue_indirect_dma source(%dma_start3A_77 : memref<50176x16xf32, #tpu.memory_space<vmem_shared>>) target(%dma_start3A_71 : memref<128x16xf32, #tpu.memory_space<vmem>>) offsets(%dma_start3A_74 : memref<128xi32, #tpu.memory_space<vmem>>) semaphore(%arg15 : memref<!tpu.dma_semaphore, #tpu.memory_space<semaphore_mem>>)
      %dma_start3A_78 = arith.constant 2 : i32
      %dma_start3A_79 = arith.constant 256 : i32
      %dma_start3A_80 = arith.constant 0 : i32
      %dma_start3A_81 = tpu.memref_slice %arg10[%dma_start3A_79, %dma_start3A_80] : memref<1024x16xf32, #tpu.memory_space<vmem>> -> memref<128x16xf32, #tpu.memory_space<vmem>>
      %dma_start3A_82 = arith.constant 0 : i32
      %dma_start3A_83 = tpu.memref_slice %arg8[%dma_start3A_78, %dma_start3A_82] : memref<8x128xi32, #tpu.memory_space<vmem>> -> memref<1x128xi32, #tpu.memory_space<vmem>>
      %dma_start3A_84 = tpu.memref_squeeze %dma_start3A_83 : memref<1x128xi32, #tpu.memory_space<vmem>> -> memref<128xi32, #tpu.memory_space<vmem>>
      %dma_start3A_85 = arith.constant 0 : i32
      %dma_start3A_86 = arith.constant 0 : i32
      %dma_start3A_87 = tpu.memref_slice %arg13[%dma_start3A_85, %dma_start3A_86] : memref<50176x16xf32, #tpu.memory_space<vmem_shared>> -> memref<50176x16xf32, #tpu.memory_space<vmem_shared>>
      tpu.enqueue_indirect_dma source(%dma_start3A_87 : memref<50176x16xf32, #tpu.memory_space<vmem_shared>>) target(%dma_start3A_81 : memref<128x16xf32, #tpu.memory_space<vmem>>) offsets(%dma_start3A_84 : memref<128xi32, #tpu.memory_space<vmem>>) semaphore(%arg15 : memref<!tpu.dma_semaphore, #tpu.memory_space<semaphore_mem>>)
      %dma_start3A_88 = arith.constant 2 : i32
      %dma_start3A_89 = arith.constant 256 : i32
      %dma_start3A_90 = arith.constant 0 : i32
      %dma_start3A_91 = tpu.memref_slice %arg11[%dma_start3A_89, %dma_start3A_90] : memref<1024x16xf32, #tpu.memory_space<vmem>> -> memref<128x16xf32, #tpu.memory_space<vmem>>
      %dma_start3A_92 = arith.constant 0 : i32
      %dma_start3A_93 = tpu.memref_slice %arg9[%dma_start3A_88, %dma_start3A_92] : memref<8x128xi32, #tpu.memory_space<vmem>> -> memref<1x128xi32, #tpu.memory_space<vmem>>
      %dma_start3A_94 = tpu.memref_squeeze %dma_start3A_93 : memref<1x128xi32, #tpu.memory_space<vmem>> -> memref<128xi32, #tpu.memory_space<vmem>>
      %dma_start3A_95 = arith.constant 0 : i32
      %dma_start3A_96 = arith.constant 0 : i32
      %dma_start3A_97 = tpu.memref_slice %arg13[%dma_start3A_95, %dma_start3A_96] : memref<50176x16xf32, #tpu.memory_space<vmem_shared>> -> memref<50176x16xf32, #tpu.memory_space<vmem_shared>>
      tpu.enqueue_indirect_dma source(%dma_start3A_97 : memref<50176x16xf32, #tpu.memory_space<vmem_shared>>) target(%dma_start3A_91 : memref<128x16xf32, #tpu.memory_space<vmem>>) offsets(%dma_start3A_94 : memref<128xi32, #tpu.memory_space<vmem>>) semaphore(%arg15 : memref<!tpu.dma_semaphore, #tpu.memory_space<semaphore_mem>>)
      %dma_start3A_98 = arith.constant 3 : i32
      %dma_start3A_99 = arith.constant 384 : i32
      %dma_start3A_100 = arith.constant 0 : i32
      %dma_start3A_101 = tpu.memref_slice %arg10[%dma_start3A_99, %dma_start3A_100] : memref<1024x16xf32, #tpu.memory_space<vmem>> -> memref<128x16xf32, #tpu.memory_space<vmem>>
      %dma_start3A_102 = arith.constant 0 : i32
      %dma_start3A_103 = tpu.memref_slice %arg8[%dma_start3A_98, %dma_start3A_102] : memref<8x128xi32, #tpu.memory_space<vmem>> -> memref<1x128xi32, #tpu.memory_space<vmem>>
      %dma_start3A_104 = tpu.memref_squeeze %dma_start3A_103 : memref<1x128xi32, #tpu.memory_space<vmem>> -> memref<128xi32, #tpu.memory_space<vmem>>
      %dma_start3A_105 = arith.constant 0 : i32
      %dma_start3A_106 = arith.constant 0 : i32
      %dma_start3A_107 = tpu.memref_slice %arg13[%dma_start3A_105, %dma_start3A_106] : memref<50176x16xf32, #tpu.memory_space<vmem_shared>> -> memref<50176x16xf32, #tpu.memory_space<vmem_shared>>
      tpu.enqueue_indirect_dma source(%dma_start3A_107 : memref<50176x16xf32, #tpu.memory_space<vmem_shared>>) target(%dma_start3A_101 : memref<128x16xf32, #tpu.memory_space<vmem>>) offsets(%dma_start3A_104 : memref<128xi32, #tpu.memory_space<vmem>>) semaphore(%arg15 : memref<!tpu.dma_semaphore, #tpu.memory_space<semaphore_mem>>)
      %dma_start3A_108 = arith.constant 3 : i32
      %dma_start3A_109 = arith.constant 384 : i32
      %dma_start3A_110 = arith.constant 0 : i32
      %dma_start3A_111 = tpu.memref_slice %arg11[%dma_start3A_109, %dma_start3A_110] : memref<1024x16xf32, #tpu.memory_space<vmem>> -> memref<128x16xf32, #tpu.memory_space<vmem>>
      %dma_start3A_112 = arith.constant 0 : i32
      %dma_start3A_113 = tpu.memref_slice %arg9[%dma_start3A_108, %dma_start3A_112] : memref<8x128xi32, #tpu.memory_space<vmem>> -> memref<1x128xi32, #tpu.memory_space<vmem>>
      %dma_start3A_114 = tpu.memref_squeeze %dma_start3A_113 : memref<1x128xi32, #tpu.memory_space<vmem>> -> memref<128xi32, #tpu.memory_space<vmem>>
      %dma_start3A_115 = arith.constant 0 : i32
      %dma_start3A_116 = arith.constant 0 : i32
      %dma_start3A_117 = tpu.memref_slice %arg13[%dma_start3A_115, %dma_start3A_116] : memref<50176x16xf32, #tpu.memory_space<vmem_shared>> -> memref<50176x16xf32, #tpu.memory_space<vmem_shared>>
      tpu.enqueue_indirect_dma source(%dma_start3A_117 : memref<50176x16xf32, #tpu.memory_space<vmem_shared>>) target(%dma_start3A_111 : memref<128x16xf32, #tpu.memory_space<vmem>>) offsets(%dma_start3A_114 : memref<128xi32, #tpu.memory_space<vmem>>) semaphore(%arg15 : memref<!tpu.dma_semaphore, #tpu.memory_space<semaphore_mem>>)
      %dma_start3A_118 = arith.constant 4 : i32
      %dma_start3A_119 = arith.constant 512 : i32
      %dma_start3A_120 = arith.constant 0 : i32
      %dma_start3A_121 = tpu.memref_slice %arg10[%dma_start3A_119, %dma_start3A_120] : memref<1024x16xf32, #tpu.memory_space<vmem>> -> memref<128x16xf32, #tpu.memory_space<vmem>>
      %dma_start3A_122 = arith.constant 0 : i32
      %dma_start3A_123 = tpu.memref_slice %arg8[%dma_start3A_118, %dma_start3A_122] : memref<8x128xi32, #tpu.memory_space<vmem>> -> memref<1x128xi32, #tpu.memory_space<vmem>>
      %dma_start3A_124 = tpu.memref_squeeze %dma_start3A_123 : memref<1x128xi32, #tpu.memory_space<vmem>> -> memref<128xi32, #tpu.memory_space<vmem>>
      %dma_start3A_125 = arith.constant 0 : i32
      %dma_start3A_126 = arith.constant 0 : i32
      %dma_start3A_127 = tpu.memref_slice %arg13[%dma_start3A_125, %dma_start3A_126] : memref<50176x16xf32, #tpu.memory_space<vmem_shared>> -> memref<50176x16xf32, #tpu.memory_space<vmem_shared>>
      tpu.enqueue_indirect_dma source(%dma_start3A_127 : memref<50176x16xf32, #tpu.memory_space<vmem_shared>>) target(%dma_start3A_121 : memref<128x16xf32, #tpu.memory_space<vmem>>) offsets(%dma_start3A_124 : memref<128xi32, #tpu.memory_space<vmem>>) semaphore(%arg15 : memref<!tpu.dma_semaphore, #tpu.memory_space<semaphore_mem>>)
      %dma_start3A_128 = arith.constant 4 : i32
      %dma_start3A_129 = arith.constant 512 : i32
      %dma_start3A_130 = arith.constant 0 : i32
      %dma_start3A_131 = tpu.memref_slice %arg11[%dma_start3A_129, %dma_start3A_130] : memref<1024x16xf32, #tpu.memory_space<vmem>> -> memref<128x16xf32, #tpu.memory_space<vmem>>
      %dma_start3A_132 = arith.constant 0 : i32
      %dma_start3A_133 = tpu.memref_slice %arg9[%dma_start3A_128, %dma_start3A_132] : memref<8x128xi32, #tpu.memory_space<vmem>> -> memref<1x128xi32, #tpu.memory_space<vmem>>
      %dma_start3A_134 = tpu.memref_squeeze %dma_start3A_133 : memref<1x128xi32, #tpu.memory_space<vmem>> -> memref<128xi32, #tpu.memory_space<vmem>>
      %dma_start3A_135 = arith.constant 0 : i32
      %dma_start3A_136 = arith.constant 0 : i32
      %dma_start3A_137 = tpu.memref_slice %arg13[%dma_start3A_135, %dma_start3A_136] : memref<50176x16xf32, #tpu.memory_space<vmem_shared>> -> memref<50176x16xf32, #tpu.memory_space<vmem_shared>>
      tpu.enqueue_indirect_dma source(%dma_start3A_137 : memref<50176x16xf32, #tpu.memory_space<vmem_shared>>) target(%dma_start3A_131 : memref<128x16xf32, #tpu.memory_space<vmem>>) offsets(%dma_start3A_134 : memref<128xi32, #tpu.memory_space<vmem>>) semaphore(%arg15 : memref<!tpu.dma_semaphore, #tpu.memory_space<semaphore_mem>>)
      %dma_start3A_138 = arith.constant 5 : i32
      %dma_start3A_139 = arith.constant 640 : i32
      %dma_start3A_140 = arith.constant 0 : i32
      %dma_start3A_141 = tpu.memref_slice %arg10[%dma_start3A_139, %dma_start3A_140] : memref<1024x16xf32, #tpu.memory_space<vmem>> -> memref<128x16xf32, #tpu.memory_space<vmem>>
      %dma_start3A_142 = arith.constant 0 : i32
      %dma_start3A_143 = tpu.memref_slice %arg8[%dma_start3A_138, %dma_start3A_142] : memref<8x128xi32, #tpu.memory_space<vmem>> -> memref<1x128xi32, #tpu.memory_space<vmem>>
      %dma_start3A_144 = tpu.memref_squeeze %dma_start3A_143 : memref<1x128xi32, #tpu.memory_space<vmem>> -> memref<128xi32, #tpu.memory_space<vmem>>
      %dma_start3A_145 = arith.constant 0 : i32
      %dma_start3A_146 = arith.constant 0 : i32
      %dma_start3A_147 = tpu.memref_slice %arg13[%dma_start3A_145, %dma_start3A_146] : memref<50176x16xf32, #tpu.memory_space<vmem_shared>> -> memref<50176x16xf32, #tpu.memory_space<vmem_shared>>
      tpu.enqueue_indirect_dma source(%dma_start3A_147 : memref<50176x16xf32, #tpu.memory_space<vmem_shared>>) target(%dma_start3A_141 : memref<128x16xf32, #tpu.memory_space<vmem>>) offsets(%dma_start3A_144 : memref<128xi32, #tpu.memory_space<vmem>>) semaphore(%arg15 : memref<!tpu.dma_semaphore, #tpu.memory_space<semaphore_mem>>)
      %dma_start3A_148 = arith.constant 5 : i32
      %dma_start3A_149 = arith.constant 640 : i32
      %dma_start3A_150 = arith.constant 0 : i32
      %dma_start3A_151 = tpu.memref_slice %arg11[%dma_start3A_149, %dma_start3A_150] : memref<1024x16xf32, #tpu.memory_space<vmem>> -> memref<128x16xf32, #tpu.memory_space<vmem>>
      %dma_start3A_152 = arith.constant 0 : i32
      %dma_start3A_153 = tpu.memref_slice %arg9[%dma_start3A_148, %dma_start3A_152] : memref<8x128xi32, #tpu.memory_space<vmem>> -> memref<1x128xi32, #tpu.memory_space<vmem>>
      %dma_start3A_154 = tpu.memref_squeeze %dma_start3A_153 : memref<1x128xi32, #tpu.memory_space<vmem>> -> memref<128xi32, #tpu.memory_space<vmem>>
      %dma_start3A_155 = arith.constant 0 : i32
      %dma_start3A_156 = arith.constant 0 : i32
      %dma_start3A_157 = tpu.memref_slice %arg13[%dma_start3A_155, %dma_start3A_156] : memref<50176x16xf32, #tpu.memory_space<vmem_shared>> -> memref<50176x16xf32, #tpu.memory_space<vmem_shared>>
      tpu.enqueue_indirect_dma source(%dma_start3A_157 : memref<50176x16xf32, #tpu.memory_space<vmem_shared>>) target(%dma_start3A_151 : memref<128x16xf32, #tpu.memory_space<vmem>>) offsets(%dma_start3A_154 : memref<128xi32, #tpu.memory_space<vmem>>) semaphore(%arg15 : memref<!tpu.dma_semaphore, #tpu.memory_space<semaphore_mem>>)
      %dma_start3A_158 = arith.constant 6 : i32
      %dma_start3A_159 = arith.constant 768 : i32
      %dma_start3A_160 = arith.constant 0 : i32
      %dma_start3A_161 = tpu.memref_slice %arg10[%dma_start3A_159, %dma_start3A_160] : memref<1024x16xf32, #tpu.memory_space<vmem>> -> memref<128x16xf32, #tpu.memory_space<vmem>>
      %dma_start3A_162 = arith.constant 0 : i32
      %dma_start3A_163 = tpu.memref_slice %arg8[%dma_start3A_158, %dma_start3A_162] : memref<8x128xi32, #tpu.memory_space<vmem>> -> memref<1x128xi32, #tpu.memory_space<vmem>>
      %dma_start3A_164 = tpu.memref_squeeze %dma_start3A_163 : memref<1x128xi32, #tpu.memory_space<vmem>> -> memref<128xi32, #tpu.memory_space<vmem>>
      %dma_start3A_165 = arith.constant 0 : i32
      %dma_start3A_166 = arith.constant 0 : i32
      %dma_start3A_167 = tpu.memref_slice %arg13[%dma_start3A_165, %dma_start3A_166] : memref<50176x16xf32, #tpu.memory_space<vmem_shared>> -> memref<50176x16xf32, #tpu.memory_space<vmem_shared>>
      tpu.enqueue_indirect_dma source(%dma_start3A_167 : memref<50176x16xf32, #tpu.memory_space<vmem_shared>>) target(%dma_start3A_161 : memref<128x16xf32, #tpu.memory_space<vmem>>) offsets(%dma_start3A_164 : memref<128xi32, #tpu.memory_space<vmem>>) semaphore(%arg15 : memref<!tpu.dma_semaphore, #tpu.memory_space<semaphore_mem>>)
      %dma_start3A_168 = arith.constant 6 : i32
      %dma_start3A_169 = arith.constant 768 : i32
      %dma_start3A_170 = arith.constant 0 : i32
      %dma_start3A_171 = tpu.memref_slice %arg11[%dma_start3A_169, %dma_start3A_170] : memref<1024x16xf32, #tpu.memory_space<vmem>> -> memref<128x16xf32, #tpu.memory_space<vmem>>
      %dma_start3A_172 = arith.constant 0 : i32
      %dma_start3A_173 = tpu.memref_slice %arg9[%dma_start3A_168, %dma_start3A_172] : memref<8x128xi32, #tpu.memory_space<vmem>> -> memref<1x128xi32, #tpu.memory_space<vmem>>
      %dma_start3A_174 = tpu.memref_squeeze %dma_start3A_173 : memref<1x128xi32, #tpu.memory_space<vmem>> -> memref<128xi32, #tpu.memory_space<vmem>>
      %dma_start3A_175 = arith.constant 0 : i32
      %dma_start3A_176 = arith.constant 0 : i32
      %dma_start3A_177 = tpu.memref_slice %arg13[%dma_start3A_175, %dma_start3A_176] : memref<50176x16xf32, #tpu.memory_space<vmem_shared>> -> memref<50176x16xf32, #tpu.memory_space<vmem_shared>>
      tpu.enqueue_indirect_dma source(%dma_start3A_177 : memref<50176x16xf32, #tpu.memory_space<vmem_shared>>) target(%dma_start3A_171 : memref<128x16xf32, #tpu.memory_space<vmem>>) offsets(%dma_start3A_174 : memref<128xi32, #tpu.memory_space<vmem>>) semaphore(%arg15 : memref<!tpu.dma_semaphore, #tpu.memory_space<semaphore_mem>>)
      %dma_start3A_178 = arith.constant 7 : i32
      %dma_start3A_179 = arith.constant 896 : i32
      %dma_start3A_180 = arith.constant 0 : i32
      %dma_start3A_181 = tpu.memref_slice %arg10[%dma_start3A_179, %dma_start3A_180] : memref<1024x16xf32, #tpu.memory_space<vmem>> -> memref<128x16xf32, #tpu.memory_space<vmem>>
      %dma_start3A_182 = arith.constant 0 : i32
      %dma_start3A_183 = tpu.memref_slice %arg8[%dma_start3A_178, %dma_start3A_182] : memref<8x128xi32, #tpu.memory_space<vmem>> -> memref<1x128xi32, #tpu.memory_space<vmem>>
      %dma_start3A_184 = tpu.memref_squeeze %dma_start3A_183 : memref<1x128xi32, #tpu.memory_space<vmem>> -> memref<128xi32, #tpu.memory_space<vmem>>
      %dma_start3A_185 = arith.constant 0 : i32
      %dma_start3A_186 = arith.constant 0 : i32
      %dma_start3A_187 = tpu.memref_slice %arg13[%dma_start3A_185, %dma_start3A_186] : memref<50176x16xf32, #tpu.memory_space<vmem_shared>> -> memref<50176x16xf32, #tpu.memory_space<vmem_shared>>
      tpu.enqueue_indirect_dma source(%dma_start3A_187 : memref<50176x16xf32, #tpu.memory_space<vmem_shared>>) target(%dma_start3A_181 : memref<128x16xf32, #tpu.memory_space<vmem>>) offsets(%dma_start3A_184 : memref<128xi32, #tpu.memory_space<vmem>>) semaphore(%arg15 : memref<!tpu.dma_semaphore, #tpu.memory_space<semaphore_mem>>)
      %dma_start3A_188 = arith.constant 7 : i32
      %dma_start3A_189 = arith.constant 896 : i32
      %dma_start3A_190 = arith.constant 0 : i32
      %dma_start3A_191 = tpu.memref_slice %arg11[%dma_start3A_189, %dma_start3A_190] : memref<1024x16xf32, #tpu.memory_space<vmem>> -> memref<128x16xf32, #tpu.memory_space<vmem>>
      %dma_start3A_192 = arith.constant 0 : i32
      %dma_start3A_193 = tpu.memref_slice %arg9[%dma_start3A_188, %dma_start3A_192] : memref<8x128xi32, #tpu.memory_space<vmem>> -> memref<1x128xi32, #tpu.memory_space<vmem>>
      %dma_start3A_194 = tpu.memref_squeeze %dma_start3A_193 : memref<1x128xi32, #tpu.memory_space<vmem>> -> memref<128xi32, #tpu.memory_space<vmem>>
      %dma_start3A_195 = arith.constant 0 : i32
      %dma_start3A_196 = arith.constant 0 : i32
      %dma_start3A_197 = tpu.memref_slice %arg13[%dma_start3A_195, %dma_start3A_196] : memref<50176x16xf32, #tpu.memory_space<vmem_shared>> -> memref<50176x16xf32, #tpu.memory_space<vmem_shared>>
      tpu.enqueue_indirect_dma source(%dma_start3A_197 : memref<50176x16xf32, #tpu.memory_space<vmem_shared>>) target(%dma_start3A_191 : memref<128x16xf32, #tpu.memory_space<vmem>>) offsets(%dma_start3A_194 : memref<128xi32, #tpu.memory_space<vmem>>) semaphore(%arg15 : memref<!tpu.dma_semaphore, #tpu.memory_space<semaphore_mem>>)
      %dma_wait3A_198 = arith.constant 0 : i32
      %dma_wait3A_199 = arith.constant 0 : i32
      %dma_wait3A_200 = arith.constant 0 : i32
      %dma_wait3A_201 = tpu.memref_slice %arg10[%dma_wait3A_199, %dma_wait3A_200] : memref<1024x16xf32, #tpu.memory_space<vmem>> -> memref<128x16xf32, #tpu.memory_space<vmem>>
      %dma_wait3A_202 = arith.constant 0 : i32
      %dma_wait3A_203 = tpu.memref_slice %arg8[%dma_wait3A_198, %dma_wait3A_202] : memref<8x128xi32, #tpu.memory_space<vmem>> -> memref<1x128xi32, #tpu.memory_space<vmem>>
      %dma_wait3A_204 = tpu.memref_squeeze %dma_wait3A_203 : memref<1x128xi32, #tpu.memory_space<vmem>> -> memref<128xi32, #tpu.memory_space<vmem>>
      %dma_wait3A_205 = arith.constant 0 : i32
      %dma_wait3A_206 = arith.constant 0 : i32
      %dma_wait3A_207 = tpu.memref_slice %arg13[%dma_wait3A_205, %dma_wait3A_206] : memref<50176x16xf32, #tpu.memory_space<vmem_shared>> -> memref<50176x16xf32, #tpu.memory_space<vmem_shared>>
      tpu.wait_indirect_dma semaphore(%arg15 : memref<!tpu.dma_semaphore, #tpu.memory_space<semaphore_mem>>) src(%dma_wait3A_207 : memref<50176x16xf32, #tpu.memory_space<vmem_shared>>) dst(%dma_wait3A_201 : memref<128x16xf32, #tpu.memory_space<vmem>>)
      %dma_wait3A_208 = arith.constant 0 : i32
      %dma_wait3A_209 = arith.constant 0 : i32
      %dma_wait3A_210 = arith.constant 0 : i32
      %dma_wait3A_211 = tpu.memref_slice %arg11[%dma_wait3A_209, %dma_wait3A_210] : memref<1024x16xf32, #tpu.memory_space<vmem>> -> memref<128x16xf32, #tpu.memory_space<vmem>>
      %dma_wait3A_212 = arith.constant 0 : i32
      %dma_wait3A_213 = tpu.memref_slice %arg9[%dma_wait3A_208, %dma_wait3A_212] : memref<8x128xi32, #tpu.memory_space<vmem>> -> memref<1x128xi32, #tpu.memory_space<vmem>>
      %dma_wait3A_214 = tpu.memref_squeeze %dma_wait3A_213 : memref<1x128xi32, #tpu.memory_space<vmem>> -> memref<128xi32, #tpu.memory_space<vmem>>
      %dma_wait3A_215 = arith.constant 0 : i32
      %dma_wait3A_216 = arith.constant 0 : i32
      %dma_wait3A_217 = tpu.memref_slice %arg13[%dma_wait3A_215, %dma_wait3A_216] : memref<50176x16xf32, #tpu.memory_space<vmem_shared>> -> memref<50176x16xf32, #tpu.memory_space<vmem_shared>>
      tpu.wait_indirect_dma semaphore(%arg15 : memref<!tpu.dma_semaphore, #tpu.memory_space<semaphore_mem>>) src(%dma_wait3A_217 : memref<50176x16xf32, #tpu.memory_space<vmem_shared>>) dst(%dma_wait3A_211 : memref<128x16xf32, #tpu.memory_space<vmem>>)
      %dma_wait3A_218 = arith.constant 1 : i32
      %dma_wait3A_219 = arith.constant 128 : i32
      %dma_wait3A_220 = arith.constant 0 : i32
      %dma_wait3A_221 = tpu.memref_slice %arg10[%dma_wait3A_219, %dma_wait3A_220] : memref<1024x16xf32, #tpu.memory_space<vmem>> -> memref<128x16xf32, #tpu.memory_space<vmem>>
      %dma_wait3A_222 = arith.constant 0 : i32
      %dma_wait3A_223 = tpu.memref_slice %arg8[%dma_wait3A_218, %dma_wait3A_222] : memref<8x128xi32, #tpu.memory_space<vmem>> -> memref<1x128xi32, #tpu.memory_space<vmem>>
      %dma_wait3A_224 = tpu.memref_squeeze %dma_wait3A_223 : memref<1x128xi32, #tpu.memory_space<vmem>> -> memref<128xi32, #tpu.memory_space<vmem>>
      %dma_wait3A_225 = arith.constant 0 : i32
      %dma_wait3A_226 = arith.constant 0 : i32
      %dma_wait3A_227 = tpu.memref_slice %arg13[%dma_wait3A_225, %dma_wait3A_226] : memref<50176x16xf32, #tpu.memory_space<vmem_shared>> -> memref<50176x16xf32, #tpu.memory_space<vmem_shared>>
      tpu.wait_indirect_dma semaphore(%arg15 : memref<!tpu.dma_semaphore, #tpu.memory_space<semaphore_mem>>) src(%dma_wait3A_227 : memref<50176x16xf32, #tpu.memory_space<vmem_shared>>) dst(%dma_wait3A_221 : memref<128x16xf32, #tpu.memory_space<vmem>>)
      %dma_wait3A_228 = arith.constant 1 : i32
      %dma_wait3A_229 = arith.constant 128 : i32
      %dma_wait3A_230 = arith.constant 0 : i32
      %dma_wait3A_231 = tpu.memref_slice %arg11[%dma_wait3A_229, %dma_wait3A_230] : memref<1024x16xf32, #tpu.memory_space<vmem>> -> memref<128x16xf32, #tpu.memory_space<vmem>>
      %dma_wait3A_232 = arith.constant 0 : i32
      %dma_wait3A_233 = tpu.memref_slice %arg9[%dma_wait3A_228, %dma_wait3A_232] : memref<8x128xi32, #tpu.memory_space<vmem>> -> memref<1x128xi32, #tpu.memory_space<vmem>>
      %dma_wait3A_234 = tpu.memref_squeeze %dma_wait3A_233 : memref<1x128xi32, #tpu.memory_space<vmem>> -> memref<128xi32, #tpu.memory_space<vmem>>
      %dma_wait3A_235 = arith.constant 0 : i32
      %dma_wait3A_236 = arith.constant 0 : i32
      %dma_wait3A_237 = tpu.memref_slice %arg13[%dma_wait3A_235, %dma_wait3A_236] : memref<50176x16xf32, #tpu.memory_space<vmem_shared>> -> memref<50176x16xf32, #tpu.memory_space<vmem_shared>>
      tpu.wait_indirect_dma semaphore(%arg15 : memref<!tpu.dma_semaphore, #tpu.memory_space<semaphore_mem>>) src(%dma_wait3A_237 : memref<50176x16xf32, #tpu.memory_space<vmem_shared>>) dst(%dma_wait3A_231 : memref<128x16xf32, #tpu.memory_space<vmem>>)
      %dma_wait3A_238 = arith.constant 2 : i32
      %dma_wait3A_239 = arith.constant 256 : i32
      %dma_wait3A_240 = arith.constant 0 : i32
      %dma_wait3A_241 = tpu.memref_slice %arg10[%dma_wait3A_239, %dma_wait3A_240] : memref<1024x16xf32, #tpu.memory_space<vmem>> -> memref<128x16xf32, #tpu.memory_space<vmem>>
      %dma_wait3A_242 = arith.constant 0 : i32
      %dma_wait3A_243 = tpu.memref_slice %arg8[%dma_wait3A_238, %dma_wait3A_242] : memref<8x128xi32, #tpu.memory_space<vmem>> -> memref<1x128xi32, #tpu.memory_space<vmem>>
      %dma_wait3A_244 = tpu.memref_squeeze %dma_wait3A_243 : memref<1x128xi32, #tpu.memory_space<vmem>> -> memref<128xi32, #tpu.memory_space<vmem>>
      %dma_wait3A_245 = arith.constant 0 : i32
      %dma_wait3A_246 = arith.constant 0 : i32
      %dma_wait3A_247 = tpu.memref_slice %arg13[%dma_wait3A_245, %dma_wait3A_246] : memref<50176x16xf32, #tpu.memory_space<vmem_shared>> -> memref<50176x16xf32, #tpu.memory_space<vmem_shared>>
      tpu.wait_indirect_dma semaphore(%arg15 : memref<!tpu.dma_semaphore, #tpu.memory_space<semaphore_mem>>) src(%dma_wait3A_247 : memref<50176x16xf32, #tpu.memory_space<vmem_shared>>) dst(%dma_wait3A_241 : memref<128x16xf32, #tpu.memory_space<vmem>>)
      %dma_wait3A_248 = arith.constant 2 : i32
      %dma_wait3A_249 = arith.constant 256 : i32
      %dma_wait3A_250 = arith.constant 0 : i32
      %dma_wait3A_251 = tpu.memref_slice %arg11[%dma_wait3A_249, %dma_wait3A_250] : memref<1024x16xf32, #tpu.memory_space<vmem>> -> memref<128x16xf32, #tpu.memory_space<vmem>>
      %dma_wait3A_252 = arith.constant 0 : i32
      %dma_wait3A_253 = tpu.memref_slice %arg9[%dma_wait3A_248, %dma_wait3A_252] : memref<8x128xi32, #tpu.memory_space<vmem>> -> memref<1x128xi32, #tpu.memory_space<vmem>>
      %dma_wait3A_254 = tpu.memref_squeeze %dma_wait3A_253 : memref<1x128xi32, #tpu.memory_space<vmem>> -> memref<128xi32, #tpu.memory_space<vmem>>
      %dma_wait3A_255 = arith.constant 0 : i32
      %dma_wait3A_256 = arith.constant 0 : i32
      %dma_wait3A_257 = tpu.memref_slice %arg13[%dma_wait3A_255, %dma_wait3A_256] : memref<50176x16xf32, #tpu.memory_space<vmem_shared>> -> memref<50176x16xf32, #tpu.memory_space<vmem_shared>>
      tpu.wait_indirect_dma semaphore(%arg15 : memref<!tpu.dma_semaphore, #tpu.memory_space<semaphore_mem>>) src(%dma_wait3A_257 : memref<50176x16xf32, #tpu.memory_space<vmem_shared>>) dst(%dma_wait3A_251 : memref<128x16xf32, #tpu.memory_space<vmem>>)
      %dma_wait3A_258 = arith.constant 3 : i32
      %dma_wait3A_259 = arith.constant 384 : i32
      %dma_wait3A_260 = arith.constant 0 : i32
      %dma_wait3A_261 = tpu.memref_slice %arg10[%dma_wait3A_259, %dma_wait3A_260] : memref<1024x16xf32, #tpu.memory_space<vmem>> -> memref<128x16xf32, #tpu.memory_space<vmem>>
      %dma_wait3A_262 = arith.constant 0 : i32
      %dma_wait3A_263 = tpu.memref_slice %arg8[%dma_wait3A_258, %dma_wait3A_262] : memref<8x128xi32, #tpu.memory_space<vmem>> -> memref<1x128xi32, #tpu.memory_space<vmem>>
      %dma_wait3A_264 = tpu.memref_squeeze %dma_wait3A_263 : memref<1x128xi32, #tpu.memory_space<vmem>> -> memref<128xi32, #tpu.memory_space<vmem>>
      %dma_wait3A_265 = arith.constant 0 : i32
      %dma_wait3A_266 = arith.constant 0 : i32
      %dma_wait3A_267 = tpu.memref_slice %arg13[%dma_wait3A_265, %dma_wait3A_266] : memref<50176x16xf32, #tpu.memory_space<vmem_shared>> -> memref<50176x16xf32, #tpu.memory_space<vmem_shared>>
      tpu.wait_indirect_dma semaphore(%arg15 : memref<!tpu.dma_semaphore, #tpu.memory_space<semaphore_mem>>) src(%dma_wait3A_267 : memref<50176x16xf32, #tpu.memory_space<vmem_shared>>) dst(%dma_wait3A_261 : memref<128x16xf32, #tpu.memory_space<vmem>>)
      %dma_wait3A_268 = arith.constant 3 : i32
      %dma_wait3A_269 = arith.constant 384 : i32
      %dma_wait3A_270 = arith.constant 0 : i32
      %dma_wait3A_271 = tpu.memref_slice %arg11[%dma_wait3A_269, %dma_wait3A_270] : memref<1024x16xf32, #tpu.memory_space<vmem>> -> memref<128x16xf32, #tpu.memory_space<vmem>>
      %dma_wait3A_272 = arith.constant 0 : i32
      %dma_wait3A_273 = tpu.memref_slice %arg9[%dma_wait3A_268, %dma_wait3A_272] : memref<8x128xi32, #tpu.memory_space<vmem>> -> memref<1x128xi32, #tpu.memory_space<vmem>>
      %dma_wait3A_274 = tpu.memref_squeeze %dma_wait3A_273 : memref<1x128xi32, #tpu.memory_space<vmem>> -> memref<128xi32, #tpu.memory_space<vmem>>
      %dma_wait3A_275 = arith.constant 0 : i32
      %dma_wait3A_276 = arith.constant 0 : i32
      %dma_wait3A_277 = tpu.memref_slice %arg13[%dma_wait3A_275, %dma_wait3A_276] : memref<50176x16xf32, #tpu.memory_space<vmem_shared>> -> memref<50176x16xf32, #tpu.memory_space<vmem_shared>>
      tpu.wait_indirect_dma semaphore(%arg15 : memref<!tpu.dma_semaphore, #tpu.memory_space<semaphore_mem>>) src(%dma_wait3A_277 : memref<50176x16xf32, #tpu.memory_space<vmem_shared>>) dst(%dma_wait3A_271 : memref<128x16xf32, #tpu.memory_space<vmem>>)
      %dma_wait3A_278 = arith.constant 4 : i32
      %dma_wait3A_279 = arith.constant 512 : i32
      %dma_wait3A_280 = arith.constant 0 : i32
      %dma_wait3A_281 = tpu.memref_slice %arg10[%dma_wait3A_279, %dma_wait3A_280] : memref<1024x16xf32, #tpu.memory_space<vmem>> -> memref<128x16xf32, #tpu.memory_space<vmem>>
      %dma_wait3A_282 = arith.constant 0 : i32
      %dma_wait3A_283 = tpu.memref_slice %arg8[%dma_wait3A_278, %dma_wait3A_282] : memref<8x128xi32, #tpu.memory_space<vmem>> -> memref<1x128xi32, #tpu.memory_space<vmem>>
      %dma_wait3A_284 = tpu.memref_squeeze %dma_wait3A_283 : memref<1x128xi32, #tpu.memory_space<vmem>> -> memref<128xi32, #tpu.memory_space<vmem>>
      %dma_wait3A_285 = arith.constant 0 : i32
      %dma_wait3A_286 = arith.constant 0 : i32
      %dma_wait3A_287 = tpu.memref_slice %arg13[%dma_wait3A_285, %dma_wait3A_286] : memref<50176x16xf32, #tpu.memory_space<vmem_shared>> -> memref<50176x16xf32, #tpu.memory_space<vmem_shared>>
      tpu.wait_indirect_dma semaphore(%arg15 : memref<!tpu.dma_semaphore, #tpu.memory_space<semaphore_mem>>) src(%dma_wait3A_287 : memref<50176x16xf32, #tpu.memory_space<vmem_shared>>) dst(%dma_wait3A_281 : memref<128x16xf32, #tpu.memory_space<vmem>>)
      %dma_wait3A_288 = arith.constant 4 : i32
      %dma_wait3A_289 = arith.constant 512 : i32
      %dma_wait3A_290 = arith.constant 0 : i32
      %dma_wait3A_291 = tpu.memref_slice %arg11[%dma_wait3A_289, %dma_wait3A_290] : memref<1024x16xf32, #tpu.memory_space<vmem>> -> memref<128x16xf32, #tpu.memory_space<vmem>>
      %dma_wait3A_292 = arith.constant 0 : i32
      %dma_wait3A_293 = tpu.memref_slice %arg9[%dma_wait3A_288, %dma_wait3A_292] : memref<8x128xi32, #tpu.memory_space<vmem>> -> memref<1x128xi32, #tpu.memory_space<vmem>>
      %dma_wait3A_294 = tpu.memref_squeeze %dma_wait3A_293 : memref<1x128xi32, #tpu.memory_space<vmem>> -> memref<128xi32, #tpu.memory_space<vmem>>
      %dma_wait3A_295 = arith.constant 0 : i32
      %dma_wait3A_296 = arith.constant 0 : i32
      %dma_wait3A_297 = tpu.memref_slice %arg13[%dma_wait3A_295, %dma_wait3A_296] : memref<50176x16xf32, #tpu.memory_space<vmem_shared>> -> memref<50176x16xf32, #tpu.memory_space<vmem_shared>>
      tpu.wait_indirect_dma semaphore(%arg15 : memref<!tpu.dma_semaphore, #tpu.memory_space<semaphore_mem>>) src(%dma_wait3A_297 : memref<50176x16xf32, #tpu.memory_space<vmem_shared>>) dst(%dma_wait3A_291 : memref<128x16xf32, #tpu.memory_space<vmem>>)
      %dma_wait3A_298 = arith.constant 5 : i32
      %dma_wait3A_299 = arith.constant 640 : i32
      %dma_wait3A_300 = arith.constant 0 : i32
      %dma_wait3A_301 = tpu.memref_slice %arg10[%dma_wait3A_299, %dma_wait3A_300] : memref<1024x16xf32, #tpu.memory_space<vmem>> -> memref<128x16xf32, #tpu.memory_space<vmem>>
      %dma_wait3A_302 = arith.constant 0 : i32
      %dma_wait3A_303 = tpu.memref_slice %arg8[%dma_wait3A_298, %dma_wait3A_302] : memref<8x128xi32, #tpu.memory_space<vmem>> -> memref<1x128xi32, #tpu.memory_space<vmem>>
      %dma_wait3A_304 = tpu.memref_squeeze %dma_wait3A_303 : memref<1x128xi32, #tpu.memory_space<vmem>> -> memref<128xi32, #tpu.memory_space<vmem>>
      %dma_wait3A_305 = arith.constant 0 : i32
      %dma_wait3A_306 = arith.constant 0 : i32
      %dma_wait3A_307 = tpu.memref_slice %arg13[%dma_wait3A_305, %dma_wait3A_306] : memref<50176x16xf32, #tpu.memory_space<vmem_shared>> -> memref<50176x16xf32, #tpu.memory_space<vmem_shared>>
      tpu.wait_indirect_dma semaphore(%arg15 : memref<!tpu.dma_semaphore, #tpu.memory_space<semaphore_mem>>) src(%dma_wait3A_307 : memref<50176x16xf32, #tpu.memory_space<vmem_shared>>) dst(%dma_wait3A_301 : memref<128x16xf32, #tpu.memory_space<vmem>>)
      %dma_wait3A_308 = arith.constant 5 : i32
      %dma_wait3A_309 = arith.constant 640 : i32
      %dma_wait3A_310 = arith.constant 0 : i32
      %dma_wait3A_311 = tpu.memref_slice %arg11[%dma_wait3A_309, %dma_wait3A_310] : memref<1024x16xf32, #tpu.memory_space<vmem>> -> memref<128x16xf32, #tpu.memory_space<vmem>>
      %dma_wait3A_312 = arith.constant 0 : i32
      %dma_wait3A_313 = tpu.memref_slice %arg9[%dma_wait3A_308, %dma_wait3A_312] : memref<8x128xi32, #tpu.memory_space<vmem>> -> memref<1x128xi32, #tpu.memory_space<vmem>>
      %dma_wait3A_314 = tpu.memref_squeeze %dma_wait3A_313 : memref<1x128xi32, #tpu.memory_space<vmem>> -> memref<128xi32, #tpu.memory_space<vmem>>
      %dma_wait3A_315 = arith.constant 0 : i32
      %dma_wait3A_316 = arith.constant 0 : i32
      %dma_wait3A_317 = tpu.memref_slice %arg13[%dma_wait3A_315, %dma_wait3A_316] : memref<50176x16xf32, #tpu.memory_space<vmem_shared>> -> memref<50176x16xf32, #tpu.memory_space<vmem_shared>>
      tpu.wait_indirect_dma semaphore(%arg15 : memref<!tpu.dma_semaphore, #tpu.memory_space<semaphore_mem>>) src(%dma_wait3A_317 : memref<50176x16xf32, #tpu.memory_space<vmem_shared>>) dst(%dma_wait3A_311 : memref<128x16xf32, #tpu.memory_space<vmem>>)
      %dma_wait3A_318 = arith.constant 6 : i32
      %dma_wait3A_319 = arith.constant 768 : i32
      %dma_wait3A_320 = arith.constant 0 : i32
      %dma_wait3A_321 = tpu.memref_slice %arg10[%dma_wait3A_319, %dma_wait3A_320] : memref<1024x16xf32, #tpu.memory_space<vmem>> -> memref<128x16xf32, #tpu.memory_space<vmem>>
      %dma_wait3A_322 = arith.constant 0 : i32
      %dma_wait3A_323 = tpu.memref_slice %arg8[%dma_wait3A_318, %dma_wait3A_322] : memref<8x128xi32, #tpu.memory_space<vmem>> -> memref<1x128xi32, #tpu.memory_space<vmem>>
      %dma_wait3A_324 = tpu.memref_squeeze %dma_wait3A_323 : memref<1x128xi32, #tpu.memory_space<vmem>> -> memref<128xi32, #tpu.memory_space<vmem>>
      %dma_wait3A_325 = arith.constant 0 : i32
      %dma_wait3A_326 = arith.constant 0 : i32
      %dma_wait3A_327 = tpu.memref_slice %arg13[%dma_wait3A_325, %dma_wait3A_326] : memref<50176x16xf32, #tpu.memory_space<vmem_shared>> -> memref<50176x16xf32, #tpu.memory_space<vmem_shared>>
      tpu.wait_indirect_dma semaphore(%arg15 : memref<!tpu.dma_semaphore, #tpu.memory_space<semaphore_mem>>) src(%dma_wait3A_327 : memref<50176x16xf32, #tpu.memory_space<vmem_shared>>) dst(%dma_wait3A_321 : memref<128x16xf32, #tpu.memory_space<vmem>>)
      %dma_wait3A_328 = arith.constant 6 : i32
      %dma_wait3A_329 = arith.constant 768 : i32
      %dma_wait3A_330 = arith.constant 0 : i32
      %dma_wait3A_331 = tpu.memref_slice %arg11[%dma_wait3A_329, %dma_wait3A_330] : memref<1024x16xf32, #tpu.memory_space<vmem>> -> memref<128x16xf32, #tpu.memory_space<vmem>>
      %dma_wait3A_332 = arith.constant 0 : i32
      %dma_wait3A_333 = tpu.memref_slice %arg9[%dma_wait3A_328, %dma_wait3A_332] : memref<8x128xi32, #tpu.memory_space<vmem>> -> memref<1x128xi32, #tpu.memory_space<vmem>>
      %dma_wait3A_334 = tpu.memref_squeeze %dma_wait3A_333 : memref<1x128xi32, #tpu.memory_space<vmem>> -> memref<128xi32, #tpu.memory_space<vmem>>
      %dma_wait3A_335 = arith.constant 0 : i32
      %dma_wait3A_336 = arith.constant 0 : i32
      %dma_wait3A_337 = tpu.memref_slice %arg13[%dma_wait3A_335, %dma_wait3A_336] : memref<50176x16xf32, #tpu.memory_space<vmem_shared>> -> memref<50176x16xf32, #tpu.memory_space<vmem_shared>>
      tpu.wait_indirect_dma semaphore(%arg15 : memref<!tpu.dma_semaphore, #tpu.memory_space<semaphore_mem>>) src(%dma_wait3A_337 : memref<50176x16xf32, #tpu.memory_space<vmem_shared>>) dst(%dma_wait3A_331 : memref<128x16xf32, #tpu.memory_space<vmem>>)
      %dma_wait3A_338 = arith.constant 7 : i32
      %dma_wait3A_339 = arith.constant 896 : i32
      %dma_wait3A_340 = arith.constant 0 : i32
      %dma_wait3A_341 = tpu.memref_slice %arg10[%dma_wait3A_339, %dma_wait3A_340] : memref<1024x16xf32, #tpu.memory_space<vmem>> -> memref<128x16xf32, #tpu.memory_space<vmem>>
      %dma_wait3A_342 = arith.constant 0 : i32
      %dma_wait3A_343 = tpu.memref_slice %arg8[%dma_wait3A_338, %dma_wait3A_342] : memref<8x128xi32, #tpu.memory_space<vmem>> -> memref<1x128xi32, #tpu.memory_space<vmem>>
      %dma_wait3A_344 = tpu.memref_squeeze %dma_wait3A_343 : memref<1x128xi32, #tpu.memory_space<vmem>> -> memref<128xi32, #tpu.memory_space<vmem>>
      %dma_wait3A_345 = arith.constant 0 : i32
      %dma_wait3A_346 = arith.constant 0 : i32
      %dma_wait3A_347 = tpu.memref_slice %arg13[%dma_wait3A_345, %dma_wait3A_346] : memref<50176x16xf32, #tpu.memory_space<vmem_shared>> -> memref<50176x16xf32, #tpu.memory_space<vmem_shared>>
      tpu.wait_indirect_dma semaphore(%arg15 : memref<!tpu.dma_semaphore, #tpu.memory_space<semaphore_mem>>) src(%dma_wait3A_347 : memref<50176x16xf32, #tpu.memory_space<vmem_shared>>) dst(%dma_wait3A_341 : memref<128x16xf32, #tpu.memory_space<vmem>>)
      %dma_wait3A_348 = arith.constant 7 : i32
      %dma_wait3A_349 = arith.constant 896 : i32
      %dma_wait3A_350 = arith.constant 0 : i32
      %dma_wait3A_351 = tpu.memref_slice %arg11[%dma_wait3A_349, %dma_wait3A_350] : memref<1024x16xf32, #tpu.memory_space<vmem>> -> memref<128x16xf32, #tpu.memory_space<vmem>>
      %dma_wait3A_352 = arith.constant 0 : i32
      %dma_wait3A_353 = tpu.memref_slice %arg9[%dma_wait3A_348, %dma_wait3A_352] : memref<8x128xi32, #tpu.memory_space<vmem>> -> memref<1x128xi32, #tpu.memory_space<vmem>>
      %dma_wait3A_354 = tpu.memref_squeeze %dma_wait3A_353 : memref<1x128xi32, #tpu.memory_space<vmem>> -> memref<128xi32, #tpu.memory_space<vmem>>
      %dma_wait3A_355 = arith.constant 0 : i32
      %dma_wait3A_356 = arith.constant 0 : i32
      %dma_wait3A_357 = tpu.memref_slice %arg13[%dma_wait3A_355, %dma_wait3A_356] : memref<50176x16xf32, #tpu.memory_space<vmem_shared>> -> memref<50176x16xf32, #tpu.memory_space<vmem_shared>>
      tpu.wait_indirect_dma semaphore(%arg15 : memref<!tpu.dma_semaphore, #tpu.memory_space<semaphore_mem>>) src(%dma_wait3A_357 : memref<50176x16xf32, #tpu.memory_space<vmem_shared>>) dst(%dma_wait3A_351 : memref<128x16xf32, #tpu.memory_space<vmem>>)
      %scan3A_358 = arith.constant 0 : i32
      %scan3A_359 = arith.constant 16 : i32
      %scan3A_360 = arith.addi %scan3A_358, %scan3A_359 : i32
      %scan3A_361 = arith.constant 1 : i32
      scf.for %scan3A_363 = %scan3A_358 to %scan3A_360 step %scan3A_361  : i32 {
        %mul3A_364 = arith.constant 4 : i32
        %mul3A_365 = arith.muli %scan3A_363, %mul3A_364 : i32
        %add3A_366 = arith.constant 0 : i32
        %add3A_367 = arith.addi %mul3A_365, %add3A_366 : i32
        %mul3A_368 = arith.constant 16 : i32
        %mul3A_369 = arith.muli %add3A_367, %mul3A_368 : i32
        %add3A_370 = vector.broadcast %mul3A_369 : i32 to vector<16xi32>
        %add3A_371 = arith.addi %add3A_370, %iota3A : vector<16xi32>
        %broadcast_in_dim3A_372 = arith.constant 0 : i32
        %broadcast_in_dim3A_373 = vector.broadcast %broadcast_in_dim3A_372 : i32 to vector<16xi32>
        %gather3A = tpu.vector_load_idx %arg10[%add3A_371, %broadcast_in_dim3A_373] : memref<1024x16xf32, #tpu.memory_space<vmem>>[vector<16xi32>, vector<16xi32>], vector<16xf32>,
        %broadcast_in_dim3A_374 = arith.constant 1 : i32
        %broadcast_in_dim3A_375 = vector.broadcast %broadcast_in_dim3A_374 : i32 to vector<16xi32>
        %gather3A_376 = tpu.vector_load_idx %arg10[%add3A_371, %broadcast_in_dim3A_375] : memref<1024x16xf32, #tpu.memory_space<vmem>>[vector<16xi32>, vector<16xi32>], vector<16xf32>,
        %broadcast_in_dim3A_377 = arith.constant 2 : i32
        %broadcast_in_dim3A_378 = vector.broadcast %broadcast_in_dim3A_377 : i32 to vector<16xi32>
        %gather3A_379 = tpu.vector_load_idx %arg10[%add3A_371, %broadcast_in_dim3A_378] : memref<1024x16xf32, #tpu.memory_space<vmem>>[vector<16xi32>, vector<16xi32>], vector<16xf32>,
        %broadcast_in_dim3A_380 = arith.constant 3 : i32
        %broadcast_in_dim3A_381 = vector.broadcast %broadcast_in_dim3A_380 : i32 to vector<16xi32>
        %gather3A_382 = tpu.vector_load_idx %arg10[%add3A_371, %broadcast_in_dim3A_381] : memref<1024x16xf32, #tpu.memory_space<vmem>>[vector<16xi32>, vector<16xi32>], vector<16xf32>,
        %broadcast_in_dim3A_383 = arith.constant 0 : i32
        %broadcast_in_dim3A_384 = vector.broadcast %broadcast_in_dim3A_383 : i32 to vector<16xi32>
        %gather3A_385 = tpu.vector_load_idx %arg11[%add3A_371, %broadcast_in_dim3A_384] : memref<1024x16xf32, #tpu.memory_space<vmem>>[vector<16xi32>, vector<16xi32>], vector<16xf32>,
        %broadcast_in_dim3A_386 = arith.constant 1 : i32
        %broadcast_in_dim3A_387 = vector.broadcast %broadcast_in_dim3A_386 : i32 to vector<16xi32>
        %gather3A_388 = tpu.vector_load_idx %arg11[%add3A_371, %broadcast_in_dim3A_387] : memref<1024x16xf32, #tpu.memory_space<vmem>>[vector<16xi32>, vector<16xi32>], vector<16xf32>,
        %broadcast_in_dim3A_389 = arith.constant 2 : i32
        %broadcast_in_dim3A_390 = vector.broadcast %broadcast_in_dim3A_389 : i32 to vector<16xi32>
        %gather3A_391 = tpu.vector_load_idx %arg11[%add3A_371, %broadcast_in_dim3A_390] : memref<1024x16xf32, #tpu.memory_space<vmem>>[vector<16xi32>, vector<16xi32>], vector<16xf32>,
        %broadcast_in_dim3A_392 = arith.constant 3 : i32
        %broadcast_in_dim3A_393 = vector.broadcast %broadcast_in_dim3A_392 : i32 to vector<16xi32>
        %gather3A_394 = tpu.vector_load_idx %arg11[%add3A_371, %broadcast_in_dim3A_393] : memref<1024x16xf32, #tpu.memory_space<vmem>>[vector<16xi32>, vector<16xi32>], vector<16xf32>,
        %broadcast_in_dim3A_395 = arith.constant 0 : i32
        %broadcast_in_dim3A_396 = vector.broadcast %broadcast_in_dim3A_395 : i32 to vector<16xi32>
        %sub3A = arith.subf %gather3A, %gather3A_385 : vector<16xf32>
        %div3A = arith.divf %sub3A, %get3A_7 : vector<16xf32>
        %gt3A = arith.constant 5.000000e-01 : f32
        %gt3A_397 = vector.broadcast %gt3A : f32 to vector<16xf32>
        %gt3A_398 = arith.cmpf ogt, %div3A, %gt3A_397 : vector<16xf32>
        %lt3A = arith.constant -5.000000e-01 : f32
        %lt3A_399 = vector.broadcast %lt3A : f32 to vector<16xf32>
        %lt3A_400 = arith.cmpf olt, %div3A, %lt3A_399 : vector<16xf32>
        %jit3A = arith.constant -1.000000e+00 : f32
        %jit3A_401 = arith.constant 0.000000e+00 : f32
        %broadcast_in_dim3A_402 = vector.broadcast %jit3A : f32 to vector<16xf32>
        %broadcast_in_dim3A_403 = vector.broadcast %jit3A_401 : f32 to vector<16xf32>
        %select_n3A = arith.select %lt3A_400, %broadcast_in_dim3A_402, %broadcast_in_dim3A_403 : vector<16xi1>, vector<16xf32>
        %jit3A_404 = arith.constant 1.000000e+00 : f32
        %broadcast_in_dim3A_405 = vector.broadcast %jit3A_404 : f32 to vector<16xf32>
        %select_n3A_406 = arith.select %gt3A_398, %broadcast_in_dim3A_405, %select_n3A : vector<16xi1>, vector<16xf32>
        %mul3A_407 = arith.mulf %select_n3A_406, %get3A_7 : vector<16xf32>
        %sub3A_408 = arith.subf %sub3A, %mul3A_407 : vector<16xf32>
        tpu.vector_store_idx %arg12[%broadcast_in_dim3A_396, %add3A_371], %sub3A_408 : memref<5x1024xf32, #tpu.memory_space<vmem>>[vector<16xi32>, vector<16xi32>], vector<16xf32>,
        %broadcast_in_dim3A_409 = arith.constant 1 : i32
        %broadcast_in_dim3A_410 = vector.broadcast %broadcast_in_dim3A_409 : i32 to vector<16xi32>
        %sub3A_411 = arith.subf %gather3A_376, %gather3A_388 : vector<16xf32>
        %div3A_412 = arith.divf %sub3A_411, %get3A_7 : vector<16xf32>
        %gt3A_413 = arith.constant 5.000000e-01 : f32
        %gt3A_414 = vector.broadcast %gt3A_413 : f32 to vector<16xf32>
        %gt3A_415 = arith.cmpf ogt, %div3A_412, %gt3A_414 : vector<16xf32>
        %lt3A_416 = arith.constant -5.000000e-01 : f32
        %lt3A_417 = vector.broadcast %lt3A_416 : f32 to vector<16xf32>
        %lt3A_418 = arith.cmpf olt, %div3A_412, %lt3A_417 : vector<16xf32>
        %jit3A_419 = arith.constant -1.000000e+00 : f32
        %jit3A_420 = arith.constant 0.000000e+00 : f32
        %broadcast_in_dim3A_421 = vector.broadcast %jit3A_419 : f32 to vector<16xf32>
        %broadcast_in_dim3A_422 = vector.broadcast %jit3A_420 : f32 to vector<16xf32>
        %select_n3A_423 = arith.select %lt3A_418, %broadcast_in_dim3A_421, %broadcast_in_dim3A_422 : vector<16xi1>, vector<16xf32>
        %jit3A_424 = arith.constant 1.000000e+00 : f32
        %broadcast_in_dim3A_425 = vector.broadcast %jit3A_424 : f32 to vector<16xf32>
        %select_n3A_426 = arith.select %gt3A_415, %broadcast_in_dim3A_425, %select_n3A_423 : vector<16xi1>, vector<16xf32>
        %mul3A_427 = arith.mulf %select_n3A_426, %get3A_7 : vector<16xf32>
        %sub3A_428 = arith.subf %sub3A_411, %mul3A_427 : vector<16xf32>
        tpu.vector_store_idx %arg12[%broadcast_in_dim3A_410, %add3A_371], %sub3A_428 : memref<5x1024xf32, #tpu.memory_space<vmem>>[vector<16xi32>, vector<16xi32>], vector<16xf32>,
        %broadcast_in_dim3A_429 = arith.constant 2 : i32
        %broadcast_in_dim3A_430 = vector.broadcast %broadcast_in_dim3A_429 : i32 to vector<16xi32>
        %sub3A_431 = arith.subf %gather3A_379, %gather3A_391 : vector<16xf32>
        %div3A_432 = arith.divf %sub3A_431, %get3A_7 : vector<16xf32>
        %gt3A_433 = arith.constant 5.000000e-01 : f32
        %gt3A_434 = vector.broadcast %gt3A_433 : f32 to vector<16xf32>
        %gt3A_435 = arith.cmpf ogt, %div3A_432, %gt3A_434 : vector<16xf32>
        %lt3A_436 = arith.constant -5.000000e-01 : f32
        %lt3A_437 = vector.broadcast %lt3A_436 : f32 to vector<16xf32>
        %lt3A_438 = arith.cmpf olt, %div3A_432, %lt3A_437 : vector<16xf32>
        %jit3A_439 = arith.constant -1.000000e+00 : f32
        %jit3A_440 = arith.constant 0.000000e+00 : f32
        %broadcast_in_dim3A_441 = vector.broadcast %jit3A_439 : f32 to vector<16xf32>
        %broadcast_in_dim3A_442 = vector.broadcast %jit3A_440 : f32 to vector<16xf32>
        %select_n3A_443 = arith.select %lt3A_438, %broadcast_in_dim3A_441, %broadcast_in_dim3A_442 : vector<16xi1>, vector<16xf32>
        %jit3A_444 = arith.constant 1.000000e+00 : f32
        %broadcast_in_dim3A_445 = vector.broadcast %jit3A_444 : f32 to vector<16xf32>
        %select_n3A_446 = arith.select %gt3A_435, %broadcast_in_dim3A_445, %select_n3A_443 : vector<16xi1>, vector<16xf32>
        %mul3A_447 = arith.mulf %select_n3A_446, %get3A_7 : vector<16xf32>
        %sub3A_448 = arith.subf %sub3A_431, %mul3A_447 : vector<16xf32>
        tpu.vector_store_idx %arg12[%broadcast_in_dim3A_430, %add3A_371], %sub3A_448 : memref<5x1024xf32, #tpu.memory_space<vmem>>[vector<16xi32>, vector<16xi32>], vector<16xf32>,
        %broadcast_in_dim3A_449 = arith.constant 3 : i32
        %broadcast_in_dim3A_450 = vector.broadcast %broadcast_in_dim3A_449 : i32 to vector<16xi32>
        tpu.vector_store_idx %arg12[%broadcast_in_dim3A_450, %add3A_371], %gather3A_382 : memref<5x1024xf32, #tpu.memory_space<vmem>>[vector<16xi32>, vector<16xi32>], vector<16xf32>,
        %broadcast_in_dim3A_451 = arith.constant 4 : i32
        %broadcast_in_dim3A_452 = vector.broadcast %broadcast_in_dim3A_451 : i32 to vector<16xi32>
        tpu.vector_store_idx %arg12[%broadcast_in_dim3A_452, %add3A_371], %gather3A_394 : memref<5x1024xf32, #tpu.memory_space<vmem>>[vector<16xi32>, vector<16xi32>], vector<16xf32>,
        %mul3A_453 = arith.constant 4 : i32
        %mul3A_454 = arith.muli %scan3A_363, %mul3A_453 : i32
        %add3A_455 = arith.constant 1 : i32
        %add3A_456 = arith.addi %mul3A_454, %add3A_455 : i32
        %mul3A_457 = arith.constant 16 : i32
        %mul3A_458 = arith.muli %add3A_456, %mul3A_457 : i32
        %add3A_459 = vector.broadcast %mul3A_458 : i32 to vector<16xi32>
        %add3A_460 = arith.addi %add3A_459, %iota3A : vector<16xi32>
        %broadcast_in_dim3A_461 = arith.constant 0 : i32
        %broadcast_in_dim3A_462 = vector.broadcast %broadcast_in_dim3A_461 : i32 to vector<16xi32>
        %gather3A_463 = tpu.vector_load_idx %arg10[%add3A_460, %broadcast_in_dim3A_462] : memref<1024x16xf32, #tpu.memory_space<vmem>>[vector<16xi32>, vector<16xi32>], vector<16xf32>,
        %broadcast_in_dim3A_464 = arith.constant 1 : i32
        %broadcast_in_dim3A_465 = vector.broadcast %broadcast_in_dim3A_464 : i32 to vector<16xi32>
        %gather3A_466 = tpu.vector_load_idx %arg10[%add3A_460, %broadcast_in_dim3A_465] : memref<1024x16xf32, #tpu.memory_space<vmem>>[vector<16xi32>, vector<16xi32>], vector<16xf32>,
        %broadcast_in_dim3A_467 = arith.constant 2 : i32
        %broadcast_in_dim3A_468 = vector.broadcast %broadcast_in_dim3A_467 : i32 to vector<16xi32>
        %gather3A_469 = tpu.vector_load_idx %arg10[%add3A_460, %broadcast_in_dim3A_468] : memref<1024x16xf32, #tpu.memory_space<vmem>>[vector<16xi32>, vector<16xi32>], vector<16xf32>,
        %broadcast_in_dim3A_470 = arith.constant 3 : i32
        %broadcast_in_dim3A_471 = vector.broadcast %broadcast_in_dim3A_470 : i32 to vector<16xi32>
        %gather3A_472 = tpu.vector_load_idx %arg10[%add3A_460, %broadcast_in_dim3A_471] : memref<1024x16xf32, #tpu.memory_space<vmem>>[vector<16xi32>, vector<16xi32>], vector<16xf32>,
        %broadcast_in_dim3A_473 = arith.constant 0 : i32
        %broadcast_in_dim3A_474 = vector.broadcast %broadcast_in_dim3A_473 : i32 to vector<16xi32>
        %gather3A_475 = tpu.vector_load_idx %arg11[%add3A_460, %broadcast_in_dim3A_474] : memref<1024x16xf32, #tpu.memory_space<vmem>>[vector<16xi32>, vector<16xi32>], vector<16xf32>,
        %broadcast_in_dim3A_476 = arith.constant 1 : i32
        %broadcast_in_dim3A_477 = vector.broadcast %broadcast_in_dim3A_476 : i32 to vector<16xi32>
        %gather3A_478 = tpu.vector_load_idx %arg11[%add3A_460, %broadcast_in_dim3A_477] : memref<1024x16xf32, #tpu.memory_space<vmem>>[vector<16xi32>, vector<16xi32>], vector<16xf32>,
        %broadcast_in_dim3A_479 = arith.constant 2 : i32
        %broadcast_in_dim3A_480 = vector.broadcast %broadcast_in_dim3A_479 : i32 to vector<16xi32>
        %gather3A_481 = tpu.vector_load_idx %arg11[%add3A_460, %broadcast_in_dim3A_480] : memref<1024x16xf32, #tpu.memory_space<vmem>>[vector<16xi32>, vector<16xi32>], vector<16xf32>,
        %broadcast_in_dim3A_482 = arith.constant 3 : i32
        %broadcast_in_dim3A_483 = vector.broadcast %broadcast_in_dim3A_482 : i32 to vector<16xi32>
        %gather3A_484 = tpu.vector_load_idx %arg11[%add3A_460, %broadcast_in_dim3A_483] : memref<1024x16xf32, #tpu.memory_space<vmem>>[vector<16xi32>, vector<16xi32>], vector<16xf32>,
        %broadcast_in_dim3A_485 = arith.constant 0 : i32
        %broadcast_in_dim3A_486 = vector.broadcast %broadcast_in_dim3A_485 : i32 to vector<16xi32>
        %sub3A_487 = arith.subf %gather3A_463, %gather3A_475 : vector<16xf32>
        %div3A_488 = arith.divf %sub3A_487, %get3A_7 : vector<16xf32>
        %gt3A_489 = arith.constant 5.000000e-01 : f32
        %gt3A_490 = vector.broadcast %gt3A_489 : f32 to vector<16xf32>
        %gt3A_491 = arith.cmpf ogt, %div3A_488, %gt3A_490 : vector<16xf32>
        %lt3A_492 = arith.constant -5.000000e-01 : f32
        %lt3A_493 = vector.broadcast %lt3A_492 : f32 to vector<16xf32>
        %lt3A_494 = arith.cmpf olt, %div3A_488, %lt3A_493 : vector<16xf32>
        %jit3A_495 = arith.constant -1.000000e+00 : f32
        %jit3A_496 = arith.constant 0.000000e+00 : f32
        %broadcast_in_dim3A_497 = vector.broadcast %jit3A_495 : f32 to vector<16xf32>
        %broadcast_in_dim3A_498 = vector.broadcast %jit3A_496 : f32 to vector<16xf32>
        %select_n3A_499 = arith.select %lt3A_494, %broadcast_in_dim3A_497, %broadcast_in_dim3A_498 : vector<16xi1>, vector<16xf32>
        %jit3A_500 = arith.constant 1.000000e+00 : f32
        %broadcast_in_dim3A_501 = vector.broadcast %jit3A_500 : f32 to vector<16xf32>
        %select_n3A_502 = arith.select %gt3A_491, %broadcast_in_dim3A_501, %select_n3A_499 : vector<16xi1>, vector<16xf32>
        %mul3A_503 = arith.mulf %select_n3A_502, %get3A_7 : vector<16xf32>
        %sub3A_504 = arith.subf %sub3A_487, %mul3A_503 : vector<16xf32>
        tpu.vector_store_idx %arg12[%broadcast_in_dim3A_486, %add3A_460], %sub3A_504 : memref<5x1024xf32, #tpu.memory_space<vmem>>[vector<16xi32>, vector<16xi32>], vector<16xf32>,
        %broadcast_in_dim3A_505 = arith.constant 1 : i32
        %broadcast_in_dim3A_506 = vector.broadcast %broadcast_in_dim3A_505 : i32 to vector<16xi32>
        %sub3A_507 = arith.subf %gather3A_466, %gather3A_478 : vector<16xf32>
        %div3A_508 = arith.divf %sub3A_507, %get3A_7 : vector<16xf32>
        %gt3A_509 = arith.constant 5.000000e-01 : f32
        %gt3A_510 = vector.broadcast %gt3A_509 : f32 to vector<16xf32>
        %gt3A_511 = arith.cmpf ogt, %div3A_508, %gt3A_510 : vector<16xf32>
        %lt3A_512 = arith.constant -5.000000e-01 : f32
        %lt3A_513 = vector.broadcast %lt3A_512 : f32 to vector<16xf32>
        %lt3A_514 = arith.cmpf olt, %div3A_508, %lt3A_513 : vector<16xf32>
        %jit3A_515 = arith.constant -1.000000e+00 : f32
        %jit3A_516 = arith.constant 0.000000e+00 : f32
        %broadcast_in_dim3A_517 = vector.broadcast %jit3A_515 : f32 to vector<16xf32>
        %broadcast_in_dim3A_518 = vector.broadcast %jit3A_516 : f32 to vector<16xf32>
        %select_n3A_519 = arith.select %lt3A_514, %broadcast_in_dim3A_517, %broadcast_in_dim3A_518 : vector<16xi1>, vector<16xf32>
        %jit3A_520 = arith.constant 1.000000e+00 : f32
        %broadcast_in_dim3A_521 = vector.broadcast %jit3A_520 : f32 to vector<16xf32>
        %select_n3A_522 = arith.select %gt3A_511, %broadcast_in_dim3A_521, %select_n3A_519 : vector<16xi1>, vector<16xf32>
        %mul3A_523 = arith.mulf %select_n3A_522, %get3A_7 : vector<16xf32>
        %sub3A_524 = arith.subf %sub3A_507, %mul3A_523 : vector<16xf32>
        tpu.vector_store_idx %arg12[%broadcast_in_dim3A_506, %add3A_460], %sub3A_524 : memref<5x1024xf32, #tpu.memory_space<vmem>>[vector<16xi32>, vector<16xi32>], vector<16xf32>,
        %broadcast_in_dim3A_525 = arith.constant 2 : i32
        %broadcast_in_dim3A_526 = vector.broadcast %broadcast_in_dim3A_525 : i32 to vector<16xi32>
        %sub3A_527 = arith.subf %gather3A_469, %gather3A_481 : vector<16xf32>
        %div3A_528 = arith.divf %sub3A_527, %get3A_7 : vector<16xf32>
        %gt3A_529 = arith.constant 5.000000e-01 : f32
        %gt3A_530 = vector.broadcast %gt3A_529 : f32 to vector<16xf32>
        %gt3A_531 = arith.cmpf ogt, %div3A_528, %gt3A_530 : vector<16xf32>
        %lt3A_532 = arith.constant -5.000000e-01 : f32
        %lt3A_533 = vector.broadcast %lt3A_532 : f32 to vector<16xf32>
        %lt3A_534 = arith.cmpf olt, %div3A_528, %lt3A_533 : vector<16xf32>
        %jit3A_535 = arith.constant -1.000000e+00 : f32
        %jit3A_536 = arith.constant 0.000000e+00 : f32
        %broadcast_in_dim3A_537 = vector.broadcast %jit3A_535 : f32 to vector<16xf32>
        %broadcast_in_dim3A_538 = vector.broadcast %jit3A_536 : f32 to vector<16xf32>
        %select_n3A_539 = arith.select %lt3A_534, %broadcast_in_dim3A_537, %broadcast_in_dim3A_538 : vector<16xi1>, vector<16xf32>
        %jit3A_540 = arith.constant 1.000000e+00 : f32
        %broadcast_in_dim3A_541 = vector.broadcast %jit3A_540 : f32 to vector<16xf32>
        %select_n3A_542 = arith.select %gt3A_531, %broadcast_in_dim3A_541, %select_n3A_539 : vector<16xi1>, vector<16xf32>
        %mul3A_543 = arith.mulf %select_n3A_542, %get3A_7 : vector<16xf32>
        %sub3A_544 = arith.subf %sub3A_527, %mul3A_543 : vector<16xf32>
        tpu.vector_store_idx %arg12[%broadcast_in_dim3A_526, %add3A_460], %sub3A_544 : memref<5x1024xf32, #tpu.memory_space<vmem>>[vector<16xi32>, vector<16xi32>], vector<16xf32>,
        %broadcast_in_dim3A_545 = arith.constant 3 : i32
        %broadcast_in_dim3A_546 = vector.broadcast %broadcast_in_dim3A_545 : i32 to vector<16xi32>
        tpu.vector_store_idx %arg12[%broadcast_in_dim3A_546, %add3A_460], %gather3A_472 : memref<5x1024xf32, #tpu.memory_space<vmem>>[vector<16xi32>, vector<16xi32>], vector<16xf32>,
        %broadcast_in_dim3A_547 = arith.constant 4 : i32
        %broadcast_in_dim3A_548 = vector.broadcast %broadcast_in_dim3A_547 : i32 to vector<16xi32>
        tpu.vector_store_idx %arg12[%broadcast_in_dim3A_548, %add3A_460], %gather3A_484 : memref<5x1024xf32, #tpu.memory_space<vmem>>[vector<16xi32>, vector<16xi32>], vector<16xf32>,
        %mul3A_549 = arith.constant 4 : i32
        %mul3A_550 = arith.muli %scan3A_363, %mul3A_549 : i32
        %add3A_551 = arith.constant 2 : i32
        %add3A_552 = arith.addi %mul3A_550, %add3A_551 : i32
        %mul3A_553 = arith.constant 16 : i32
        %mul3A_554 = arith.muli %add3A_552, %mul3A_553 : i32
        %add3A_555 = vector.broadcast %mul3A_554 : i32 to vector<16xi32>
        %add3A_556 = arith.addi %add3A_555, %iota3A : vector<16xi32>
        %broadcast_in_dim3A_557 = arith.constant 0 : i32
        %broadcast_in_dim3A_558 = vector.broadcast %broadcast_in_dim3A_557 : i32 to vector<16xi32>
        %gather3A_559 = tpu.vector_load_idx %arg10[%add3A_556, %broadcast_in_dim3A_558] : memref<1024x16xf32, #tpu.memory_space<vmem>>[vector<16xi32>, vector<16xi32>], vector<16xf32>,
        %broadcast_in_dim3A_560 = arith.constant 1 : i32
        %broadcast_in_dim3A_561 = vector.broadcast %broadcast_in_dim3A_560 : i32 to vector<16xi32>
        %gather3A_562 = tpu.vector_load_idx %arg10[%add3A_556, %broadcast_in_dim3A_561] : memref<1024x16xf32, #tpu.memory_space<vmem>>[vector<16xi32>, vector<16xi32>], vector<16xf32>,
        %broadcast_in_dim3A_563 = arith.constant 2 : i32
        %broadcast_in_dim3A_564 = vector.broadcast %broadcast_in_dim3A_563 : i32 to vector<16xi32>
        %gather3A_565 = tpu.vector_load_idx %arg10[%add3A_556, %broadcast_in_dim3A_564] : memref<1024x16xf32, #tpu.memory_space<vmem>>[vector<16xi32>, vector<16xi32>], vector<16xf32>,
        %broadcast_in_dim3A_566 = arith.constant 3 : i32
        %broadcast_in_dim3A_567 = vector.broadcast %broadcast_in_dim3A_566 : i32 to vector<16xi32>
        %gather3A_568 = tpu.vector_load_idx %arg10[%add3A_556, %broadcast_in_dim3A_567] : memref<1024x16xf32, #tpu.memory_space<vmem>>[vector<16xi32>, vector<16xi32>], vector<16xf32>,
        %broadcast_in_dim3A_569 = arith.constant 0 : i32
        %broadcast_in_dim3A_570 = vector.broadcast %broadcast_in_dim3A_569 : i32 to vector<16xi32>
        %gather3A_571 = tpu.vector_load_idx %arg11[%add3A_556, %broadcast_in_dim3A_570] : memref<1024x16xf32, #tpu.memory_space<vmem>>[vector<16xi32>, vector<16xi32>], vector<16xf32>,
        %broadcast_in_dim3A_572 = arith.constant 1 : i32
        %broadcast_in_dim3A_573 = vector.broadcast %broadcast_in_dim3A_572 : i32 to vector<16xi32>
        %gather3A_574 = tpu.vector_load_idx %arg11[%add3A_556, %broadcast_in_dim3A_573] : memref<1024x16xf32, #tpu.memory_space<vmem>>[vector<16xi32>, vector<16xi32>], vector<16xf32>,
        %broadcast_in_dim3A_575 = arith.constant 2 : i32
        %broadcast_in_dim3A_576 = vector.broadcast %broadcast_in_dim3A_575 : i32 to vector<16xi32>
        %gather3A_577 = tpu.vector_load_idx %arg11[%add3A_556, %broadcast_in_dim3A_576] : memref<1024x16xf32, #tpu.memory_space<vmem>>[vector<16xi32>, vector<16xi32>], vector<16xf32>,
        %broadcast_in_dim3A_578 = arith.constant 3 : i32
        %broadcast_in_dim3A_579 = vector.broadcast %broadcast_in_dim3A_578 : i32 to vector<16xi32>
        %gather3A_580 = tpu.vector_load_idx %arg11[%add3A_556, %broadcast_in_dim3A_579] : memref<1024x16xf32, #tpu.memory_space<vmem>>[vector<16xi32>, vector<16xi32>], vector<16xf32>,
        %broadcast_in_dim3A_581 = arith.constant 0 : i32
        %broadcast_in_dim3A_582 = vector.broadcast %broadcast_in_dim3A_581 : i32 to vector<16xi32>
        %sub3A_583 = arith.subf %gather3A_559, %gather3A_571 : vector<16xf32>
        %div3A_584 = arith.divf %sub3A_583, %get3A_7 : vector<16xf32>
        %gt3A_585 = arith.constant 5.000000e-01 : f32
        %gt3A_586 = vector.broadcast %gt3A_585 : f32 to vector<16xf32>
        %gt3A_587 = arith.cmpf ogt, %div3A_584, %gt3A_586 : vector<16xf32>
        %lt3A_588 = arith.constant -5.000000e-01 : f32
        %lt3A_589 = vector.broadcast %lt3A_588 : f32 to vector<16xf32>
        %lt3A_590 = arith.cmpf olt, %div3A_584, %lt3A_589 : vector<16xf32>
        %jit3A_591 = arith.constant -1.000000e+00 : f32
        %jit3A_592 = arith.constant 0.000000e+00 : f32
        %broadcast_in_dim3A_593 = vector.broadcast %jit3A_591 : f32 to vector<16xf32>
        %broadcast_in_dim3A_594 = vector.broadcast %jit3A_592 : f32 to vector<16xf32>
        %select_n3A_595 = arith.select %lt3A_590, %broadcast_in_dim3A_593, %broadcast_in_dim3A_594 : vector<16xi1>, vector<16xf32>
        %jit3A_596 = arith.constant 1.000000e+00 : f32
        %broadcast_in_dim3A_597 = vector.broadcast %jit3A_596 : f32 to vector<16xf32>
        %select_n3A_598 = arith.select %gt3A_587, %broadcast_in_dim3A_597, %select_n3A_595 : vector<16xi1>, vector<16xf32>
        %mul3A_599 = arith.mulf %select_n3A_598, %get3A_7 : vector<16xf32>
        %sub3A_600 = arith.subf %sub3A_583, %mul3A_599 : vector<16xf32>
        tpu.vector_store_idx %arg12[%broadcast_in_dim3A_582, %add3A_556], %sub3A_600 : memref<5x1024xf32, #tpu.memory_space<vmem>>[vector<16xi32>, vector<16xi32>], vector<16xf32>,
        %broadcast_in_dim3A_601 = arith.constant 1 : i32
        %broadcast_in_dim3A_602 = vector.broadcast %broadcast_in_dim3A_601 : i32 to vector<16xi32>
        %sub3A_603 = arith.subf %gather3A_562, %gather3A_574 : vector<16xf32>
        %div3A_604 = arith.divf %sub3A_603, %get3A_7 : vector<16xf32>
        %gt3A_605 = arith.constant 5.000000e-01 : f32
        %gt3A_606 = vector.broadcast %gt3A_605 : f32 to vector<16xf32>
        %gt3A_607 = arith.cmpf ogt, %div3A_604, %gt3A_606 : vector<16xf32>
        %lt3A_608 = arith.constant -5.000000e-01 : f32
        %lt3A_609 = vector.broadcast %lt3A_608 : f32 to vector<16xf32>
        %lt3A_610 = arith.cmpf olt, %div3A_604, %lt3A_609 : vector<16xf32>
        %jit3A_611 = arith.constant -1.000000e+00 : f32
        %jit3A_612 = arith.constant 0.000000e+00 : f32
        %broadcast_in_dim3A_613 = vector.broadcast %jit3A_611 : f32 to vector<16xf32>
        %broadcast_in_dim3A_614 = vector.broadcast %jit3A_612 : f32 to vector<16xf32>
        %select_n3A_615 = arith.select %lt3A_610, %broadcast_in_dim3A_613, %broadcast_in_dim3A_614 : vector<16xi1>, vector<16xf32>
        %jit3A_616 = arith.constant 1.000000e+00 : f32
        %broadcast_in_dim3A_617 = vector.broadcast %jit3A_616 : f32 to vector<16xf32>
        %select_n3A_618 = arith.select %gt3A_607, %broadcast_in_dim3A_617, %select_n3A_615 : vector<16xi1>, vector<16xf32>
        %mul3A_619 = arith.mulf %select_n3A_618, %get3A_7 : vector<16xf32>
        %sub3A_620 = arith.subf %sub3A_603, %mul3A_619 : vector<16xf32>
        tpu.vector_store_idx %arg12[%broadcast_in_dim3A_602, %add3A_556], %sub3A_620 : memref<5x1024xf32, #tpu.memory_space<vmem>>[vector<16xi32>, vector<16xi32>], vector<16xf32>,
        %broadcast_in_dim3A_621 = arith.constant 2 : i32
        %broadcast_in_dim3A_622 = vector.broadcast %broadcast_in_dim3A_621 : i32 to vector<16xi32>
        %sub3A_623 = arith.subf %gather3A_565, %gather3A_577 : vector<16xf32>
        %div3A_624 = arith.divf %sub3A_623, %get3A_7 : vector<16xf32>
        %gt3A_625 = arith.constant 5.000000e-01 : f32
        %gt3A_626 = vector.broadcast %gt3A_625 : f32 to vector<16xf32>
        %gt3A_627 = arith.cmpf ogt, %div3A_624, %gt3A_626 : vector<16xf32>
        %lt3A_628 = arith.constant -5.000000e-01 : f32
        %lt3A_629 = vector.broadcast %lt3A_628 : f32 to vector<16xf32>
        %lt3A_630 = arith.cmpf olt, %div3A_624, %lt3A_629 : vector<16xf32>
        %jit3A_631 = arith.constant -1.000000e+00 : f32
        %jit3A_632 = arith.constant 0.000000e+00 : f32
        %broadcast_in_dim3A_633 = vector.broadcast %jit3A_631 : f32 to vector<16xf32>
        %broadcast_in_dim3A_634 = vector.broadcast %jit3A_632 : f32 to vector<16xf32>
        %select_n3A_635 = arith.select %lt3A_630, %broadcast_in_dim3A_633, %broadcast_in_dim3A_634 : vector<16xi1>, vector<16xf32>
        %jit3A_636 = arith.constant 1.000000e+00 : f32
        %broadcast_in_dim3A_637 = vector.broadcast %jit3A_636 : f32 to vector<16xf32>
        %select_n3A_638 = arith.select %gt3A_627, %broadcast_in_dim3A_637, %select_n3A_635 : vector<16xi1>, vector<16xf32>
        %mul3A_639 = arith.mulf %select_n3A_638, %get3A_7 : vector<16xf32>
        %sub3A_640 = arith.subf %sub3A_623, %mul3A_639 : vector<16xf32>
        tpu.vector_store_idx %arg12[%broadcast_in_dim3A_622, %add3A_556], %sub3A_640 : memref<5x1024xf32, #tpu.memory_space<vmem>>[vector<16xi32>, vector<16xi32>], vector<16xf32>,
        %broadcast_in_dim3A_641 = arith.constant 3 : i32
        %broadcast_in_dim3A_642 = vector.broadcast %broadcast_in_dim3A_641 : i32 to vector<16xi32>
        tpu.vector_store_idx %arg12[%broadcast_in_dim3A_642, %add3A_556], %gather3A_568 : memref<5x1024xf32, #tpu.memory_space<vmem>>[vector<16xi32>, vector<16xi32>], vector<16xf32>,
        %broadcast_in_dim3A_643 = arith.constant 4 : i32
        %broadcast_in_dim3A_644 = vector.broadcast %broadcast_in_dim3A_643 : i32 to vector<16xi32>
        tpu.vector_store_idx %arg12[%broadcast_in_dim3A_644, %add3A_556], %gather3A_580 : memref<5x1024xf32, #tpu.memory_space<vmem>>[vector<16xi32>, vector<16xi32>], vector<16xf32>,
        %mul3A_645 = arith.constant 4 : i32
        %mul3A_646 = arith.muli %scan3A_363, %mul3A_645 : i32
        %add3A_647 = arith.constant 3 : i32
        %add3A_648 = arith.addi %mul3A_646, %add3A_647 : i32
        %mul3A_649 = arith.constant 16 : i32
        %mul3A_650 = arith.muli %add3A_648, %mul3A_649 : i32
        %add3A_651 = vector.broadcast %mul3A_650 : i32 to vector<16xi32>
        %add3A_652 = arith.addi %add3A_651, %iota3A : vector<16xi32>
        %broadcast_in_dim3A_653 = arith.constant 0 : i32
        %broadcast_in_dim3A_654 = vector.broadcast %broadcast_in_dim3A_653 : i32 to vector<16xi32>
        %gather3A_655 = tpu.vector_load_idx %arg10[%add3A_652, %broadcast_in_dim3A_654] : memref<1024x16xf32, #tpu.memory_space<vmem>>[vector<16xi32>, vector<16xi32>], vector<16xf32>,
        %broadcast_in_dim3A_656 = arith.constant 1 : i32
        %broadcast_in_dim3A_657 = vector.broadcast %broadcast_in_dim3A_656 : i32 to vector<16xi32>
        %gather3A_658 = tpu.vector_load_idx %arg10[%add3A_652, %broadcast_in_dim3A_657] : memref<1024x16xf32, #tpu.memory_space<vmem>>[vector<16xi32>, vector<16xi32>], vector<16xf32>,
        %broadcast_in_dim3A_659 = arith.constant 2 : i32
        %broadcast_in_dim3A_660 = vector.broadcast %broadcast_in_dim3A_659 : i32 to vector<16xi32>
        %gather3A_661 = tpu.vector_load_idx %arg10[%add3A_652, %broadcast_in_dim3A_660] : memref<1024x16xf32, #tpu.memory_space<vmem>>[vector<16xi32>, vector<16xi32>], vector<16xf32>,
        %broadcast_in_dim3A_662 = arith.constant 3 : i32
        %broadcast_in_dim3A_663 = vector.broadcast %broadcast_in_dim3A_662 : i32 to vector<16xi32>
        %gather3A_664 = tpu.vector_load_idx %arg10[%add3A_652, %broadcast_in_dim3A_663] : memref<1024x16xf32, #tpu.memory_space<vmem>>[vector<16xi32>, vector<16xi32>], vector<16xf32>,
        %broadcast_in_dim3A_665 = arith.constant 0 : i32
        %broadcast_in_dim3A_666 = vector.broadcast %broadcast_in_dim3A_665 : i32 to vector<16xi32>
        %gather3A_667 = tpu.vector_load_idx %arg11[%add3A_652, %broadcast_in_dim3A_666] : memref<1024x16xf32, #tpu.memory_space<vmem>>[vector<16xi32>, vector<16xi32>], vector<16xf32>,
        %broadcast_in_dim3A_668 = arith.constant 1 : i32
        %broadcast_in_dim3A_669 = vector.broadcast %broadcast_in_dim3A_668 : i32 to vector<16xi32>
        %gather3A_670 = tpu.vector_load_idx %arg11[%add3A_652, %broadcast_in_dim3A_669] : memref<1024x16xf32, #tpu.memory_space<vmem>>[vector<16xi32>, vector<16xi32>], vector<16xf32>,
        %broadcast_in_dim3A_671 = arith.constant 2 : i32
        %broadcast_in_dim3A_672 = vector.broadcast %broadcast_in_dim3A_671 : i32 to vector<16xi32>
        %gather3A_673 = tpu.vector_load_idx %arg11[%add3A_652, %broadcast_in_dim3A_672] : memref<1024x16xf32, #tpu.memory_space<vmem>>[vector<16xi32>, vector<16xi32>], vector<16xf32>,
        %broadcast_in_dim3A_674 = arith.constant 3 : i32
        %broadcast_in_dim3A_675 = vector.broadcast %broadcast_in_dim3A_674 : i32 to vector<16xi32>
        %gather3A_676 = tpu.vector_load_idx %arg11[%add3A_652, %broadcast_in_dim3A_675] : memref<1024x16xf32, #tpu.memory_space<vmem>>[vector<16xi32>, vector<16xi32>], vector<16xf32>,
        %broadcast_in_dim3A_677 = arith.constant 0 : i32
        %broadcast_in_dim3A_678 = vector.broadcast %broadcast_in_dim3A_677 : i32 to vector<16xi32>
        %sub3A_679 = arith.subf %gather3A_655, %gather3A_667 : vector<16xf32>
        %div3A_680 = arith.divf %sub3A_679, %get3A_7 : vector<16xf32>
        %gt3A_681 = arith.constant 5.000000e-01 : f32
        %gt3A_682 = vector.broadcast %gt3A_681 : f32 to vector<16xf32>
        %gt3A_683 = arith.cmpf ogt, %div3A_680, %gt3A_682 : vector<16xf32>
        %lt3A_684 = arith.constant -5.000000e-01 : f32
        %lt3A_685 = vector.broadcast %lt3A_684 : f32 to vector<16xf32>
        %lt3A_686 = arith.cmpf olt, %div3A_680, %lt3A_685 : vector<16xf32>
        %jit3A_687 = arith.constant -1.000000e+00 : f32
        %jit3A_688 = arith.constant 0.000000e+00 : f32
        %broadcast_in_dim3A_689 = vector.broadcast %jit3A_687 : f32 to vector<16xf32>
        %broadcast_in_dim3A_690 = vector.broadcast %jit3A_688 : f32 to vector<16xf32>
        %select_n3A_691 = arith.select %lt3A_686, %broadcast_in_dim3A_689, %broadcast_in_dim3A_690 : vector<16xi1>, vector<16xf32>
        %jit3A_692 = arith.constant 1.000000e+00 : f32
        %broadcast_in_dim3A_693 = vector.broadcast %jit3A_692 : f32 to vector<16xf32>
        %select_n3A_694 = arith.select %gt3A_683, %broadcast_in_dim3A_693, %select_n3A_691 : vector<16xi1>, vector<16xf32>
        %mul3A_695 = arith.mulf %select_n3A_694, %get3A_7 : vector<16xf32>
        %sub3A_696 = arith.subf %sub3A_679, %mul3A_695 : vector<16xf32>
        tpu.vector_store_idx %arg12[%broadcast_in_dim3A_678, %add3A_652], %sub3A_696 : memref<5x1024xf32, #tpu.memory_space<vmem>>[vector<16xi32>, vector<16xi32>], vector<16xf32>,
        %broadcast_in_dim3A_697 = arith.constant 1 : i32
        %broadcast_in_dim3A_698 = vector.broadcast %broadcast_in_dim3A_697 : i32 to vector<16xi32>
        %sub3A_699 = arith.subf %gather3A_658, %gather3A_670 : vector<16xf32>
        %div3A_700 = arith.divf %sub3A_699, %get3A_7 : vector<16xf32>
        %gt3A_701 = arith.constant 5.000000e-01 : f32
        %gt3A_702 = vector.broadcast %gt3A_701 : f32 to vector<16xf32>
        %gt3A_703 = arith.cmpf ogt, %div3A_700, %gt3A_702 : vector<16xf32>
        %lt3A_704 = arith.constant -5.000000e-01 : f32
        %lt3A_705 = vector.broadcast %lt3A_704 : f32 to vector<16xf32>
        %lt3A_706 = arith.cmpf olt, %div3A_700, %lt3A_705 : vector<16xf32>
        %jit3A_707 = arith.constant -1.000000e+00 : f32
        %jit3A_708 = arith.constant 0.000000e+00 : f32
        %broadcast_in_dim3A_709 = vector.broadcast %jit3A_707 : f32 to vector<16xf32>
        %broadcast_in_dim3A_710 = vector.broadcast %jit3A_708 : f32 to vector<16xf32>
        %select_n3A_711 = arith.select %lt3A_706, %broadcast_in_dim3A_709, %broadcast_in_dim3A_710 : vector<16xi1>, vector<16xf32>
        %jit3A_712 = arith.constant 1.000000e+00 : f32
        %broadcast_in_dim3A_713 = vector.broadcast %jit3A_712 : f32 to vector<16xf32>
        %select_n3A_714 = arith.select %gt3A_703, %broadcast_in_dim3A_713, %select_n3A_711 : vector<16xi1>, vector<16xf32>
        %mul3A_715 = arith.mulf %select_n3A_714, %get3A_7 : vector<16xf32>
        %sub3A_716 = arith.subf %sub3A_699, %mul3A_715 : vector<16xf32>
        tpu.vector_store_idx %arg12[%broadcast_in_dim3A_698, %add3A_652], %sub3A_716 : memref<5x1024xf32, #tpu.memory_space<vmem>>[vector<16xi32>, vector<16xi32>], vector<16xf32>,
        %broadcast_in_dim3A_717 = arith.constant 2 : i32
        %broadcast_in_dim3A_718 = vector.broadcast %broadcast_in_dim3A_717 : i32 to vector<16xi32>
        %sub3A_719 = arith.subf %gather3A_661, %gather3A_673 : vector<16xf32>
        %div3A_720 = arith.divf %sub3A_719, %get3A_7 : vector<16xf32>
        %gt3A_721 = arith.constant 5.000000e-01 : f32
        %gt3A_722 = vector.broadcast %gt3A_721 : f32 to vector<16xf32>
        %gt3A_723 = arith.cmpf ogt, %div3A_720, %gt3A_722 : vector<16xf32>
        %lt3A_724 = arith.constant -5.000000e-01 : f32
        %lt3A_725 = vector.broadcast %lt3A_724 : f32 to vector<16xf32>
        %lt3A_726 = arith.cmpf olt, %div3A_720, %lt3A_725 : vector<16xf32>
        %jit3A_727 = arith.constant -1.000000e+00 : f32
        %jit3A_728 = arith.constant 0.000000e+00 : f32
        %broadcast_in_dim3A_729 = vector.broadcast %jit3A_727 : f32 to vector<16xf32>
        %broadcast_in_dim3A_730 = vector.broadcast %jit3A_728 : f32 to vector<16xf32>
        %select_n3A_731 = arith.select %lt3A_726, %broadcast_in_dim3A_729, %broadcast_in_dim3A_730 : vector<16xi1>, vector<16xf32>
        %jit3A_732 = arith.constant 1.000000e+00 : f32
        %broadcast_in_dim3A_733 = vector.broadcast %jit3A_732 : f32 to vector<16xf32>
        %select_n3A_734 = arith.select %gt3A_723, %broadcast_in_dim3A_733, %select_n3A_731 : vector<16xi1>, vector<16xf32>
        %mul3A_735 = arith.mulf %select_n3A_734, %get3A_7 : vector<16xf32>
        %sub3A_736 = arith.subf %sub3A_719, %mul3A_735 : vector<16xf32>
        tpu.vector_store_idx %arg12[%broadcast_in_dim3A_718, %add3A_652], %sub3A_736 : memref<5x1024xf32, #tpu.memory_space<vmem>>[vector<16xi32>, vector<16xi32>], vector<16xf32>,
        %broadcast_in_dim3A_737 = arith.constant 3 : i32
        %broadcast_in_dim3A_738 = vector.broadcast %broadcast_in_dim3A_737 : i32 to vector<16xi32>
        tpu.vector_store_idx %arg12[%broadcast_in_dim3A_738, %add3A_652], %gather3A_664 : memref<5x1024xf32, #tpu.memory_space<vmem>>[vector<16xi32>, vector<16xi32>], vector<16xf32>,
        %broadcast_in_dim3A_739 = arith.constant 4 : i32
        %broadcast_in_dim3A_740 = vector.broadcast %broadcast_in_dim3A_739 : i32 to vector<16xi32>
        tpu.vector_store_idx %arg12[%broadcast_in_dim3A_740, %add3A_652], %gather3A_676 : memref<5x1024xf32, #tpu.memory_space<vmem>>[vector<16xi32>, vector<16xi32>], vector<16xf32>,
      }
      %scan3A_362 = arith.constant 16 : i32
      "tpu.region"() ({
        %run_scoped3A = tpu.sem_alloc : memref<!tpu.dma_semaphore, #tpu.memory_space<semaphore_mem>>
        %dma_start3A_363 = arith.constant 0 : i32
        %dma_start3A_364 = tpu.memref_slice %arg6[%dma_start3A_363, %add3A_23] : memref<5x1605632xf32, #tpu.memory_space<hbm>> -> memref<5x1024xf32, #tpu.memory_space<hbm>>
        %dma_start3A_365 = arith.constant 0 : i32
        %dma_start3A_366 = tpu.memref_slice %arg6[%dma_start3A_365, %add3A_23] : memref<5x1605632xf32, #tpu.memory_space<hbm>> -> memref<5x1024xf32, #tpu.memory_space<hbm>>
        tpu.enqueue_dma source(%arg12 : memref<5x1024xf32, #tpu.memory_space<vmem>>) target(%dma_start3A_366 : memref<5x1024xf32, #tpu.memory_space<hbm>>) target_semaphore(%run_scoped3A : memref<!tpu.dma_semaphore, #tpu.memory_space<semaphore_mem>>)
        %dma_wait3A_367 = arith.constant 0 : i32
        %dma_wait3A_368 = tpu.memref_slice %arg6[%dma_wait3A_367, %add3A_23] : memref<5x1605632xf32, #tpu.memory_space<hbm>> -> memref<5x1024xf32, #tpu.memory_space<hbm>>
        %dma_wait3A_369 = arith.constant 0 : i32
        %dma_wait3A_370 = tpu.memref_slice %arg6[%dma_wait3A_369, %add3A_23] : memref<5x1605632xf32, #tpu.memory_space<hbm>> -> memref<5x1024xf32, #tpu.memory_space<hbm>>
        tpu.wait_dma2 semaphore(%run_scoped3A : memref<!tpu.dma_semaphore, #tpu.memory_space<semaphore_mem>>) src(%arg12 : memref<5x1024xf32, #tpu.memory_space<vmem>>) dst(%dma_wait3A_370 : memref<5x1024xf32, #tpu.memory_space<hbm>>)
        tpu.yield
      }) : () -> ()
    }
    %scan3A_12 = arith.constant 49 : i32
    return
  }
}

#map = affine_map<(d0, d1) -> (0, 0)>
#map1 = affine_map<(d0, d1) -> (0)>
module attributes {stable_mosaic.version = 14 : i64} {
  func.func @_body_a2(%arg0: i32, %arg1: i32, %arg2: memref<5x1605632xf32, #tpu.memory_space<hbm>>, %arg3: memref<1x1605632xf32, #tpu.memory_space<hbm>>, %arg4: memref<12544x128xi32, #tpu.memory_space<hbm>>, %arg5: memref<16384xf32, #tpu.memory_space<hbm>>, %arg6: memref<16384xf32, #tpu.memory_space<hbm>>, %arg7: memref<32768xf32, #tpu.memory_space<hbm>>, %arg8: memref<32768xf32, #tpu.memory_space<hbm>>, %arg9: memref<4x16xf32, #tpu.memory_space<hbm>>, %arg10: memref<3136xf32, #tpu.memory_space<hbm>>, %arg11: memref<7x1605632xf32, #tpu.memory_space<hbm>>, %arg12: memref<100352xf32, #tpu.memory_space<hbm>>, %arg13: memref<512xf32, #tpu.memory_space<hbm>>, %arg14: memref<16384xf32, #tpu.memory_space<vmem>>, %arg15: memref<16384xf32, #tpu.memory_space<vmem>>, %arg16: memref<32768xf32, #tpu.memory_space<vmem>>, %arg17: memref<32768xf32, #tpu.memory_space<vmem>>, %arg18: memref<4x16xf32, #tpu.memory_space<vmem>>, %arg19: memref<8x128xi32, #tpu.memory_space<vmem>>, %arg20: memref<5x1024xf32, #tpu.memory_space<vmem>>, %arg21: memref<1024xf32, #tpu.memory_space<vmem>>, %arg22: memref<7x1024xf32, #tpu.memory_space<vmem>>, %arg23: memref<1024xf32, #tpu.memory_space<vmem>>, %arg24: memref<16xf32, #tpu.memory_space<vmem>>, %arg25: memref<50176xf32, #tpu.memory_space<vmem_shared>>, %arg26: memref<!tpu.dma_semaphore, #tpu.memory_space<semaphore_mem>>, %arg27: memref<!tpu.dma_semaphore, #tpu.memory_space<semaphore_mem>>) attributes {dimension_semantics = [#tpu.dimension_semantics<core_parallel>, #tpu.dimension_semantics<subcore_parallel>], iteration_bounds = array<i64: 2, 16>, scalar_prefetch = 0 : i64, scratch_operands = 14 : i64, tpu.core_type = #tpu.core_type<sc_vector_subcore>, window_params = [{transform_indices = #map}, {transform_indices = #map}, {transform_indices = #map}, {transform_indices = #map1}, {transform_indices = #map1}, {transform_indices = #map1}, {transform_indices = #map1}, {transform_indices = #map}, {transform_indices = #map1}, {transform_indices = #map}, {transform_indices = #map1}, {transform_indices = #map1}]} {
    %mul3A = arith.constant 16 : i32
    %mul3A_0 = arith.muli %arg0, %mul3A : i32
    %add3A = arith.addi %mul3A_0, %arg1 : i32
    "tpu.region"() ({
      %run_scoped3A = tpu.sem_alloc : memref<!tpu.dma_semaphore, #tpu.memory_space<semaphore_mem>>
      tpu.enqueue_dma source(%arg5 : memref<16384xf32, #tpu.memory_space<hbm>>) target(%arg14 : memref<16384xf32, #tpu.memory_space<vmem>>) target_semaphore(%run_scoped3A : memref<!tpu.dma_semaphore, #tpu.memory_space<semaphore_mem>>)
      tpu.wait_dma2 semaphore(%run_scoped3A : memref<!tpu.dma_semaphore, #tpu.memory_space<semaphore_mem>>) src(%arg5 : memref<16384xf32, #tpu.memory_space<hbm>>) dst(%arg14 : memref<16384xf32, #tpu.memory_space<vmem>>)
      tpu.yield
    }) : () -> ()
    "tpu.region"() ({
      %run_scoped3A = tpu.sem_alloc : memref<!tpu.dma_semaphore, #tpu.memory_space<semaphore_mem>>
      tpu.enqueue_dma source(%arg6 : memref<16384xf32, #tpu.memory_space<hbm>>) target(%arg15 : memref<16384xf32, #tpu.memory_space<vmem>>) target_semaphore(%run_scoped3A : memref<!tpu.dma_semaphore, #tpu.memory_space<semaphore_mem>>)
      tpu.wait_dma2 semaphore(%run_scoped3A : memref<!tpu.dma_semaphore, #tpu.memory_space<semaphore_mem>>) src(%arg6 : memref<16384xf32, #tpu.memory_space<hbm>>) dst(%arg15 : memref<16384xf32, #tpu.memory_space<vmem>>)
      tpu.yield
    }) : () -> ()
    "tpu.region"() ({
      %run_scoped3A = tpu.sem_alloc : memref<!tpu.dma_semaphore, #tpu.memory_space<semaphore_mem>>
      tpu.enqueue_dma source(%arg7 : memref<32768xf32, #tpu.memory_space<hbm>>) target(%arg16 : memref<32768xf32, #tpu.memory_space<vmem>>) target_semaphore(%run_scoped3A : memref<!tpu.dma_semaphore, #tpu.memory_space<semaphore_mem>>)
      tpu.wait_dma2 semaphore(%run_scoped3A : memref<!tpu.dma_semaphore, #tpu.memory_space<semaphore_mem>>) src(%arg7 : memref<32768xf32, #tpu.memory_space<hbm>>) dst(%arg16 : memref<32768xf32, #tpu.memory_space<vmem>>)
      tpu.yield
    }) : () -> ()
    "tpu.region"() ({
      %run_scoped3A = tpu.sem_alloc : memref<!tpu.dma_semaphore, #tpu.memory_space<semaphore_mem>>
      tpu.enqueue_dma source(%arg8 : memref<32768xf32, #tpu.memory_space<hbm>>) target(%arg17 : memref<32768xf32, #tpu.memory_space<vmem>>) target_semaphore(%run_scoped3A : memref<!tpu.dma_semaphore, #tpu.memory_space<semaphore_mem>>)
      tpu.wait_dma2 semaphore(%run_scoped3A : memref<!tpu.dma_semaphore, #tpu.memory_space<semaphore_mem>>) src(%arg8 : memref<32768xf32, #tpu.memory_space<hbm>>) dst(%arg17 : memref<32768xf32, #tpu.memory_space<vmem>>)
      tpu.yield
    }) : () -> ()
    "tpu.region"() ({
      %run_scoped3A = tpu.sem_alloc : memref<!tpu.dma_semaphore, #tpu.memory_space<semaphore_mem>>
      tpu.enqueue_dma source(%arg9 : memref<4x16xf32, #tpu.memory_space<hbm>>) target(%arg18 : memref<4x16xf32, #tpu.memory_space<vmem>>) target_semaphore(%run_scoped3A : memref<!tpu.dma_semaphore, #tpu.memory_space<semaphore_mem>>)
      tpu.wait_dma2 semaphore(%run_scoped3A : memref<!tpu.dma_semaphore, #tpu.memory_space<semaphore_mem>>) src(%arg9 : memref<4x16xf32, #tpu.memory_space<hbm>>) dst(%arg18 : memref<4x16xf32, #tpu.memory_space<vmem>>)
      tpu.yield
    }) : () -> ()
    %mul3A_1 = arith.constant 3136 : i32
    %mul3A_2 = arith.muli %arg1, %mul3A_1 : i32
    "tpu.region"() ({
      %run_scoped3A = tpu.sem_alloc : memref<!tpu.dma_semaphore, #tpu.memory_space<semaphore_mem>>
      %dma_start3A = tpu.memref_slice %arg25[%mul3A_2] : memref<50176xf32, #tpu.memory_space<vmem_shared>> -> memref<3136xf32, #tpu.memory_space<vmem_shared>>
      tpu.enqueue_dma source(%arg10 : memref<3136xf32, #tpu.memory_space<hbm>>) target(%dma_start3A : memref<3136xf32, #tpu.memory_space<vmem_shared>>) target_semaphore(%run_scoped3A : memref<!tpu.dma_semaphore, #tpu.memory_space<semaphore_mem>>)
      %dma_wait3A = tpu.memref_slice %arg25[%mul3A_2] : memref<50176xf32, #tpu.memory_space<vmem_shared>> -> memref<3136xf32, #tpu.memory_space<vmem_shared>>
      tpu.wait_dma2 semaphore(%run_scoped3A : memref<!tpu.dma_semaphore, #tpu.memory_space<semaphore_mem>>) src(%arg10 : memref<3136xf32, #tpu.memory_space<hbm>>) dst(%dma_wait3A : memref<3136xf32, #tpu.memory_space<vmem_shared>>)
      tpu.yield
    }) : () -> ()
    %barrier3A = arith.constant 0 : index
    tpu.barrier barrier_id(%barrier3A)
    %iota3A = tpu.iota {dimensions = array<i32: 0>} : vector<16xi32>
    %get3A = arith.constant 0 : i32
    %get3A_3 = arith.index_cast %get3A : i32 to index
    %get3A_4 = arith.constant 0 : index
    %get3A_5 = tpu.vector_load %arg18[%get3A_3, %get3A_4] {strides = array<i32>} : memref<4x16xf32, #tpu.memory_space<vmem>>, vector<16xf32>,
    %get3A_6 = arith.constant 2 : i32
    %get3A_7 = arith.index_cast %get3A_6 : i32 to index
    %get3A_8 = arith.constant 0 : index
    %get3A_9 = tpu.vector_load %arg18[%get3A_7, %get3A_8] {strides = array<i32>} : memref<4x16xf32, #tpu.memory_space<vmem>>, vector<16xf32>,
    %get3A_10 = arith.constant 3 : i32
    %get3A_11 = arith.index_cast %get3A_10 : i32 to index
    %get3A_12 = arith.constant 0 : index
    %get3A_13 = tpu.vector_load %arg18[%get3A_11, %get3A_12] {strides = array<i32>} : memref<4x16xf32, #tpu.memory_space<vmem>>, vector<16xf32>,
    %broadcast_in_dim3A = arith.constant 0.000000e+00 : f32
    %broadcast_in_dim3A_14 = vector.broadcast %broadcast_in_dim3A : f32 to vector<16xf32>
    %scan3A = arith.constant 0 : i32
    %scan3A_15 = arith.constant 49 : i32
    %scan3A_16 = arith.addi %scan3A, %scan3A_15 : i32
    %scan3A_17 = arith.constant 1 : i32
    %scan3A_18 = scf.for %scan3A_31 = %scan3A to %scan3A_16 step %scan3A_17 iter_args(%scan3A_32 = %broadcast_in_dim3A_14) -> (vector<16xf32>)  : i32 {
      %mul3A_33 = arith.constant 392 : i32
      %mul3A_34 = arith.muli %add3A, %mul3A_33 : i32
      %mul3A_35 = arith.constant 8 : i32
      %mul3A_36 = arith.muli %scan3A_31, %mul3A_35 : i32
      %add3A_37 = arith.addi %mul3A_34, %mul3A_36 : i32
      %mul3A_38 = arith.constant 50176 : i32
      %mul3A_39 = arith.muli %add3A, %mul3A_38 : i32
      %mul3A_40 = arith.constant 1024 : i32
      %mul3A_41 = arith.muli %scan3A_31, %mul3A_40 : i32
      %add3A_42 = arith.addi %mul3A_39, %mul3A_41 : i32
      %dma_start3A = arith.constant 0 : i32
      %dma_start3A_43 = tpu.memref_slice %arg4[%add3A_37, %dma_start3A] : memref<12544x128xi32, #tpu.memory_space<hbm>> -> memref<8x128xi32, #tpu.memory_space<hbm>>
      %dma_start3A_44 = arith.constant 0 : i32
      %dma_start3A_45 = tpu.memref_slice %arg4[%add3A_37, %dma_start3A_44] : memref<12544x128xi32, #tpu.memory_space<hbm>> -> memref<8x128xi32, #tpu.memory_space<hbm>>
      tpu.enqueue_dma source(%dma_start3A_45 : memref<8x128xi32, #tpu.memory_space<hbm>>) target(%arg19 : memref<8x128xi32, #tpu.memory_space<vmem>>) target_semaphore(%arg26 : memref<!tpu.dma_semaphore, #tpu.memory_space<semaphore_mem>>)
      %dma_start3A_46 = arith.constant 0 : i32
      %dma_start3A_47 = tpu.memref_slice %arg2[%dma_start3A_46, %add3A_42] : memref<5x1605632xf32, #tpu.memory_space<hbm>> -> memref<5x1024xf32, #tpu.memory_space<hbm>>
      %dma_start3A_48 = arith.constant 0 : i32
      %dma_start3A_49 = tpu.memref_slice %arg2[%dma_start3A_48, %add3A_42] : memref<5x1605632xf32, #tpu.memory_space<hbm>> -> memref<5x1024xf32, #tpu.memory_space<hbm>>
      tpu.enqueue_dma source(%dma_start3A_49 : memref<5x1024xf32, #tpu.memory_space<hbm>>) target(%arg20 : memref<5x1024xf32, #tpu.memory_space<vmem>>) target_semaphore(%arg26 : memref<!tpu.dma_semaphore, #tpu.memory_space<semaphore_mem>>)
      %dma_start3A_50 = arith.constant 0 : i32
      %dma_start3A_51 = tpu.memref_slice %arg3[%dma_start3A_50, %add3A_42] : memref<1x1605632xf32, #tpu.memory_space<hbm>> -> memref<1x1024xf32, #tpu.memory_space<hbm>>
      %dma_start3A_52 = tpu.memref_squeeze %dma_start3A_51 : memref<1x1024xf32, #tpu.memory_space<hbm>> -> memref<1024xf32, #tpu.memory_space<hbm>>
      %dma_start3A_53 = tpu.memref_slice %arg3[%dma_start3A_50, %add3A_42] : memref<1x1605632xf32, #tpu.memory_space<hbm>> -> memref<1x1024xf32, #tpu.memory_space<hbm>>
      %dma_start3A_54 = tpu.memref_squeeze %dma_start3A_53 : memref<1x1024xf32, #tpu.memory_space<hbm>> -> memref<1024xf32, #tpu.memory_space<hbm>>
      tpu.enqueue_dma source(%dma_start3A_54 : memref<1024xf32, #tpu.memory_space<hbm>>) target(%arg21 : memref<1024xf32, #tpu.memory_space<vmem>>) target_semaphore(%arg26 : memref<!tpu.dma_semaphore, #tpu.memory_space<semaphore_mem>>)
      %dma_wait3A = arith.constant 0 : i32
      %dma_wait3A_55 = tpu.memref_slice %arg4[%add3A_37, %dma_wait3A] : memref<12544x128xi32, #tpu.memory_space<hbm>> -> memref<8x128xi32, #tpu.memory_space<hbm>>
      %dma_wait3A_56 = arith.constant 0 : i32
      %dma_wait3A_57 = tpu.memref_slice %arg4[%add3A_37, %dma_wait3A_56] : memref<12544x128xi32, #tpu.memory_space<hbm>> -> memref<8x128xi32, #tpu.memory_space<hbm>>
      tpu.wait_dma2 semaphore(%arg26 : memref<!tpu.dma_semaphore, #tpu.memory_space<semaphore_mem>>) src(%dma_wait3A_57 : memref<8x128xi32, #tpu.memory_space<hbm>>) dst(%arg19 : memref<8x128xi32, #tpu.memory_space<vmem>>)
      %dma_wait3A_58 = arith.constant 0 : i32
      %dma_wait3A_59 = tpu.memref_slice %arg2[%dma_wait3A_58, %add3A_42] : memref<5x1605632xf32, #tpu.memory_space<hbm>> -> memref<5x1024xf32, #tpu.memory_space<hbm>>
      %dma_wait3A_60 = arith.constant 0 : i32
      %dma_wait3A_61 = tpu.memref_slice %arg2[%dma_wait3A_60, %add3A_42] : memref<5x1605632xf32, #tpu.memory_space<hbm>> -> memref<5x1024xf32, #tpu.memory_space<hbm>>
      tpu.wait_dma2 semaphore(%arg26 : memref<!tpu.dma_semaphore, #tpu.memory_space<semaphore_mem>>) src(%dma_wait3A_61 : memref<5x1024xf32, #tpu.memory_space<hbm>>) dst(%arg20 : memref<5x1024xf32, #tpu.memory_space<vmem>>)
      %dma_wait3A_62 = arith.constant 0 : i32
      %dma_wait3A_63 = tpu.memref_slice %arg3[%dma_wait3A_62, %add3A_42] : memref<1x1605632xf32, #tpu.memory_space<hbm>> -> memref<1x1024xf32, #tpu.memory_space<hbm>>
      %dma_wait3A_64 = tpu.memref_squeeze %dma_wait3A_63 : memref<1x1024xf32, #tpu.memory_space<hbm>> -> memref<1024xf32, #tpu.memory_space<hbm>>
      %dma_wait3A_65 = tpu.memref_slice %arg3[%dma_wait3A_62, %add3A_42] : memref<1x1605632xf32, #tpu.memory_space<hbm>> -> memref<1x1024xf32, #tpu.memory_space<hbm>>
      %dma_wait3A_66 = tpu.memref_squeeze %dma_wait3A_65 : memref<1x1024xf32, #tpu.memory_space<hbm>> -> memref<1024xf32, #tpu.memory_space<hbm>>
      tpu.wait_dma2 semaphore(%arg26 : memref<!tpu.dma_semaphore, #tpu.memory_space<semaphore_mem>>) src(%dma_wait3A_66 : memref<1024xf32, #tpu.memory_space<hbm>>) dst(%arg21 : memref<1024xf32, #tpu.memory_space<vmem>>)
      %scan3A_67 = arith.constant 0 : i32
      %scan3A_68 = arith.constant 16 : i32
      %scan3A_69 = arith.addi %scan3A_67, %scan3A_68 : i32
      %scan3A_70 = arith.constant 1 : i32
      %scan3A_71 = scf.for %scan3A_209 = %scan3A_67 to %scan3A_69 step %scan3A_70 iter_args(%scan3A_210 = %scan3A_32) -> (vector<16xf32>)  : i32 {
        %mul3A_211 = arith.constant 4 : i32
        %mul3A_212 = arith.muli %scan3A_209, %mul3A_211 : i32
        %add3A_213 = arith.constant 0 : i32
        %add3A_214 = arith.addi %mul3A_212, %add3A_213 : i32
        %mul3A_215 = arith.constant 16 : i32
        %mul3A_216 = arith.muli %add3A_214, %mul3A_215 : i32
        %add3A_217 = vector.broadcast %mul3A_216 : i32 to vector<16xi32>
        %add3A_218 = arith.addi %add3A_217, %iota3A : vector<16xi32>
        %broadcast_in_dim3A_219 = arith.constant 0 : i32
        %broadcast_in_dim3A_220 = vector.broadcast %broadcast_in_dim3A_219 : i32 to vector<16xi32>
        %gather3A = tpu.vector_load_idx %arg20[%broadcast_in_dim3A_220, %add3A_218] : memref<5x1024xf32, #tpu.memory_space<vmem>>[vector<16xi32>, vector<16xi32>], vector<16xf32>,
        %broadcast_in_dim3A_221 = arith.constant 1 : i32
        %broadcast_in_dim3A_222 = vector.broadcast %broadcast_in_dim3A_221 : i32 to vector<16xi32>
        %gather3A_223 = tpu.vector_load_idx %arg20[%broadcast_in_dim3A_222, %add3A_218] : memref<5x1024xf32, #tpu.memory_space<vmem>>[vector<16xi32>, vector<16xi32>], vector<16xf32>,
        %broadcast_in_dim3A_224 = arith.constant 2 : i32
        %broadcast_in_dim3A_225 = vector.broadcast %broadcast_in_dim3A_224 : i32 to vector<16xi32>
        %gather3A_226 = tpu.vector_load_idx %arg20[%broadcast_in_dim3A_225, %add3A_218] : memref<5x1024xf32, #tpu.memory_space<vmem>>[vector<16xi32>, vector<16xi32>], vector<16xf32>,
        %broadcast_in_dim3A_227 = arith.constant 3 : i32
        %broadcast_in_dim3A_228 = vector.broadcast %broadcast_in_dim3A_227 : i32 to vector<16xi32>
        %gather3A_229 = tpu.vector_load_idx %arg20[%broadcast_in_dim3A_228, %add3A_218] : memref<5x1024xf32, #tpu.memory_space<vmem>>[vector<16xi32>, vector<16xi32>], vector<16xf32>,
        %broadcast_in_dim3A_230 = arith.constant 4 : i32
        %broadcast_in_dim3A_231 = vector.broadcast %broadcast_in_dim3A_230 : i32 to vector<16xi32>
        %gather3A_232 = tpu.vector_load_idx %arg20[%broadcast_in_dim3A_231, %add3A_218] : memref<5x1024xf32, #tpu.memory_space<vmem>>[vector<16xi32>, vector<16xi32>], vector<16xf32>,
        %gather3A_233 = tpu.vector_load_idx %arg21[%add3A_218] : memref<1024xf32, #tpu.memory_space<vmem>>[vector<16xi32>], vector<16xf32>,
        %lt3A = arith.cmpf olt, %gather3A_233, %get3A_5 : vector<16xf32>
        %gt3A = arith.constant 9.99999997E-7 : f32
        %gt3A_234 = vector.broadcast %gt3A : f32 to vector<16xf32>
        %gt3A_235 = arith.cmpf ogt, %gather3A_233, %gt3A_234 : vector<16xf32>
        %and3A = arith.andi %lt3A, %gt3A_235 : vector<16xi1>
        %jit3A = arith.constant 1.000000e+00 : f32
        %jit3A_236 = arith.constant 0.000000e+00 : f32
        %broadcast_in_dim3A_237 = vector.broadcast %jit3A : f32 to vector<16xf32>
        %broadcast_in_dim3A_238 = vector.broadcast %jit3A_236 : f32 to vector<16xf32>
        %select_n3A = arith.select %and3A, %broadcast_in_dim3A_237, %broadcast_in_dim3A_238 : vector<16xi1>, vector<16xf32>
        %min3A = arith.minimumf %gather3A_233, %get3A_13 : vector<16xf32>
        %mul3A_239 = arith.mulf %min3A, %get3A_9 : vector<16xf32>
        %convert_element_type3A = arith.fptosi %mul3A_239 : vector<16xf32> to vector<16xi32>
        %convert_element_type3A_240 = arith.sitofp %convert_element_type3A : vector<16xi32> to vector<16xf32>
        %sub3A = arith.subf %mul3A_239, %convert_element_type3A_240 : vector<16xf32>
        %add3A_241 = arith.constant 1 : i32
        %add3A_242 = vector.broadcast %add3A_241 : i32 to vector<16xi32>
        %add3A_243 = arith.addi %convert_element_type3A, %add3A_242 : vector<16xi32>
        %min3A_244 = arith.constant 8191 : i32
        %min3A_245 = vector.broadcast %min3A_244 : i32 to vector<16xi32>
        %min3A_246 = arith.minsi %add3A_243, %min3A_245 : vector<16xi32>
        %convert_element_type3A_247 = arith.fptosi %gather3A_232 : vector<16xf32> to vector<16xi32>
        %convert_element_type3A_248 = arith.fptosi %gather3A_229 : vector<16xf32> to vector<16xi32>
        %mul3A_249 = arith.constant 8192 : i32
        %mul3A_250 = vector.broadcast %mul3A_249 : i32 to vector<16xi32>
        %mul3A_251 = arith.muli %convert_element_type3A_247, %mul3A_250 : vector<16xi32>
        %mul3A_252 = arith.constant 8192 : i32
        %mul3A_253 = vector.broadcast %mul3A_252 : i32 to vector<16xi32>
        %mul3A_254 = arith.muli %convert_element_type3A_248, %mul3A_253 : vector<16xi32>
        %mul3A_255 = arith.constant 2 : i32
        %mul3A_256 = vector.broadcast %mul3A_255 : i32 to vector<16xi32>
        %mul3A_257 = arith.muli %convert_element_type3A_248, %mul3A_256 : vector<16xi32>
        %add3A_258 = arith.addi %mul3A_257, %convert_element_type3A_247 : vector<16xi32>
        %mul3A_259 = arith.constant 8192 : i32
        %mul3A_260 = vector.broadcast %mul3A_259 : i32 to vector<16xi32>
        %mul3A_261 = arith.muli %add3A_258, %mul3A_260 : vector<16xi32>
        %add3A_262 = arith.addi %mul3A_251, %convert_element_type3A : vector<16xi32>
        %gather3A_263 = tpu.vector_load_idx %arg14[%add3A_262] : memref<16384xf32, #tpu.memory_space<vmem>>[vector<16xi32>], vector<16xf32>,
        %add3A_264 = arith.addi %mul3A_251, %min3A_246 : vector<16xi32>
        %gather3A_265 = tpu.vector_load_idx %arg14[%add3A_264] : memref<16384xf32, #tpu.memory_space<vmem>>[vector<16xi32>], vector<16xf32>,
        %sub3A_266 = arith.subf %gather3A_265, %gather3A_263 : vector<16xf32>
        %mul3A_267 = arith.mulf %sub3A, %sub3A_266 : vector<16xf32>
        %add3A_268 = arith.addf %gather3A_263, %mul3A_267 : vector<16xf32>
        %mul3A_269 = arith.mulf %add3A_268, %select_n3A : vector<16xf32>
        %add3A_270 = arith.addi %mul3A_261, %convert_element_type3A : vector<16xi32>
        %gather3A_271 = tpu.vector_load_idx %arg16[%add3A_270] : memref<32768xf32, #tpu.memory_space<vmem>>[vector<16xi32>], vector<16xf32>,
        %add3A_272 = arith.addi %mul3A_261, %min3A_246 : vector<16xi32>
        %gather3A_273 = tpu.vector_load_idx %arg16[%add3A_272] : memref<32768xf32, #tpu.memory_space<vmem>>[vector<16xi32>], vector<16xf32>,
        %sub3A_274 = arith.subf %gather3A_273, %gather3A_271 : vector<16xf32>
        %mul3A_275 = arith.mulf %sub3A, %sub3A_274 : vector<16xf32>
        %add3A_276 = arith.addf %gather3A_271, %mul3A_275 : vector<16xf32>
        %mul3A_277 = arith.mulf %add3A_276, %select_n3A : vector<16xf32>
        %add3A_278 = arith.addf %scan3A_210, %mul3A_277 : vector<16xf32>
        %add3A_279 = arith.addi %mul3A_261, %convert_element_type3A : vector<16xi32>
        %gather3A_280 = tpu.vector_load_idx %arg17[%add3A_279] : memref<32768xf32, #tpu.memory_space<vmem>>[vector<16xi32>], vector<16xf32>,
        %add3A_281 = arith.addi %mul3A_261, %min3A_246 : vector<16xi32>
        %gather3A_282 = tpu.vector_load_idx %arg17[%add3A_281] : memref<32768xf32, #tpu.memory_space<vmem>>[vector<16xi32>], vector<16xf32>,
        %sub3A_283 = arith.subf %gather3A_282, %gather3A_280 : vector<16xf32>
        %mul3A_284 = arith.mulf %sub3A, %sub3A_283 : vector<16xf32>
        %add3A_285 = arith.addf %gather3A_280, %mul3A_284 : vector<16xf32>
        %mul3A_286 = arith.mulf %add3A_285, %select_n3A : vector<16xf32>
        %add3A_287 = arith.addi %mul3A_251, %convert_element_type3A : vector<16xi32>
        %gather3A_288 = tpu.vector_load_idx %arg15[%add3A_287] : memref<16384xf32, #tpu.memory_space<vmem>>[vector<16xi32>], vector<16xf32>,
        %add3A_289 = arith.addi %mul3A_251, %min3A_246 : vector<16xi32>
        %gather3A_290 = tpu.vector_load_idx %arg15[%add3A_289] : memref<16384xf32, #tpu.memory_space<vmem>>[vector<16xi32>], vector<16xf32>,
        %sub3A_291 = arith.subf %gather3A_290, %gather3A_288 : vector<16xf32>
        %mul3A_292 = arith.mulf %sub3A, %sub3A_291 : vector<16xf32>
        %add3A_293 = arith.addf %gather3A_288, %mul3A_292 : vector<16xf32>
        %mul3A_294 = arith.mulf %add3A_293, %select_n3A : vector<16xf32>
        %add3A_295 = arith.addi %mul3A_254, %convert_element_type3A : vector<16xi32>
        %gather3A_296 = tpu.vector_load_idx %arg15[%add3A_295] : memref<16384xf32, #tpu.memory_space<vmem>>[vector<16xi32>], vector<16xf32>,
        %add3A_297 = arith.addi %mul3A_254, %min3A_246 : vector<16xi32>
        %gather3A_298 = tpu.vector_load_idx %arg15[%add3A_297] : memref<16384xf32, #tpu.memory_space<vmem>>[vector<16xi32>], vector<16xf32>,
        %sub3A_299 = arith.subf %gather3A_298, %gather3A_296 : vector<16xf32>
        %mul3A_300 = arith.mulf %sub3A, %sub3A_299 : vector<16xf32>
        %add3A_301 = arith.addf %gather3A_296, %mul3A_300 : vector<16xf32>
        %mul3A_302 = arith.mulf %add3A_301, %select_n3A : vector<16xf32>
        %gt3A_303 = arith.constant 9.99999997E-7 : f32
        %gt3A_304 = vector.broadcast %gt3A_303 : f32 to vector<16xf32>
        %gt3A_305 = arith.cmpf ogt, %gather3A_233, %gt3A_304 : vector<16xf32>
        %jit3A_306 = arith.constant 1.000000e+00 : f32
        %broadcast_in_dim3A_307 = vector.broadcast %jit3A_306 : f32 to vector<16xf32>
        %select_n3A_308 = arith.select %gt3A_305, %gather3A_233, %broadcast_in_dim3A_307 : vector<16xi1>, vector<16xf32>
        %broadcast_in_dim3A_309 = arith.constant 0 : i32
        %broadcast_in_dim3A_310 = vector.broadcast %broadcast_in_dim3A_309 : i32 to vector<16xi32>
        tpu.vector_store_idx %arg22[%broadcast_in_dim3A_310, %add3A_218], %mul3A_294 : memref<7x1024xf32, #tpu.memory_space<vmem>>[vector<16xi32>, vector<16xi32>], vector<16xf32>,
        %broadcast_in_dim3A_311 = arith.constant 1 : i32
        %broadcast_in_dim3A_312 = vector.broadcast %broadcast_in_dim3A_311 : i32 to vector<16xi32>
        tpu.vector_store_idx %arg22[%broadcast_in_dim3A_312, %add3A_218], %mul3A_302 : memref<7x1024xf32, #tpu.memory_space<vmem>>[vector<16xi32>, vector<16xi32>], vector<16xf32>,
        %broadcast_in_dim3A_313 = arith.constant 2 : i32
        %broadcast_in_dim3A_314 = vector.broadcast %broadcast_in_dim3A_313 : i32 to vector<16xi32>
        tpu.vector_store_idx %arg22[%broadcast_in_dim3A_314, %add3A_218], %mul3A_286 : memref<7x1024xf32, #tpu.memory_space<vmem>>[vector<16xi32>, vector<16xi32>], vector<16xf32>,
        %broadcast_in_dim3A_315 = arith.constant 3 : i32
        %broadcast_in_dim3A_316 = vector.broadcast %broadcast_in_dim3A_315 : i32 to vector<16xi32>
        %div3A = arith.divf %gather3A, %select_n3A_308 : vector<16xf32>
        tpu.vector_store_idx %arg22[%broadcast_in_dim3A_316, %add3A_218], %div3A : memref<7x1024xf32, #tpu.memory_space<vmem>>[vector<16xi32>, vector<16xi32>], vector<16xf32>,
        %broadcast_in_dim3A_317 = arith.constant 4 : i32
        %broadcast_in_dim3A_318 = vector.broadcast %broadcast_in_dim3A_317 : i32 to vector<16xi32>
        %div3A_319 = arith.divf %gather3A_223, %select_n3A_308 : vector<16xf32>
        tpu.vector_store_idx %arg22[%broadcast_in_dim3A_318, %add3A_218], %div3A_319 : memref<7x1024xf32, #tpu.memory_space<vmem>>[vector<16xi32>, vector<16xi32>], vector<16xf32>,
        %broadcast_in_dim3A_320 = arith.constant 5 : i32
        %broadcast_in_dim3A_321 = vector.broadcast %broadcast_in_dim3A_320 : i32 to vector<16xi32>
        %div3A_322 = arith.divf %gather3A_226, %select_n3A_308 : vector<16xf32>
        tpu.vector_store_idx %arg22[%broadcast_in_dim3A_321, %add3A_218], %div3A_322 : memref<7x1024xf32, #tpu.memory_space<vmem>>[vector<16xi32>, vector<16xi32>], vector<16xf32>,
        %broadcast_in_dim3A_323 = arith.constant 6 : i32
        %broadcast_in_dim3A_324 = vector.broadcast %broadcast_in_dim3A_323 : i32 to vector<16xi32>
        tpu.vector_store_idx %arg22[%broadcast_in_dim3A_324, %add3A_218], %gather3A_233 : memref<7x1024xf32, #tpu.memory_space<vmem>>[vector<16xi32>, vector<16xi32>], vector<16xf32>,
        tpu.vector_store_idx %arg23[%add3A_218], %mul3A_269 : memref<1024xf32, #tpu.memory_space<vmem>>[vector<16xi32>], vector<16xf32>,
        %mul3A_325 = arith.constant 4 : i32
        %mul3A_326 = arith.muli %scan3A_209, %mul3A_325 : i32
        %add3A_327 = arith.constant 1 : i32
        %add3A_328 = arith.addi %mul3A_326, %add3A_327 : i32
        %mul3A_329 = arith.constant 16 : i32
        %mul3A_330 = arith.muli %add3A_328, %mul3A_329 : i32
        %add3A_331 = vector.broadcast %mul3A_330 : i32 to vector<16xi32>
        %add3A_332 = arith.addi %add3A_331, %iota3A : vector<16xi32>
        %broadcast_in_dim3A_333 = arith.constant 0 : i32
        %broadcast_in_dim3A_334 = vector.broadcast %broadcast_in_dim3A_333 : i32 to vector<16xi32>
        %gather3A_335 = tpu.vector_load_idx %arg20[%broadcast_in_dim3A_334, %add3A_332] : memref<5x1024xf32, #tpu.memory_space<vmem>>[vector<16xi32>, vector<16xi32>], vector<16xf32>,
        %broadcast_in_dim3A_336 = arith.constant 1 : i32
        %broadcast_in_dim3A_337 = vector.broadcast %broadcast_in_dim3A_336 : i32 to vector<16xi32>
        %gather3A_338 = tpu.vector_load_idx %arg20[%broadcast_in_dim3A_337, %add3A_332] : memref<5x1024xf32, #tpu.memory_space<vmem>>[vector<16xi32>, vector<16xi32>], vector<16xf32>,
        %broadcast_in_dim3A_339 = arith.constant 2 : i32
        %broadcast_in_dim3A_340 = vector.broadcast %broadcast_in_dim3A_339 : i32 to vector<16xi32>
        %gather3A_341 = tpu.vector_load_idx %arg20[%broadcast_in_dim3A_340, %add3A_332] : memref<5x1024xf32, #tpu.memory_space<vmem>>[vector<16xi32>, vector<16xi32>], vector<16xf32>,
        %broadcast_in_dim3A_342 = arith.constant 3 : i32
        %broadcast_in_dim3A_343 = vector.broadcast %broadcast_in_dim3A_342 : i32 to vector<16xi32>
        %gather3A_344 = tpu.vector_load_idx %arg20[%broadcast_in_dim3A_343, %add3A_332] : memref<5x1024xf32, #tpu.memory_space<vmem>>[vector<16xi32>, vector<16xi32>], vector<16xf32>,
        %broadcast_in_dim3A_345 = arith.constant 4 : i32
        %broadcast_in_dim3A_346 = vector.broadcast %broadcast_in_dim3A_345 : i32 to vector<16xi32>
        %gather3A_347 = tpu.vector_load_idx %arg20[%broadcast_in_dim3A_346, %add3A_332] : memref<5x1024xf32, #tpu.memory_space<vmem>>[vector<16xi32>, vector<16xi32>], vector<16xf32>,
        %gather3A_348 = tpu.vector_load_idx %arg21[%add3A_332] : memref<1024xf32, #tpu.memory_space<vmem>>[vector<16xi32>], vector<16xf32>,
        %lt3A_349 = arith.cmpf olt, %gather3A_348, %get3A_5 : vector<16xf32>
        %gt3A_350 = arith.constant 9.99999997E-7 : f32
        %gt3A_351 = vector.broadcast %gt3A_350 : f32 to vector<16xf32>
        %gt3A_352 = arith.cmpf ogt, %gather3A_348, %gt3A_351 : vector<16xf32>
        %and3A_353 = arith.andi %lt3A_349, %gt3A_352 : vector<16xi1>
        %jit3A_354 = arith.constant 1.000000e+00 : f32
        %jit3A_355 = arith.constant 0.000000e+00 : f32
        %broadcast_in_dim3A_356 = vector.broadcast %jit3A_354 : f32 to vector<16xf32>
        %broadcast_in_dim3A_357 = vector.broadcast %jit3A_355 : f32 to vector<16xf32>
        %select_n3A_358 = arith.select %and3A_353, %broadcast_in_dim3A_356, %broadcast_in_dim3A_357 : vector<16xi1>, vector<16xf32>
        %min3A_359 = arith.minimumf %gather3A_348, %get3A_13 : vector<16xf32>
        %mul3A_360 = arith.mulf %min3A_359, %get3A_9 : vector<16xf32>
        %convert_element_type3A_361 = arith.fptosi %mul3A_360 : vector<16xf32> to vector<16xi32>
        %convert_element_type3A_362 = arith.sitofp %convert_element_type3A_361 : vector<16xi32> to vector<16xf32>
        %sub3A_363 = arith.subf %mul3A_360, %convert_element_type3A_362 : vector<16xf32>
        %add3A_364 = arith.constant 1 : i32
        %add3A_365 = vector.broadcast %add3A_364 : i32 to vector<16xi32>
        %add3A_366 = arith.addi %convert_element_type3A_361, %add3A_365 : vector<16xi32>
        %min3A_367 = arith.constant 8191 : i32
        %min3A_368 = vector.broadcast %min3A_367 : i32 to vector<16xi32>
        %min3A_369 = arith.minsi %add3A_366, %min3A_368 : vector<16xi32>
        %convert_element_type3A_370 = arith.fptosi %gather3A_347 : vector<16xf32> to vector<16xi32>
        %convert_element_type3A_371 = arith.fptosi %gather3A_344 : vector<16xf32> to vector<16xi32>
        %mul3A_372 = arith.constant 8192 : i32
        %mul3A_373 = vector.broadcast %mul3A_372 : i32 to vector<16xi32>
        %mul3A_374 = arith.muli %convert_element_type3A_370, %mul3A_373 : vector<16xi32>
        %mul3A_375 = arith.constant 8192 : i32
        %mul3A_376 = vector.broadcast %mul3A_375 : i32 to vector<16xi32>
        %mul3A_377 = arith.muli %convert_element_type3A_371, %mul3A_376 : vector<16xi32>
        %mul3A_378 = arith.constant 2 : i32
        %mul3A_379 = vector.broadcast %mul3A_378 : i32 to vector<16xi32>
        %mul3A_380 = arith.muli %convert_element_type3A_371, %mul3A_379 : vector<16xi32>
        %add3A_381 = arith.addi %mul3A_380, %convert_element_type3A_370 : vector<16xi32>
        %mul3A_382 = arith.constant 8192 : i32
        %mul3A_383 = vector.broadcast %mul3A_382 : i32 to vector<16xi32>
        %mul3A_384 = arith.muli %add3A_381, %mul3A_383 : vector<16xi32>
        %add3A_385 = arith.addi %mul3A_374, %convert_element_type3A_361 : vector<16xi32>
        %gather3A_386 = tpu.vector_load_idx %arg14[%add3A_385] : memref<16384xf32, #tpu.memory_space<vmem>>[vector<16xi32>], vector<16xf32>,
        %add3A_387 = arith.addi %mul3A_374, %min3A_369 : vector<16xi32>
        %gather3A_388 = tpu.vector_load_idx %arg14[%add3A_387] : memref<16384xf32, #tpu.memory_space<vmem>>[vector<16xi32>], vector<16xf32>,
        %sub3A_389 = arith.subf %gather3A_388, %gather3A_386 : vector<16xf32>
        %mul3A_390 = arith.mulf %sub3A_363, %sub3A_389 : vector<16xf32>
        %add3A_391 = arith.addf %gather3A_386, %mul3A_390 : vector<16xf32>
        %mul3A_392 = arith.mulf %add3A_391, %select_n3A_358 : vector<16xf32>
        %add3A_393 = arith.addi %mul3A_384, %convert_element_type3A_361 : vector<16xi32>
        %gather3A_394 = tpu.vector_load_idx %arg16[%add3A_393] : memref<32768xf32, #tpu.memory_space<vmem>>[vector<16xi32>], vector<16xf32>,
        %add3A_395 = arith.addi %mul3A_384, %min3A_369 : vector<16xi32>
        %gather3A_396 = tpu.vector_load_idx %arg16[%add3A_395] : memref<32768xf32, #tpu.memory_space<vmem>>[vector<16xi32>], vector<16xf32>,
        %sub3A_397 = arith.subf %gather3A_396, %gather3A_394 : vector<16xf32>
        %mul3A_398 = arith.mulf %sub3A_363, %sub3A_397 : vector<16xf32>
        %add3A_399 = arith.addf %gather3A_394, %mul3A_398 : vector<16xf32>
        %mul3A_400 = arith.mulf %add3A_399, %select_n3A_358 : vector<16xf32>
        %add3A_401 = arith.addf %add3A_278, %mul3A_400 : vector<16xf32>
        %add3A_402 = arith.addi %mul3A_384, %convert_element_type3A_361 : vector<16xi32>
        %gather3A_403 = tpu.vector_load_idx %arg17[%add3A_402] : memref<32768xf32, #tpu.memory_space<vmem>>[vector<16xi32>], vector<16xf32>,
        %add3A_404 = arith.addi %mul3A_384, %min3A_369 : vector<16xi32>
        %gather3A_405 = tpu.vector_load_idx %arg17[%add3A_404] : memref<32768xf32, #tpu.memory_space<vmem>>[vector<16xi32>], vector<16xf32>,
        %sub3A_406 = arith.subf %gather3A_405, %gather3A_403 : vector<16xf32>
        %mul3A_407 = arith.mulf %sub3A_363, %sub3A_406 : vector<16xf32>
        %add3A_408 = arith.addf %gather3A_403, %mul3A_407 : vector<16xf32>
        %mul3A_409 = arith.mulf %add3A_408, %select_n3A_358 : vector<16xf32>
        %add3A_410 = arith.addi %mul3A_374, %convert_element_type3A_361 : vector<16xi32>
        %gather3A_411 = tpu.vector_load_idx %arg15[%add3A_410] : memref<16384xf32, #tpu.memory_space<vmem>>[vector<16xi32>], vector<16xf32>,
        %add3A_412 = arith.addi %mul3A_374, %min3A_369 : vector<16xi32>
        %gather3A_413 = tpu.vector_load_idx %arg15[%add3A_412] : memref<16384xf32, #tpu.memory_space<vmem>>[vector<16xi32>], vector<16xf32>,
        %sub3A_414 = arith.subf %gather3A_413, %gather3A_411 : vector<16xf32>
        %mul3A_415 = arith.mulf %sub3A_363, %sub3A_414 : vector<16xf32>
        %add3A_416 = arith.addf %gather3A_411, %mul3A_415 : vector<16xf32>
        %mul3A_417 = arith.mulf %add3A_416, %select_n3A_358 : vector<16xf32>
        %add3A_418 = arith.addi %mul3A_377, %convert_element_type3A_361 : vector<16xi32>
        %gather3A_419 = tpu.vector_load_idx %arg15[%add3A_418] : memref<16384xf32, #tpu.memory_space<vmem>>[vector<16xi32>], vector<16xf32>,
        %add3A_420 = arith.addi %mul3A_377, %min3A_369 : vector<16xi32>
        %gather3A_421 = tpu.vector_load_idx %arg15[%add3A_420] : memref<16384xf32, #tpu.memory_space<vmem>>[vector<16xi32>], vector<16xf32>,
        %sub3A_422 = arith.subf %gather3A_421, %gather3A_419 : vector<16xf32>
        %mul3A_423 = arith.mulf %sub3A_363, %sub3A_422 : vector<16xf32>
        %add3A_424 = arith.addf %gather3A_419, %mul3A_423 : vector<16xf32>
        %mul3A_425 = arith.mulf %add3A_424, %select_n3A_358 : vector<16xf32>
        %gt3A_426 = arith.constant 9.99999997E-7 : f32
        %gt3A_427 = vector.broadcast %gt3A_426 : f32 to vector<16xf32>
        %gt3A_428 = arith.cmpf ogt, %gather3A_348, %gt3A_427 : vector<16xf32>
        %jit3A_429 = arith.constant 1.000000e+00 : f32
        %broadcast_in_dim3A_430 = vector.broadcast %jit3A_429 : f32 to vector<16xf32>
        %select_n3A_431 = arith.select %gt3A_428, %gather3A_348, %broadcast_in_dim3A_430 : vector<16xi1>, vector<16xf32>
        %broadcast_in_dim3A_432 = arith.constant 0 : i32
        %broadcast_in_dim3A_433 = vector.broadcast %broadcast_in_dim3A_432 : i32 to vector<16xi32>
        tpu.vector_store_idx %arg22[%broadcast_in_dim3A_433, %add3A_332], %mul3A_417 : memref<7x1024xf32, #tpu.memory_space<vmem>>[vector<16xi32>, vector<16xi32>], vector<16xf32>,
        %broadcast_in_dim3A_434 = arith.constant 1 : i32
        %broadcast_in_dim3A_435 = vector.broadcast %broadcast_in_dim3A_434 : i32 to vector<16xi32>
        tpu.vector_store_idx %arg22[%broadcast_in_dim3A_435, %add3A_332], %mul3A_425 : memref<7x1024xf32, #tpu.memory_space<vmem>>[vector<16xi32>, vector<16xi32>], vector<16xf32>,
        %broadcast_in_dim3A_436 = arith.constant 2 : i32
        %broadcast_in_dim3A_437 = vector.broadcast %broadcast_in_dim3A_436 : i32 to vector<16xi32>
        tpu.vector_store_idx %arg22[%broadcast_in_dim3A_437, %add3A_332], %mul3A_409 : memref<7x1024xf32, #tpu.memory_space<vmem>>[vector<16xi32>, vector<16xi32>], vector<16xf32>,
        %broadcast_in_dim3A_438 = arith.constant 3 : i32
        %broadcast_in_dim3A_439 = vector.broadcast %broadcast_in_dim3A_438 : i32 to vector<16xi32>
        %div3A_440 = arith.divf %gather3A_335, %select_n3A_431 : vector<16xf32>
        tpu.vector_store_idx %arg22[%broadcast_in_dim3A_439, %add3A_332], %div3A_440 : memref<7x1024xf32, #tpu.memory_space<vmem>>[vector<16xi32>, vector<16xi32>], vector<16xf32>,
        %broadcast_in_dim3A_441 = arith.constant 4 : i32
        %broadcast_in_dim3A_442 = vector.broadcast %broadcast_in_dim3A_441 : i32 to vector<16xi32>
        %div3A_443 = arith.divf %gather3A_338, %select_n3A_431 : vector<16xf32>
        tpu.vector_store_idx %arg22[%broadcast_in_dim3A_442, %add3A_332], %div3A_443 : memref<7x1024xf32, #tpu.memory_space<vmem>>[vector<16xi32>, vector<16xi32>], vector<16xf32>,
        %broadcast_in_dim3A_444 = arith.constant 5 : i32
        %broadcast_in_dim3A_445 = vector.broadcast %broadcast_in_dim3A_444 : i32 to vector<16xi32>
        %div3A_446 = arith.divf %gather3A_341, %select_n3A_431 : vector<16xf32>
        tpu.vector_store_idx %arg22[%broadcast_in_dim3A_445, %add3A_332], %div3A_446 : memref<7x1024xf32, #tpu.memory_space<vmem>>[vector<16xi32>, vector<16xi32>], vector<16xf32>,
        %broadcast_in_dim3A_447 = arith.constant 6 : i32
        %broadcast_in_dim3A_448 = vector.broadcast %broadcast_in_dim3A_447 : i32 to vector<16xi32>
        tpu.vector_store_idx %arg22[%broadcast_in_dim3A_448, %add3A_332], %gather3A_348 : memref<7x1024xf32, #tpu.memory_space<vmem>>[vector<16xi32>, vector<16xi32>], vector<16xf32>,
        tpu.vector_store_idx %arg23[%add3A_332], %mul3A_392 : memref<1024xf32, #tpu.memory_space<vmem>>[vector<16xi32>], vector<16xf32>,
        %mul3A_449 = arith.constant 4 : i32
        %mul3A_450 = arith.muli %scan3A_209, %mul3A_449 : i32
        %add3A_451 = arith.constant 2 : i32
        %add3A_452 = arith.addi %mul3A_450, %add3A_451 : i32
        %mul3A_453 = arith.constant 16 : i32
        %mul3A_454 = arith.muli %add3A_452, %mul3A_453 : i32
        %add3A_455 = vector.broadcast %mul3A_454 : i32 to vector<16xi32>
        %add3A_456 = arith.addi %add3A_455, %iota3A : vector<16xi32>
        %broadcast_in_dim3A_457 = arith.constant 0 : i32
        %broadcast_in_dim3A_458 = vector.broadcast %broadcast_in_dim3A_457 : i32 to vector<16xi32>
        %gather3A_459 = tpu.vector_load_idx %arg20[%broadcast_in_dim3A_458, %add3A_456] : memref<5x1024xf32, #tpu.memory_space<vmem>>[vector<16xi32>, vector<16xi32>], vector<16xf32>,
        %broadcast_in_dim3A_460 = arith.constant 1 : i32
        %broadcast_in_dim3A_461 = vector.broadcast %broadcast_in_dim3A_460 : i32 to vector<16xi32>
        %gather3A_462 = tpu.vector_load_idx %arg20[%broadcast_in_dim3A_461, %add3A_456] : memref<5x1024xf32, #tpu.memory_space<vmem>>[vector<16xi32>, vector<16xi32>], vector<16xf32>,
        %broadcast_in_dim3A_463 = arith.constant 2 : i32
        %broadcast_in_dim3A_464 = vector.broadcast %broadcast_in_dim3A_463 : i32 to vector<16xi32>
        %gather3A_465 = tpu.vector_load_idx %arg20[%broadcast_in_dim3A_464, %add3A_456] : memref<5x1024xf32, #tpu.memory_space<vmem>>[vector<16xi32>, vector<16xi32>], vector<16xf32>,
        %broadcast_in_dim3A_466 = arith.constant 3 : i32
        %broadcast_in_dim3A_467 = vector.broadcast %broadcast_in_dim3A_466 : i32 to vector<16xi32>
        %gather3A_468 = tpu.vector_load_idx %arg20[%broadcast_in_dim3A_467, %add3A_456] : memref<5x1024xf32, #tpu.memory_space<vmem>>[vector<16xi32>, vector<16xi32>], vector<16xf32>,
        %broadcast_in_dim3A_469 = arith.constant 4 : i32
        %broadcast_in_dim3A_470 = vector.broadcast %broadcast_in_dim3A_469 : i32 to vector<16xi32>
        %gather3A_471 = tpu.vector_load_idx %arg20[%broadcast_in_dim3A_470, %add3A_456] : memref<5x1024xf32, #tpu.memory_space<vmem>>[vector<16xi32>, vector<16xi32>], vector<16xf32>,
        %gather3A_472 = tpu.vector_load_idx %arg21[%add3A_456] : memref<1024xf32, #tpu.memory_space<vmem>>[vector<16xi32>], vector<16xf32>,
        %lt3A_473 = arith.cmpf olt, %gather3A_472, %get3A_5 : vector<16xf32>
        %gt3A_474 = arith.constant 9.99999997E-7 : f32
        %gt3A_475 = vector.broadcast %gt3A_474 : f32 to vector<16xf32>
        %gt3A_476 = arith.cmpf ogt, %gather3A_472, %gt3A_475 : vector<16xf32>
        %and3A_477 = arith.andi %lt3A_473, %gt3A_476 : vector<16xi1>
        %jit3A_478 = arith.constant 1.000000e+00 : f32
        %jit3A_479 = arith.constant 0.000000e+00 : f32
        %broadcast_in_dim3A_480 = vector.broadcast %jit3A_478 : f32 to vector<16xf32>
        %broadcast_in_dim3A_481 = vector.broadcast %jit3A_479 : f32 to vector<16xf32>
        %select_n3A_482 = arith.select %and3A_477, %broadcast_in_dim3A_480, %broadcast_in_dim3A_481 : vector<16xi1>, vector<16xf32>
        %min3A_483 = arith.minimumf %gather3A_472, %get3A_13 : vector<16xf32>
        %mul3A_484 = arith.mulf %min3A_483, %get3A_9 : vector<16xf32>
        %convert_element_type3A_485 = arith.fptosi %mul3A_484 : vector<16xf32> to vector<16xi32>
        %convert_element_type3A_486 = arith.sitofp %convert_element_type3A_485 : vector<16xi32> to vector<16xf32>
        %sub3A_487 = arith.subf %mul3A_484, %convert_element_type3A_486 : vector<16xf32>
        %add3A_488 = arith.constant 1 : i32
        %add3A_489 = vector.broadcast %add3A_488 : i32 to vector<16xi32>
        %add3A_490 = arith.addi %convert_element_type3A_485, %add3A_489 : vector<16xi32>
        %min3A_491 = arith.constant 8191 : i32
        %min3A_492 = vector.broadcast %min3A_491 : i32 to vector<16xi32>
        %min3A_493 = arith.minsi %add3A_490, %min3A_492 : vector<16xi32>
        %convert_element_type3A_494 = arith.fptosi %gather3A_471 : vector<16xf32> to vector<16xi32>
        %convert_element_type3A_495 = arith.fptosi %gather3A_468 : vector<16xf32> to vector<16xi32>
        %mul3A_496 = arith.constant 8192 : i32
        %mul3A_497 = vector.broadcast %mul3A_496 : i32 to vector<16xi32>
        %mul3A_498 = arith.muli %convert_element_type3A_494, %mul3A_497 : vector<16xi32>
        %mul3A_499 = arith.constant 8192 : i32
        %mul3A_500 = vector.broadcast %mul3A_499 : i32 to vector<16xi32>
        %mul3A_501 = arith.muli %convert_element_type3A_495, %mul3A_500 : vector<16xi32>
        %mul3A_502 = arith.constant 2 : i32
        %mul3A_503 = vector.broadcast %mul3A_502 : i32 to vector<16xi32>
        %mul3A_504 = arith.muli %convert_element_type3A_495, %mul3A_503 : vector<16xi32>
        %add3A_505 = arith.addi %mul3A_504, %convert_element_type3A_494 : vector<16xi32>
        %mul3A_506 = arith.constant 8192 : i32
        %mul3A_507 = vector.broadcast %mul3A_506 : i32 to vector<16xi32>
        %mul3A_508 = arith.muli %add3A_505, %mul3A_507 : vector<16xi32>
        %add3A_509 = arith.addi %mul3A_498, %convert_element_type3A_485 : vector<16xi32>
        %gather3A_510 = tpu.vector_load_idx %arg14[%add3A_509] : memref<16384xf32, #tpu.memory_space<vmem>>[vector<16xi32>], vector<16xf32>,
        %add3A_511 = arith.addi %mul3A_498, %min3A_493 : vector<16xi32>
        %gather3A_512 = tpu.vector_load_idx %arg14[%add3A_511] : memref<16384xf32, #tpu.memory_space<vmem>>[vector<16xi32>], vector<16xf32>,
        %sub3A_513 = arith.subf %gather3A_512, %gather3A_510 : vector<16xf32>
        %mul3A_514 = arith.mulf %sub3A_487, %sub3A_513 : vector<16xf32>
        %add3A_515 = arith.addf %gather3A_510, %mul3A_514 : vector<16xf32>
        %mul3A_516 = arith.mulf %add3A_515, %select_n3A_482 : vector<16xf32>
        %add3A_517 = arith.addi %mul3A_508, %convert_element_type3A_485 : vector<16xi32>
        %gather3A_518 = tpu.vector_load_idx %arg16[%add3A_517] : memref<32768xf32, #tpu.memory_space<vmem>>[vector<16xi32>], vector<16xf32>,
        %add3A_519 = arith.addi %mul3A_508, %min3A_493 : vector<16xi32>
        %gather3A_520 = tpu.vector_load_idx %arg16[%add3A_519] : memref<32768xf32, #tpu.memory_space<vmem>>[vector<16xi32>], vector<16xf32>,
        %sub3A_521 = arith.subf %gather3A_520, %gather3A_518 : vector<16xf32>
        %mul3A_522 = arith.mulf %sub3A_487, %sub3A_521 : vector<16xf32>
        %add3A_523 = arith.addf %gather3A_518, %mul3A_522 : vector<16xf32>
        %mul3A_524 = arith.mulf %add3A_523, %select_n3A_482 : vector<16xf32>
        %add3A_525 = arith.addf %add3A_401, %mul3A_524 : vector<16xf32>
        %add3A_526 = arith.addi %mul3A_508, %convert_element_type3A_485 : vector<16xi32>
        %gather3A_527 = tpu.vector_load_idx %arg17[%add3A_526] : memref<32768xf32, #tpu.memory_space<vmem>>[vector<16xi32>], vector<16xf32>,
        %add3A_528 = arith.addi %mul3A_508, %min3A_493 : vector<16xi32>
        %gather3A_529 = tpu.vector_load_idx %arg17[%add3A_528] : memref<32768xf32, #tpu.memory_space<vmem>>[vector<16xi32>], vector<16xf32>,
        %sub3A_530 = arith.subf %gather3A_529, %gather3A_527 : vector<16xf32>
        %mul3A_531 = arith.mulf %sub3A_487, %sub3A_530 : vector<16xf32>
        %add3A_532 = arith.addf %gather3A_527, %mul3A_531 : vector<16xf32>
        %mul3A_533 = arith.mulf %add3A_532, %select_n3A_482 : vector<16xf32>
        %add3A_534 = arith.addi %mul3A_498, %convert_element_type3A_485 : vector<16xi32>
        %gather3A_535 = tpu.vector_load_idx %arg15[%add3A_534] : memref<16384xf32, #tpu.memory_space<vmem>>[vector<16xi32>], vector<16xf32>,
        %add3A_536 = arith.addi %mul3A_498, %min3A_493 : vector<16xi32>
        %gather3A_537 = tpu.vector_load_idx %arg15[%add3A_536] : memref<16384xf32, #tpu.memory_space<vmem>>[vector<16xi32>], vector<16xf32>,
        %sub3A_538 = arith.subf %gather3A_537, %gather3A_535 : vector<16xf32>
        %mul3A_539 = arith.mulf %sub3A_487, %sub3A_538 : vector<16xf32>
        %add3A_540 = arith.addf %gather3A_535, %mul3A_539 : vector<16xf32>
        %mul3A_541 = arith.mulf %add3A_540, %select_n3A_482 : vector<16xf32>
        %add3A_542 = arith.addi %mul3A_501, %convert_element_type3A_485 : vector<16xi32>
        %gather3A_543 = tpu.vector_load_idx %arg15[%add3A_542] : memref<16384xf32, #tpu.memory_space<vmem>>[vector<16xi32>], vector<16xf32>,
        %add3A_544 = arith.addi %mul3A_501, %min3A_493 : vector<16xi32>
        %gather3A_545 = tpu.vector_load_idx %arg15[%add3A_544] : memref<16384xf32, #tpu.memory_space<vmem>>[vector<16xi32>], vector<16xf32>,
        %sub3A_546 = arith.subf %gather3A_545, %gather3A_543 : vector<16xf32>
        %mul3A_547 = arith.mulf %sub3A_487, %sub3A_546 : vector<16xf32>
        %add3A_548 = arith.addf %gather3A_543, %mul3A_547 : vector<16xf32>
        %mul3A_549 = arith.mulf %add3A_548, %select_n3A_482 : vector<16xf32>
        %gt3A_550 = arith.constant 9.99999997E-7 : f32
        %gt3A_551 = vector.broadcast %gt3A_550 : f32 to vector<16xf32>
        %gt3A_552 = arith.cmpf ogt, %gather3A_472, %gt3A_551 : vector<16xf32>
        %jit3A_553 = arith.constant 1.000000e+00 : f32
        %broadcast_in_dim3A_554 = vector.broadcast %jit3A_553 : f32 to vector<16xf32>
        %select_n3A_555 = arith.select %gt3A_552, %gather3A_472, %broadcast_in_dim3A_554 : vector<16xi1>, vector<16xf32>
        %broadcast_in_dim3A_556 = arith.constant 0 : i32
        %broadcast_in_dim3A_557 = vector.broadcast %broadcast_in_dim3A_556 : i32 to vector<16xi32>
        tpu.vector_store_idx %arg22[%broadcast_in_dim3A_557, %add3A_456], %mul3A_541 : memref<7x1024xf32, #tpu.memory_space<vmem>>[vector<16xi32>, vector<16xi32>], vector<16xf32>,
        %broadcast_in_dim3A_558 = arith.constant 1 : i32
        %broadcast_in_dim3A_559 = vector.broadcast %broadcast_in_dim3A_558 : i32 to vector<16xi32>
        tpu.vector_store_idx %arg22[%broadcast_in_dim3A_559, %add3A_456], %mul3A_549 : memref<7x1024xf32, #tpu.memory_space<vmem>>[vector<16xi32>, vector<16xi32>], vector<16xf32>,
        %broadcast_in_dim3A_560 = arith.constant 2 : i32
        %broadcast_in_dim3A_561 = vector.broadcast %broadcast_in_dim3A_560 : i32 to vector<16xi32>
        tpu.vector_store_idx %arg22[%broadcast_in_dim3A_561, %add3A_456], %mul3A_533 : memref<7x1024xf32, #tpu.memory_space<vmem>>[vector<16xi32>, vector<16xi32>], vector<16xf32>,
        %broadcast_in_dim3A_562 = arith.constant 3 : i32
        %broadcast_in_dim3A_563 = vector.broadcast %broadcast_in_dim3A_562 : i32 to vector<16xi32>
        %div3A_564 = arith.divf %gather3A_459, %select_n3A_555 : vector<16xf32>
        tpu.vector_store_idx %arg22[%broadcast_in_dim3A_563, %add3A_456], %div3A_564 : memref<7x1024xf32, #tpu.memory_space<vmem>>[vector<16xi32>, vector<16xi32>], vector<16xf32>,
        %broadcast_in_dim3A_565 = arith.constant 4 : i32
        %broadcast_in_dim3A_566 = vector.broadcast %broadcast_in_dim3A_565 : i32 to vector<16xi32>
        %div3A_567 = arith.divf %gather3A_462, %select_n3A_555 : vector<16xf32>
        tpu.vector_store_idx %arg22[%broadcast_in_dim3A_566, %add3A_456], %div3A_567 : memref<7x1024xf32, #tpu.memory_space<vmem>>[vector<16xi32>, vector<16xi32>], vector<16xf32>,
        %broadcast_in_dim3A_568 = arith.constant 5 : i32
        %broadcast_in_dim3A_569 = vector.broadcast %broadcast_in_dim3A_568 : i32 to vector<16xi32>
        %div3A_570 = arith.divf %gather3A_465, %select_n3A_555 : vector<16xf32>
        tpu.vector_store_idx %arg22[%broadcast_in_dim3A_569, %add3A_456], %div3A_570 : memref<7x1024xf32, #tpu.memory_space<vmem>>[vector<16xi32>, vector<16xi32>], vector<16xf32>,
        %broadcast_in_dim3A_571 = arith.constant 6 : i32
        %broadcast_in_dim3A_572 = vector.broadcast %broadcast_in_dim3A_571 : i32 to vector<16xi32>
        tpu.vector_store_idx %arg22[%broadcast_in_dim3A_572, %add3A_456], %gather3A_472 : memref<7x1024xf32, #tpu.memory_space<vmem>>[vector<16xi32>, vector<16xi32>], vector<16xf32>,
        tpu.vector_store_idx %arg23[%add3A_456], %mul3A_516 : memref<1024xf32, #tpu.memory_space<vmem>>[vector<16xi32>], vector<16xf32>,
        %mul3A_573 = arith.constant 4 : i32
        %mul3A_574 = arith.muli %scan3A_209, %mul3A_573 : i32
        %add3A_575 = arith.constant 3 : i32
        %add3A_576 = arith.addi %mul3A_574, %add3A_575 : i32
        %mul3A_577 = arith.constant 16 : i32
        %mul3A_578 = arith.muli %add3A_576, %mul3A_577 : i32
        %add3A_579 = vector.broadcast %mul3A_578 : i32 to vector<16xi32>
        %add3A_580 = arith.addi %add3A_579, %iota3A : vector<16xi32>
        %broadcast_in_dim3A_581 = arith.constant 0 : i32
        %broadcast_in_dim3A_582 = vector.broadcast %broadcast_in_dim3A_581 : i32 to vector<16xi32>
        %gather3A_583 = tpu.vector_load_idx %arg20[%broadcast_in_dim3A_582, %add3A_580] : memref<5x1024xf32, #tpu.memory_space<vmem>>[vector<16xi32>, vector<16xi32>], vector<16xf32>,
        %broadcast_in_dim3A_584 = arith.constant 1 : i32
        %broadcast_in_dim3A_585 = vector.broadcast %broadcast_in_dim3A_584 : i32 to vector<16xi32>
        %gather3A_586 = tpu.vector_load_idx %arg20[%broadcast_in_dim3A_585, %add3A_580] : memref<5x1024xf32, #tpu.memory_space<vmem>>[vector<16xi32>, vector<16xi32>], vector<16xf32>,
        %broadcast_in_dim3A_587 = arith.constant 2 : i32
        %broadcast_in_dim3A_588 = vector.broadcast %broadcast_in_dim3A_587 : i32 to vector<16xi32>
        %gather3A_589 = tpu.vector_load_idx %arg20[%broadcast_in_dim3A_588, %add3A_580] : memref<5x1024xf32, #tpu.memory_space<vmem>>[vector<16xi32>, vector<16xi32>], vector<16xf32>,
        %broadcast_in_dim3A_590 = arith.constant 3 : i32
        %broadcast_in_dim3A_591 = vector.broadcast %broadcast_in_dim3A_590 : i32 to vector<16xi32>
        %gather3A_592 = tpu.vector_load_idx %arg20[%broadcast_in_dim3A_591, %add3A_580] : memref<5x1024xf32, #tpu.memory_space<vmem>>[vector<16xi32>, vector<16xi32>], vector<16xf32>,
        %broadcast_in_dim3A_593 = arith.constant 4 : i32
        %broadcast_in_dim3A_594 = vector.broadcast %broadcast_in_dim3A_593 : i32 to vector<16xi32>
        %gather3A_595 = tpu.vector_load_idx %arg20[%broadcast_in_dim3A_594, %add3A_580] : memref<5x1024xf32, #tpu.memory_space<vmem>>[vector<16xi32>, vector<16xi32>], vector<16xf32>,
        %gather3A_596 = tpu.vector_load_idx %arg21[%add3A_580] : memref<1024xf32, #tpu.memory_space<vmem>>[vector<16xi32>], vector<16xf32>,
        %lt3A_597 = arith.cmpf olt, %gather3A_596, %get3A_5 : vector<16xf32>
        %gt3A_598 = arith.constant 9.99999997E-7 : f32
        %gt3A_599 = vector.broadcast %gt3A_598 : f32 to vector<16xf32>
        %gt3A_600 = arith.cmpf ogt, %gather3A_596, %gt3A_599 : vector<16xf32>
        %and3A_601 = arith.andi %lt3A_597, %gt3A_600 : vector<16xi1>
        %jit3A_602 = arith.constant 1.000000e+00 : f32
        %jit3A_603 = arith.constant 0.000000e+00 : f32
        %broadcast_in_dim3A_604 = vector.broadcast %jit3A_602 : f32 to vector<16xf32>
        %broadcast_in_dim3A_605 = vector.broadcast %jit3A_603 : f32 to vector<16xf32>
        %select_n3A_606 = arith.select %and3A_601, %broadcast_in_dim3A_604, %broadcast_in_dim3A_605 : vector<16xi1>, vector<16xf32>
        %min3A_607 = arith.minimumf %gather3A_596, %get3A_13 : vector<16xf32>
        %mul3A_608 = arith.mulf %min3A_607, %get3A_9 : vector<16xf32>
        %convert_element_type3A_609 = arith.fptosi %mul3A_608 : vector<16xf32> to vector<16xi32>
        %convert_element_type3A_610 = arith.sitofp %convert_element_type3A_609 : vector<16xi32> to vector<16xf32>
        %sub3A_611 = arith.subf %mul3A_608, %convert_element_type3A_610 : vector<16xf32>
        %add3A_612 = arith.constant 1 : i32
        %add3A_613 = vector.broadcast %add3A_612 : i32 to vector<16xi32>
        %add3A_614 = arith.addi %convert_element_type3A_609, %add3A_613 : vector<16xi32>
        %min3A_615 = arith.constant 8191 : i32
        %min3A_616 = vector.broadcast %min3A_615 : i32 to vector<16xi32>
        %min3A_617 = arith.minsi %add3A_614, %min3A_616 : vector<16xi32>
        %convert_element_type3A_618 = arith.fptosi %gather3A_595 : vector<16xf32> to vector<16xi32>
        %convert_element_type3A_619 = arith.fptosi %gather3A_592 : vector<16xf32> to vector<16xi32>
        %mul3A_620 = arith.constant 8192 : i32
        %mul3A_621 = vector.broadcast %mul3A_620 : i32 to vector<16xi32>
        %mul3A_622 = arith.muli %convert_element_type3A_618, %mul3A_621 : vector<16xi32>
        %mul3A_623 = arith.constant 8192 : i32
        %mul3A_624 = vector.broadcast %mul3A_623 : i32 to vector<16xi32>
        %mul3A_625 = arith.muli %convert_element_type3A_619, %mul3A_624 : vector<16xi32>
        %mul3A_626 = arith.constant 2 : i32
        %mul3A_627 = vector.broadcast %mul3A_626 : i32 to vector<16xi32>
        %mul3A_628 = arith.muli %convert_element_type3A_619, %mul3A_627 : vector<16xi32>
        %add3A_629 = arith.addi %mul3A_628, %convert_element_type3A_618 : vector<16xi32>
        %mul3A_630 = arith.constant 8192 : i32
        %mul3A_631 = vector.broadcast %mul3A_630 : i32 to vector<16xi32>
        %mul3A_632 = arith.muli %add3A_629, %mul3A_631 : vector<16xi32>
        %add3A_633 = arith.addi %mul3A_622, %convert_element_type3A_609 : vector<16xi32>
        %gather3A_634 = tpu.vector_load_idx %arg14[%add3A_633] : memref<16384xf32, #tpu.memory_space<vmem>>[vector<16xi32>], vector<16xf32>,
        %add3A_635 = arith.addi %mul3A_622, %min3A_617 : vector<16xi32>
        %gather3A_636 = tpu.vector_load_idx %arg14[%add3A_635] : memref<16384xf32, #tpu.memory_space<vmem>>[vector<16xi32>], vector<16xf32>,
        %sub3A_637 = arith.subf %gather3A_636, %gather3A_634 : vector<16xf32>
        %mul3A_638 = arith.mulf %sub3A_611, %sub3A_637 : vector<16xf32>
        %add3A_639 = arith.addf %gather3A_634, %mul3A_638 : vector<16xf32>
        %mul3A_640 = arith.mulf %add3A_639, %select_n3A_606 : vector<16xf32>
        %add3A_641 = arith.addi %mul3A_632, %convert_element_type3A_609 : vector<16xi32>
        %gather3A_642 = tpu.vector_load_idx %arg16[%add3A_641] : memref<32768xf32, #tpu.memory_space<vmem>>[vector<16xi32>], vector<16xf32>,
        %add3A_643 = arith.addi %mul3A_632, %min3A_617 : vector<16xi32>
        %gather3A_644 = tpu.vector_load_idx %arg16[%add3A_643] : memref<32768xf32, #tpu.memory_space<vmem>>[vector<16xi32>], vector<16xf32>,
        %sub3A_645 = arith.subf %gather3A_644, %gather3A_642 : vector<16xf32>
        %mul3A_646 = arith.mulf %sub3A_611, %sub3A_645 : vector<16xf32>
        %add3A_647 = arith.addf %gather3A_642, %mul3A_646 : vector<16xf32>
        %mul3A_648 = arith.mulf %add3A_647, %select_n3A_606 : vector<16xf32>
        %add3A_649 = arith.addf %add3A_525, %mul3A_648 : vector<16xf32>
        %add3A_650 = arith.addi %mul3A_632, %convert_element_type3A_609 : vector<16xi32>
        %gather3A_651 = tpu.vector_load_idx %arg17[%add3A_650] : memref<32768xf32, #tpu.memory_space<vmem>>[vector<16xi32>], vector<16xf32>,
        %add3A_652 = arith.addi %mul3A_632, %min3A_617 : vector<16xi32>
        %gather3A_653 = tpu.vector_load_idx %arg17[%add3A_652] : memref<32768xf32, #tpu.memory_space<vmem>>[vector<16xi32>], vector<16xf32>,
        %sub3A_654 = arith.subf %gather3A_653, %gather3A_651 : vector<16xf32>
        %mul3A_655 = arith.mulf %sub3A_611, %sub3A_654 : vector<16xf32>
        %add3A_656 = arith.addf %gather3A_651, %mul3A_655 : vector<16xf32>
        %mul3A_657 = arith.mulf %add3A_656, %select_n3A_606 : vector<16xf32>
        %add3A_658 = arith.addi %mul3A_622, %convert_element_type3A_609 : vector<16xi32>
        %gather3A_659 = tpu.vector_load_idx %arg15[%add3A_658] : memref<16384xf32, #tpu.memory_space<vmem>>[vector<16xi32>], vector<16xf32>,
        %add3A_660 = arith.addi %mul3A_622, %min3A_617 : vector<16xi32>
        %gather3A_661 = tpu.vector_load_idx %arg15[%add3A_660] : memref<16384xf32, #tpu.memory_space<vmem>>[vector<16xi32>], vector<16xf32>,
        %sub3A_662 = arith.subf %gather3A_661, %gather3A_659 : vector<16xf32>
        %mul3A_663 = arith.mulf %sub3A_611, %sub3A_662 : vector<16xf32>
        %add3A_664 = arith.addf %gather3A_659, %mul3A_663 : vector<16xf32>
        %mul3A_665 = arith.mulf %add3A_664, %select_n3A_606 : vector<16xf32>
        %add3A_666 = arith.addi %mul3A_625, %convert_element_type3A_609 : vector<16xi32>
        %gather3A_667 = tpu.vector_load_idx %arg15[%add3A_666] : memref<16384xf32, #tpu.memory_space<vmem>>[vector<16xi32>], vector<16xf32>,
        %add3A_668 = arith.addi %mul3A_625, %min3A_617 : vector<16xi32>
        %gather3A_669 = tpu.vector_load_idx %arg15[%add3A_668] : memref<16384xf32, #tpu.memory_space<vmem>>[vector<16xi32>], vector<16xf32>,
        %sub3A_670 = arith.subf %gather3A_669, %gather3A_667 : vector<16xf32>
        %mul3A_671 = arith.mulf %sub3A_611, %sub3A_670 : vector<16xf32>
        %add3A_672 = arith.addf %gather3A_667, %mul3A_671 : vector<16xf32>
        %mul3A_673 = arith.mulf %add3A_672, %select_n3A_606 : vector<16xf32>
        %gt3A_674 = arith.constant 9.99999997E-7 : f32
        %gt3A_675 = vector.broadcast %gt3A_674 : f32 to vector<16xf32>
        %gt3A_676 = arith.cmpf ogt, %gather3A_596, %gt3A_675 : vector<16xf32>
        %jit3A_677 = arith.constant 1.000000e+00 : f32
        %broadcast_in_dim3A_678 = vector.broadcast %jit3A_677 : f32 to vector<16xf32>
        %select_n3A_679 = arith.select %gt3A_676, %gather3A_596, %broadcast_in_dim3A_678 : vector<16xi1>, vector<16xf32>
        %broadcast_in_dim3A_680 = arith.constant 0 : i32
        %broadcast_in_dim3A_681 = vector.broadcast %broadcast_in_dim3A_680 : i32 to vector<16xi32>
        tpu.vector_store_idx %arg22[%broadcast_in_dim3A_681, %add3A_580], %mul3A_665 : memref<7x1024xf32, #tpu.memory_space<vmem>>[vector<16xi32>, vector<16xi32>], vector<16xf32>,
        %broadcast_in_dim3A_682 = arith.constant 1 : i32
        %broadcast_in_dim3A_683 = vector.broadcast %broadcast_in_dim3A_682 : i32 to vector<16xi32>
        tpu.vector_store_idx %arg22[%broadcast_in_dim3A_683, %add3A_580], %mul3A_673 : memref<7x1024xf32, #tpu.memory_space<vmem>>[vector<16xi32>, vector<16xi32>], vector<16xf32>,
        %broadcast_in_dim3A_684 = arith.constant 2 : i32
        %broadcast_in_dim3A_685 = vector.broadcast %broadcast_in_dim3A_684 : i32 to vector<16xi32>
        tpu.vector_store_idx %arg22[%broadcast_in_dim3A_685, %add3A_580], %mul3A_657 : memref<7x1024xf32, #tpu.memory_space<vmem>>[vector<16xi32>, vector<16xi32>], vector<16xf32>,
        %broadcast_in_dim3A_686 = arith.constant 3 : i32
        %broadcast_in_dim3A_687 = vector.broadcast %broadcast_in_dim3A_686 : i32 to vector<16xi32>
        %div3A_688 = arith.divf %gather3A_583, %select_n3A_679 : vector<16xf32>
        tpu.vector_store_idx %arg22[%broadcast_in_dim3A_687, %add3A_580], %div3A_688 : memref<7x1024xf32, #tpu.memory_space<vmem>>[vector<16xi32>, vector<16xi32>], vector<16xf32>,
        %broadcast_in_dim3A_689 = arith.constant 4 : i32
        %broadcast_in_dim3A_690 = vector.broadcast %broadcast_in_dim3A_689 : i32 to vector<16xi32>
        %div3A_691 = arith.divf %gather3A_586, %select_n3A_679 : vector<16xf32>
        tpu.vector_store_idx %arg22[%broadcast_in_dim3A_690, %add3A_580], %div3A_691 : memref<7x1024xf32, #tpu.memory_space<vmem>>[vector<16xi32>, vector<16xi32>], vector<16xf32>,
        %broadcast_in_dim3A_692 = arith.constant 5 : i32
        %broadcast_in_dim3A_693 = vector.broadcast %broadcast_in_dim3A_692 : i32 to vector<16xi32>
        %div3A_694 = arith.divf %gather3A_589, %select_n3A_679 : vector<16xf32>
        tpu.vector_store_idx %arg22[%broadcast_in_dim3A_693, %add3A_580], %div3A_694 : memref<7x1024xf32, #tpu.memory_space<vmem>>[vector<16xi32>, vector<16xi32>], vector<16xf32>,
        %broadcast_in_dim3A_695 = arith.constant 6 : i32
        %broadcast_in_dim3A_696 = vector.broadcast %broadcast_in_dim3A_695 : i32 to vector<16xi32>
        tpu.vector_store_idx %arg22[%broadcast_in_dim3A_696, %add3A_580], %gather3A_596 : memref<7x1024xf32, #tpu.memory_space<vmem>>[vector<16xi32>, vector<16xi32>], vector<16xf32>,
        tpu.vector_store_idx %arg23[%add3A_580], %mul3A_640 : memref<1024xf32, #tpu.memory_space<vmem>>[vector<16xi32>], vector<16xf32>,
        scf.yield %add3A_649 : vector<16xf32>
      }
      %scan3A_72 = arith.constant 16 : i32
      %dma_start3A_73 = arith.constant 0 : i32
      %dma_start3A_74 = tpu.memref_slice %arg11[%dma_start3A_73, %add3A_42] : memref<7x1605632xf32, #tpu.memory_space<hbm>> -> memref<7x1024xf32, #tpu.memory_space<hbm>>
      %dma_start3A_75 = arith.constant 0 : i32
      %dma_start3A_76 = tpu.memref_slice %arg11[%dma_start3A_75, %add3A_42] : memref<7x1605632xf32, #tpu.memory_space<hbm>> -> memref<7x1024xf32, #tpu.memory_space<hbm>>
      tpu.enqueue_dma source(%arg22 : memref<7x1024xf32, #tpu.memory_space<vmem>>) target(%dma_start3A_76 : memref<7x1024xf32, #tpu.memory_space<hbm>>) target_semaphore(%arg26 : memref<!tpu.dma_semaphore, #tpu.memory_space<semaphore_mem>>)
      %dma_start3A_77 = arith.constant 0 : i32
      %dma_start3A_78 = arith.constant 0 : i32
      %dma_start3A_79 = tpu.memref_slice %arg23[%dma_start3A_78] : memref<1024xf32, #tpu.memory_space<vmem>> -> memref<128xf32, #tpu.memory_space<vmem>>
      %dma_start3A_80 = arith.constant 0 : i32
      %dma_start3A_81 = tpu.memref_slice %arg19[%dma_start3A_77, %dma_start3A_80] : memref<8x128xi32, #tpu.memory_space<vmem>> -> memref<1x128xi32, #tpu.memory_space<vmem>>
      %dma_start3A_82 = tpu.memref_squeeze %dma_start3A_81 : memref<1x128xi32, #tpu.memory_space<vmem>> -> memref<128xi32, #tpu.memory_space<vmem>>
      %dma_start3A_83 = arith.constant 0 : i32
      %dma_start3A_84 = tpu.memref_slice %arg25[%dma_start3A_83] : memref<50176xf32, #tpu.memory_space<vmem_shared>> -> memref<50176xf32, #tpu.memory_space<vmem_shared>>
      tpu.enqueue_indirect_dma source(%dma_start3A_79 : memref<128xf32, #tpu.memory_space<vmem>>) target(%dma_start3A_84 : memref<50176xf32, #tpu.memory_space<vmem_shared>>) offsets(%dma_start3A_82 : memref<128xi32, #tpu.memory_space<vmem>>) semaphore(%arg27 : memref<!tpu.dma_semaphore, #tpu.memory_space<semaphore_mem>>) {add = true}
      %dma_start3A_85 = arith.constant 1 : i32
      %dma_start3A_86 = arith.constant 128 : i32
      %dma_start3A_87 = tpu.memref_slice %arg23[%dma_start3A_86] : memref<1024xf32, #tpu.memory_space<vmem>> -> memref<128xf32, #tpu.memory_space<vmem>>
      %dma_start3A_88 = arith.constant 0 : i32
      %dma_start3A_89 = tpu.memref_slice %arg19[%dma_start3A_85, %dma_start3A_88] : memref<8x128xi32, #tpu.memory_space<vmem>> -> memref<1x128xi32, #tpu.memory_space<vmem>>
      %dma_start3A_90 = tpu.memref_squeeze %dma_start3A_89 : memref<1x128xi32, #tpu.memory_space<vmem>> -> memref<128xi32, #tpu.memory_space<vmem>>
      %dma_start3A_91 = arith.constant 0 : i32
      %dma_start3A_92 = tpu.memref_slice %arg25[%dma_start3A_91] : memref<50176xf32, #tpu.memory_space<vmem_shared>> -> memref<50176xf32, #tpu.memory_space<vmem_shared>>
      tpu.enqueue_indirect_dma source(%dma_start3A_87 : memref<128xf32, #tpu.memory_space<vmem>>) target(%dma_start3A_92 : memref<50176xf32, #tpu.memory_space<vmem_shared>>) offsets(%dma_start3A_90 : memref<128xi32, #tpu.memory_space<vmem>>) semaphore(%arg27 : memref<!tpu.dma_semaphore, #tpu.memory_space<semaphore_mem>>) {add = true}
      %dma_start3A_93 = arith.constant 2 : i32
      %dma_start3A_94 = arith.constant 256 : i32
      %dma_start3A_95 = tpu.memref_slice %arg23[%dma_start3A_94] : memref<1024xf32, #tpu.memory_space<vmem>> -> memref<128xf32, #tpu.memory_space<vmem>>
      %dma_start3A_96 = arith.constant 0 : i32
      %dma_start3A_97 = tpu.memref_slice %arg19[%dma_start3A_93, %dma_start3A_96] : memref<8x128xi32, #tpu.memory_space<vmem>> -> memref<1x128xi32, #tpu.memory_space<vmem>>
      %dma_start3A_98 = tpu.memref_squeeze %dma_start3A_97 : memref<1x128xi32, #tpu.memory_space<vmem>> -> memref<128xi32, #tpu.memory_space<vmem>>
      %dma_start3A_99 = arith.constant 0 : i32
      %dma_start3A_100 = tpu.memref_slice %arg25[%dma_start3A_99] : memref<50176xf32, #tpu.memory_space<vmem_shared>> -> memref<50176xf32, #tpu.memory_space<vmem_shared>>
      tpu.enqueue_indirect_dma source(%dma_start3A_95 : memref<128xf32, #tpu.memory_space<vmem>>) target(%dma_start3A_100 : memref<50176xf32, #tpu.memory_space<vmem_shared>>) offsets(%dma_start3A_98 : memref<128xi32, #tpu.memory_space<vmem>>) semaphore(%arg27 : memref<!tpu.dma_semaphore, #tpu.memory_space<semaphore_mem>>) {add = true}
      %dma_start3A_101 = arith.constant 3 : i32
      %dma_start3A_102 = arith.constant 384 : i32
      %dma_start3A_103 = tpu.memref_slice %arg23[%dma_start3A_102] : memref<1024xf32, #tpu.memory_space<vmem>> -> memref<128xf32, #tpu.memory_space<vmem>>
      %dma_start3A_104 = arith.constant 0 : i32
      %dma_start3A_105 = tpu.memref_slice %arg19[%dma_start3A_101, %dma_start3A_104] : memref<8x128xi32, #tpu.memory_space<vmem>> -> memref<1x128xi32, #tpu.memory_space<vmem>>
      %dma_start3A_106 = tpu.memref_squeeze %dma_start3A_105 : memref<1x128xi32, #tpu.memory_space<vmem>> -> memref<128xi32, #tpu.memory_space<vmem>>
      %dma_start3A_107 = arith.constant 0 : i32
      %dma_start3A_108 = tpu.memref_slice %arg25[%dma_start3A_107] : memref<50176xf32, #tpu.memory_space<vmem_shared>> -> memref<50176xf32, #tpu.memory_space<vmem_shared>>
      tpu.enqueue_indirect_dma source(%dma_start3A_103 : memref<128xf32, #tpu.memory_space<vmem>>) target(%dma_start3A_108 : memref<50176xf32, #tpu.memory_space<vmem_shared>>) offsets(%dma_start3A_106 : memref<128xi32, #tpu.memory_space<vmem>>) semaphore(%arg27 : memref<!tpu.dma_semaphore, #tpu.memory_space<semaphore_mem>>) {add = true}
      %dma_start3A_109 = arith.constant 4 : i32
      %dma_start3A_110 = arith.constant 512 : i32
      %dma_start3A_111 = tpu.memref_slice %arg23[%dma_start3A_110] : memref<1024xf32, #tpu.memory_space<vmem>> -> memref<128xf32, #tpu.memory_space<vmem>>
      %dma_start3A_112 = arith.constant 0 : i32
      %dma_start3A_113 = tpu.memref_slice %arg19[%dma_start3A_109, %dma_start3A_112] : memref<8x128xi32, #tpu.memory_space<vmem>> -> memref<1x128xi32, #tpu.memory_space<vmem>>
      %dma_start3A_114 = tpu.memref_squeeze %dma_start3A_113 : memref<1x128xi32, #tpu.memory_space<vmem>> -> memref<128xi32, #tpu.memory_space<vmem>>
      %dma_start3A_115 = arith.constant 0 : i32
      %dma_start3A_116 = tpu.memref_slice %arg25[%dma_start3A_115] : memref<50176xf32, #tpu.memory_space<vmem_shared>> -> memref<50176xf32, #tpu.memory_space<vmem_shared>>
      tpu.enqueue_indirect_dma source(%dma_start3A_111 : memref<128xf32, #tpu.memory_space<vmem>>) target(%dma_start3A_116 : memref<50176xf32, #tpu.memory_space<vmem_shared>>) offsets(%dma_start3A_114 : memref<128xi32, #tpu.memory_space<vmem>>) semaphore(%arg27 : memref<!tpu.dma_semaphore, #tpu.memory_space<semaphore_mem>>) {add = true}
      %dma_start3A_117 = arith.constant 5 : i32
      %dma_start3A_118 = arith.constant 640 : i32
      %dma_start3A_119 = tpu.memref_slice %arg23[%dma_start3A_118] : memref<1024xf32, #tpu.memory_space<vmem>> -> memref<128xf32, #tpu.memory_space<vmem>>
      %dma_start3A_120 = arith.constant 0 : i32
      %dma_start3A_121 = tpu.memref_slice %arg19[%dma_start3A_117, %dma_start3A_120] : memref<8x128xi32, #tpu.memory_space<vmem>> -> memref<1x128xi32, #tpu.memory_space<vmem>>
      %dma_start3A_122 = tpu.memref_squeeze %dma_start3A_121 : memref<1x128xi32, #tpu.memory_space<vmem>> -> memref<128xi32, #tpu.memory_space<vmem>>
      %dma_start3A_123 = arith.constant 0 : i32
      %dma_start3A_124 = tpu.memref_slice %arg25[%dma_start3A_123] : memref<50176xf32, #tpu.memory_space<vmem_shared>> -> memref<50176xf32, #tpu.memory_space<vmem_shared>>
      tpu.enqueue_indirect_dma source(%dma_start3A_119 : memref<128xf32, #tpu.memory_space<vmem>>) target(%dma_start3A_124 : memref<50176xf32, #tpu.memory_space<vmem_shared>>) offsets(%dma_start3A_122 : memref<128xi32, #tpu.memory_space<vmem>>) semaphore(%arg27 : memref<!tpu.dma_semaphore, #tpu.memory_space<semaphore_mem>>) {add = true}
      %dma_start3A_125 = arith.constant 6 : i32
      %dma_start3A_126 = arith.constant 768 : i32
      %dma_start3A_127 = tpu.memref_slice %arg23[%dma_start3A_126] : memref<1024xf32, #tpu.memory_space<vmem>> -> memref<128xf32, #tpu.memory_space<vmem>>
      %dma_start3A_128 = arith.constant 0 : i32
      %dma_start3A_129 = tpu.memref_slice %arg19[%dma_start3A_125, %dma_start3A_128] : memref<8x128xi32, #tpu.memory_space<vmem>> -> memref<1x128xi32, #tpu.memory_space<vmem>>
      %dma_start3A_130 = tpu.memref_squeeze %dma_start3A_129 : memref<1x128xi32, #tpu.memory_space<vmem>> -> memref<128xi32, #tpu.memory_space<vmem>>
      %dma_start3A_131 = arith.constant 0 : i32
      %dma_start3A_132 = tpu.memref_slice %arg25[%dma_start3A_131] : memref<50176xf32, #tpu.memory_space<vmem_shared>> -> memref<50176xf32, #tpu.memory_space<vmem_shared>>
      tpu.enqueue_indirect_dma source(%dma_start3A_127 : memref<128xf32, #tpu.memory_space<vmem>>) target(%dma_start3A_132 : memref<50176xf32, #tpu.memory_space<vmem_shared>>) offsets(%dma_start3A_130 : memref<128xi32, #tpu.memory_space<vmem>>) semaphore(%arg27 : memref<!tpu.dma_semaphore, #tpu.memory_space<semaphore_mem>>) {add = true}
      %dma_start3A_133 = arith.constant 7 : i32
      %dma_start3A_134 = arith.constant 896 : i32
      %dma_start3A_135 = tpu.memref_slice %arg23[%dma_start3A_134] : memref<1024xf32, #tpu.memory_space<vmem>> -> memref<128xf32, #tpu.memory_space<vmem>>
      %dma_start3A_136 = arith.constant 0 : i32
      %dma_start3A_137 = tpu.memref_slice %arg19[%dma_start3A_133, %dma_start3A_136] : memref<8x128xi32, #tpu.memory_space<vmem>> -> memref<1x128xi32, #tpu.memory_space<vmem>>
      %dma_start3A_138 = tpu.memref_squeeze %dma_start3A_137 : memref<1x128xi32, #tpu.memory_space<vmem>> -> memref<128xi32, #tpu.memory_space<vmem>>
      %dma_start3A_139 = arith.constant 0 : i32
      %dma_start3A_140 = tpu.memref_slice %arg25[%dma_start3A_139] : memref<50176xf32, #tpu.memory_space<vmem_shared>> -> memref<50176xf32, #tpu.memory_space<vmem_shared>>
      tpu.enqueue_indirect_dma source(%dma_start3A_135 : memref<128xf32, #tpu.memory_space<vmem>>) target(%dma_start3A_140 : memref<50176xf32, #tpu.memory_space<vmem_shared>>) offsets(%dma_start3A_138 : memref<128xi32, #tpu.memory_space<vmem>>) semaphore(%arg27 : memref<!tpu.dma_semaphore, #tpu.memory_space<semaphore_mem>>) {add = true}
      %dma_wait3A_141 = arith.constant 0 : i32
      %dma_wait3A_142 = arith.constant 0 : i32
      %dma_wait3A_143 = tpu.memref_slice %arg23[%dma_wait3A_142] : memref<1024xf32, #tpu.memory_space<vmem>> -> memref<128xf32, #tpu.memory_space<vmem>>
      %dma_wait3A_144 = arith.constant 0 : i32
      %dma_wait3A_145 = tpu.memref_slice %arg19[%dma_wait3A_141, %dma_wait3A_144] : memref<8x128xi32, #tpu.memory_space<vmem>> -> memref<1x128xi32, #tpu.memory_space<vmem>>
      %dma_wait3A_146 = tpu.memref_squeeze %dma_wait3A_145 : memref<1x128xi32, #tpu.memory_space<vmem>> -> memref<128xi32, #tpu.memory_space<vmem>>
      %dma_wait3A_147 = arith.constant 0 : i32
      %dma_wait3A_148 = tpu.memref_slice %arg25[%dma_wait3A_147] : memref<50176xf32, #tpu.memory_space<vmem_shared>> -> memref<50176xf32, #tpu.memory_space<vmem_shared>>
      tpu.wait_indirect_dma semaphore(%arg27 : memref<!tpu.dma_semaphore, #tpu.memory_space<semaphore_mem>>) src(%dma_wait3A_143 : memref<128xf32, #tpu.memory_space<vmem>>) dst(%dma_wait3A_148 : memref<50176xf32, #tpu.memory_space<vmem_shared>>)
      %dma_wait3A_149 = arith.constant 1 : i32
      %dma_wait3A_150 = arith.constant 128 : i32
      %dma_wait3A_151 = tpu.memref_slice %arg23[%dma_wait3A_150] : memref<1024xf32, #tpu.memory_space<vmem>> -> memref<128xf32, #tpu.memory_space<vmem>>
      %dma_wait3A_152 = arith.constant 0 : i32
      %dma_wait3A_153 = tpu.memref_slice %arg19[%dma_wait3A_149, %dma_wait3A_152] : memref<8x128xi32, #tpu.memory_space<vmem>> -> memref<1x128xi32, #tpu.memory_space<vmem>>
      %dma_wait3A_154 = tpu.memref_squeeze %dma_wait3A_153 : memref<1x128xi32, #tpu.memory_space<vmem>> -> memref<128xi32, #tpu.memory_space<vmem>>
      %dma_wait3A_155 = arith.constant 0 : i32
      %dma_wait3A_156 = tpu.memref_slice %arg25[%dma_wait3A_155] : memref<50176xf32, #tpu.memory_space<vmem_shared>> -> memref<50176xf32, #tpu.memory_space<vmem_shared>>
      tpu.wait_indirect_dma semaphore(%arg27 : memref<!tpu.dma_semaphore, #tpu.memory_space<semaphore_mem>>) src(%dma_wait3A_151 : memref<128xf32, #tpu.memory_space<vmem>>) dst(%dma_wait3A_156 : memref<50176xf32, #tpu.memory_space<vmem_shared>>)
      %dma_wait3A_157 = arith.constant 2 : i32
      %dma_wait3A_158 = arith.constant 256 : i32
      %dma_wait3A_159 = tpu.memref_slice %arg23[%dma_wait3A_158] : memref<1024xf32, #tpu.memory_space<vmem>> -> memref<128xf32, #tpu.memory_space<vmem>>
      %dma_wait3A_160 = arith.constant 0 : i32
      %dma_wait3A_161 = tpu.memref_slice %arg19[%dma_wait3A_157, %dma_wait3A_160] : memref<8x128xi32, #tpu.memory_space<vmem>> -> memref<1x128xi32, #tpu.memory_space<vmem>>
      %dma_wait3A_162 = tpu.memref_squeeze %dma_wait3A_161 : memref<1x128xi32, #tpu.memory_space<vmem>> -> memref<128xi32, #tpu.memory_space<vmem>>
      %dma_wait3A_163 = arith.constant 0 : i32
      %dma_wait3A_164 = tpu.memref_slice %arg25[%dma_wait3A_163] : memref<50176xf32, #tpu.memory_space<vmem_shared>> -> memref<50176xf32, #tpu.memory_space<vmem_shared>>
      tpu.wait_indirect_dma semaphore(%arg27 : memref<!tpu.dma_semaphore, #tpu.memory_space<semaphore_mem>>) src(%dma_wait3A_159 : memref<128xf32, #tpu.memory_space<vmem>>) dst(%dma_wait3A_164 : memref<50176xf32, #tpu.memory_space<vmem_shared>>)
      %dma_wait3A_165 = arith.constant 3 : i32
      %dma_wait3A_166 = arith.constant 384 : i32
      %dma_wait3A_167 = tpu.memref_slice %arg23[%dma_wait3A_166] : memref<1024xf32, #tpu.memory_space<vmem>> -> memref<128xf32, #tpu.memory_space<vmem>>
      %dma_wait3A_168 = arith.constant 0 : i32
      %dma_wait3A_169 = tpu.memref_slice %arg19[%dma_wait3A_165, %dma_wait3A_168] : memref<8x128xi32, #tpu.memory_space<vmem>> -> memref<1x128xi32, #tpu.memory_space<vmem>>
      %dma_wait3A_170 = tpu.memref_squeeze %dma_wait3A_169 : memref<1x128xi32, #tpu.memory_space<vmem>> -> memref<128xi32, #tpu.memory_space<vmem>>
      %dma_wait3A_171 = arith.constant 0 : i32
      %dma_wait3A_172 = tpu.memref_slice %arg25[%dma_wait3A_171] : memref<50176xf32, #tpu.memory_space<vmem_shared>> -> memref<50176xf32, #tpu.memory_space<vmem_shared>>
      tpu.wait_indirect_dma semaphore(%arg27 : memref<!tpu.dma_semaphore, #tpu.memory_space<semaphore_mem>>) src(%dma_wait3A_167 : memref<128xf32, #tpu.memory_space<vmem>>) dst(%dma_wait3A_172 : memref<50176xf32, #tpu.memory_space<vmem_shared>>)
      %dma_wait3A_173 = arith.constant 4 : i32
      %dma_wait3A_174 = arith.constant 512 : i32
      %dma_wait3A_175 = tpu.memref_slice %arg23[%dma_wait3A_174] : memref<1024xf32, #tpu.memory_space<vmem>> -> memref<128xf32, #tpu.memory_space<vmem>>
      %dma_wait3A_176 = arith.constant 0 : i32
      %dma_wait3A_177 = tpu.memref_slice %arg19[%dma_wait3A_173, %dma_wait3A_176] : memref<8x128xi32, #tpu.memory_space<vmem>> -> memref<1x128xi32, #tpu.memory_space<vmem>>
      %dma_wait3A_178 = tpu.memref_squeeze %dma_wait3A_177 : memref<1x128xi32, #tpu.memory_space<vmem>> -> memref<128xi32, #tpu.memory_space<vmem>>
      %dma_wait3A_179 = arith.constant 0 : i32
      %dma_wait3A_180 = tpu.memref_slice %arg25[%dma_wait3A_179] : memref<50176xf32, #tpu.memory_space<vmem_shared>> -> memref<50176xf32, #tpu.memory_space<vmem_shared>>
      tpu.wait_indirect_dma semaphore(%arg27 : memref<!tpu.dma_semaphore, #tpu.memory_space<semaphore_mem>>) src(%dma_wait3A_175 : memref<128xf32, #tpu.memory_space<vmem>>) dst(%dma_wait3A_180 : memref<50176xf32, #tpu.memory_space<vmem_shared>>)
      %dma_wait3A_181 = arith.constant 5 : i32
      %dma_wait3A_182 = arith.constant 640 : i32
      %dma_wait3A_183 = tpu.memref_slice %arg23[%dma_wait3A_182] : memref<1024xf32, #tpu.memory_space<vmem>> -> memref<128xf32, #tpu.memory_space<vmem>>
      %dma_wait3A_184 = arith.constant 0 : i32
      %dma_wait3A_185 = tpu.memref_slice %arg19[%dma_wait3A_181, %dma_wait3A_184] : memref<8x128xi32, #tpu.memory_space<vmem>> -> memref<1x128xi32, #tpu.memory_space<vmem>>
      %dma_wait3A_186 = tpu.memref_squeeze %dma_wait3A_185 : memref<1x128xi32, #tpu.memory_space<vmem>> -> memref<128xi32, #tpu.memory_space<vmem>>
      %dma_wait3A_187 = arith.constant 0 : i32
      %dma_wait3A_188 = tpu.memref_slice %arg25[%dma_wait3A_187] : memref<50176xf32, #tpu.memory_space<vmem_shared>> -> memref<50176xf32, #tpu.memory_space<vmem_shared>>
      tpu.wait_indirect_dma semaphore(%arg27 : memref<!tpu.dma_semaphore, #tpu.memory_space<semaphore_mem>>) src(%dma_wait3A_183 : memref<128xf32, #tpu.memory_space<vmem>>) dst(%dma_wait3A_188 : memref<50176xf32, #tpu.memory_space<vmem_shared>>)
      %dma_wait3A_189 = arith.constant 6 : i32
      %dma_wait3A_190 = arith.constant 768 : i32
      %dma_wait3A_191 = tpu.memref_slice %arg23[%dma_wait3A_190] : memref<1024xf32, #tpu.memory_space<vmem>> -> memref<128xf32, #tpu.memory_space<vmem>>
      %dma_wait3A_192 = arith.constant 0 : i32
      %dma_wait3A_193 = tpu.memref_slice %arg19[%dma_wait3A_189, %dma_wait3A_192] : memref<8x128xi32, #tpu.memory_space<vmem>> -> memref<1x128xi32, #tpu.memory_space<vmem>>
      %dma_wait3A_194 = tpu.memref_squeeze %dma_wait3A_193 : memref<1x128xi32, #tpu.memory_space<vmem>> -> memref<128xi32, #tpu.memory_space<vmem>>
      %dma_wait3A_195 = arith.constant 0 : i32
      %dma_wait3A_196 = tpu.memref_slice %arg25[%dma_wait3A_195] : memref<50176xf32, #tpu.memory_space<vmem_shared>> -> memref<50176xf32, #tpu.memory_space<vmem_shared>>
      tpu.wait_indirect_dma semaphore(%arg27 : memref<!tpu.dma_semaphore, #tpu.memory_space<semaphore_mem>>) src(%dma_wait3A_191 : memref<128xf32, #tpu.memory_space<vmem>>) dst(%dma_wait3A_196 : memref<50176xf32, #tpu.memory_space<vmem_shared>>)
      %dma_wait3A_197 = arith.constant 7 : i32
      %dma_wait3A_198 = arith.constant 896 : i32
      %dma_wait3A_199 = tpu.memref_slice %arg23[%dma_wait3A_198] : memref<1024xf32, #tpu.memory_space<vmem>> -> memref<128xf32, #tpu.memory_space<vmem>>
      %dma_wait3A_200 = arith.constant 0 : i32
      %dma_wait3A_201 = tpu.memref_slice %arg19[%dma_wait3A_197, %dma_wait3A_200] : memref<8x128xi32, #tpu.memory_space<vmem>> -> memref<1x128xi32, #tpu.memory_space<vmem>>
      %dma_wait3A_202 = tpu.memref_squeeze %dma_wait3A_201 : memref<1x128xi32, #tpu.memory_space<vmem>> -> memref<128xi32, #tpu.memory_space<vmem>>
      %dma_wait3A_203 = arith.constant 0 : i32
      %dma_wait3A_204 = tpu.memref_slice %arg25[%dma_wait3A_203] : memref<50176xf32, #tpu.memory_space<vmem_shared>> -> memref<50176xf32, #tpu.memory_space<vmem_shared>>
      tpu.wait_indirect_dma semaphore(%arg27 : memref<!tpu.dma_semaphore, #tpu.memory_space<semaphore_mem>>) src(%dma_wait3A_199 : memref<128xf32, #tpu.memory_space<vmem>>) dst(%dma_wait3A_204 : memref<50176xf32, #tpu.memory_space<vmem_shared>>)
      %dma_wait3A_205 = arith.constant 0 : i32
      %dma_wait3A_206 = tpu.memref_slice %arg11[%dma_wait3A_205, %add3A_42] : memref<7x1605632xf32, #tpu.memory_space<hbm>> -> memref<7x1024xf32, #tpu.memory_space<hbm>>
      %dma_wait3A_207 = arith.constant 0 : i32
      %dma_wait3A_208 = tpu.memref_slice %arg11[%dma_wait3A_207, %add3A_42] : memref<7x1605632xf32, #tpu.memory_space<hbm>> -> memref<7x1024xf32, #tpu.memory_space<hbm>>
      tpu.wait_dma2 semaphore(%arg26 : memref<!tpu.dma_semaphore, #tpu.memory_space<semaphore_mem>>) src(%arg22 : memref<7x1024xf32, #tpu.memory_space<vmem>>) dst(%dma_wait3A_208 : memref<7x1024xf32, #tpu.memory_space<hbm>>)
      scf.yield %scan3A_71 : vector<16xf32>
    }
    %scan3A_19 = arith.constant 49 : i32
    %barrier3A_20 = arith.constant 0 : index
    tpu.barrier barrier_id(%barrier3A_20)
    %mul3A_21 = arith.constant 3136 : i32
    %mul3A_22 = arith.muli %arg1, %mul3A_21 : i32
    %mul3A_23 = arith.constant 50176 : i32
    %mul3A_24 = arith.muli %arg0, %mul3A_23 : i32
    %mul3A_25 = arith.constant 3136 : i32
    %mul3A_26 = arith.muli %arg1, %mul3A_25 : i32
    %add3A_27 = arith.addi %mul3A_24, %mul3A_26 : i32
    "tpu.region"() ({
      %run_scoped3A = tpu.sem_alloc : memref<!tpu.dma_semaphore, #tpu.memory_space<semaphore_mem>>
      %dma_start3A = tpu.memref_slice %arg12[%add3A_27] : memref<100352xf32, #tpu.memory_space<hbm>> -> memref<3136xf32, #tpu.memory_space<hbm>>
      %dma_start3A_31 = tpu.memref_slice %arg25[%mul3A_22] : memref<50176xf32, #tpu.memory_space<vmem_shared>> -> memref<3136xf32, #tpu.memory_space<vmem_shared>>
      tpu.enqueue_dma source(%dma_start3A_31 : memref<3136xf32, #tpu.memory_space<vmem_shared>>) target(%dma_start3A : memref<3136xf32, #tpu.memory_space<hbm>>) target_semaphore(%run_scoped3A : memref<!tpu.dma_semaphore, #tpu.memory_space<semaphore_mem>>)
      %dma_wait3A = tpu.memref_slice %arg12[%add3A_27] : memref<100352xf32, #tpu.memory_space<hbm>> -> memref<3136xf32, #tpu.memory_space<hbm>>
      %dma_wait3A_32 = tpu.memref_slice %arg25[%mul3A_22] : memref<50176xf32, #tpu.memory_space<vmem_shared>> -> memref<3136xf32, #tpu.memory_space<vmem_shared>>
      tpu.wait_dma2 semaphore(%run_scoped3A : memref<!tpu.dma_semaphore, #tpu.memory_space<semaphore_mem>>) src(%dma_wait3A_32 : memref<3136xf32, #tpu.memory_space<vmem_shared>>) dst(%dma_wait3A : memref<3136xf32, #tpu.memory_space<hbm>>)
      tpu.yield
    }) : () -> ()
    %swap3A = arith.constant 0 : index
    %swap3A_28 = tpu.vector_load %arg24[%swap3A] {strides = array<i32>} : memref<16xf32, #tpu.memory_space<vmem>>, vector<16xf32>,
    tpu.vector_store %arg24[%swap3A], %scan3A_18 {strides = array<i32>} : memref<16xf32, #tpu.memory_space<vmem>>, vector<16xf32>,
    %mul3A_29 = arith.constant 16 : i32
    %mul3A_30 = arith.muli %add3A, %mul3A_29 : i32
    "tpu.region"() ({
      %run_scoped3A = tpu.sem_alloc : memref<!tpu.dma_semaphore, #tpu.memory_space<semaphore_mem>>
      %dma_start3A = tpu.memref_slice %arg13[%mul3A_30] : memref<512xf32, #tpu.memory_space<hbm>> -> memref<16xf32, #tpu.memory_space<hbm>>
      %dma_start3A_31 = tpu.memref_slice %arg13[%mul3A_30] : memref<512xf32, #tpu.memory_space<hbm>> -> memref<16xf32, #tpu.memory_space<hbm>>
      tpu.enqueue_dma source(%arg24 : memref<16xf32, #tpu.memory_space<vmem>>) target(%dma_start3A_31 : memref<16xf32, #tpu.memory_space<hbm>>) target_semaphore(%run_scoped3A : memref<!tpu.dma_semaphore, #tpu.memory_space<semaphore_mem>>)
      %dma_wait3A = tpu.memref_slice %arg13[%mul3A_30] : memref<512xf32, #tpu.memory_space<hbm>> -> memref<16xf32, #tpu.memory_space<hbm>>
      %dma_wait3A_32 = tpu.memref_slice %arg13[%mul3A_30] : memref<512xf32, #tpu.memory_space<hbm>> -> memref<16xf32, #tpu.memory_space<hbm>>
      tpu.wait_dma2 semaphore(%run_scoped3A : memref<!tpu.dma_semaphore, #tpu.memory_space<semaphore_mem>>) src(%arg24 : memref<16xf32, #tpu.memory_space<vmem>>) dst(%dma_wait3A_32 : memref<16xf32, #tpu.memory_space<hbm>>)
      tpu.yield
    }) : () -> ()
    return
  }
}

#map = affine_map<(d0, d1) -> (0)>
module attributes {stable_mosaic.version = 14 : i64} {
  func.func @_body_b(%arg0: i32, %arg1: i32, %arg2: memref<100352xf32, #tpu.memory_space<hbm>>, %arg3: memref<50176xi32, #tpu.memory_space<hbm>>, %arg4: memref<8192xf32, #tpu.memory_space<hbm>>, %arg5: memref<8192xf32, #tpu.memory_space<hbm>>, %arg6: memref<16xf32, #tpu.memory_space<hbm>>, %arg7: memref<16xf32, #tpu.memory_space<hbm>>, %arg8: memref<50176xf32, #tpu.memory_space<hbm>>, %arg9: memref<512xf32, #tpu.memory_space<hbm>>, %arg10: memref<8192xf32, #tpu.memory_space<vmem>>, %arg11: memref<8192xf32, #tpu.memory_space<vmem>>, %arg12: memref<1568xf32, #tpu.memory_space<vmem>>, %arg13: memref<1568xf32, #tpu.memory_space<vmem>>, %arg14: memref<1568xi32, #tpu.memory_space<vmem>>, %arg15: memref<1568xf32, #tpu.memory_space<vmem>>, %arg16: memref<16xf32, #tpu.memory_space<vmem>>, %arg17: memref<16xf32, #tpu.memory_space<vmem>>, %arg18: memref<16xf32, #tpu.memory_space<vmem>>, %arg19: memref<!tpu.dma_semaphore, #tpu.memory_space<semaphore_mem>>) attributes {dimension_semantics = [#tpu.dimension_semantics<core_parallel>, #tpu.dimension_semantics<subcore_parallel>], iteration_bounds = array<i64: 2, 16>, scalar_prefetch = 0 : i64, scratch_operands = 10 : i64, tpu.core_type = #tpu.core_type<sc_vector_subcore>, window_params = [{transform_indices = #map}, {transform_indices = #map}, {transform_indices = #map}, {transform_indices = #map}, {transform_indices = #map}, {transform_indices = #map}, {transform_indices = #map}, {transform_indices = #map}]} {
    %mul3A = arith.constant 16 : i32
    %mul3A_0 = arith.muli %arg0, %mul3A : i32
    %add3A = arith.addi %mul3A_0, %arg1 : i32
    %mul3A_1 = arith.constant 1568 : i32
    %mul3A_2 = arith.muli %add3A, %mul3A_1 : i32
    "tpu.region"() ({
      %run_scoped3A = tpu.sem_alloc : memref<!tpu.dma_semaphore, #tpu.memory_space<semaphore_mem>>
      tpu.enqueue_dma source(%arg4 : memref<8192xf32, #tpu.memory_space<hbm>>) target(%arg10 : memref<8192xf32, #tpu.memory_space<vmem>>) target_semaphore(%run_scoped3A : memref<!tpu.dma_semaphore, #tpu.memory_space<semaphore_mem>>)
      tpu.wait_dma2 semaphore(%run_scoped3A : memref<!tpu.dma_semaphore, #tpu.memory_space<semaphore_mem>>) src(%arg4 : memref<8192xf32, #tpu.memory_space<hbm>>) dst(%arg10 : memref<8192xf32, #tpu.memory_space<vmem>>)
      tpu.yield
    }) : () -> ()
    "tpu.region"() ({
      %run_scoped3A = tpu.sem_alloc : memref<!tpu.dma_semaphore, #tpu.memory_space<semaphore_mem>>
      tpu.enqueue_dma source(%arg5 : memref<8192xf32, #tpu.memory_space<hbm>>) target(%arg11 : memref<8192xf32, #tpu.memory_space<vmem>>) target_semaphore(%run_scoped3A : memref<!tpu.dma_semaphore, #tpu.memory_space<semaphore_mem>>)
      tpu.wait_dma2 semaphore(%run_scoped3A : memref<!tpu.dma_semaphore, #tpu.memory_space<semaphore_mem>>) src(%arg5 : memref<8192xf32, #tpu.memory_space<hbm>>) dst(%arg11 : memref<8192xf32, #tpu.memory_space<vmem>>)
      tpu.yield
    }) : () -> ()
    "tpu.region"() ({
      %run_scoped3A = tpu.sem_alloc : memref<!tpu.dma_semaphore, #tpu.memory_space<semaphore_mem>>
      tpu.enqueue_dma source(%arg6 : memref<16xf32, #tpu.memory_space<hbm>>) target(%arg16 : memref<16xf32, #tpu.memory_space<vmem>>) target_semaphore(%run_scoped3A : memref<!tpu.dma_semaphore, #tpu.memory_space<semaphore_mem>>)
      tpu.wait_dma2 semaphore(%run_scoped3A : memref<!tpu.dma_semaphore, #tpu.memory_space<semaphore_mem>>) src(%arg6 : memref<16xf32, #tpu.memory_space<hbm>>) dst(%arg16 : memref<16xf32, #tpu.memory_space<vmem>>)
      tpu.yield
    }) : () -> ()
    "tpu.region"() ({
      %run_scoped3A = tpu.sem_alloc : memref<!tpu.dma_semaphore, #tpu.memory_space<semaphore_mem>>
      tpu.enqueue_dma source(%arg7 : memref<16xf32, #tpu.memory_space<hbm>>) target(%arg17 : memref<16xf32, #tpu.memory_space<vmem>>) target_semaphore(%run_scoped3A : memref<!tpu.dma_semaphore, #tpu.memory_space<semaphore_mem>>)
      tpu.wait_dma2 semaphore(%run_scoped3A : memref<!tpu.dma_semaphore, #tpu.memory_space<semaphore_mem>>) src(%arg7 : memref<16xf32, #tpu.memory_space<hbm>>) dst(%arg17 : memref<16xf32, #tpu.memory_space<vmem>>)
      tpu.yield
    }) : () -> ()
    "tpu.region"() ({
      %run_scoped3A = tpu.sem_alloc : memref<!tpu.dma_semaphore, #tpu.memory_space<semaphore_mem>>
      %dma_start3A = tpu.memref_slice %arg2[%mul3A_2] : memref<100352xf32, #tpu.memory_space<hbm>> -> memref<1568xf32, #tpu.memory_space<hbm>>
      %dma_start3A_14 = tpu.memref_slice %arg2[%mul3A_2] : memref<100352xf32, #tpu.memory_space<hbm>> -> memref<1568xf32, #tpu.memory_space<hbm>>
      tpu.enqueue_dma source(%dma_start3A_14 : memref<1568xf32, #tpu.memory_space<hbm>>) target(%arg12 : memref<1568xf32, #tpu.memory_space<vmem>>) target_semaphore(%run_scoped3A : memref<!tpu.dma_semaphore, #tpu.memory_space<semaphore_mem>>)
      %dma_wait3A = tpu.memref_slice %arg2[%mul3A_2] : memref<100352xf32, #tpu.memory_space<hbm>> -> memref<1568xf32, #tpu.memory_space<hbm>>
      %dma_wait3A_15 = tpu.memref_slice %arg2[%mul3A_2] : memref<100352xf32, #tpu.memory_space<hbm>> -> memref<1568xf32, #tpu.memory_space<hbm>>
      tpu.wait_dma2 semaphore(%run_scoped3A : memref<!tpu.dma_semaphore, #tpu.memory_space<semaphore_mem>>) src(%dma_wait3A_15 : memref<1568xf32, #tpu.memory_space<hbm>>) dst(%arg12 : memref<1568xf32, #tpu.memory_space<vmem>>)
      tpu.yield
    }) : () -> ()
    %add3A_3 = arith.constant 50176 : i32
    %add3A_4 = arith.addi %add3A_3, %mul3A_2 : i32
    "tpu.region"() ({
      %run_scoped3A = tpu.sem_alloc : memref<!tpu.dma_semaphore, #tpu.memory_space<semaphore_mem>>
      %dma_start3A = tpu.memref_slice %arg2[%add3A_4] : memref<100352xf32, #tpu.memory_space<hbm>> -> memref<1568xf32, #tpu.memory_space<hbm>>
      %dma_start3A_14 = tpu.memref_slice %arg2[%add3A_4] : memref<100352xf32, #tpu.memory_space<hbm>> -> memref<1568xf32, #tpu.memory_space<hbm>>
      tpu.enqueue_dma source(%dma_start3A_14 : memref<1568xf32, #tpu.memory_space<hbm>>) target(%arg13 : memref<1568xf32, #tpu.memory_space<vmem>>) target_semaphore(%run_scoped3A : memref<!tpu.dma_semaphore, #tpu.memory_space<semaphore_mem>>)
      %dma_wait3A = tpu.memref_slice %arg2[%add3A_4] : memref<100352xf32, #tpu.memory_space<hbm>> -> memref<1568xf32, #tpu.memory_space<hbm>>
      %dma_wait3A_15 = tpu.memref_slice %arg2[%add3A_4] : memref<100352xf32, #tpu.memory_space<hbm>> -> memref<1568xf32, #tpu.memory_space<hbm>>
      tpu.wait_dma2 semaphore(%run_scoped3A : memref<!tpu.dma_semaphore, #tpu.memory_space<semaphore_mem>>) src(%dma_wait3A_15 : memref<1568xf32, #tpu.memory_space<hbm>>) dst(%arg13 : memref<1568xf32, #tpu.memory_space<vmem>>)
      tpu.yield
    }) : () -> ()
    "tpu.region"() ({
      %run_scoped3A = tpu.sem_alloc : memref<!tpu.dma_semaphore, #tpu.memory_space<semaphore_mem>>
      %dma_start3A = tpu.memref_slice %arg3[%mul3A_2] : memref<50176xi32, #tpu.memory_space<hbm>> -> memref<1568xi32, #tpu.memory_space<hbm>>
      %dma_start3A_14 = tpu.memref_slice %arg3[%mul3A_2] : memref<50176xi32, #tpu.memory_space<hbm>> -> memref<1568xi32, #tpu.memory_space<hbm>>
      tpu.enqueue_dma source(%dma_start3A_14 : memref<1568xi32, #tpu.memory_space<hbm>>) target(%arg14 : memref<1568xi32, #tpu.memory_space<vmem>>) target_semaphore(%run_scoped3A : memref<!tpu.dma_semaphore, #tpu.memory_space<semaphore_mem>>)
      %dma_wait3A = tpu.memref_slice %arg3[%mul3A_2] : memref<50176xi32, #tpu.memory_space<hbm>> -> memref<1568xi32, #tpu.memory_space<hbm>>
      %dma_wait3A_15 = tpu.memref_slice %arg3[%mul3A_2] : memref<50176xi32, #tpu.memory_space<hbm>> -> memref<1568xi32, #tpu.memory_space<hbm>>
      tpu.wait_dma2 semaphore(%run_scoped3A : memref<!tpu.dma_semaphore, #tpu.memory_space<semaphore_mem>>) src(%dma_wait3A_15 : memref<1568xi32, #tpu.memory_space<hbm>>) dst(%arg14 : memref<1568xi32, #tpu.memory_space<vmem>>)
      tpu.yield
    }) : () -> ()
    %iota3A = tpu.iota {dimensions = array<i32: 0>} : vector<16xi32>
    %broadcast_in_dim3A = arith.constant 0.000000e+00 : f32
    %broadcast_in_dim3A_5 = vector.broadcast %broadcast_in_dim3A : f32 to vector<16xf32>
    %scan3A = arith.constant 0 : i32
    %scan3A_6 = arith.constant 98 : i32
    %scan3A_7 = arith.addi %scan3A, %scan3A_6 : i32
    %scan3A_8 = arith.constant 1 : i32
    %scan3A_9 = scf.for %scan3A_14 = %scan3A to %scan3A_7 step %scan3A_8 iter_args(%scan3A_15 = %broadcast_in_dim3A_5) -> (vector<16xf32>)  : i32 {
      %mul3A_16 = arith.constant 16 : i32
      %mul3A_17 = arith.muli %scan3A_14, %mul3A_16 : i32
      %add3A_18 = vector.broadcast %mul3A_17 : i32 to vector<16xi32>
      %add3A_19 = arith.addi %add3A_18, %iota3A : vector<16xi32>
      %gather3A = tpu.vector_load_idx %arg12[%add3A_19] : memref<1568xf32, #tpu.memory_space<vmem>>[vector<16xi32>], vector<16xf32>,
      %gather3A_20 = tpu.vector_load_idx %arg13[%add3A_19] : memref<1568xf32, #tpu.memory_space<vmem>>[vector<16xi32>], vector<16xf32>,
      %add3A_21 = arith.addf %gather3A, %gather3A_20 : vector<16xf32>
      %gather3A_22 = tpu.vector_load_idx %arg14[%add3A_19] : memref<1568xi32, #tpu.memory_space<vmem>>[vector<16xi32>], vector<16xi32>,
      %gather3A_23 = tpu.vector_load_idx %arg16[%gather3A_22] : memref<16xf32, #tpu.memory_space<vmem>>[vector<16xi32>], vector<16xf32>,
      %gather3A_24 = tpu.vector_load_idx %arg17[%gather3A_22] : memref<16xf32, #tpu.memory_space<vmem>>[vector<16xi32>], vector<16xf32>,
      %mul3A_25 = arith.constant 4094.99951 : f32
      %mul3A_26 = vector.broadcast %mul3A_25 : f32 to vector<16xf32>
      %mul3A_27 = arith.mulf %gather3A_24, %mul3A_26 : vector<16xf32>
      %add3A_28 = arith.addf %gather3A_23, %mul3A_27 : vector<16xf32>
      %max3A = arith.maximumf %add3A_21, %gather3A_23 : vector<16xf32>
      %min3A = arith.minimumf %max3A, %add3A_28 : vector<16xf32>
      %sub3A = arith.subf %min3A, %gather3A_23 : vector<16xf32>
      %div3A = arith.divf %sub3A, %gather3A_24 : vector<16xf32>
      %convert_element_type3A = arith.fptosi %div3A : vector<16xf32> to vector<16xi32>
      %convert_element_type3A_29 = arith.sitofp %convert_element_type3A : vector<16xi32> to vector<16xf32>
      %sub3A_30 = arith.subf %div3A, %convert_element_type3A_29 : vector<16xf32>
      %add3A_31 = arith.constant 1 : i32
      %add3A_32 = vector.broadcast %add3A_31 : i32 to vector<16xi32>
      %add3A_33 = arith.addi %convert_element_type3A, %add3A_32 : vector<16xi32>
      %min3A_34 = arith.constant 4095 : i32
      %min3A_35 = vector.broadcast %min3A_34 : i32 to vector<16xi32>
      %min3A_36 = arith.minsi %add3A_33, %min3A_35 : vector<16xi32>
      %mul3A_37 = arith.constant 4096 : i32
      %mul3A_38 = vector.broadcast %mul3A_37 : i32 to vector<16xi32>
      %mul3A_39 = arith.muli %gather3A_22, %mul3A_38 : vector<16xi32>
      %add3A_40 = arith.addi %mul3A_39, %convert_element_type3A : vector<16xi32>
      %gather3A_41 = tpu.vector_load_idx %arg10[%add3A_40] : memref<8192xf32, #tpu.memory_space<vmem>>[vector<16xi32>], vector<16xf32>,
      %add3A_42 = arith.addi %mul3A_39, %min3A_36 : vector<16xi32>
      %gather3A_43 = tpu.vector_load_idx %arg10[%add3A_42] : memref<8192xf32, #tpu.memory_space<vmem>>[vector<16xi32>], vector<16xf32>,
      %add3A_44 = arith.addi %mul3A_39, %convert_element_type3A : vector<16xi32>
      %gather3A_45 = tpu.vector_load_idx %arg11[%add3A_44] : memref<8192xf32, #tpu.memory_space<vmem>>[vector<16xi32>], vector<16xf32>,
      %add3A_46 = arith.addi %mul3A_39, %min3A_36 : vector<16xi32>
      %gather3A_47 = tpu.vector_load_idx %arg11[%add3A_46] : memref<8192xf32, #tpu.memory_space<vmem>>[vector<16xi32>], vector<16xf32>,
      %sub3A_48 = arith.subf %gather3A_47, %gather3A_45 : vector<16xf32>
      %mul3A_49 = arith.mulf %sub3A_30, %sub3A_48 : vector<16xf32>
      %add3A_50 = arith.addf %gather3A_45, %mul3A_49 : vector<16xf32>
      tpu.vector_store_idx %arg15[%add3A_19], %add3A_50 : memref<1568xf32, #tpu.memory_space<vmem>>[vector<16xi32>], vector<16xf32>,
      %add3A_51 = vector.broadcast %mul3A_2 : i32 to vector<16xi32>
      %add3A_52 = arith.addi %add3A_51, %add3A_19 : vector<16xi32>
      %lt3A = arith.constant 50000 : i32
      %lt3A_53 = vector.broadcast %lt3A : i32 to vector<16xi32>
      %lt3A_54 = arith.cmpi slt, %add3A_52, %lt3A_53 : vector<16xi32>
      %jit3A = arith.constant 1.000000e+00 : f32
      %jit3A_55 = arith.constant 0.000000e+00 : f32
      %broadcast_in_dim3A_56 = vector.broadcast %jit3A : f32 to vector<16xf32>
      %broadcast_in_dim3A_57 = vector.broadcast %jit3A_55 : f32 to vector<16xf32>
      %select_n3A = arith.select %lt3A_54, %broadcast_in_dim3A_56, %broadcast_in_dim3A_57 : vector<16xi1>, vector<16xf32>
      %sub3A_58 = arith.subf %gather3A_43, %gather3A_41 : vector<16xf32>
      %mul3A_59 = arith.mulf %sub3A_30, %sub3A_58 : vector<16xf32>
      %add3A_60 = arith.addf %gather3A_41, %mul3A_59 : vector<16xf32>
      %mul3A_61 = arith.mulf %add3A_60, %select_n3A : vector<16xf32>
      %add3A_62 = arith.addf %scan3A_15, %mul3A_61 : vector<16xf32>
      scf.yield %add3A_62 : vector<16xf32>
    }
    %scan3A_10 = arith.constant 98 : i32
    "tpu.region"() ({
      %run_scoped3A = tpu.sem_alloc : memref<!tpu.dma_semaphore, #tpu.memory_space<semaphore_mem>>
      %dma_start3A = tpu.memref_slice %arg8[%mul3A_2] : memref<50176xf32, #tpu.memory_space<hbm>> -> memref<1568xf32, #tpu.memory_space<hbm>>
      %dma_start3A_14 = tpu.memref_slice %arg8[%mul3A_2] : memref<50176xf32, #tpu.memory_space<hbm>> -> memref<1568xf32, #tpu.memory_space<hbm>>
      tpu.enqueue_dma source(%arg15 : memref<1568xf32, #tpu.memory_space<vmem>>) target(%dma_start3A_14 : memref<1568xf32, #tpu.memory_space<hbm>>) target_semaphore(%run_scoped3A : memref<!tpu.dma_semaphore, #tpu.memory_space<semaphore_mem>>)
      %dma_wait3A = tpu.memref_slice %arg8[%mul3A_2] : memref<50176xf32, #tpu.memory_space<hbm>> -> memref<1568xf32, #tpu.memory_space<hbm>>
      %dma_wait3A_15 = tpu.memref_slice %arg8[%mul3A_2] : memref<50176xf32, #tpu.memory_space<hbm>> -> memref<1568xf32, #tpu.memory_space<hbm>>
      tpu.wait_dma2 semaphore(%run_scoped3A : memref<!tpu.dma_semaphore, #tpu.memory_space<semaphore_mem>>) src(%arg15 : memref<1568xf32, #tpu.memory_space<vmem>>) dst(%dma_wait3A_15 : memref<1568xf32, #tpu.memory_space<hbm>>)
      tpu.yield
    }) : () -> ()
    %swap3A = arith.constant 0 : index
    %swap3A_11 = tpu.vector_load %arg18[%swap3A] {strides = array<i32>} : memref<16xf32, #tpu.memory_space<vmem>>, vector<16xf32>,
    tpu.vector_store %arg18[%swap3A], %scan3A_9 {strides = array<i32>} : memref<16xf32, #tpu.memory_space<vmem>>, vector<16xf32>,
    %mul3A_12 = arith.constant 16 : i32
    %mul3A_13 = arith.muli %add3A, %mul3A_12 : i32
    "tpu.region"() ({
      %run_scoped3A = tpu.sem_alloc : memref<!tpu.dma_semaphore, #tpu.memory_space<semaphore_mem>>
      %dma_start3A = tpu.memref_slice %arg9[%mul3A_13] : memref<512xf32, #tpu.memory_space<hbm>> -> memref<16xf32, #tpu.memory_space<hbm>>
      %dma_start3A_14 = tpu.memref_slice %arg9[%mul3A_13] : memref<512xf32, #tpu.memory_space<hbm>> -> memref<16xf32, #tpu.memory_space<hbm>>
      tpu.enqueue_dma source(%arg18 : memref<16xf32, #tpu.memory_space<vmem>>) target(%dma_start3A_14 : memref<16xf32, #tpu.memory_space<hbm>>) target_semaphore(%run_scoped3A : memref<!tpu.dma_semaphore, #tpu.memory_space<semaphore_mem>>)
      %dma_wait3A = tpu.memref_slice %arg9[%mul3A_13] : memref<512xf32, #tpu.memory_space<hbm>> -> memref<16xf32, #tpu.memory_space<hbm>>
      %dma_wait3A_15 = tpu.memref_slice %arg9[%mul3A_13] : memref<512xf32, #tpu.memory_space<hbm>> -> memref<16xf32, #tpu.memory_space<hbm>>
      tpu.wait_dma2 semaphore(%run_scoped3A : memref<!tpu.dma_semaphore, #tpu.memory_space<semaphore_mem>>) src(%arg18 : memref<16xf32, #tpu.memory_space<vmem>>) dst(%dma_wait3A_15 : memref<16xf32, #tpu.memory_space<hbm>>)
      tpu.yield
    }) : () -> ()
    return
  }
}

#map = affine_map<(d0, d1) -> (0, 0)>
#map1 = affine_map<(d0, d1) -> (0)>
module attributes {stable_mosaic.version = 14 : i64} {
  func.func @_body_c(%arg0: i32, %arg1: i32, %arg2: memref<7x1605632xf32, #tpu.memory_space<hbm>>, %arg3: memref<12544x128xi32, #tpu.memory_space<hbm>>, %arg4: memref<12544x128xi32, #tpu.memory_space<hbm>>, %arg5: memref<50176xf32, #tpu.memory_space<hbm>>, %arg6: memref<3136xf32, #tpu.memory_space<hbm>>, %arg7: memref<301056xf32, #tpu.memory_space<hbm>>, %arg8: memref<512xf32, #tpu.memory_space<hbm>>, %arg9: memref<7x1024xf32, #tpu.memory_space<vmem>>, %arg10: memref<8x128xi32, #tpu.memory_space<vmem>>, %arg11: memref<8x128xi32, #tpu.memory_space<vmem>>, %arg12: memref<1024xf32, #tpu.memory_space<vmem>>, %arg13: memref<1024xf32, #tpu.memory_space<vmem>>, %arg14: memref<1024xf32, #tpu.memory_space<vmem>>, %arg15: memref<1024xf32, #tpu.memory_space<vmem>>, %arg16: memref<1024xf32, #tpu.memory_space<vmem>>, %arg17: memref<16xf32, #tpu.memory_space<vmem>>, %arg18: memref<50176xf32, #tpu.memory_space<vmem_shared>>, %arg19: memref<50176xf32, #tpu.memory_space<vmem_shared>>, %arg20: memref<50176xf32, #tpu.memory_space<vmem_shared>>, %arg21: memref<50176xf32, #tpu.memory_space<vmem_shared>>, %arg22: memref<!tpu.dma_semaphore, #tpu.memory_space<semaphore_mem>>, %arg23: memref<!tpu.dma_semaphore, #tpu.memory_space<semaphore_mem>>) attributes {dimension_semantics = [#tpu.dimension_semantics<core_parallel>, #tpu.dimension_semantics<subcore_parallel>], iteration_bounds = array<i64: 2, 16>, scalar_prefetch = 0 : i64, scratch_operands = 15 : i64, tpu.core_type = #tpu.core_type<sc_vector_subcore>, window_params = [{transform_indices = #map}, {transform_indices = #map}, {transform_indices = #map}, {transform_indices = #map1}, {transform_indices = #map1}, {transform_indices = #map1}, {transform_indices = #map1}]} {
    %mul3A = arith.constant 16 : i32
    %mul3A_0 = arith.muli %arg0, %mul3A : i32
    %add3A = arith.addi %mul3A_0, %arg1 : i32
    %mul3A_1 = arith.constant 3136 : i32
    %mul3A_2 = arith.muli %arg1, %mul3A_1 : i32
    "tpu.region"() ({
      %run_scoped3A = tpu.sem_alloc : memref<!tpu.dma_semaphore, #tpu.memory_space<semaphore_mem>>
      %dma_start3A = tpu.memref_slice %arg18[%mul3A_2] : memref<50176xf32, #tpu.memory_space<vmem_shared>> -> memref<3136xf32, #tpu.memory_space<vmem_shared>>
      tpu.enqueue_dma source(%arg6 : memref<3136xf32, #tpu.memory_space<hbm>>) target(%dma_start3A : memref<3136xf32, #tpu.memory_space<vmem_shared>>) target_semaphore(%run_scoped3A : memref<!tpu.dma_semaphore, #tpu.memory_space<semaphore_mem>>)
      %dma_wait3A = tpu.memref_slice %arg18[%mul3A_2] : memref<50176xf32, #tpu.memory_space<vmem_shared>> -> memref<3136xf32, #tpu.memory_space<vmem_shared>>
      tpu.wait_dma2 semaphore(%run_scoped3A : memref<!tpu.dma_semaphore, #tpu.memory_space<semaphore_mem>>) src(%arg6 : memref<3136xf32, #tpu.memory_space<hbm>>) dst(%dma_wait3A : memref<3136xf32, #tpu.memory_space<vmem_shared>>)
      tpu.yield
    }) : () -> ()
    %mul3A_3 = arith.constant 3136 : i32
    %mul3A_4 = arith.muli %arg1, %mul3A_3 : i32
    "tpu.region"() ({
      %run_scoped3A = tpu.sem_alloc : memref<!tpu.dma_semaphore, #tpu.memory_space<semaphore_mem>>
      %dma_start3A = tpu.memref_slice %arg19[%mul3A_4] : memref<50176xf32, #tpu.memory_space<vmem_shared>> -> memref<3136xf32, #tpu.memory_space<vmem_shared>>
      tpu.enqueue_dma source(%arg6 : memref<3136xf32, #tpu.memory_space<hbm>>) target(%dma_start3A : memref<3136xf32, #tpu.memory_space<vmem_shared>>) target_semaphore(%run_scoped3A : memref<!tpu.dma_semaphore, #tpu.memory_space<semaphore_mem>>)
      %dma_wait3A = tpu.memref_slice %arg19[%mul3A_4] : memref<50176xf32, #tpu.memory_space<vmem_shared>> -> memref<3136xf32, #tpu.memory_space<vmem_shared>>
      tpu.wait_dma2 semaphore(%run_scoped3A : memref<!tpu.dma_semaphore, #tpu.memory_space<semaphore_mem>>) src(%arg6 : memref<3136xf32, #tpu.memory_space<hbm>>) dst(%dma_wait3A : memref<3136xf32, #tpu.memory_space<vmem_shared>>)
      tpu.yield
    }) : () -> ()
    %mul3A_5 = arith.constant 3136 : i32
    %mul3A_6 = arith.muli %arg1, %mul3A_5 : i32
    "tpu.region"() ({
      %run_scoped3A = tpu.sem_alloc : memref<!tpu.dma_semaphore, #tpu.memory_space<semaphore_mem>>
      %dma_start3A = tpu.memref_slice %arg20[%mul3A_6] : memref<50176xf32, #tpu.memory_space<vmem_shared>> -> memref<3136xf32, #tpu.memory_space<vmem_shared>>
      tpu.enqueue_dma source(%arg6 : memref<3136xf32, #tpu.memory_space<hbm>>) target(%dma_start3A : memref<3136xf32, #tpu.memory_space<vmem_shared>>) target_semaphore(%run_scoped3A : memref<!tpu.dma_semaphore, #tpu.memory_space<semaphore_mem>>)
      %dma_wait3A = tpu.memref_slice %arg20[%mul3A_6] : memref<50176xf32, #tpu.memory_space<vmem_shared>> -> memref<3136xf32, #tpu.memory_space<vmem_shared>>
      tpu.wait_dma2 semaphore(%run_scoped3A : memref<!tpu.dma_semaphore, #tpu.memory_space<semaphore_mem>>) src(%arg6 : memref<3136xf32, #tpu.memory_space<hbm>>) dst(%dma_wait3A : memref<3136xf32, #tpu.memory_space<vmem_shared>>)
      tpu.yield
    }) : () -> ()
    %mul3A_7 = arith.constant 3136 : i32
    %mul3A_8 = arith.muli %arg1, %mul3A_7 : i32
    %mul3A_9 = arith.constant 3136 : i32
    %mul3A_10 = arith.muli %arg1, %mul3A_9 : i32
    "tpu.region"() ({
      %run_scoped3A = tpu.sem_alloc : memref<!tpu.dma_semaphore, #tpu.memory_space<semaphore_mem>>
      %dma_start3A = tpu.memref_slice %arg21[%mul3A_10] : memref<50176xf32, #tpu.memory_space<vmem_shared>> -> memref<3136xf32, #tpu.memory_space<vmem_shared>>
      %dma_start3A_38 = tpu.memref_slice %arg5[%mul3A_8] : memref<50176xf32, #tpu.memory_space<hbm>> -> memref<3136xf32, #tpu.memory_space<hbm>>
      tpu.enqueue_dma source(%dma_start3A_38 : memref<3136xf32, #tpu.memory_space<hbm>>) target(%dma_start3A : memref<3136xf32, #tpu.memory_space<vmem_shared>>) target_semaphore(%run_scoped3A : memref<!tpu.dma_semaphore, #tpu.memory_space<semaphore_mem>>)
      %dma_wait3A = tpu.memref_slice %arg21[%mul3A_10] : memref<50176xf32, #tpu.memory_space<vmem_shared>> -> memref<3136xf32, #tpu.memory_space<vmem_shared>>
      %dma_wait3A_39 = tpu.memref_slice %arg5[%mul3A_8] : memref<50176xf32, #tpu.memory_space<hbm>> -> memref<3136xf32, #tpu.memory_space<hbm>>
      tpu.wait_dma2 semaphore(%run_scoped3A : memref<!tpu.dma_semaphore, #tpu.memory_space<semaphore_mem>>) src(%dma_wait3A_39 : memref<3136xf32, #tpu.memory_space<hbm>>) dst(%dma_wait3A : memref<3136xf32, #tpu.memory_space<vmem_shared>>)
      tpu.yield
    }) : () -> ()
    %barrier3A = arith.constant 0 : index
    tpu.barrier barrier_id(%barrier3A)
    %iota3A = tpu.iota {dimensions = array<i32: 0>} : vector<16xi32>
    %broadcast_in_dim3A = arith.constant 0.000000e+00 : f32
    %broadcast_in_dim3A_11 = vector.broadcast %broadcast_in_dim3A : f32 to vector<16xf32>
    %scan3A = arith.constant 0 : i32
    %scan3A_12 = arith.constant 49 : i32
    %scan3A_13 = arith.addi %scan3A, %scan3A_12 : i32
    %scan3A_14 = arith.constant 1 : i32
    %scan3A_15 = scf.for %scan3A_38 = %scan3A to %scan3A_13 step %scan3A_14 iter_args(%scan3A_39 = %broadcast_in_dim3A_11) -> (vector<16xf32>)  : i32 {
      %mul3A_40 = arith.constant 392 : i32
      %mul3A_41 = arith.muli %add3A, %mul3A_40 : i32
      %mul3A_42 = arith.constant 8 : i32
      %mul3A_43 = arith.muli %scan3A_38, %mul3A_42 : i32
      %add3A_44 = arith.addi %mul3A_41, %mul3A_43 : i32
      %mul3A_45 = arith.constant 50176 : i32
      %mul3A_46 = arith.muli %add3A, %mul3A_45 : i32
      %mul3A_47 = arith.constant 1024 : i32
      %mul3A_48 = arith.muli %scan3A_38, %mul3A_47 : i32
      %add3A_49 = arith.addi %mul3A_46, %mul3A_48 : i32
      %dma_start3A = arith.constant 0 : i32
      %dma_start3A_50 = tpu.memref_slice %arg3[%add3A_44, %dma_start3A] : memref<12544x128xi32, #tpu.memory_space<hbm>> -> memref<8x128xi32, #tpu.memory_space<hbm>>
      %dma_start3A_51 = arith.constant 0 : i32
      %dma_start3A_52 = tpu.memref_slice %arg3[%add3A_44, %dma_start3A_51] : memref<12544x128xi32, #tpu.memory_space<hbm>> -> memref<8x128xi32, #tpu.memory_space<hbm>>
      tpu.enqueue_dma source(%dma_start3A_52 : memref<8x128xi32, #tpu.memory_space<hbm>>) target(%arg10 : memref<8x128xi32, #tpu.memory_space<vmem>>) target_semaphore(%arg22 : memref<!tpu.dma_semaphore, #tpu.memory_space<semaphore_mem>>)
      %dma_start3A_53 = arith.constant 0 : i32
      %dma_start3A_54 = tpu.memref_slice %arg4[%add3A_44, %dma_start3A_53] : memref<12544x128xi32, #tpu.memory_space<hbm>> -> memref<8x128xi32, #tpu.memory_space<hbm>>
      %dma_start3A_55 = arith.constant 0 : i32
      %dma_start3A_56 = tpu.memref_slice %arg4[%add3A_44, %dma_start3A_55] : memref<12544x128xi32, #tpu.memory_space<hbm>> -> memref<8x128xi32, #tpu.memory_space<hbm>>
      tpu.enqueue_dma source(%dma_start3A_56 : memref<8x128xi32, #tpu.memory_space<hbm>>) target(%arg11 : memref<8x128xi32, #tpu.memory_space<vmem>>) target_semaphore(%arg22 : memref<!tpu.dma_semaphore, #tpu.memory_space<semaphore_mem>>)
      %dma_wait3A = arith.constant 0 : i32
      %dma_wait3A_57 = tpu.memref_slice %arg3[%add3A_44, %dma_wait3A] : memref<12544x128xi32, #tpu.memory_space<hbm>> -> memref<8x128xi32, #tpu.memory_space<hbm>>
      %dma_wait3A_58 = arith.constant 0 : i32
      %dma_wait3A_59 = tpu.memref_slice %arg3[%add3A_44, %dma_wait3A_58] : memref<12544x128xi32, #tpu.memory_space<hbm>> -> memref<8x128xi32, #tpu.memory_space<hbm>>
      tpu.wait_dma2 semaphore(%arg22 : memref<!tpu.dma_semaphore, #tpu.memory_space<semaphore_mem>>) src(%dma_wait3A_59 : memref<8x128xi32, #tpu.memory_space<hbm>>) dst(%arg10 : memref<8x128xi32, #tpu.memory_space<vmem>>)
      %dma_wait3A_60 = arith.constant 0 : i32
      %dma_wait3A_61 = tpu.memref_slice %arg4[%add3A_44, %dma_wait3A_60] : memref<12544x128xi32, #tpu.memory_space<hbm>> -> memref<8x128xi32, #tpu.memory_space<hbm>>
      %dma_wait3A_62 = arith.constant 0 : i32
      %dma_wait3A_63 = tpu.memref_slice %arg4[%add3A_44, %dma_wait3A_62] : memref<12544x128xi32, #tpu.memory_space<hbm>> -> memref<8x128xi32, #tpu.memory_space<hbm>>
      tpu.wait_dma2 semaphore(%arg22 : memref<!tpu.dma_semaphore, #tpu.memory_space<semaphore_mem>>) src(%dma_wait3A_63 : memref<8x128xi32, #tpu.memory_space<hbm>>) dst(%arg11 : memref<8x128xi32, #tpu.memory_space<vmem>>)
      %dma_start3A_64 = arith.constant 0 : i32
      %dma_start3A_65 = tpu.memref_slice %arg2[%dma_start3A_64, %add3A_49] : memref<7x1605632xf32, #tpu.memory_space<hbm>> -> memref<7x1024xf32, #tpu.memory_space<hbm>>
      %dma_start3A_66 = arith.constant 0 : i32
      %dma_start3A_67 = tpu.memref_slice %arg2[%dma_start3A_66, %add3A_49] : memref<7x1605632xf32, #tpu.memory_space<hbm>> -> memref<7x1024xf32, #tpu.memory_space<hbm>>
      tpu.enqueue_dma source(%dma_start3A_67 : memref<7x1024xf32, #tpu.memory_space<hbm>>) target(%arg9 : memref<7x1024xf32, #tpu.memory_space<vmem>>) target_semaphore(%arg22 : memref<!tpu.dma_semaphore, #tpu.memory_space<semaphore_mem>>)
      %dma_start3A_68 = arith.constant 0 : i32
      %dma_start3A_69 = arith.constant 0 : i32
      %dma_start3A_70 = tpu.memref_slice %arg12[%dma_start3A_69] : memref<1024xf32, #tpu.memory_space<vmem>> -> memref<128xf32, #tpu.memory_space<vmem>>
      %dma_start3A_71 = arith.constant 0 : i32
      %dma_start3A_72 = tpu.memref_slice %arg10[%dma_start3A_68, %dma_start3A_71] : memref<8x128xi32, #tpu.memory_space<vmem>> -> memref<1x128xi32, #tpu.memory_space<vmem>>
      %dma_start3A_73 = tpu.memref_squeeze %dma_start3A_72 : memref<1x128xi32, #tpu.memory_space<vmem>> -> memref<128xi32, #tpu.memory_space<vmem>>
      %dma_start3A_74 = arith.constant 0 : i32
      %dma_start3A_75 = tpu.memref_slice %arg21[%dma_start3A_74] : memref<50176xf32, #tpu.memory_space<vmem_shared>> -> memref<50176xf32, #tpu.memory_space<vmem_shared>>
      tpu.enqueue_indirect_dma source(%dma_start3A_75 : memref<50176xf32, #tpu.memory_space<vmem_shared>>) target(%dma_start3A_70 : memref<128xf32, #tpu.memory_space<vmem>>) offsets(%dma_start3A_73 : memref<128xi32, #tpu.memory_space<vmem>>) semaphore(%arg23 : memref<!tpu.dma_semaphore, #tpu.memory_space<semaphore_mem>>)
      %dma_start3A_76 = arith.constant 0 : i32
      %dma_start3A_77 = arith.constant 0 : i32
      %dma_start3A_78 = tpu.memref_slice %arg13[%dma_start3A_77] : memref<1024xf32, #tpu.memory_space<vmem>> -> memref<128xf32, #tpu.memory_space<vmem>>
      %dma_start3A_79 = arith.constant 0 : i32
      %dma_start3A_80 = tpu.memref_slice %arg11[%dma_start3A_76, %dma_start3A_79] : memref<8x128xi32, #tpu.memory_space<vmem>> -> memref<1x128xi32, #tpu.memory_space<vmem>>
      %dma_start3A_81 = tpu.memref_squeeze %dma_start3A_80 : memref<1x128xi32, #tpu.memory_space<vmem>> -> memref<128xi32, #tpu.memory_space<vmem>>
      %dma_start3A_82 = arith.constant 0 : i32
      %dma_start3A_83 = tpu.memref_slice %arg21[%dma_start3A_82] : memref<50176xf32, #tpu.memory_space<vmem_shared>> -> memref<50176xf32, #tpu.memory_space<vmem_shared>>
      tpu.enqueue_indirect_dma source(%dma_start3A_83 : memref<50176xf32, #tpu.memory_space<vmem_shared>>) target(%dma_start3A_78 : memref<128xf32, #tpu.memory_space<vmem>>) offsets(%dma_start3A_81 : memref<128xi32, #tpu.memory_space<vmem>>) semaphore(%arg23 : memref<!tpu.dma_semaphore, #tpu.memory_space<semaphore_mem>>)
      %dma_start3A_84 = arith.constant 1 : i32
      %dma_start3A_85 = arith.constant 128 : i32
      %dma_start3A_86 = tpu.memref_slice %arg12[%dma_start3A_85] : memref<1024xf32, #tpu.memory_space<vmem>> -> memref<128xf32, #tpu.memory_space<vmem>>
      %dma_start3A_87 = arith.constant 0 : i32
      %dma_start3A_88 = tpu.memref_slice %arg10[%dma_start3A_84, %dma_start3A_87] : memref<8x128xi32, #tpu.memory_space<vmem>> -> memref<1x128xi32, #tpu.memory_space<vmem>>
      %dma_start3A_89 = tpu.memref_squeeze %dma_start3A_88 : memref<1x128xi32, #tpu.memory_space<vmem>> -> memref<128xi32, #tpu.memory_space<vmem>>
      %dma_start3A_90 = arith.constant 0 : i32
      %dma_start3A_91 = tpu.memref_slice %arg21[%dma_start3A_90] : memref<50176xf32, #tpu.memory_space<vmem_shared>> -> memref<50176xf32, #tpu.memory_space<vmem_shared>>
      tpu.enqueue_indirect_dma source(%dma_start3A_91 : memref<50176xf32, #tpu.memory_space<vmem_shared>>) target(%dma_start3A_86 : memref<128xf32, #tpu.memory_space<vmem>>) offsets(%dma_start3A_89 : memref<128xi32, #tpu.memory_space<vmem>>) semaphore(%arg23 : memref<!tpu.dma_semaphore, #tpu.memory_space<semaphore_mem>>)
      %dma_start3A_92 = arith.constant 1 : i32
      %dma_start3A_93 = arith.constant 128 : i32
      %dma_start3A_94 = tpu.memref_slice %arg13[%dma_start3A_93] : memref<1024xf32, #tpu.memory_space<vmem>> -> memref<128xf32, #tpu.memory_space<vmem>>
      %dma_start3A_95 = arith.constant 0 : i32
      %dma_start3A_96 = tpu.memref_slice %arg11[%dma_start3A_92, %dma_start3A_95] : memref<8x128xi32, #tpu.memory_space<vmem>> -> memref<1x128xi32, #tpu.memory_space<vmem>>
      %dma_start3A_97 = tpu.memref_squeeze %dma_start3A_96 : memref<1x128xi32, #tpu.memory_space<vmem>> -> memref<128xi32, #tpu.memory_space<vmem>>
      %dma_start3A_98 = arith.constant 0 : i32
      %dma_start3A_99 = tpu.memref_slice %arg21[%dma_start3A_98] : memref<50176xf32, #tpu.memory_space<vmem_shared>> -> memref<50176xf32, #tpu.memory_space<vmem_shared>>
      tpu.enqueue_indirect_dma source(%dma_start3A_99 : memref<50176xf32, #tpu.memory_space<vmem_shared>>) target(%dma_start3A_94 : memref<128xf32, #tpu.memory_space<vmem>>) offsets(%dma_start3A_97 : memref<128xi32, #tpu.memory_space<vmem>>) semaphore(%arg23 : memref<!tpu.dma_semaphore, #tpu.memory_space<semaphore_mem>>)
      %dma_start3A_100 = arith.constant 2 : i32
      %dma_start3A_101 = arith.constant 256 : i32
      %dma_start3A_102 = tpu.memref_slice %arg12[%dma_start3A_101] : memref<1024xf32, #tpu.memory_space<vmem>> -> memref<128xf32, #tpu.memory_space<vmem>>
      %dma_start3A_103 = arith.constant 0 : i32
      %dma_start3A_104 = tpu.memref_slice %arg10[%dma_start3A_100, %dma_start3A_103] : memref<8x128xi32, #tpu.memory_space<vmem>> -> memref<1x128xi32, #tpu.memory_space<vmem>>
      %dma_start3A_105 = tpu.memref_squeeze %dma_start3A_104 : memref<1x128xi32, #tpu.memory_space<vmem>> -> memref<128xi32, #tpu.memory_space<vmem>>
      %dma_start3A_106 = arith.constant 0 : i32
      %dma_start3A_107 = tpu.memref_slice %arg21[%dma_start3A_106] : memref<50176xf32, #tpu.memory_space<vmem_shared>> -> memref<50176xf32, #tpu.memory_space<vmem_shared>>
      tpu.enqueue_indirect_dma source(%dma_start3A_107 : memref<50176xf32, #tpu.memory_space<vmem_shared>>) target(%dma_start3A_102 : memref<128xf32, #tpu.memory_space<vmem>>) offsets(%dma_start3A_105 : memref<128xi32, #tpu.memory_space<vmem>>) semaphore(%arg23 : memref<!tpu.dma_semaphore, #tpu.memory_space<semaphore_mem>>)
      %dma_start3A_108 = arith.constant 2 : i32
      %dma_start3A_109 = arith.constant 256 : i32
      %dma_start3A_110 = tpu.memref_slice %arg13[%dma_start3A_109] : memref<1024xf32, #tpu.memory_space<vmem>> -> memref<128xf32, #tpu.memory_space<vmem>>
      %dma_start3A_111 = arith.constant 0 : i32
      %dma_start3A_112 = tpu.memref_slice %arg11[%dma_start3A_108, %dma_start3A_111] : memref<8x128xi32, #tpu.memory_space<vmem>> -> memref<1x128xi32, #tpu.memory_space<vmem>>
      %dma_start3A_113 = tpu.memref_squeeze %dma_start3A_112 : memref<1x128xi32, #tpu.memory_space<vmem>> -> memref<128xi32, #tpu.memory_space<vmem>>
      %dma_start3A_114 = arith.constant 0 : i32
      %dma_start3A_115 = tpu.memref_slice %arg21[%dma_start3A_114] : memref<50176xf32, #tpu.memory_space<vmem_shared>> -> memref<50176xf32, #tpu.memory_space<vmem_shared>>
      tpu.enqueue_indirect_dma source(%dma_start3A_115 : memref<50176xf32, #tpu.memory_space<vmem_shared>>) target(%dma_start3A_110 : memref<128xf32, #tpu.memory_space<vmem>>) offsets(%dma_start3A_113 : memref<128xi32, #tpu.memory_space<vmem>>) semaphore(%arg23 : memref<!tpu.dma_semaphore, #tpu.memory_space<semaphore_mem>>)
      %dma_start3A_116 = arith.constant 3 : i32
      %dma_start3A_117 = arith.constant 384 : i32
      %dma_start3A_118 = tpu.memref_slice %arg12[%dma_start3A_117] : memref<1024xf32, #tpu.memory_space<vmem>> -> memref<128xf32, #tpu.memory_space<vmem>>
      %dma_start3A_119 = arith.constant 0 : i32
      %dma_start3A_120 = tpu.memref_slice %arg10[%dma_start3A_116, %dma_start3A_119] : memref<8x128xi32, #tpu.memory_space<vmem>> -> memref<1x128xi32, #tpu.memory_space<vmem>>
      %dma_start3A_121 = tpu.memref_squeeze %dma_start3A_120 : memref<1x128xi32, #tpu.memory_space<vmem>> -> memref<128xi32, #tpu.memory_space<vmem>>
      %dma_start3A_122 = arith.constant 0 : i32
      %dma_start3A_123 = tpu.memref_slice %arg21[%dma_start3A_122] : memref<50176xf32, #tpu.memory_space<vmem_shared>> -> memref<50176xf32, #tpu.memory_space<vmem_shared>>
      tpu.enqueue_indirect_dma source(%dma_start3A_123 : memref<50176xf32, #tpu.memory_space<vmem_shared>>) target(%dma_start3A_118 : memref<128xf32, #tpu.memory_space<vmem>>) offsets(%dma_start3A_121 : memref<128xi32, #tpu.memory_space<vmem>>) semaphore(%arg23 : memref<!tpu.dma_semaphore, #tpu.memory_space<semaphore_mem>>)
      %dma_start3A_124 = arith.constant 3 : i32
      %dma_start3A_125 = arith.constant 384 : i32
      %dma_start3A_126 = tpu.memref_slice %arg13[%dma_start3A_125] : memref<1024xf32, #tpu.memory_space<vmem>> -> memref<128xf32, #tpu.memory_space<vmem>>
      %dma_start3A_127 = arith.constant 0 : i32
      %dma_start3A_128 = tpu.memref_slice %arg11[%dma_start3A_124, %dma_start3A_127] : memref<8x128xi32, #tpu.memory_space<vmem>> -> memref<1x128xi32, #tpu.memory_space<vmem>>
      %dma_start3A_129 = tpu.memref_squeeze %dma_start3A_128 : memref<1x128xi32, #tpu.memory_space<vmem>> -> memref<128xi32, #tpu.memory_space<vmem>>
      %dma_start3A_130 = arith.constant 0 : i32
      %dma_start3A_131 = tpu.memref_slice %arg21[%dma_start3A_130] : memref<50176xf32, #tpu.memory_space<vmem_shared>> -> memref<50176xf32, #tpu.memory_space<vmem_shared>>
      tpu.enqueue_indirect_dma source(%dma_start3A_131 : memref<50176xf32, #tpu.memory_space<vmem_shared>>) target(%dma_start3A_126 : memref<128xf32, #tpu.memory_space<vmem>>) offsets(%dma_start3A_129 : memref<128xi32, #tpu.memory_space<vmem>>) semaphore(%arg23 : memref<!tpu.dma_semaphore, #tpu.memory_space<semaphore_mem>>)
      %dma_start3A_132 = arith.constant 4 : i32
      %dma_start3A_133 = arith.constant 512 : i32
      %dma_start3A_134 = tpu.memref_slice %arg12[%dma_start3A_133] : memref<1024xf32, #tpu.memory_space<vmem>> -> memref<128xf32, #tpu.memory_space<vmem>>
      %dma_start3A_135 = arith.constant 0 : i32
      %dma_start3A_136 = tpu.memref_slice %arg10[%dma_start3A_132, %dma_start3A_135] : memref<8x128xi32, #tpu.memory_space<vmem>> -> memref<1x128xi32, #tpu.memory_space<vmem>>
      %dma_start3A_137 = tpu.memref_squeeze %dma_start3A_136 : memref<1x128xi32, #tpu.memory_space<vmem>> -> memref<128xi32, #tpu.memory_space<vmem>>
      %dma_start3A_138 = arith.constant 0 : i32
      %dma_start3A_139 = tpu.memref_slice %arg21[%dma_start3A_138] : memref<50176xf32, #tpu.memory_space<vmem_shared>> -> memref<50176xf32, #tpu.memory_space<vmem_shared>>
      tpu.enqueue_indirect_dma source(%dma_start3A_139 : memref<50176xf32, #tpu.memory_space<vmem_shared>>) target(%dma_start3A_134 : memref<128xf32, #tpu.memory_space<vmem>>) offsets(%dma_start3A_137 : memref<128xi32, #tpu.memory_space<vmem>>) semaphore(%arg23 : memref<!tpu.dma_semaphore, #tpu.memory_space<semaphore_mem>>)
      %dma_start3A_140 = arith.constant 4 : i32
      %dma_start3A_141 = arith.constant 512 : i32
      %dma_start3A_142 = tpu.memref_slice %arg13[%dma_start3A_141] : memref<1024xf32, #tpu.memory_space<vmem>> -> memref<128xf32, #tpu.memory_space<vmem>>
      %dma_start3A_143 = arith.constant 0 : i32
      %dma_start3A_144 = tpu.memref_slice %arg11[%dma_start3A_140, %dma_start3A_143] : memref<8x128xi32, #tpu.memory_space<vmem>> -> memref<1x128xi32, #tpu.memory_space<vmem>>
      %dma_start3A_145 = tpu.memref_squeeze %dma_start3A_144 : memref<1x128xi32, #tpu.memory_space<vmem>> -> memref<128xi32, #tpu.memory_space<vmem>>
      %dma_start3A_146 = arith.constant 0 : i32
      %dma_start3A_147 = tpu.memref_slice %arg21[%dma_start3A_146] : memref<50176xf32, #tpu.memory_space<vmem_shared>> -> memref<50176xf32, #tpu.memory_space<vmem_shared>>
      tpu.enqueue_indirect_dma source(%dma_start3A_147 : memref<50176xf32, #tpu.memory_space<vmem_shared>>) target(%dma_start3A_142 : memref<128xf32, #tpu.memory_space<vmem>>) offsets(%dma_start3A_145 : memref<128xi32, #tpu.memory_space<vmem>>) semaphore(%arg23 : memref<!tpu.dma_semaphore, #tpu.memory_space<semaphore_mem>>)
      %dma_start3A_148 = arith.constant 5 : i32
      %dma_start3A_149 = arith.constant 640 : i32
      %dma_start3A_150 = tpu.memref_slice %arg12[%dma_start3A_149] : memref<1024xf32, #tpu.memory_space<vmem>> -> memref<128xf32, #tpu.memory_space<vmem>>
      %dma_start3A_151 = arith.constant 0 : i32
      %dma_start3A_152 = tpu.memref_slice %arg10[%dma_start3A_148, %dma_start3A_151] : memref<8x128xi32, #tpu.memory_space<vmem>> -> memref<1x128xi32, #tpu.memory_space<vmem>>
      %dma_start3A_153 = tpu.memref_squeeze %dma_start3A_152 : memref<1x128xi32, #tpu.memory_space<vmem>> -> memref<128xi32, #tpu.memory_space<vmem>>
      %dma_start3A_154 = arith.constant 0 : i32
      %dma_start3A_155 = tpu.memref_slice %arg21[%dma_start3A_154] : memref<50176xf32, #tpu.memory_space<vmem_shared>> -> memref<50176xf32, #tpu.memory_space<vmem_shared>>
      tpu.enqueue_indirect_dma source(%dma_start3A_155 : memref<50176xf32, #tpu.memory_space<vmem_shared>>) target(%dma_start3A_150 : memref<128xf32, #tpu.memory_space<vmem>>) offsets(%dma_start3A_153 : memref<128xi32, #tpu.memory_space<vmem>>) semaphore(%arg23 : memref<!tpu.dma_semaphore, #tpu.memory_space<semaphore_mem>>)
      %dma_start3A_156 = arith.constant 5 : i32
      %dma_start3A_157 = arith.constant 640 : i32
      %dma_start3A_158 = tpu.memref_slice %arg13[%dma_start3A_157] : memref<1024xf32, #tpu.memory_space<vmem>> -> memref<128xf32, #tpu.memory_space<vmem>>
      %dma_start3A_159 = arith.constant 0 : i32
      %dma_start3A_160 = tpu.memref_slice %arg11[%dma_start3A_156, %dma_start3A_159] : memref<8x128xi32, #tpu.memory_space<vmem>> -> memref<1x128xi32, #tpu.memory_space<vmem>>
      %dma_start3A_161 = tpu.memref_squeeze %dma_start3A_160 : memref<1x128xi32, #tpu.memory_space<vmem>> -> memref<128xi32, #tpu.memory_space<vmem>>
      %dma_start3A_162 = arith.constant 0 : i32
      %dma_start3A_163 = tpu.memref_slice %arg21[%dma_start3A_162] : memref<50176xf32, #tpu.memory_space<vmem_shared>> -> memref<50176xf32, #tpu.memory_space<vmem_shared>>
      tpu.enqueue_indirect_dma source(%dma_start3A_163 : memref<50176xf32, #tpu.memory_space<vmem_shared>>) target(%dma_start3A_158 : memref<128xf32, #tpu.memory_space<vmem>>) offsets(%dma_start3A_161 : memref<128xi32, #tpu.memory_space<vmem>>) semaphore(%arg23 : memref<!tpu.dma_semaphore, #tpu.memory_space<semaphore_mem>>)
      %dma_start3A_164 = arith.constant 6 : i32
      %dma_start3A_165 = arith.constant 768 : i32
      %dma_start3A_166 = tpu.memref_slice %arg12[%dma_start3A_165] : memref<1024xf32, #tpu.memory_space<vmem>> -> memref<128xf32, #tpu.memory_space<vmem>>
      %dma_start3A_167 = arith.constant 0 : i32
      %dma_start3A_168 = tpu.memref_slice %arg10[%dma_start3A_164, %dma_start3A_167] : memref<8x128xi32, #tpu.memory_space<vmem>> -> memref<1x128xi32, #tpu.memory_space<vmem>>
      %dma_start3A_169 = tpu.memref_squeeze %dma_start3A_168 : memref<1x128xi32, #tpu.memory_space<vmem>> -> memref<128xi32, #tpu.memory_space<vmem>>
      %dma_start3A_170 = arith.constant 0 : i32
      %dma_start3A_171 = tpu.memref_slice %arg21[%dma_start3A_170] : memref<50176xf32, #tpu.memory_space<vmem_shared>> -> memref<50176xf32, #tpu.memory_space<vmem_shared>>
      tpu.enqueue_indirect_dma source(%dma_start3A_171 : memref<50176xf32, #tpu.memory_space<vmem_shared>>) target(%dma_start3A_166 : memref<128xf32, #tpu.memory_space<vmem>>) offsets(%dma_start3A_169 : memref<128xi32, #tpu.memory_space<vmem>>) semaphore(%arg23 : memref<!tpu.dma_semaphore, #tpu.memory_space<semaphore_mem>>)
      %dma_start3A_172 = arith.constant 6 : i32
      %dma_start3A_173 = arith.constant 768 : i32
      %dma_start3A_174 = tpu.memref_slice %arg13[%dma_start3A_173] : memref<1024xf32, #tpu.memory_space<vmem>> -> memref<128xf32, #tpu.memory_space<vmem>>
      %dma_start3A_175 = arith.constant 0 : i32
      %dma_start3A_176 = tpu.memref_slice %arg11[%dma_start3A_172, %dma_start3A_175] : memref<8x128xi32, #tpu.memory_space<vmem>> -> memref<1x128xi32, #tpu.memory_space<vmem>>
      %dma_start3A_177 = tpu.memref_squeeze %dma_start3A_176 : memref<1x128xi32, #tpu.memory_space<vmem>> -> memref<128xi32, #tpu.memory_space<vmem>>
      %dma_start3A_178 = arith.constant 0 : i32
      %dma_start3A_179 = tpu.memref_slice %arg21[%dma_start3A_178] : memref<50176xf32, #tpu.memory_space<vmem_shared>> -> memref<50176xf32, #tpu.memory_space<vmem_shared>>
      tpu.enqueue_indirect_dma source(%dma_start3A_179 : memref<50176xf32, #tpu.memory_space<vmem_shared>>) target(%dma_start3A_174 : memref<128xf32, #tpu.memory_space<vmem>>) offsets(%dma_start3A_177 : memref<128xi32, #tpu.memory_space<vmem>>) semaphore(%arg23 : memref<!tpu.dma_semaphore, #tpu.memory_space<semaphore_mem>>)
      %dma_start3A_180 = arith.constant 7 : i32
      %dma_start3A_181 = arith.constant 896 : i32
      %dma_start3A_182 = tpu.memref_slice %arg12[%dma_start3A_181] : memref<1024xf32, #tpu.memory_space<vmem>> -> memref<128xf32, #tpu.memory_space<vmem>>
      %dma_start3A_183 = arith.constant 0 : i32
      %dma_start3A_184 = tpu.memref_slice %arg10[%dma_start3A_180, %dma_start3A_183] : memref<8x128xi32, #tpu.memory_space<vmem>> -> memref<1x128xi32, #tpu.memory_space<vmem>>
      %dma_start3A_185 = tpu.memref_squeeze %dma_start3A_184 : memref<1x128xi32, #tpu.memory_space<vmem>> -> memref<128xi32, #tpu.memory_space<vmem>>
      %dma_start3A_186 = arith.constant 0 : i32
      %dma_start3A_187 = tpu.memref_slice %arg21[%dma_start3A_186] : memref<50176xf32, #tpu.memory_space<vmem_shared>> -> memref<50176xf32, #tpu.memory_space<vmem_shared>>
      tpu.enqueue_indirect_dma source(%dma_start3A_187 : memref<50176xf32, #tpu.memory_space<vmem_shared>>) target(%dma_start3A_182 : memref<128xf32, #tpu.memory_space<vmem>>) offsets(%dma_start3A_185 : memref<128xi32, #tpu.memory_space<vmem>>) semaphore(%arg23 : memref<!tpu.dma_semaphore, #tpu.memory_space<semaphore_mem>>)
      %dma_start3A_188 = arith.constant 7 : i32
      %dma_start3A_189 = arith.constant 896 : i32
      %dma_start3A_190 = tpu.memref_slice %arg13[%dma_start3A_189] : memref<1024xf32, #tpu.memory_space<vmem>> -> memref<128xf32, #tpu.memory_space<vmem>>
      %dma_start3A_191 = arith.constant 0 : i32
      %dma_start3A_192 = tpu.memref_slice %arg11[%dma_start3A_188, %dma_start3A_191] : memref<8x128xi32, #tpu.memory_space<vmem>> -> memref<1x128xi32, #tpu.memory_space<vmem>>
      %dma_start3A_193 = tpu.memref_squeeze %dma_start3A_192 : memref<1x128xi32, #tpu.memory_space<vmem>> -> memref<128xi32, #tpu.memory_space<vmem>>
      %dma_start3A_194 = arith.constant 0 : i32
      %dma_start3A_195 = tpu.memref_slice %arg21[%dma_start3A_194] : memref<50176xf32, #tpu.memory_space<vmem_shared>> -> memref<50176xf32, #tpu.memory_space<vmem_shared>>
      tpu.enqueue_indirect_dma source(%dma_start3A_195 : memref<50176xf32, #tpu.memory_space<vmem_shared>>) target(%dma_start3A_190 : memref<128xf32, #tpu.memory_space<vmem>>) offsets(%dma_start3A_193 : memref<128xi32, #tpu.memory_space<vmem>>) semaphore(%arg23 : memref<!tpu.dma_semaphore, #tpu.memory_space<semaphore_mem>>)
      %dma_wait3A_196 = arith.constant 0 : i32
      %dma_wait3A_197 = tpu.memref_slice %arg2[%dma_wait3A_196, %add3A_49] : memref<7x1605632xf32, #tpu.memory_space<hbm>> -> memref<7x1024xf32, #tpu.memory_space<hbm>>
      %dma_wait3A_198 = arith.constant 0 : i32
      %dma_wait3A_199 = tpu.memref_slice %arg2[%dma_wait3A_198, %add3A_49] : memref<7x1605632xf32, #tpu.memory_space<hbm>> -> memref<7x1024xf32, #tpu.memory_space<hbm>>
      tpu.wait_dma2 semaphore(%arg22 : memref<!tpu.dma_semaphore, #tpu.memory_space<semaphore_mem>>) src(%dma_wait3A_199 : memref<7x1024xf32, #tpu.memory_space<hbm>>) dst(%arg9 : memref<7x1024xf32, #tpu.memory_space<vmem>>)
      %dma_wait3A_200 = arith.constant 0 : i32
      %dma_wait3A_201 = arith.constant 0 : i32
      %dma_wait3A_202 = tpu.memref_slice %arg12[%dma_wait3A_201] : memref<1024xf32, #tpu.memory_space<vmem>> -> memref<128xf32, #tpu.memory_space<vmem>>
      %dma_wait3A_203 = arith.constant 0 : i32
      %dma_wait3A_204 = tpu.memref_slice %arg10[%dma_wait3A_200, %dma_wait3A_203] : memref<8x128xi32, #tpu.memory_space<vmem>> -> memref<1x128xi32, #tpu.memory_space<vmem>>
      %dma_wait3A_205 = tpu.memref_squeeze %dma_wait3A_204 : memref<1x128xi32, #tpu.memory_space<vmem>> -> memref<128xi32, #tpu.memory_space<vmem>>
      %dma_wait3A_206 = arith.constant 0 : i32
      %dma_wait3A_207 = tpu.memref_slice %arg21[%dma_wait3A_206] : memref<50176xf32, #tpu.memory_space<vmem_shared>> -> memref<50176xf32, #tpu.memory_space<vmem_shared>>
      tpu.wait_indirect_dma semaphore(%arg23 : memref<!tpu.dma_semaphore, #tpu.memory_space<semaphore_mem>>) src(%dma_wait3A_207 : memref<50176xf32, #tpu.memory_space<vmem_shared>>) dst(%dma_wait3A_202 : memref<128xf32, #tpu.memory_space<vmem>>)
      %dma_wait3A_208 = arith.constant 0 : i32
      %dma_wait3A_209 = arith.constant 0 : i32
      %dma_wait3A_210 = tpu.memref_slice %arg13[%dma_wait3A_209] : memref<1024xf32, #tpu.memory_space<vmem>> -> memref<128xf32, #tpu.memory_space<vmem>>
      %dma_wait3A_211 = arith.constant 0 : i32
      %dma_wait3A_212 = tpu.memref_slice %arg11[%dma_wait3A_208, %dma_wait3A_211] : memref<8x128xi32, #tpu.memory_space<vmem>> -> memref<1x128xi32, #tpu.memory_space<vmem>>
      %dma_wait3A_213 = tpu.memref_squeeze %dma_wait3A_212 : memref<1x128xi32, #tpu.memory_space<vmem>> -> memref<128xi32, #tpu.memory_space<vmem>>
      %dma_wait3A_214 = arith.constant 0 : i32
      %dma_wait3A_215 = tpu.memref_slice %arg21[%dma_wait3A_214] : memref<50176xf32, #tpu.memory_space<vmem_shared>> -> memref<50176xf32, #tpu.memory_space<vmem_shared>>
      tpu.wait_indirect_dma semaphore(%arg23 : memref<!tpu.dma_semaphore, #tpu.memory_space<semaphore_mem>>) src(%dma_wait3A_215 : memref<50176xf32, #tpu.memory_space<vmem_shared>>) dst(%dma_wait3A_210 : memref<128xf32, #tpu.memory_space<vmem>>)
      %dma_wait3A_216 = arith.constant 1 : i32
      %dma_wait3A_217 = arith.constant 128 : i32
      %dma_wait3A_218 = tpu.memref_slice %arg12[%dma_wait3A_217] : memref<1024xf32, #tpu.memory_space<vmem>> -> memref<128xf32, #tpu.memory_space<vmem>>
      %dma_wait3A_219 = arith.constant 0 : i32
      %dma_wait3A_220 = tpu.memref_slice %arg10[%dma_wait3A_216, %dma_wait3A_219] : memref<8x128xi32, #tpu.memory_space<vmem>> -> memref<1x128xi32, #tpu.memory_space<vmem>>
      %dma_wait3A_221 = tpu.memref_squeeze %dma_wait3A_220 : memref<1x128xi32, #tpu.memory_space<vmem>> -> memref<128xi32, #tpu.memory_space<vmem>>
      %dma_wait3A_222 = arith.constant 0 : i32
      %dma_wait3A_223 = tpu.memref_slice %arg21[%dma_wait3A_222] : memref<50176xf32, #tpu.memory_space<vmem_shared>> -> memref<50176xf32, #tpu.memory_space<vmem_shared>>
      tpu.wait_indirect_dma semaphore(%arg23 : memref<!tpu.dma_semaphore, #tpu.memory_space<semaphore_mem>>) src(%dma_wait3A_223 : memref<50176xf32, #tpu.memory_space<vmem_shared>>) dst(%dma_wait3A_218 : memref<128xf32, #tpu.memory_space<vmem>>)
      %dma_wait3A_224 = arith.constant 1 : i32
      %dma_wait3A_225 = arith.constant 128 : i32
      %dma_wait3A_226 = tpu.memref_slice %arg13[%dma_wait3A_225] : memref<1024xf32, #tpu.memory_space<vmem>> -> memref<128xf32, #tpu.memory_space<vmem>>
      %dma_wait3A_227 = arith.constant 0 : i32
      %dma_wait3A_228 = tpu.memref_slice %arg11[%dma_wait3A_224, %dma_wait3A_227] : memref<8x128xi32, #tpu.memory_space<vmem>> -> memref<1x128xi32, #tpu.memory_space<vmem>>
      %dma_wait3A_229 = tpu.memref_squeeze %dma_wait3A_228 : memref<1x128xi32, #tpu.memory_space<vmem>> -> memref<128xi32, #tpu.memory_space<vmem>>
      %dma_wait3A_230 = arith.constant 0 : i32
      %dma_wait3A_231 = tpu.memref_slice %arg21[%dma_wait3A_230] : memref<50176xf32, #tpu.memory_space<vmem_shared>> -> memref<50176xf32, #tpu.memory_space<vmem_shared>>
      tpu.wait_indirect_dma semaphore(%arg23 : memref<!tpu.dma_semaphore, #tpu.memory_space<semaphore_mem>>) src(%dma_wait3A_231 : memref<50176xf32, #tpu.memory_space<vmem_shared>>) dst(%dma_wait3A_226 : memref<128xf32, #tpu.memory_space<vmem>>)
      %dma_wait3A_232 = arith.constant 2 : i32
      %dma_wait3A_233 = arith.constant 256 : i32
      %dma_wait3A_234 = tpu.memref_slice %arg12[%dma_wait3A_233] : memref<1024xf32, #tpu.memory_space<vmem>> -> memref<128xf32, #tpu.memory_space<vmem>>
      %dma_wait3A_235 = arith.constant 0 : i32
      %dma_wait3A_236 = tpu.memref_slice %arg10[%dma_wait3A_232, %dma_wait3A_235] : memref<8x128xi32, #tpu.memory_space<vmem>> -> memref<1x128xi32, #tpu.memory_space<vmem>>
      %dma_wait3A_237 = tpu.memref_squeeze %dma_wait3A_236 : memref<1x128xi32, #tpu.memory_space<vmem>> -> memref<128xi32, #tpu.memory_space<vmem>>
      %dma_wait3A_238 = arith.constant 0 : i32
      %dma_wait3A_239 = tpu.memref_slice %arg21[%dma_wait3A_238] : memref<50176xf32, #tpu.memory_space<vmem_shared>> -> memref<50176xf32, #tpu.memory_space<vmem_shared>>
      tpu.wait_indirect_dma semaphore(%arg23 : memref<!tpu.dma_semaphore, #tpu.memory_space<semaphore_mem>>) src(%dma_wait3A_239 : memref<50176xf32, #tpu.memory_space<vmem_shared>>) dst(%dma_wait3A_234 : memref<128xf32, #tpu.memory_space<vmem>>)
      %dma_wait3A_240 = arith.constant 2 : i32
      %dma_wait3A_241 = arith.constant 256 : i32
      %dma_wait3A_242 = tpu.memref_slice %arg13[%dma_wait3A_241] : memref<1024xf32, #tpu.memory_space<vmem>> -> memref<128xf32, #tpu.memory_space<vmem>>
      %dma_wait3A_243 = arith.constant 0 : i32
      %dma_wait3A_244 = tpu.memref_slice %arg11[%dma_wait3A_240, %dma_wait3A_243] : memref<8x128xi32, #tpu.memory_space<vmem>> -> memref<1x128xi32, #tpu.memory_space<vmem>>
      %dma_wait3A_245 = tpu.memref_squeeze %dma_wait3A_244 : memref<1x128xi32, #tpu.memory_space<vmem>> -> memref<128xi32, #tpu.memory_space<vmem>>
      %dma_wait3A_246 = arith.constant 0 : i32
      %dma_wait3A_247 = tpu.memref_slice %arg21[%dma_wait3A_246] : memref<50176xf32, #tpu.memory_space<vmem_shared>> -> memref<50176xf32, #tpu.memory_space<vmem_shared>>
      tpu.wait_indirect_dma semaphore(%arg23 : memref<!tpu.dma_semaphore, #tpu.memory_space<semaphore_mem>>) src(%dma_wait3A_247 : memref<50176xf32, #tpu.memory_space<vmem_shared>>) dst(%dma_wait3A_242 : memref<128xf32, #tpu.memory_space<vmem>>)
      %dma_wait3A_248 = arith.constant 3 : i32
      %dma_wait3A_249 = arith.constant 384 : i32
      %dma_wait3A_250 = tpu.memref_slice %arg12[%dma_wait3A_249] : memref<1024xf32, #tpu.memory_space<vmem>> -> memref<128xf32, #tpu.memory_space<vmem>>
      %dma_wait3A_251 = arith.constant 0 : i32
      %dma_wait3A_252 = tpu.memref_slice %arg10[%dma_wait3A_248, %dma_wait3A_251] : memref<8x128xi32, #tpu.memory_space<vmem>> -> memref<1x128xi32, #tpu.memory_space<vmem>>
      %dma_wait3A_253 = tpu.memref_squeeze %dma_wait3A_252 : memref<1x128xi32, #tpu.memory_space<vmem>> -> memref<128xi32, #tpu.memory_space<vmem>>
      %dma_wait3A_254 = arith.constant 0 : i32
      %dma_wait3A_255 = tpu.memref_slice %arg21[%dma_wait3A_254] : memref<50176xf32, #tpu.memory_space<vmem_shared>> -> memref<50176xf32, #tpu.memory_space<vmem_shared>>
      tpu.wait_indirect_dma semaphore(%arg23 : memref<!tpu.dma_semaphore, #tpu.memory_space<semaphore_mem>>) src(%dma_wait3A_255 : memref<50176xf32, #tpu.memory_space<vmem_shared>>) dst(%dma_wait3A_250 : memref<128xf32, #tpu.memory_space<vmem>>)
      %dma_wait3A_256 = arith.constant 3 : i32
      %dma_wait3A_257 = arith.constant 384 : i32
      %dma_wait3A_258 = tpu.memref_slice %arg13[%dma_wait3A_257] : memref<1024xf32, #tpu.memory_space<vmem>> -> memref<128xf32, #tpu.memory_space<vmem>>
      %dma_wait3A_259 = arith.constant 0 : i32
      %dma_wait3A_260 = tpu.memref_slice %arg11[%dma_wait3A_256, %dma_wait3A_259] : memref<8x128xi32, #tpu.memory_space<vmem>> -> memref<1x128xi32, #tpu.memory_space<vmem>>
      %dma_wait3A_261 = tpu.memref_squeeze %dma_wait3A_260 : memref<1x128xi32, #tpu.memory_space<vmem>> -> memref<128xi32, #tpu.memory_space<vmem>>
      %dma_wait3A_262 = arith.constant 0 : i32
      %dma_wait3A_263 = tpu.memref_slice %arg21[%dma_wait3A_262] : memref<50176xf32, #tpu.memory_space<vmem_shared>> -> memref<50176xf32, #tpu.memory_space<vmem_shared>>
      tpu.wait_indirect_dma semaphore(%arg23 : memref<!tpu.dma_semaphore, #tpu.memory_space<semaphore_mem>>) src(%dma_wait3A_263 : memref<50176xf32, #tpu.memory_space<vmem_shared>>) dst(%dma_wait3A_258 : memref<128xf32, #tpu.memory_space<vmem>>)
      %dma_wait3A_264 = arith.constant 4 : i32
      %dma_wait3A_265 = arith.constant 512 : i32
      %dma_wait3A_266 = tpu.memref_slice %arg12[%dma_wait3A_265] : memref<1024xf32, #tpu.memory_space<vmem>> -> memref<128xf32, #tpu.memory_space<vmem>>
      %dma_wait3A_267 = arith.constant 0 : i32
      %dma_wait3A_268 = tpu.memref_slice %arg10[%dma_wait3A_264, %dma_wait3A_267] : memref<8x128xi32, #tpu.memory_space<vmem>> -> memref<1x128xi32, #tpu.memory_space<vmem>>
      %dma_wait3A_269 = tpu.memref_squeeze %dma_wait3A_268 : memref<1x128xi32, #tpu.memory_space<vmem>> -> memref<128xi32, #tpu.memory_space<vmem>>
      %dma_wait3A_270 = arith.constant 0 : i32
      %dma_wait3A_271 = tpu.memref_slice %arg21[%dma_wait3A_270] : memref<50176xf32, #tpu.memory_space<vmem_shared>> -> memref<50176xf32, #tpu.memory_space<vmem_shared>>
      tpu.wait_indirect_dma semaphore(%arg23 : memref<!tpu.dma_semaphore, #tpu.memory_space<semaphore_mem>>) src(%dma_wait3A_271 : memref<50176xf32, #tpu.memory_space<vmem_shared>>) dst(%dma_wait3A_266 : memref<128xf32, #tpu.memory_space<vmem>>)
      %dma_wait3A_272 = arith.constant 4 : i32
      %dma_wait3A_273 = arith.constant 512 : i32
      %dma_wait3A_274 = tpu.memref_slice %arg13[%dma_wait3A_273] : memref<1024xf32, #tpu.memory_space<vmem>> -> memref<128xf32, #tpu.memory_space<vmem>>
      %dma_wait3A_275 = arith.constant 0 : i32
      %dma_wait3A_276 = tpu.memref_slice %arg11[%dma_wait3A_272, %dma_wait3A_275] : memref<8x128xi32, #tpu.memory_space<vmem>> -> memref<1x128xi32, #tpu.memory_space<vmem>>
      %dma_wait3A_277 = tpu.memref_squeeze %dma_wait3A_276 : memref<1x128xi32, #tpu.memory_space<vmem>> -> memref<128xi32, #tpu.memory_space<vmem>>
      %dma_wait3A_278 = arith.constant 0 : i32
      %dma_wait3A_279 = tpu.memref_slice %arg21[%dma_wait3A_278] : memref<50176xf32, #tpu.memory_space<vmem_shared>> -> memref<50176xf32, #tpu.memory_space<vmem_shared>>
      tpu.wait_indirect_dma semaphore(%arg23 : memref<!tpu.dma_semaphore, #tpu.memory_space<semaphore_mem>>) src(%dma_wait3A_279 : memref<50176xf32, #tpu.memory_space<vmem_shared>>) dst(%dma_wait3A_274 : memref<128xf32, #tpu.memory_space<vmem>>)
      %dma_wait3A_280 = arith.constant 5 : i32
      %dma_wait3A_281 = arith.constant 640 : i32
      %dma_wait3A_282 = tpu.memref_slice %arg12[%dma_wait3A_281] : memref<1024xf32, #tpu.memory_space<vmem>> -> memref<128xf32, #tpu.memory_space<vmem>>
      %dma_wait3A_283 = arith.constant 0 : i32
      %dma_wait3A_284 = tpu.memref_slice %arg10[%dma_wait3A_280, %dma_wait3A_283] : memref<8x128xi32, #tpu.memory_space<vmem>> -> memref<1x128xi32, #tpu.memory_space<vmem>>
      %dma_wait3A_285 = tpu.memref_squeeze %dma_wait3A_284 : memref<1x128xi32, #tpu.memory_space<vmem>> -> memref<128xi32, #tpu.memory_space<vmem>>
      %dma_wait3A_286 = arith.constant 0 : i32
      %dma_wait3A_287 = tpu.memref_slice %arg21[%dma_wait3A_286] : memref<50176xf32, #tpu.memory_space<vmem_shared>> -> memref<50176xf32, #tpu.memory_space<vmem_shared>>
      tpu.wait_indirect_dma semaphore(%arg23 : memref<!tpu.dma_semaphore, #tpu.memory_space<semaphore_mem>>) src(%dma_wait3A_287 : memref<50176xf32, #tpu.memory_space<vmem_shared>>) dst(%dma_wait3A_282 : memref<128xf32, #tpu.memory_space<vmem>>)
      %dma_wait3A_288 = arith.constant 5 : i32
      %dma_wait3A_289 = arith.constant 640 : i32
      %dma_wait3A_290 = tpu.memref_slice %arg13[%dma_wait3A_289] : memref<1024xf32, #tpu.memory_space<vmem>> -> memref<128xf32, #tpu.memory_space<vmem>>
      %dma_wait3A_291 = arith.constant 0 : i32
      %dma_wait3A_292 = tpu.memref_slice %arg11[%dma_wait3A_288, %dma_wait3A_291] : memref<8x128xi32, #tpu.memory_space<vmem>> -> memref<1x128xi32, #tpu.memory_space<vmem>>
      %dma_wait3A_293 = tpu.memref_squeeze %dma_wait3A_292 : memref<1x128xi32, #tpu.memory_space<vmem>> -> memref<128xi32, #tpu.memory_space<vmem>>
      %dma_wait3A_294 = arith.constant 0 : i32
      %dma_wait3A_295 = tpu.memref_slice %arg21[%dma_wait3A_294] : memref<50176xf32, #tpu.memory_space<vmem_shared>> -> memref<50176xf32, #tpu.memory_space<vmem_shared>>
      tpu.wait_indirect_dma semaphore(%arg23 : memref<!tpu.dma_semaphore, #tpu.memory_space<semaphore_mem>>) src(%dma_wait3A_295 : memref<50176xf32, #tpu.memory_space<vmem_shared>>) dst(%dma_wait3A_290 : memref<128xf32, #tpu.memory_space<vmem>>)
      %dma_wait3A_296 = arith.constant 6 : i32
      %dma_wait3A_297 = arith.constant 768 : i32
      %dma_wait3A_298 = tpu.memref_slice %arg12[%dma_wait3A_297] : memref<1024xf32, #tpu.memory_space<vmem>> -> memref<128xf32, #tpu.memory_space<vmem>>
      %dma_wait3A_299 = arith.constant 0 : i32
      %dma_wait3A_300 = tpu.memref_slice %arg10[%dma_wait3A_296, %dma_wait3A_299] : memref<8x128xi32, #tpu.memory_space<vmem>> -> memref<1x128xi32, #tpu.memory_space<vmem>>
      %dma_wait3A_301 = tpu.memref_squeeze %dma_wait3A_300 : memref<1x128xi32, #tpu.memory_space<vmem>> -> memref<128xi32, #tpu.memory_space<vmem>>
      %dma_wait3A_302 = arith.constant 0 : i32
      %dma_wait3A_303 = tpu.memref_slice %arg21[%dma_wait3A_302] : memref<50176xf32, #tpu.memory_space<vmem_shared>> -> memref<50176xf32, #tpu.memory_space<vmem_shared>>
      tpu.wait_indirect_dma semaphore(%arg23 : memref<!tpu.dma_semaphore, #tpu.memory_space<semaphore_mem>>) src(%dma_wait3A_303 : memref<50176xf32, #tpu.memory_space<vmem_shared>>) dst(%dma_wait3A_298 : memref<128xf32, #tpu.memory_space<vmem>>)
      %dma_wait3A_304 = arith.constant 6 : i32
      %dma_wait3A_305 = arith.constant 768 : i32
      %dma_wait3A_306 = tpu.memref_slice %arg13[%dma_wait3A_305] : memref<1024xf32, #tpu.memory_space<vmem>> -> memref<128xf32, #tpu.memory_space<vmem>>
      %dma_wait3A_307 = arith.constant 0 : i32
      %dma_wait3A_308 = tpu.memref_slice %arg11[%dma_wait3A_304, %dma_wait3A_307] : memref<8x128xi32, #tpu.memory_space<vmem>> -> memref<1x128xi32, #tpu.memory_space<vmem>>
      %dma_wait3A_309 = tpu.memref_squeeze %dma_wait3A_308 : memref<1x128xi32, #tpu.memory_space<vmem>> -> memref<128xi32, #tpu.memory_space<vmem>>
      %dma_wait3A_310 = arith.constant 0 : i32
      %dma_wait3A_311 = tpu.memref_slice %arg21[%dma_wait3A_310] : memref<50176xf32, #tpu.memory_space<vmem_shared>> -> memref<50176xf32, #tpu.memory_space<vmem_shared>>
      tpu.wait_indirect_dma semaphore(%arg23 : memref<!tpu.dma_semaphore, #tpu.memory_space<semaphore_mem>>) src(%dma_wait3A_311 : memref<50176xf32, #tpu.memory_space<vmem_shared>>) dst(%dma_wait3A_306 : memref<128xf32, #tpu.memory_space<vmem>>)
      %dma_wait3A_312 = arith.constant 7 : i32
      %dma_wait3A_313 = arith.constant 896 : i32
      %dma_wait3A_314 = tpu.memref_slice %arg12[%dma_wait3A_313] : memref<1024xf32, #tpu.memory_space<vmem>> -> memref<128xf32, #tpu.memory_space<vmem>>
      %dma_wait3A_315 = arith.constant 0 : i32
      %dma_wait3A_316 = tpu.memref_slice %arg10[%dma_wait3A_312, %dma_wait3A_315] : memref<8x128xi32, #tpu.memory_space<vmem>> -> memref<1x128xi32, #tpu.memory_space<vmem>>
      %dma_wait3A_317 = tpu.memref_squeeze %dma_wait3A_316 : memref<1x128xi32, #tpu.memory_space<vmem>> -> memref<128xi32, #tpu.memory_space<vmem>>
      %dma_wait3A_318 = arith.constant 0 : i32
      %dma_wait3A_319 = tpu.memref_slice %arg21[%dma_wait3A_318] : memref<50176xf32, #tpu.memory_space<vmem_shared>> -> memref<50176xf32, #tpu.memory_space<vmem_shared>>
      tpu.wait_indirect_dma semaphore(%arg23 : memref<!tpu.dma_semaphore, #tpu.memory_space<semaphore_mem>>) src(%dma_wait3A_319 : memref<50176xf32, #tpu.memory_space<vmem_shared>>) dst(%dma_wait3A_314 : memref<128xf32, #tpu.memory_space<vmem>>)
      %dma_wait3A_320 = arith.constant 7 : i32
      %dma_wait3A_321 = arith.constant 896 : i32
      %dma_wait3A_322 = tpu.memref_slice %arg13[%dma_wait3A_321] : memref<1024xf32, #tpu.memory_space<vmem>> -> memref<128xf32, #tpu.memory_space<vmem>>
      %dma_wait3A_323 = arith.constant 0 : i32
      %dma_wait3A_324 = tpu.memref_slice %arg11[%dma_wait3A_320, %dma_wait3A_323] : memref<8x128xi32, #tpu.memory_space<vmem>> -> memref<1x128xi32, #tpu.memory_space<vmem>>
      %dma_wait3A_325 = tpu.memref_squeeze %dma_wait3A_324 : memref<1x128xi32, #tpu.memory_space<vmem>> -> memref<128xi32, #tpu.memory_space<vmem>>
      %dma_wait3A_326 = arith.constant 0 : i32
      %dma_wait3A_327 = tpu.memref_slice %arg21[%dma_wait3A_326] : memref<50176xf32, #tpu.memory_space<vmem_shared>> -> memref<50176xf32, #tpu.memory_space<vmem_shared>>
      tpu.wait_indirect_dma semaphore(%arg23 : memref<!tpu.dma_semaphore, #tpu.memory_space<semaphore_mem>>) src(%dma_wait3A_327 : memref<50176xf32, #tpu.memory_space<vmem_shared>>) dst(%dma_wait3A_322 : memref<128xf32, #tpu.memory_space<vmem>>)
      %scan3A_328 = arith.constant 0 : i32
      %scan3A_329 = arith.constant 16 : i32
      %scan3A_330 = arith.addi %scan3A_328, %scan3A_329 : i32
      %scan3A_331 = arith.constant 1 : i32
      %scan3A_332 = scf.for %scan3A_718 = %scan3A_328 to %scan3A_330 step %scan3A_331 iter_args(%scan3A_719 = %scan3A_39) -> (vector<16xf32>)  : i32 {
        %mul3A_720 = arith.constant 4 : i32
        %mul3A_721 = arith.muli %scan3A_718, %mul3A_720 : i32
        %add3A_722 = arith.constant 0 : i32
        %add3A_723 = arith.addi %mul3A_721, %add3A_722 : i32
        %mul3A_724 = arith.constant 16 : i32
        %mul3A_725 = arith.muli %add3A_723, %mul3A_724 : i32
        %add3A_726 = vector.broadcast %mul3A_725 : i32 to vector<16xi32>
        %add3A_727 = arith.addi %add3A_726, %iota3A : vector<16xi32>
        %gather3A = tpu.vector_load_idx %arg12[%add3A_727] : memref<1024xf32, #tpu.memory_space<vmem>>[vector<16xi32>], vector<16xf32>,
        %gather3A_728 = tpu.vector_load_idx %arg13[%add3A_727] : memref<1024xf32, #tpu.memory_space<vmem>>[vector<16xi32>], vector<16xf32>,
        %broadcast_in_dim3A_729 = arith.constant 0 : i32
        %broadcast_in_dim3A_730 = vector.broadcast %broadcast_in_dim3A_729 : i32 to vector<16xi32>
        %gather3A_731 = tpu.vector_load_idx %arg9[%broadcast_in_dim3A_730, %add3A_727] : memref<7x1024xf32, #tpu.memory_space<vmem>>[vector<16xi32>, vector<16xi32>], vector<16xf32>,
        %broadcast_in_dim3A_732 = arith.constant 1 : i32
        %broadcast_in_dim3A_733 = vector.broadcast %broadcast_in_dim3A_732 : i32 to vector<16xi32>
        %gather3A_734 = tpu.vector_load_idx %arg9[%broadcast_in_dim3A_733, %add3A_727] : memref<7x1024xf32, #tpu.memory_space<vmem>>[vector<16xi32>, vector<16xi32>], vector<16xf32>,
        %broadcast_in_dim3A_735 = arith.constant 2 : i32
        %broadcast_in_dim3A_736 = vector.broadcast %broadcast_in_dim3A_735 : i32 to vector<16xi32>
        %gather3A_737 = tpu.vector_load_idx %arg9[%broadcast_in_dim3A_736, %add3A_727] : memref<7x1024xf32, #tpu.memory_space<vmem>>[vector<16xi32>, vector<16xi32>], vector<16xf32>,
        %broadcast_in_dim3A_738 = arith.constant 3 : i32
        %broadcast_in_dim3A_739 = vector.broadcast %broadcast_in_dim3A_738 : i32 to vector<16xi32>
        %gather3A_740 = tpu.vector_load_idx %arg9[%broadcast_in_dim3A_739, %add3A_727] : memref<7x1024xf32, #tpu.memory_space<vmem>>[vector<16xi32>, vector<16xi32>], vector<16xf32>,
        %broadcast_in_dim3A_741 = arith.constant 4 : i32
        %broadcast_in_dim3A_742 = vector.broadcast %broadcast_in_dim3A_741 : i32 to vector<16xi32>
        %gather3A_743 = tpu.vector_load_idx %arg9[%broadcast_in_dim3A_742, %add3A_727] : memref<7x1024xf32, #tpu.memory_space<vmem>>[vector<16xi32>, vector<16xi32>], vector<16xf32>,
        %broadcast_in_dim3A_744 = arith.constant 5 : i32
        %broadcast_in_dim3A_745 = vector.broadcast %broadcast_in_dim3A_744 : i32 to vector<16xi32>
        %gather3A_746 = tpu.vector_load_idx %arg9[%broadcast_in_dim3A_745, %add3A_727] : memref<7x1024xf32, #tpu.memory_space<vmem>>[vector<16xi32>, vector<16xi32>], vector<16xf32>,
        %broadcast_in_dim3A_747 = arith.constant 6 : i32
        %broadcast_in_dim3A_748 = vector.broadcast %broadcast_in_dim3A_747 : i32 to vector<16xi32>
        %gather3A_749 = tpu.vector_load_idx %arg9[%broadcast_in_dim3A_748, %add3A_727] : memref<7x1024xf32, #tpu.memory_space<vmem>>[vector<16xi32>, vector<16xi32>], vector<16xf32>,
        %mul3A_750 = arith.mulf %gather3A, %gather3A_731 : vector<16xf32>
        %mul3A_751 = arith.mulf %gather3A_728, %gather3A_734 : vector<16xf32>
        %add3A_752 = arith.addf %mul3A_750, %mul3A_751 : vector<16xf32>
        %add3A_753 = arith.addf %add3A_752, %gather3A_737 : vector<16xf32>
        %mul3A_754 = arith.mulf %add3A_753, %gather3A_749 : vector<16xf32>
        %add3A_755 = arith.addf %scan3A_719, %mul3A_754 : vector<16xf32>
        %mul3A_756 = arith.mulf %add3A_753, %gather3A_740 : vector<16xf32>
        %neg3A = arith.constant 0.000000e+00 : f32
        %neg3A_757 = vector.broadcast %neg3A : f32 to vector<16xf32>
        %neg3A_758 = arith.subf %neg3A_757, %mul3A_756 : vector<16xf32>
        tpu.vector_store_idx %arg14[%add3A_727], %neg3A_758 : memref<1024xf32, #tpu.memory_space<vmem>>[vector<16xi32>], vector<16xf32>,
        %mul3A_759 = arith.mulf %add3A_753, %gather3A_743 : vector<16xf32>
        %neg3A_760 = arith.constant 0.000000e+00 : f32
        %neg3A_761 = vector.broadcast %neg3A_760 : f32 to vector<16xf32>
        %neg3A_762 = arith.subf %neg3A_761, %mul3A_759 : vector<16xf32>
        tpu.vector_store_idx %arg15[%add3A_727], %neg3A_762 : memref<1024xf32, #tpu.memory_space<vmem>>[vector<16xi32>], vector<16xf32>,
        %mul3A_763 = arith.mulf %add3A_753, %gather3A_746 : vector<16xf32>
        %neg3A_764 = arith.constant 0.000000e+00 : f32
        %neg3A_765 = vector.broadcast %neg3A_764 : f32 to vector<16xf32>
        %neg3A_766 = arith.subf %neg3A_765, %mul3A_763 : vector<16xf32>
        tpu.vector_store_idx %arg16[%add3A_727], %neg3A_766 : memref<1024xf32, #tpu.memory_space<vmem>>[vector<16xi32>], vector<16xf32>,
        %mul3A_767 = arith.constant 4 : i32
        %mul3A_768 = arith.muli %scan3A_718, %mul3A_767 : i32
        %add3A_769 = arith.constant 1 : i32
        %add3A_770 = arith.addi %mul3A_768, %add3A_769 : i32
        %mul3A_771 = arith.constant 16 : i32
        %mul3A_772 = arith.muli %add3A_770, %mul3A_771 : i32
        %add3A_773 = vector.broadcast %mul3A_772 : i32 to vector<16xi32>
        %add3A_774 = arith.addi %add3A_773, %iota3A : vector<16xi32>
        %gather3A_775 = tpu.vector_load_idx %arg12[%add3A_774] : memref<1024xf32, #tpu.memory_space<vmem>>[vector<16xi32>], vector<16xf32>,
        %gather3A_776 = tpu.vector_load_idx %arg13[%add3A_774] : memref<1024xf32, #tpu.memory_space<vmem>>[vector<16xi32>], vector<16xf32>,
        %broadcast_in_dim3A_777 = arith.constant 0 : i32
        %broadcast_in_dim3A_778 = vector.broadcast %broadcast_in_dim3A_777 : i32 to vector<16xi32>
        %gather3A_779 = tpu.vector_load_idx %arg9[%broadcast_in_dim3A_778, %add3A_774] : memref<7x1024xf32, #tpu.memory_space<vmem>>[vector<16xi32>, vector<16xi32>], vector<16xf32>,
        %broadcast_in_dim3A_780 = arith.constant 1 : i32
        %broadcast_in_dim3A_781 = vector.broadcast %broadcast_in_dim3A_780 : i32 to vector<16xi32>
        %gather3A_782 = tpu.vector_load_idx %arg9[%broadcast_in_dim3A_781, %add3A_774] : memref<7x1024xf32, #tpu.memory_space<vmem>>[vector<16xi32>, vector<16xi32>], vector<16xf32>,
        %broadcast_in_dim3A_783 = arith.constant 2 : i32
        %broadcast_in_dim3A_784 = vector.broadcast %broadcast_in_dim3A_783 : i32 to vector<16xi32>
        %gather3A_785 = tpu.vector_load_idx %arg9[%broadcast_in_dim3A_784, %add3A_774] : memref<7x1024xf32, #tpu.memory_space<vmem>>[vector<16xi32>, vector<16xi32>], vector<16xf32>,
        %broadcast_in_dim3A_786 = arith.constant 3 : i32
        %broadcast_in_dim3A_787 = vector.broadcast %broadcast_in_dim3A_786 : i32 to vector<16xi32>
        %gather3A_788 = tpu.vector_load_idx %arg9[%broadcast_in_dim3A_787, %add3A_774] : memref<7x1024xf32, #tpu.memory_space<vmem>>[vector<16xi32>, vector<16xi32>], vector<16xf32>,
        %broadcast_in_dim3A_789 = arith.constant 4 : i32
        %broadcast_in_dim3A_790 = vector.broadcast %broadcast_in_dim3A_789 : i32 to vector<16xi32>
        %gather3A_791 = tpu.vector_load_idx %arg9[%broadcast_in_dim3A_790, %add3A_774] : memref<7x1024xf32, #tpu.memory_space<vmem>>[vector<16xi32>, vector<16xi32>], vector<16xf32>,
        %broadcast_in_dim3A_792 = arith.constant 5 : i32
        %broadcast_in_dim3A_793 = vector.broadcast %broadcast_in_dim3A_792 : i32 to vector<16xi32>
        %gather3A_794 = tpu.vector_load_idx %arg9[%broadcast_in_dim3A_793, %add3A_774] : memref<7x1024xf32, #tpu.memory_space<vmem>>[vector<16xi32>, vector<16xi32>], vector<16xf32>,
        %broadcast_in_dim3A_795 = arith.constant 6 : i32
        %broadcast_in_dim3A_796 = vector.broadcast %broadcast_in_dim3A_795 : i32 to vector<16xi32>
        %gather3A_797 = tpu.vector_load_idx %arg9[%broadcast_in_dim3A_796, %add3A_774] : memref<7x1024xf32, #tpu.memory_space<vmem>>[vector<16xi32>, vector<16xi32>], vector<16xf32>,
        %mul3A_798 = arith.mulf %gather3A_775, %gather3A_779 : vector<16xf32>
        %mul3A_799 = arith.mulf %gather3A_776, %gather3A_782 : vector<16xf32>
        %add3A_800 = arith.addf %mul3A_798, %mul3A_799 : vector<16xf32>
        %add3A_801 = arith.addf %add3A_800, %gather3A_785 : vector<16xf32>
        %mul3A_802 = arith.mulf %add3A_801, %gather3A_797 : vector<16xf32>
        %add3A_803 = arith.addf %add3A_755, %mul3A_802 : vector<16xf32>
        %mul3A_804 = arith.mulf %add3A_801, %gather3A_788 : vector<16xf32>
        %neg3A_805 = arith.constant 0.000000e+00 : f32
        %neg3A_806 = vector.broadcast %neg3A_805 : f32 to vector<16xf32>
        %neg3A_807 = arith.subf %neg3A_806, %mul3A_804 : vector<16xf32>
        tpu.vector_store_idx %arg14[%add3A_774], %neg3A_807 : memref<1024xf32, #tpu.memory_space<vmem>>[vector<16xi32>], vector<16xf32>,
        %mul3A_808 = arith.mulf %add3A_801, %gather3A_791 : vector<16xf32>
        %neg3A_809 = arith.constant 0.000000e+00 : f32
        %neg3A_810 = vector.broadcast %neg3A_809 : f32 to vector<16xf32>
        %neg3A_811 = arith.subf %neg3A_810, %mul3A_808 : vector<16xf32>
        tpu.vector_store_idx %arg15[%add3A_774], %neg3A_811 : memref<1024xf32, #tpu.memory_space<vmem>>[vector<16xi32>], vector<16xf32>,
        %mul3A_812 = arith.mulf %add3A_801, %gather3A_794 : vector<16xf32>
        %neg3A_813 = arith.constant 0.000000e+00 : f32
        %neg3A_814 = vector.broadcast %neg3A_813 : f32 to vector<16xf32>
        %neg3A_815 = arith.subf %neg3A_814, %mul3A_812 : vector<16xf32>
        tpu.vector_store_idx %arg16[%add3A_774], %neg3A_815 : memref<1024xf32, #tpu.memory_space<vmem>>[vector<16xi32>], vector<16xf32>,
        %mul3A_816 = arith.constant 4 : i32
        %mul3A_817 = arith.muli %scan3A_718, %mul3A_816 : i32
        %add3A_818 = arith.constant 2 : i32
        %add3A_819 = arith.addi %mul3A_817, %add3A_818 : i32
        %mul3A_820 = arith.constant 16 : i32
        %mul3A_821 = arith.muli %add3A_819, %mul3A_820 : i32
        %add3A_822 = vector.broadcast %mul3A_821 : i32 to vector<16xi32>
        %add3A_823 = arith.addi %add3A_822, %iota3A : vector<16xi32>
        %gather3A_824 = tpu.vector_load_idx %arg12[%add3A_823] : memref<1024xf32, #tpu.memory_space<vmem>>[vector<16xi32>], vector<16xf32>,
        %gather3A_825 = tpu.vector_load_idx %arg13[%add3A_823] : memref<1024xf32, #tpu.memory_space<vmem>>[vector<16xi32>], vector<16xf32>,
        %broadcast_in_dim3A_826 = arith.constant 0 : i32
        %broadcast_in_dim3A_827 = vector.broadcast %broadcast_in_dim3A_826 : i32 to vector<16xi32>
        %gather3A_828 = tpu.vector_load_idx %arg9[%broadcast_in_dim3A_827, %add3A_823] : memref<7x1024xf32, #tpu.memory_space<vmem>>[vector<16xi32>, vector<16xi32>], vector<16xf32>,
        %broadcast_in_dim3A_829 = arith.constant 1 : i32
        %broadcast_in_dim3A_830 = vector.broadcast %broadcast_in_dim3A_829 : i32 to vector<16xi32>
        %gather3A_831 = tpu.vector_load_idx %arg9[%broadcast_in_dim3A_830, %add3A_823] : memref<7x1024xf32, #tpu.memory_space<vmem>>[vector<16xi32>, vector<16xi32>], vector<16xf32>,
        %broadcast_in_dim3A_832 = arith.constant 2 : i32
        %broadcast_in_dim3A_833 = vector.broadcast %broadcast_in_dim3A_832 : i32 to vector<16xi32>
        %gather3A_834 = tpu.vector_load_idx %arg9[%broadcast_in_dim3A_833, %add3A_823] : memref<7x1024xf32, #tpu.memory_space<vmem>>[vector<16xi32>, vector<16xi32>], vector<16xf32>,
        %broadcast_in_dim3A_835 = arith.constant 3 : i32
        %broadcast_in_dim3A_836 = vector.broadcast %broadcast_in_dim3A_835 : i32 to vector<16xi32>
        %gather3A_837 = tpu.vector_load_idx %arg9[%broadcast_in_dim3A_836, %add3A_823] : memref<7x1024xf32, #tpu.memory_space<vmem>>[vector<16xi32>, vector<16xi32>], vector<16xf32>,
        %broadcast_in_dim3A_838 = arith.constant 4 : i32
        %broadcast_in_dim3A_839 = vector.broadcast %broadcast_in_dim3A_838 : i32 to vector<16xi32>
        %gather3A_840 = tpu.vector_load_idx %arg9[%broadcast_in_dim3A_839, %add3A_823] : memref<7x1024xf32, #tpu.memory_space<vmem>>[vector<16xi32>, vector<16xi32>], vector<16xf32>,
        %broadcast_in_dim3A_841 = arith.constant 5 : i32
        %broadcast_in_dim3A_842 = vector.broadcast %broadcast_in_dim3A_841 : i32 to vector<16xi32>
        %gather3A_843 = tpu.vector_load_idx %arg9[%broadcast_in_dim3A_842, %add3A_823] : memref<7x1024xf32, #tpu.memory_space<vmem>>[vector<16xi32>, vector<16xi32>], vector<16xf32>,
        %broadcast_in_dim3A_844 = arith.constant 6 : i32
        %broadcast_in_dim3A_845 = vector.broadcast %broadcast_in_dim3A_844 : i32 to vector<16xi32>
        %gather3A_846 = tpu.vector_load_idx %arg9[%broadcast_in_dim3A_845, %add3A_823] : memref<7x1024xf32, #tpu.memory_space<vmem>>[vector<16xi32>, vector<16xi32>], vector<16xf32>,
        %mul3A_847 = arith.mulf %gather3A_824, %gather3A_828 : vector<16xf32>
        %mul3A_848 = arith.mulf %gather3A_825, %gather3A_831 : vector<16xf32>
        %add3A_849 = arith.addf %mul3A_847, %mul3A_848 : vector<16xf32>
        %add3A_850 = arith.addf %add3A_849, %gather3A_834 : vector<16xf32>
        %mul3A_851 = arith.mulf %add3A_850, %gather3A_846 : vector<16xf32>
        %add3A_852 = arith.addf %add3A_803, %mul3A_851 : vector<16xf32>
        %mul3A_853 = arith.mulf %add3A_850, %gather3A_837 : vector<16xf32>
        %neg3A_854 = arith.constant 0.000000e+00 : f32
        %neg3A_855 = vector.broadcast %neg3A_854 : f32 to vector<16xf32>
        %neg3A_856 = arith.subf %neg3A_855, %mul3A_853 : vector<16xf32>
        tpu.vector_store_idx %arg14[%add3A_823], %neg3A_856 : memref<1024xf32, #tpu.memory_space<vmem>>[vector<16xi32>], vector<16xf32>,
        %mul3A_857 = arith.mulf %add3A_850, %gather3A_840 : vector<16xf32>
        %neg3A_858 = arith.constant 0.000000e+00 : f32
        %neg3A_859 = vector.broadcast %neg3A_858 : f32 to vector<16xf32>
        %neg3A_860 = arith.subf %neg3A_859, %mul3A_857 : vector<16xf32>
        tpu.vector_store_idx %arg15[%add3A_823], %neg3A_860 : memref<1024xf32, #tpu.memory_space<vmem>>[vector<16xi32>], vector<16xf32>,
        %mul3A_861 = arith.mulf %add3A_850, %gather3A_843 : vector<16xf32>
        %neg3A_862 = arith.constant 0.000000e+00 : f32
        %neg3A_863 = vector.broadcast %neg3A_862 : f32 to vector<16xf32>
        %neg3A_864 = arith.subf %neg3A_863, %mul3A_861 : vector<16xf32>
        tpu.vector_store_idx %arg16[%add3A_823], %neg3A_864 : memref<1024xf32, #tpu.memory_space<vmem>>[vector<16xi32>], vector<16xf32>,
        %mul3A_865 = arith.constant 4 : i32
        %mul3A_866 = arith.muli %scan3A_718, %mul3A_865 : i32
        %add3A_867 = arith.constant 3 : i32
        %add3A_868 = arith.addi %mul3A_866, %add3A_867 : i32
        %mul3A_869 = arith.constant 16 : i32
        %mul3A_870 = arith.muli %add3A_868, %mul3A_869 : i32
        %add3A_871 = vector.broadcast %mul3A_870 : i32 to vector<16xi32>
        %add3A_872 = arith.addi %add3A_871, %iota3A : vector<16xi32>
        %gather3A_873 = tpu.vector_load_idx %arg12[%add3A_872] : memref<1024xf32, #tpu.memory_space<vmem>>[vector<16xi32>], vector<16xf32>,
        %gather3A_874 = tpu.vector_load_idx %arg13[%add3A_872] : memref<1024xf32, #tpu.memory_space<vmem>>[vector<16xi32>], vector<16xf32>,
        %broadcast_in_dim3A_875 = arith.constant 0 : i32
        %broadcast_in_dim3A_876 = vector.broadcast %broadcast_in_dim3A_875 : i32 to vector<16xi32>
        %gather3A_877 = tpu.vector_load_idx %arg9[%broadcast_in_dim3A_876, %add3A_872] : memref<7x1024xf32, #tpu.memory_space<vmem>>[vector<16xi32>, vector<16xi32>], vector<16xf32>,
        %broadcast_in_dim3A_878 = arith.constant 1 : i32
        %broadcast_in_dim3A_879 = vector.broadcast %broadcast_in_dim3A_878 : i32 to vector<16xi32>
        %gather3A_880 = tpu.vector_load_idx %arg9[%broadcast_in_dim3A_879, %add3A_872] : memref<7x1024xf32, #tpu.memory_space<vmem>>[vector<16xi32>, vector<16xi32>], vector<16xf32>,
        %broadcast_in_dim3A_881 = arith.constant 2 : i32
        %broadcast_in_dim3A_882 = vector.broadcast %broadcast_in_dim3A_881 : i32 to vector<16xi32>
        %gather3A_883 = tpu.vector_load_idx %arg9[%broadcast_in_dim3A_882, %add3A_872] : memref<7x1024xf32, #tpu.memory_space<vmem>>[vector<16xi32>, vector<16xi32>], vector<16xf32>,
        %broadcast_in_dim3A_884 = arith.constant 3 : i32
        %broadcast_in_dim3A_885 = vector.broadcast %broadcast_in_dim3A_884 : i32 to vector<16xi32>
        %gather3A_886 = tpu.vector_load_idx %arg9[%broadcast_in_dim3A_885, %add3A_872] : memref<7x1024xf32, #tpu.memory_space<vmem>>[vector<16xi32>, vector<16xi32>], vector<16xf32>,
        %broadcast_in_dim3A_887 = arith.constant 4 : i32
        %broadcast_in_dim3A_888 = vector.broadcast %broadcast_in_dim3A_887 : i32 to vector<16xi32>
        %gather3A_889 = tpu.vector_load_idx %arg9[%broadcast_in_dim3A_888, %add3A_872] : memref<7x1024xf32, #tpu.memory_space<vmem>>[vector<16xi32>, vector<16xi32>], vector<16xf32>,
        %broadcast_in_dim3A_890 = arith.constant 5 : i32
        %broadcast_in_dim3A_891 = vector.broadcast %broadcast_in_dim3A_890 : i32 to vector<16xi32>
        %gather3A_892 = tpu.vector_load_idx %arg9[%broadcast_in_dim3A_891, %add3A_872] : memref<7x1024xf32, #tpu.memory_space<vmem>>[vector<16xi32>, vector<16xi32>], vector<16xf32>,
        %broadcast_in_dim3A_893 = arith.constant 6 : i32
        %broadcast_in_dim3A_894 = vector.broadcast %broadcast_in_dim3A_893 : i32 to vector<16xi32>
        %gather3A_895 = tpu.vector_load_idx %arg9[%broadcast_in_dim3A_894, %add3A_872] : memref<7x1024xf32, #tpu.memory_space<vmem>>[vector<16xi32>, vector<16xi32>], vector<16xf32>,
        %mul3A_896 = arith.mulf %gather3A_873, %gather3A_877 : vector<16xf32>
        %mul3A_897 = arith.mulf %gather3A_874, %gather3A_880 : vector<16xf32>
        %add3A_898 = arith.addf %mul3A_896, %mul3A_897 : vector<16xf32>
        %add3A_899 = arith.addf %add3A_898, %gather3A_883 : vector<16xf32>
        %mul3A_900 = arith.mulf %add3A_899, %gather3A_895 : vector<16xf32>
        %add3A_901 = arith.addf %add3A_852, %mul3A_900 : vector<16xf32>
        %mul3A_902 = arith.mulf %add3A_899, %gather3A_886 : vector<16xf32>
        %neg3A_903 = arith.constant 0.000000e+00 : f32
        %neg3A_904 = vector.broadcast %neg3A_903 : f32 to vector<16xf32>
        %neg3A_905 = arith.subf %neg3A_904, %mul3A_902 : vector<16xf32>
        tpu.vector_store_idx %arg14[%add3A_872], %neg3A_905 : memref<1024xf32, #tpu.memory_space<vmem>>[vector<16xi32>], vector<16xf32>,
        %mul3A_906 = arith.mulf %add3A_899, %gather3A_889 : vector<16xf32>
        %neg3A_907 = arith.constant 0.000000e+00 : f32
        %neg3A_908 = vector.broadcast %neg3A_907 : f32 to vector<16xf32>
        %neg3A_909 = arith.subf %neg3A_908, %mul3A_906 : vector<16xf32>
        tpu.vector_store_idx %arg15[%add3A_872], %neg3A_909 : memref<1024xf32, #tpu.memory_space<vmem>>[vector<16xi32>], vector<16xf32>,
        %mul3A_910 = arith.mulf %add3A_899, %gather3A_892 : vector<16xf32>
        %neg3A_911 = arith.constant 0.000000e+00 : f32
        %neg3A_912 = vector.broadcast %neg3A_911 : f32 to vector<16xf32>
        %neg3A_913 = arith.subf %neg3A_912, %mul3A_910 : vector<16xf32>
        tpu.vector_store_idx %arg16[%add3A_872], %neg3A_913 : memref<1024xf32, #tpu.memory_space<vmem>>[vector<16xi32>], vector<16xf32>,
        scf.yield %add3A_901 : vector<16xf32>
      }
      %scan3A_333 = arith.constant 16 : i32
      %dma_start3A_334 = arith.constant 0 : i32
      %dma_start3A_335 = arith.constant 0 : i32
      %dma_start3A_336 = tpu.memref_slice %arg14[%dma_start3A_335] : memref<1024xf32, #tpu.memory_space<vmem>> -> memref<128xf32, #tpu.memory_space<vmem>>
      %dma_start3A_337 = arith.constant 0 : i32
      %dma_start3A_338 = tpu.memref_slice %arg10[%dma_start3A_334, %dma_start3A_337] : memref<8x128xi32, #tpu.memory_space<vmem>> -> memref<1x128xi32, #tpu.memory_space<vmem>>
      %dma_start3A_339 = tpu.memref_squeeze %dma_start3A_338 : memref<1x128xi32, #tpu.memory_space<vmem>> -> memref<128xi32, #tpu.memory_space<vmem>>
      %dma_start3A_340 = arith.constant 0 : i32
      %dma_start3A_341 = tpu.memref_slice %arg18[%dma_start3A_340] : memref<50176xf32, #tpu.memory_space<vmem_shared>> -> memref<50176xf32, #tpu.memory_space<vmem_shared>>
      tpu.enqueue_indirect_dma source(%dma_start3A_336 : memref<128xf32, #tpu.memory_space<vmem>>) target(%dma_start3A_341 : memref<50176xf32, #tpu.memory_space<vmem_shared>>) offsets(%dma_start3A_339 : memref<128xi32, #tpu.memory_space<vmem>>) semaphore(%arg23 : memref<!tpu.dma_semaphore, #tpu.memory_space<semaphore_mem>>) {add = true}
      %dma_start3A_342 = arith.constant 0 : i32
      %dma_start3A_343 = arith.constant 0 : i32
      %dma_start3A_344 = tpu.memref_slice %arg15[%dma_start3A_343] : memref<1024xf32, #tpu.memory_space<vmem>> -> memref<128xf32, #tpu.memory_space<vmem>>
      %dma_start3A_345 = arith.constant 0 : i32
      %dma_start3A_346 = tpu.memref_slice %arg10[%dma_start3A_342, %dma_start3A_345] : memref<8x128xi32, #tpu.memory_space<vmem>> -> memref<1x128xi32, #tpu.memory_space<vmem>>
      %dma_start3A_347 = tpu.memref_squeeze %dma_start3A_346 : memref<1x128xi32, #tpu.memory_space<vmem>> -> memref<128xi32, #tpu.memory_space<vmem>>
      %dma_start3A_348 = arith.constant 0 : i32
      %dma_start3A_349 = tpu.memref_slice %arg19[%dma_start3A_348] : memref<50176xf32, #tpu.memory_space<vmem_shared>> -> memref<50176xf32, #tpu.memory_space<vmem_shared>>
      tpu.enqueue_indirect_dma source(%dma_start3A_344 : memref<128xf32, #tpu.memory_space<vmem>>) target(%dma_start3A_349 : memref<50176xf32, #tpu.memory_space<vmem_shared>>) offsets(%dma_start3A_347 : memref<128xi32, #tpu.memory_space<vmem>>) semaphore(%arg23 : memref<!tpu.dma_semaphore, #tpu.memory_space<semaphore_mem>>) {add = true}
      %dma_start3A_350 = arith.constant 0 : i32
      %dma_start3A_351 = arith.constant 0 : i32
      %dma_start3A_352 = tpu.memref_slice %arg16[%dma_start3A_351] : memref<1024xf32, #tpu.memory_space<vmem>> -> memref<128xf32, #tpu.memory_space<vmem>>
      %dma_start3A_353 = arith.constant 0 : i32
      %dma_start3A_354 = tpu.memref_slice %arg10[%dma_start3A_350, %dma_start3A_353] : memref<8x128xi32, #tpu.memory_space<vmem>> -> memref<1x128xi32, #tpu.memory_space<vmem>>
      %dma_start3A_355 = tpu.memref_squeeze %dma_start3A_354 : memref<1x128xi32, #tpu.memory_space<vmem>> -> memref<128xi32, #tpu.memory_space<vmem>>
      %dma_start3A_356 = arith.constant 0 : i32
      %dma_start3A_357 = tpu.memref_slice %arg20[%dma_start3A_356] : memref<50176xf32, #tpu.memory_space<vmem_shared>> -> memref<50176xf32, #tpu.memory_space<vmem_shared>>
      tpu.enqueue_indirect_dma source(%dma_start3A_352 : memref<128xf32, #tpu.memory_space<vmem>>) target(%dma_start3A_357 : memref<50176xf32, #tpu.memory_space<vmem_shared>>) offsets(%dma_start3A_355 : memref<128xi32, #tpu.memory_space<vmem>>) semaphore(%arg23 : memref<!tpu.dma_semaphore, #tpu.memory_space<semaphore_mem>>) {add = true}
      %dma_start3A_358 = arith.constant 1 : i32
      %dma_start3A_359 = arith.constant 128 : i32
      %dma_start3A_360 = tpu.memref_slice %arg14[%dma_start3A_359] : memref<1024xf32, #tpu.memory_space<vmem>> -> memref<128xf32, #tpu.memory_space<vmem>>
      %dma_start3A_361 = arith.constant 0 : i32
      %dma_start3A_362 = tpu.memref_slice %arg10[%dma_start3A_358, %dma_start3A_361] : memref<8x128xi32, #tpu.memory_space<vmem>> -> memref<1x128xi32, #tpu.memory_space<vmem>>
      %dma_start3A_363 = tpu.memref_squeeze %dma_start3A_362 : memref<1x128xi32, #tpu.memory_space<vmem>> -> memref<128xi32, #tpu.memory_space<vmem>>
      %dma_start3A_364 = arith.constant 0 : i32
      %dma_start3A_365 = tpu.memref_slice %arg18[%dma_start3A_364] : memref<50176xf32, #tpu.memory_space<vmem_shared>> -> memref<50176xf32, #tpu.memory_space<vmem_shared>>
      tpu.enqueue_indirect_dma source(%dma_start3A_360 : memref<128xf32, #tpu.memory_space<vmem>>) target(%dma_start3A_365 : memref<50176xf32, #tpu.memory_space<vmem_shared>>) offsets(%dma_start3A_363 : memref<128xi32, #tpu.memory_space<vmem>>) semaphore(%arg23 : memref<!tpu.dma_semaphore, #tpu.memory_space<semaphore_mem>>) {add = true}
      %dma_start3A_366 = arith.constant 1 : i32
      %dma_start3A_367 = arith.constant 128 : i32
      %dma_start3A_368 = tpu.memref_slice %arg15[%dma_start3A_367] : memref<1024xf32, #tpu.memory_space<vmem>> -> memref<128xf32, #tpu.memory_space<vmem>>
      %dma_start3A_369 = arith.constant 0 : i32
      %dma_start3A_370 = tpu.memref_slice %arg10[%dma_start3A_366, %dma_start3A_369] : memref<8x128xi32, #tpu.memory_space<vmem>> -> memref<1x128xi32, #tpu.memory_space<vmem>>
      %dma_start3A_371 = tpu.memref_squeeze %dma_start3A_370 : memref<1x128xi32, #tpu.memory_space<vmem>> -> memref<128xi32, #tpu.memory_space<vmem>>
      %dma_start3A_372 = arith.constant 0 : i32
      %dma_start3A_373 = tpu.memref_slice %arg19[%dma_start3A_372] : memref<50176xf32, #tpu.memory_space<vmem_shared>> -> memref<50176xf32, #tpu.memory_space<vmem_shared>>
      tpu.enqueue_indirect_dma source(%dma_start3A_368 : memref<128xf32, #tpu.memory_space<vmem>>) target(%dma_start3A_373 : memref<50176xf32, #tpu.memory_space<vmem_shared>>) offsets(%dma_start3A_371 : memref<128xi32, #tpu.memory_space<vmem>>) semaphore(%arg23 : memref<!tpu.dma_semaphore, #tpu.memory_space<semaphore_mem>>) {add = true}
      %dma_start3A_374 = arith.constant 1 : i32
      %dma_start3A_375 = arith.constant 128 : i32
      %dma_start3A_376 = tpu.memref_slice %arg16[%dma_start3A_375] : memref<1024xf32, #tpu.memory_space<vmem>> -> memref<128xf32, #tpu.memory_space<vmem>>
      %dma_start3A_377 = arith.constant 0 : i32
      %dma_start3A_378 = tpu.memref_slice %arg10[%dma_start3A_374, %dma_start3A_377] : memref<8x128xi32, #tpu.memory_space<vmem>> -> memref<1x128xi32, #tpu.memory_space<vmem>>
      %dma_start3A_379 = tpu.memref_squeeze %dma_start3A_378 : memref<1x128xi32, #tpu.memory_space<vmem>> -> memref<128xi32, #tpu.memory_space<vmem>>
      %dma_start3A_380 = arith.constant 0 : i32
      %dma_start3A_381 = tpu.memref_slice %arg20[%dma_start3A_380] : memref<50176xf32, #tpu.memory_space<vmem_shared>> -> memref<50176xf32, #tpu.memory_space<vmem_shared>>
      tpu.enqueue_indirect_dma source(%dma_start3A_376 : memref<128xf32, #tpu.memory_space<vmem>>) target(%dma_start3A_381 : memref<50176xf32, #tpu.memory_space<vmem_shared>>) offsets(%dma_start3A_379 : memref<128xi32, #tpu.memory_space<vmem>>) semaphore(%arg23 : memref<!tpu.dma_semaphore, #tpu.memory_space<semaphore_mem>>) {add = true}
      %dma_start3A_382 = arith.constant 2 : i32
      %dma_start3A_383 = arith.constant 256 : i32
      %dma_start3A_384 = tpu.memref_slice %arg14[%dma_start3A_383] : memref<1024xf32, #tpu.memory_space<vmem>> -> memref<128xf32, #tpu.memory_space<vmem>>
      %dma_start3A_385 = arith.constant 0 : i32
      %dma_start3A_386 = tpu.memref_slice %arg10[%dma_start3A_382, %dma_start3A_385] : memref<8x128xi32, #tpu.memory_space<vmem>> -> memref<1x128xi32, #tpu.memory_space<vmem>>
      %dma_start3A_387 = tpu.memref_squeeze %dma_start3A_386 : memref<1x128xi32, #tpu.memory_space<vmem>> -> memref<128xi32, #tpu.memory_space<vmem>>
      %dma_start3A_388 = arith.constant 0 : i32
      %dma_start3A_389 = tpu.memref_slice %arg18[%dma_start3A_388] : memref<50176xf32, #tpu.memory_space<vmem_shared>> -> memref<50176xf32, #tpu.memory_space<vmem_shared>>
      tpu.enqueue_indirect_dma source(%dma_start3A_384 : memref<128xf32, #tpu.memory_space<vmem>>) target(%dma_start3A_389 : memref<50176xf32, #tpu.memory_space<vmem_shared>>) offsets(%dma_start3A_387 : memref<128xi32, #tpu.memory_space<vmem>>) semaphore(%arg23 : memref<!tpu.dma_semaphore, #tpu.memory_space<semaphore_mem>>) {add = true}
      %dma_start3A_390 = arith.constant 2 : i32
      %dma_start3A_391 = arith.constant 256 : i32
      %dma_start3A_392 = tpu.memref_slice %arg15[%dma_start3A_391] : memref<1024xf32, #tpu.memory_space<vmem>> -> memref<128xf32, #tpu.memory_space<vmem>>
      %dma_start3A_393 = arith.constant 0 : i32
      %dma_start3A_394 = tpu.memref_slice %arg10[%dma_start3A_390, %dma_start3A_393] : memref<8x128xi32, #tpu.memory_space<vmem>> -> memref<1x128xi32, #tpu.memory_space<vmem>>
      %dma_start3A_395 = tpu.memref_squeeze %dma_start3A_394 : memref<1x128xi32, #tpu.memory_space<vmem>> -> memref<128xi32, #tpu.memory_space<vmem>>
      %dma_start3A_396 = arith.constant 0 : i32
      %dma_start3A_397 = tpu.memref_slice %arg19[%dma_start3A_396] : memref<50176xf32, #tpu.memory_space<vmem_shared>> -> memref<50176xf32, #tpu.memory_space<vmem_shared>>
      tpu.enqueue_indirect_dma source(%dma_start3A_392 : memref<128xf32, #tpu.memory_space<vmem>>) target(%dma_start3A_397 : memref<50176xf32, #tpu.memory_space<vmem_shared>>) offsets(%dma_start3A_395 : memref<128xi32, #tpu.memory_space<vmem>>) semaphore(%arg23 : memref<!tpu.dma_semaphore, #tpu.memory_space<semaphore_mem>>) {add = true}
      %dma_start3A_398 = arith.constant 2 : i32
      %dma_start3A_399 = arith.constant 256 : i32
      %dma_start3A_400 = tpu.memref_slice %arg16[%dma_start3A_399] : memref<1024xf32, #tpu.memory_space<vmem>> -> memref<128xf32, #tpu.memory_space<vmem>>
      %dma_start3A_401 = arith.constant 0 : i32
      %dma_start3A_402 = tpu.memref_slice %arg10[%dma_start3A_398, %dma_start3A_401] : memref<8x128xi32, #tpu.memory_space<vmem>> -> memref<1x128xi32, #tpu.memory_space<vmem>>
      %dma_start3A_403 = tpu.memref_squeeze %dma_start3A_402 : memref<1x128xi32, #tpu.memory_space<vmem>> -> memref<128xi32, #tpu.memory_space<vmem>>
      %dma_start3A_404 = arith.constant 0 : i32
      %dma_start3A_405 = tpu.memref_slice %arg20[%dma_start3A_404] : memref<50176xf32, #tpu.memory_space<vmem_shared>> -> memref<50176xf32, #tpu.memory_space<vmem_shared>>
      tpu.enqueue_indirect_dma source(%dma_start3A_400 : memref<128xf32, #tpu.memory_space<vmem>>) target(%dma_start3A_405 : memref<50176xf32, #tpu.memory_space<vmem_shared>>) offsets(%dma_start3A_403 : memref<128xi32, #tpu.memory_space<vmem>>) semaphore(%arg23 : memref<!tpu.dma_semaphore, #tpu.memory_space<semaphore_mem>>) {add = true}
      %dma_start3A_406 = arith.constant 3 : i32
      %dma_start3A_407 = arith.constant 384 : i32
      %dma_start3A_408 = tpu.memref_slice %arg14[%dma_start3A_407] : memref<1024xf32, #tpu.memory_space<vmem>> -> memref<128xf32, #tpu.memory_space<vmem>>
      %dma_start3A_409 = arith.constant 0 : i32
      %dma_start3A_410 = tpu.memref_slice %arg10[%dma_start3A_406, %dma_start3A_409] : memref<8x128xi32, #tpu.memory_space<vmem>> -> memref<1x128xi32, #tpu.memory_space<vmem>>
      %dma_start3A_411 = tpu.memref_squeeze %dma_start3A_410 : memref<1x128xi32, #tpu.memory_space<vmem>> -> memref<128xi32, #tpu.memory_space<vmem>>
      %dma_start3A_412 = arith.constant 0 : i32
      %dma_start3A_413 = tpu.memref_slice %arg18[%dma_start3A_412] : memref<50176xf32, #tpu.memory_space<vmem_shared>> -> memref<50176xf32, #tpu.memory_space<vmem_shared>>
      tpu.enqueue_indirect_dma source(%dma_start3A_408 : memref<128xf32, #tpu.memory_space<vmem>>) target(%dma_start3A_413 : memref<50176xf32, #tpu.memory_space<vmem_shared>>) offsets(%dma_start3A_411 : memref<128xi32, #tpu.memory_space<vmem>>) semaphore(%arg23 : memref<!tpu.dma_semaphore, #tpu.memory_space<semaphore_mem>>) {add = true}
      %dma_start3A_414 = arith.constant 3 : i32
      %dma_start3A_415 = arith.constant 384 : i32
      %dma_start3A_416 = tpu.memref_slice %arg15[%dma_start3A_415] : memref<1024xf32, #tpu.memory_space<vmem>> -> memref<128xf32, #tpu.memory_space<vmem>>
      %dma_start3A_417 = arith.constant 0 : i32
      %dma_start3A_418 = tpu.memref_slice %arg10[%dma_start3A_414, %dma_start3A_417] : memref<8x128xi32, #tpu.memory_space<vmem>> -> memref<1x128xi32, #tpu.memory_space<vmem>>
      %dma_start3A_419 = tpu.memref_squeeze %dma_start3A_418 : memref<1x128xi32, #tpu.memory_space<vmem>> -> memref<128xi32, #tpu.memory_space<vmem>>
      %dma_start3A_420 = arith.constant 0 : i32
      %dma_start3A_421 = tpu.memref_slice %arg19[%dma_start3A_420] : memref<50176xf32, #tpu.memory_space<vmem_shared>> -> memref<50176xf32, #tpu.memory_space<vmem_shared>>
      tpu.enqueue_indirect_dma source(%dma_start3A_416 : memref<128xf32, #tpu.memory_space<vmem>>) target(%dma_start3A_421 : memref<50176xf32, #tpu.memory_space<vmem_shared>>) offsets(%dma_start3A_419 : memref<128xi32, #tpu.memory_space<vmem>>) semaphore(%arg23 : memref<!tpu.dma_semaphore, #tpu.memory_space<semaphore_mem>>) {add = true}
      %dma_start3A_422 = arith.constant 3 : i32
      %dma_start3A_423 = arith.constant 384 : i32
      %dma_start3A_424 = tpu.memref_slice %arg16[%dma_start3A_423] : memref<1024xf32, #tpu.memory_space<vmem>> -> memref<128xf32, #tpu.memory_space<vmem>>
      %dma_start3A_425 = arith.constant 0 : i32
      %dma_start3A_426 = tpu.memref_slice %arg10[%dma_start3A_422, %dma_start3A_425] : memref<8x128xi32, #tpu.memory_space<vmem>> -> memref<1x128xi32, #tpu.memory_space<vmem>>
      %dma_start3A_427 = tpu.memref_squeeze %dma_start3A_426 : memref<1x128xi32, #tpu.memory_space<vmem>> -> memref<128xi32, #tpu.memory_space<vmem>>
      %dma_start3A_428 = arith.constant 0 : i32
      %dma_start3A_429 = tpu.memref_slice %arg20[%dma_start3A_428] : memref<50176xf32, #tpu.memory_space<vmem_shared>> -> memref<50176xf32, #tpu.memory_space<vmem_shared>>
      tpu.enqueue_indirect_dma source(%dma_start3A_424 : memref<128xf32, #tpu.memory_space<vmem>>) target(%dma_start3A_429 : memref<50176xf32, #tpu.memory_space<vmem_shared>>) offsets(%dma_start3A_427 : memref<128xi32, #tpu.memory_space<vmem>>) semaphore(%arg23 : memref<!tpu.dma_semaphore, #tpu.memory_space<semaphore_mem>>) {add = true}
      %dma_start3A_430 = arith.constant 4 : i32
      %dma_start3A_431 = arith.constant 512 : i32
      %dma_start3A_432 = tpu.memref_slice %arg14[%dma_start3A_431] : memref<1024xf32, #tpu.memory_space<vmem>> -> memref<128xf32, #tpu.memory_space<vmem>>
      %dma_start3A_433 = arith.constant 0 : i32
      %dma_start3A_434 = tpu.memref_slice %arg10[%dma_start3A_430, %dma_start3A_433] : memref<8x128xi32, #tpu.memory_space<vmem>> -> memref<1x128xi32, #tpu.memory_space<vmem>>
      %dma_start3A_435 = tpu.memref_squeeze %dma_start3A_434 : memref<1x128xi32, #tpu.memory_space<vmem>> -> memref<128xi32, #tpu.memory_space<vmem>>
      %dma_start3A_436 = arith.constant 0 : i32
      %dma_start3A_437 = tpu.memref_slice %arg18[%dma_start3A_436] : memref<50176xf32, #tpu.memory_space<vmem_shared>> -> memref<50176xf32, #tpu.memory_space<vmem_shared>>
      tpu.enqueue_indirect_dma source(%dma_start3A_432 : memref<128xf32, #tpu.memory_space<vmem>>) target(%dma_start3A_437 : memref<50176xf32, #tpu.memory_space<vmem_shared>>) offsets(%dma_start3A_435 : memref<128xi32, #tpu.memory_space<vmem>>) semaphore(%arg23 : memref<!tpu.dma_semaphore, #tpu.memory_space<semaphore_mem>>) {add = true}
      %dma_start3A_438 = arith.constant 4 : i32
      %dma_start3A_439 = arith.constant 512 : i32
      %dma_start3A_440 = tpu.memref_slice %arg15[%dma_start3A_439] : memref<1024xf32, #tpu.memory_space<vmem>> -> memref<128xf32, #tpu.memory_space<vmem>>
      %dma_start3A_441 = arith.constant 0 : i32
      %dma_start3A_442 = tpu.memref_slice %arg10[%dma_start3A_438, %dma_start3A_441] : memref<8x128xi32, #tpu.memory_space<vmem>> -> memref<1x128xi32, #tpu.memory_space<vmem>>
      %dma_start3A_443 = tpu.memref_squeeze %dma_start3A_442 : memref<1x128xi32, #tpu.memory_space<vmem>> -> memref<128xi32, #tpu.memory_space<vmem>>
      %dma_start3A_444 = arith.constant 0 : i32
      %dma_start3A_445 = tpu.memref_slice %arg19[%dma_start3A_444] : memref<50176xf32, #tpu.memory_space<vmem_shared>> -> memref<50176xf32, #tpu.memory_space<vmem_shared>>
      tpu.enqueue_indirect_dma source(%dma_start3A_440 : memref<128xf32, #tpu.memory_space<vmem>>) target(%dma_start3A_445 : memref<50176xf32, #tpu.memory_space<vmem_shared>>) offsets(%dma_start3A_443 : memref<128xi32, #tpu.memory_space<vmem>>) semaphore(%arg23 : memref<!tpu.dma_semaphore, #tpu.memory_space<semaphore_mem>>) {add = true}
      %dma_start3A_446 = arith.constant 4 : i32
      %dma_start3A_447 = arith.constant 512 : i32
      %dma_start3A_448 = tpu.memref_slice %arg16[%dma_start3A_447] : memref<1024xf32, #tpu.memory_space<vmem>> -> memref<128xf32, #tpu.memory_space<vmem>>
      %dma_start3A_449 = arith.constant 0 : i32
      %dma_start3A_450 = tpu.memref_slice %arg10[%dma_start3A_446, %dma_start3A_449] : memref<8x128xi32, #tpu.memory_space<vmem>> -> memref<1x128xi32, #tpu.memory_space<vmem>>
      %dma_start3A_451 = tpu.memref_squeeze %dma_start3A_450 : memref<1x128xi32, #tpu.memory_space<vmem>> -> memref<128xi32, #tpu.memory_space<vmem>>
      %dma_start3A_452 = arith.constant 0 : i32
      %dma_start3A_453 = tpu.memref_slice %arg20[%dma_start3A_452] : memref<50176xf32, #tpu.memory_space<vmem_shared>> -> memref<50176xf32, #tpu.memory_space<vmem_shared>>
      tpu.enqueue_indirect_dma source(%dma_start3A_448 : memref<128xf32, #tpu.memory_space<vmem>>) target(%dma_start3A_453 : memref<50176xf32, #tpu.memory_space<vmem_shared>>) offsets(%dma_start3A_451 : memref<128xi32, #tpu.memory_space<vmem>>) semaphore(%arg23 : memref<!tpu.dma_semaphore, #tpu.memory_space<semaphore_mem>>) {add = true}
      %dma_start3A_454 = arith.constant 5 : i32
      %dma_start3A_455 = arith.constant 640 : i32
      %dma_start3A_456 = tpu.memref_slice %arg14[%dma_start3A_455] : memref<1024xf32, #tpu.memory_space<vmem>> -> memref<128xf32, #tpu.memory_space<vmem>>
      %dma_start3A_457 = arith.constant 0 : i32
      %dma_start3A_458 = tpu.memref_slice %arg10[%dma_start3A_454, %dma_start3A_457] : memref<8x128xi32, #tpu.memory_space<vmem>> -> memref<1x128xi32, #tpu.memory_space<vmem>>
      %dma_start3A_459 = tpu.memref_squeeze %dma_start3A_458 : memref<1x128xi32, #tpu.memory_space<vmem>> -> memref<128xi32, #tpu.memory_space<vmem>>
      %dma_start3A_460 = arith.constant 0 : i32
      %dma_start3A_461 = tpu.memref_slice %arg18[%dma_start3A_460] : memref<50176xf32, #tpu.memory_space<vmem_shared>> -> memref<50176xf32, #tpu.memory_space<vmem_shared>>
      tpu.enqueue_indirect_dma source(%dma_start3A_456 : memref<128xf32, #tpu.memory_space<vmem>>) target(%dma_start3A_461 : memref<50176xf32, #tpu.memory_space<vmem_shared>>) offsets(%dma_start3A_459 : memref<128xi32, #tpu.memory_space<vmem>>) semaphore(%arg23 : memref<!tpu.dma_semaphore, #tpu.memory_space<semaphore_mem>>) {add = true}
      %dma_start3A_462 = arith.constant 5 : i32
      %dma_start3A_463 = arith.constant 640 : i32
      %dma_start3A_464 = tpu.memref_slice %arg15[%dma_start3A_463] : memref<1024xf32, #tpu.memory_space<vmem>> -> memref<128xf32, #tpu.memory_space<vmem>>
      %dma_start3A_465 = arith.constant 0 : i32
      %dma_start3A_466 = tpu.memref_slice %arg10[%dma_start3A_462, %dma_start3A_465] : memref<8x128xi32, #tpu.memory_space<vmem>> -> memref<1x128xi32, #tpu.memory_space<vmem>>
      %dma_start3A_467 = tpu.memref_squeeze %dma_start3A_466 : memref<1x128xi32, #tpu.memory_space<vmem>> -> memref<128xi32, #tpu.memory_space<vmem>>
      %dma_start3A_468 = arith.constant 0 : i32
      %dma_start3A_469 = tpu.memref_slice %arg19[%dma_start3A_468] : memref<50176xf32, #tpu.memory_space<vmem_shared>> -> memref<50176xf32, #tpu.memory_space<vmem_shared>>
      tpu.enqueue_indirect_dma source(%dma_start3A_464 : memref<128xf32, #tpu.memory_space<vmem>>) target(%dma_start3A_469 : memref<50176xf32, #tpu.memory_space<vmem_shared>>) offsets(%dma_start3A_467 : memref<128xi32, #tpu.memory_space<vmem>>) semaphore(%arg23 : memref<!tpu.dma_semaphore, #tpu.memory_space<semaphore_mem>>) {add = true}
      %dma_start3A_470 = arith.constant 5 : i32
      %dma_start3A_471 = arith.constant 640 : i32
      %dma_start3A_472 = tpu.memref_slice %arg16[%dma_start3A_471] : memref<1024xf32, #tpu.memory_space<vmem>> -> memref<128xf32, #tpu.memory_space<vmem>>
      %dma_start3A_473 = arith.constant 0 : i32
      %dma_start3A_474 = tpu.memref_slice %arg10[%dma_start3A_470, %dma_start3A_473] : memref<8x128xi32, #tpu.memory_space<vmem>> -> memref<1x128xi32, #tpu.memory_space<vmem>>
      %dma_start3A_475 = tpu.memref_squeeze %dma_start3A_474 : memref<1x128xi32, #tpu.memory_space<vmem>> -> memref<128xi32, #tpu.memory_space<vmem>>
      %dma_start3A_476 = arith.constant 0 : i32
      %dma_start3A_477 = tpu.memref_slice %arg20[%dma_start3A_476] : memref<50176xf32, #tpu.memory_space<vmem_shared>> -> memref<50176xf32, #tpu.memory_space<vmem_shared>>
      tpu.enqueue_indirect_dma source(%dma_start3A_472 : memref<128xf32, #tpu.memory_space<vmem>>) target(%dma_start3A_477 : memref<50176xf32, #tpu.memory_space<vmem_shared>>) offsets(%dma_start3A_475 : memref<128xi32, #tpu.memory_space<vmem>>) semaphore(%arg23 : memref<!tpu.dma_semaphore, #tpu.memory_space<semaphore_mem>>) {add = true}
      %dma_start3A_478 = arith.constant 6 : i32
      %dma_start3A_479 = arith.constant 768 : i32
      %dma_start3A_480 = tpu.memref_slice %arg14[%dma_start3A_479] : memref<1024xf32, #tpu.memory_space<vmem>> -> memref<128xf32, #tpu.memory_space<vmem>>
      %dma_start3A_481 = arith.constant 0 : i32
      %dma_start3A_482 = tpu.memref_slice %arg10[%dma_start3A_478, %dma_start3A_481] : memref<8x128xi32, #tpu.memory_space<vmem>> -> memref<1x128xi32, #tpu.memory_space<vmem>>
      %dma_start3A_483 = tpu.memref_squeeze %dma_start3A_482 : memref<1x128xi32, #tpu.memory_space<vmem>> -> memref<128xi32, #tpu.memory_space<vmem>>
      %dma_start3A_484 = arith.constant 0 : i32
      %dma_start3A_485 = tpu.memref_slice %arg18[%dma_start3A_484] : memref<50176xf32, #tpu.memory_space<vmem_shared>> -> memref<50176xf32, #tpu.memory_space<vmem_shared>>
      tpu.enqueue_indirect_dma source(%dma_start3A_480 : memref<128xf32, #tpu.memory_space<vmem>>) target(%dma_start3A_485 : memref<50176xf32, #tpu.memory_space<vmem_shared>>) offsets(%dma_start3A_483 : memref<128xi32, #tpu.memory_space<vmem>>) semaphore(%arg23 : memref<!tpu.dma_semaphore, #tpu.memory_space<semaphore_mem>>) {add = true}
      %dma_start3A_486 = arith.constant 6 : i32
      %dma_start3A_487 = arith.constant 768 : i32
      %dma_start3A_488 = tpu.memref_slice %arg15[%dma_start3A_487] : memref<1024xf32, #tpu.memory_space<vmem>> -> memref<128xf32, #tpu.memory_space<vmem>>
      %dma_start3A_489 = arith.constant 0 : i32
      %dma_start3A_490 = tpu.memref_slice %arg10[%dma_start3A_486, %dma_start3A_489] : memref<8x128xi32, #tpu.memory_space<vmem>> -> memref<1x128xi32, #tpu.memory_space<vmem>>
      %dma_start3A_491 = tpu.memref_squeeze %dma_start3A_490 : memref<1x128xi32, #tpu.memory_space<vmem>> -> memref<128xi32, #tpu.memory_space<vmem>>
      %dma_start3A_492 = arith.constant 0 : i32
      %dma_start3A_493 = tpu.memref_slice %arg19[%dma_start3A_492] : memref<50176xf32, #tpu.memory_space<vmem_shared>> -> memref<50176xf32, #tpu.memory_space<vmem_shared>>
      tpu.enqueue_indirect_dma source(%dma_start3A_488 : memref<128xf32, #tpu.memory_space<vmem>>) target(%dma_start3A_493 : memref<50176xf32, #tpu.memory_space<vmem_shared>>) offsets(%dma_start3A_491 : memref<128xi32, #tpu.memory_space<vmem>>) semaphore(%arg23 : memref<!tpu.dma_semaphore, #tpu.memory_space<semaphore_mem>>) {add = true}
      %dma_start3A_494 = arith.constant 6 : i32
      %dma_start3A_495 = arith.constant 768 : i32
      %dma_start3A_496 = tpu.memref_slice %arg16[%dma_start3A_495] : memref<1024xf32, #tpu.memory_space<vmem>> -> memref<128xf32, #tpu.memory_space<vmem>>
      %dma_start3A_497 = arith.constant 0 : i32
      %dma_start3A_498 = tpu.memref_slice %arg10[%dma_start3A_494, %dma_start3A_497] : memref<8x128xi32, #tpu.memory_space<vmem>> -> memref<1x128xi32, #tpu.memory_space<vmem>>
      %dma_start3A_499 = tpu.memref_squeeze %dma_start3A_498 : memref<1x128xi32, #tpu.memory_space<vmem>> -> memref<128xi32, #tpu.memory_space<vmem>>
      %dma_start3A_500 = arith.constant 0 : i32
      %dma_start3A_501 = tpu.memref_slice %arg20[%dma_start3A_500] : memref<50176xf32, #tpu.memory_space<vmem_shared>> -> memref<50176xf32, #tpu.memory_space<vmem_shared>>
      tpu.enqueue_indirect_dma source(%dma_start3A_496 : memref<128xf32, #tpu.memory_space<vmem>>) target(%dma_start3A_501 : memref<50176xf32, #tpu.memory_space<vmem_shared>>) offsets(%dma_start3A_499 : memref<128xi32, #tpu.memory_space<vmem>>) semaphore(%arg23 : memref<!tpu.dma_semaphore, #tpu.memory_space<semaphore_mem>>) {add = true}
      %dma_start3A_502 = arith.constant 7 : i32
      %dma_start3A_503 = arith.constant 896 : i32
      %dma_start3A_504 = tpu.memref_slice %arg14[%dma_start3A_503] : memref<1024xf32, #tpu.memory_space<vmem>> -> memref<128xf32, #tpu.memory_space<vmem>>
      %dma_start3A_505 = arith.constant 0 : i32
      %dma_start3A_506 = tpu.memref_slice %arg10[%dma_start3A_502, %dma_start3A_505] : memref<8x128xi32, #tpu.memory_space<vmem>> -> memref<1x128xi32, #tpu.memory_space<vmem>>
      %dma_start3A_507 = tpu.memref_squeeze %dma_start3A_506 : memref<1x128xi32, #tpu.memory_space<vmem>> -> memref<128xi32, #tpu.memory_space<vmem>>
      %dma_start3A_508 = arith.constant 0 : i32
      %dma_start3A_509 = tpu.memref_slice %arg18[%dma_start3A_508] : memref<50176xf32, #tpu.memory_space<vmem_shared>> -> memref<50176xf32, #tpu.memory_space<vmem_shared>>
      tpu.enqueue_indirect_dma source(%dma_start3A_504 : memref<128xf32, #tpu.memory_space<vmem>>) target(%dma_start3A_509 : memref<50176xf32, #tpu.memory_space<vmem_shared>>) offsets(%dma_start3A_507 : memref<128xi32, #tpu.memory_space<vmem>>) semaphore(%arg23 : memref<!tpu.dma_semaphore, #tpu.memory_space<semaphore_mem>>) {add = true}
      %dma_start3A_510 = arith.constant 7 : i32
      %dma_start3A_511 = arith.constant 896 : i32
      %dma_start3A_512 = tpu.memref_slice %arg15[%dma_start3A_511] : memref<1024xf32, #tpu.memory_space<vmem>> -> memref<128xf32, #tpu.memory_space<vmem>>
      %dma_start3A_513 = arith.constant 0 : i32
      %dma_start3A_514 = tpu.memref_slice %arg10[%dma_start3A_510, %dma_start3A_513] : memref<8x128xi32, #tpu.memory_space<vmem>> -> memref<1x128xi32, #tpu.memory_space<vmem>>
      %dma_start3A_515 = tpu.memref_squeeze %dma_start3A_514 : memref<1x128xi32, #tpu.memory_space<vmem>> -> memref<128xi32, #tpu.memory_space<vmem>>
      %dma_start3A_516 = arith.constant 0 : i32
      %dma_start3A_517 = tpu.memref_slice %arg19[%dma_start3A_516] : memref<50176xf32, #tpu.memory_space<vmem_shared>> -> memref<50176xf32, #tpu.memory_space<vmem_shared>>
      tpu.enqueue_indirect_dma source(%dma_start3A_512 : memref<128xf32, #tpu.memory_space<vmem>>) target(%dma_start3A_517 : memref<50176xf32, #tpu.memory_space<vmem_shared>>) offsets(%dma_start3A_515 : memref<128xi32, #tpu.memory_space<vmem>>) semaphore(%arg23 : memref<!tpu.dma_semaphore, #tpu.memory_space<semaphore_mem>>) {add = true}
      %dma_start3A_518 = arith.constant 7 : i32
      %dma_start3A_519 = arith.constant 896 : i32
      %dma_start3A_520 = tpu.memref_slice %arg16[%dma_start3A_519] : memref<1024xf32, #tpu.memory_space<vmem>> -> memref<128xf32, #tpu.memory_space<vmem>>
      %dma_start3A_521 = arith.constant 0 : i32
      %dma_start3A_522 = tpu.memref_slice %arg10[%dma_start3A_518, %dma_start3A_521] : memref<8x128xi32, #tpu.memory_space<vmem>> -> memref<1x128xi32, #tpu.memory_space<vmem>>
      %dma_start3A_523 = tpu.memref_squeeze %dma_start3A_522 : memref<1x128xi32, #tpu.memory_space<vmem>> -> memref<128xi32, #tpu.memory_space<vmem>>
      %dma_start3A_524 = arith.constant 0 : i32
      %dma_start3A_525 = tpu.memref_slice %arg20[%dma_start3A_524] : memref<50176xf32, #tpu.memory_space<vmem_shared>> -> memref<50176xf32, #tpu.memory_space<vmem_shared>>
      tpu.enqueue_indirect_dma source(%dma_start3A_520 : memref<128xf32, #tpu.memory_space<vmem>>) target(%dma_start3A_525 : memref<50176xf32, #tpu.memory_space<vmem_shared>>) offsets(%dma_start3A_523 : memref<128xi32, #tpu.memory_space<vmem>>) semaphore(%arg23 : memref<!tpu.dma_semaphore, #tpu.memory_space<semaphore_mem>>) {add = true}
      %dma_wait3A_526 = arith.constant 0 : i32
      %dma_wait3A_527 = arith.constant 0 : i32
      %dma_wait3A_528 = tpu.memref_slice %arg14[%dma_wait3A_527] : memref<1024xf32, #tpu.memory_space<vmem>> -> memref<128xf32, #tpu.memory_space<vmem>>
      %dma_wait3A_529 = arith.constant 0 : i32
      %dma_wait3A_530 = tpu.memref_slice %arg10[%dma_wait3A_526, %dma_wait3A_529] : memref<8x128xi32, #tpu.memory_space<vmem>> -> memref<1x128xi32, #tpu.memory_space<vmem>>
      %dma_wait3A_531 = tpu.memref_squeeze %dma_wait3A_530 : memref<1x128xi32, #tpu.memory_space<vmem>> -> memref<128xi32, #tpu.memory_space<vmem>>
      %dma_wait3A_532 = arith.constant 0 : i32
      %dma_wait3A_533 = tpu.memref_slice %arg18[%dma_wait3A_532] : memref<50176xf32, #tpu.memory_space<vmem_shared>> -> memref<50176xf32, #tpu.memory_space<vmem_shared>>
      tpu.wait_indirect_dma semaphore(%arg23 : memref<!tpu.dma_semaphore, #tpu.memory_space<semaphore_mem>>) src(%dma_wait3A_528 : memref<128xf32, #tpu.memory_space<vmem>>) dst(%dma_wait3A_533 : memref<50176xf32, #tpu.memory_space<vmem_shared>>)
      %dma_wait3A_534 = arith.constant 0 : i32
      %dma_wait3A_535 = arith.constant 0 : i32
      %dma_wait3A_536 = tpu.memref_slice %arg15[%dma_wait3A_535] : memref<1024xf32, #tpu.memory_space<vmem>> -> memref<128xf32, #tpu.memory_space<vmem>>
      %dma_wait3A_537 = arith.constant 0 : i32
      %dma_wait3A_538 = tpu.memref_slice %arg10[%dma_wait3A_534, %dma_wait3A_537] : memref<8x128xi32, #tpu.memory_space<vmem>> -> memref<1x128xi32, #tpu.memory_space<vmem>>
      %dma_wait3A_539 = tpu.memref_squeeze %dma_wait3A_538 : memref<1x128xi32, #tpu.memory_space<vmem>> -> memref<128xi32, #tpu.memory_space<vmem>>
      %dma_wait3A_540 = arith.constant 0 : i32
      %dma_wait3A_541 = tpu.memref_slice %arg19[%dma_wait3A_540] : memref<50176xf32, #tpu.memory_space<vmem_shared>> -> memref<50176xf32, #tpu.memory_space<vmem_shared>>
      tpu.wait_indirect_dma semaphore(%arg23 : memref<!tpu.dma_semaphore, #tpu.memory_space<semaphore_mem>>) src(%dma_wait3A_536 : memref<128xf32, #tpu.memory_space<vmem>>) dst(%dma_wait3A_541 : memref<50176xf32, #tpu.memory_space<vmem_shared>>)
      %dma_wait3A_542 = arith.constant 0 : i32
      %dma_wait3A_543 = arith.constant 0 : i32
      %dma_wait3A_544 = tpu.memref_slice %arg16[%dma_wait3A_543] : memref<1024xf32, #tpu.memory_space<vmem>> -> memref<128xf32, #tpu.memory_space<vmem>>
      %dma_wait3A_545 = arith.constant 0 : i32
      %dma_wait3A_546 = tpu.memref_slice %arg10[%dma_wait3A_542, %dma_wait3A_545] : memref<8x128xi32, #tpu.memory_space<vmem>> -> memref<1x128xi32, #tpu.memory_space<vmem>>
      %dma_wait3A_547 = tpu.memref_squeeze %dma_wait3A_546 : memref<1x128xi32, #tpu.memory_space<vmem>> -> memref<128xi32, #tpu.memory_space<vmem>>
      %dma_wait3A_548 = arith.constant 0 : i32
      %dma_wait3A_549 = tpu.memref_slice %arg20[%dma_wait3A_548] : memref<50176xf32, #tpu.memory_space<vmem_shared>> -> memref<50176xf32, #tpu.memory_space<vmem_shared>>
      tpu.wait_indirect_dma semaphore(%arg23 : memref<!tpu.dma_semaphore, #tpu.memory_space<semaphore_mem>>) src(%dma_wait3A_544 : memref<128xf32, #tpu.memory_space<vmem>>) dst(%dma_wait3A_549 : memref<50176xf32, #tpu.memory_space<vmem_shared>>)
      %dma_wait3A_550 = arith.constant 1 : i32
      %dma_wait3A_551 = arith.constant 128 : i32
      %dma_wait3A_552 = tpu.memref_slice %arg14[%dma_wait3A_551] : memref<1024xf32, #tpu.memory_space<vmem>> -> memref<128xf32, #tpu.memory_space<vmem>>
      %dma_wait3A_553 = arith.constant 0 : i32
      %dma_wait3A_554 = tpu.memref_slice %arg10[%dma_wait3A_550, %dma_wait3A_553] : memref<8x128xi32, #tpu.memory_space<vmem>> -> memref<1x128xi32, #tpu.memory_space<vmem>>
      %dma_wait3A_555 = tpu.memref_squeeze %dma_wait3A_554 : memref<1x128xi32, #tpu.memory_space<vmem>> -> memref<128xi32, #tpu.memory_space<vmem>>
      %dma_wait3A_556 = arith.constant 0 : i32
      %dma_wait3A_557 = tpu.memref_slice %arg18[%dma_wait3A_556] : memref<50176xf32, #tpu.memory_space<vmem_shared>> -> memref<50176xf32, #tpu.memory_space<vmem_shared>>
      tpu.wait_indirect_dma semaphore(%arg23 : memref<!tpu.dma_semaphore, #tpu.memory_space<semaphore_mem>>) src(%dma_wait3A_552 : memref<128xf32, #tpu.memory_space<vmem>>) dst(%dma_wait3A_557 : memref<50176xf32, #tpu.memory_space<vmem_shared>>)
      %dma_wait3A_558 = arith.constant 1 : i32
      %dma_wait3A_559 = arith.constant 128 : i32
      %dma_wait3A_560 = tpu.memref_slice %arg15[%dma_wait3A_559] : memref<1024xf32, #tpu.memory_space<vmem>> -> memref<128xf32, #tpu.memory_space<vmem>>
      %dma_wait3A_561 = arith.constant 0 : i32
      %dma_wait3A_562 = tpu.memref_slice %arg10[%dma_wait3A_558, %dma_wait3A_561] : memref<8x128xi32, #tpu.memory_space<vmem>> -> memref<1x128xi32, #tpu.memory_space<vmem>>
      %dma_wait3A_563 = tpu.memref_squeeze %dma_wait3A_562 : memref<1x128xi32, #tpu.memory_space<vmem>> -> memref<128xi32, #tpu.memory_space<vmem>>
      %dma_wait3A_564 = arith.constant 0 : i32
      %dma_wait3A_565 = tpu.memref_slice %arg19[%dma_wait3A_564] : memref<50176xf32, #tpu.memory_space<vmem_shared>> -> memref<50176xf32, #tpu.memory_space<vmem_shared>>
      tpu.wait_indirect_dma semaphore(%arg23 : memref<!tpu.dma_semaphore, #tpu.memory_space<semaphore_mem>>) src(%dma_wait3A_560 : memref<128xf32, #tpu.memory_space<vmem>>) dst(%dma_wait3A_565 : memref<50176xf32, #tpu.memory_space<vmem_shared>>)
      %dma_wait3A_566 = arith.constant 1 : i32
      %dma_wait3A_567 = arith.constant 128 : i32
      %dma_wait3A_568 = tpu.memref_slice %arg16[%dma_wait3A_567] : memref<1024xf32, #tpu.memory_space<vmem>> -> memref<128xf32, #tpu.memory_space<vmem>>
      %dma_wait3A_569 = arith.constant 0 : i32
      %dma_wait3A_570 = tpu.memref_slice %arg10[%dma_wait3A_566, %dma_wait3A_569] : memref<8x128xi32, #tpu.memory_space<vmem>> -> memref<1x128xi32, #tpu.memory_space<vmem>>
      %dma_wait3A_571 = tpu.memref_squeeze %dma_wait3A_570 : memref<1x128xi32, #tpu.memory_space<vmem>> -> memref<128xi32, #tpu.memory_space<vmem>>
      %dma_wait3A_572 = arith.constant 0 : i32
      %dma_wait3A_573 = tpu.memref_slice %arg20[%dma_wait3A_572] : memref<50176xf32, #tpu.memory_space<vmem_shared>> -> memref<50176xf32, #tpu.memory_space<vmem_shared>>
      tpu.wait_indirect_dma semaphore(%arg23 : memref<!tpu.dma_semaphore, #tpu.memory_space<semaphore_mem>>) src(%dma_wait3A_568 : memref<128xf32, #tpu.memory_space<vmem>>) dst(%dma_wait3A_573 : memref<50176xf32, #tpu.memory_space<vmem_shared>>)
      %dma_wait3A_574 = arith.constant 2 : i32
      %dma_wait3A_575 = arith.constant 256 : i32
      %dma_wait3A_576 = tpu.memref_slice %arg14[%dma_wait3A_575] : memref<1024xf32, #tpu.memory_space<vmem>> -> memref<128xf32, #tpu.memory_space<vmem>>
      %dma_wait3A_577 = arith.constant 0 : i32
      %dma_wait3A_578 = tpu.memref_slice %arg10[%dma_wait3A_574, %dma_wait3A_577] : memref<8x128xi32, #tpu.memory_space<vmem>> -> memref<1x128xi32, #tpu.memory_space<vmem>>
      %dma_wait3A_579 = tpu.memref_squeeze %dma_wait3A_578 : memref<1x128xi32, #tpu.memory_space<vmem>> -> memref<128xi32, #tpu.memory_space<vmem>>
      %dma_wait3A_580 = arith.constant 0 : i32
      %dma_wait3A_581 = tpu.memref_slice %arg18[%dma_wait3A_580] : memref<50176xf32, #tpu.memory_space<vmem_shared>> -> memref<50176xf32, #tpu.memory_space<vmem_shared>>
      tpu.wait_indirect_dma semaphore(%arg23 : memref<!tpu.dma_semaphore, #tpu.memory_space<semaphore_mem>>) src(%dma_wait3A_576 : memref<128xf32, #tpu.memory_space<vmem>>) dst(%dma_wait3A_581 : memref<50176xf32, #tpu.memory_space<vmem_shared>>)
      %dma_wait3A_582 = arith.constant 2 : i32
      %dma_wait3A_583 = arith.constant 256 : i32
      %dma_wait3A_584 = tpu.memref_slice %arg15[%dma_wait3A_583] : memref<1024xf32, #tpu.memory_space<vmem>> -> memref<128xf32, #tpu.memory_space<vmem>>
      %dma_wait3A_585 = arith.constant 0 : i32
      %dma_wait3A_586 = tpu.memref_slice %arg10[%dma_wait3A_582, %dma_wait3A_585] : memref<8x128xi32, #tpu.memory_space<vmem>> -> memref<1x128xi32, #tpu.memory_space<vmem>>
      %dma_wait3A_587 = tpu.memref_squeeze %dma_wait3A_586 : memref<1x128xi32, #tpu.memory_space<vmem>> -> memref<128xi32, #tpu.memory_space<vmem>>
      %dma_wait3A_588 = arith.constant 0 : i32
      %dma_wait3A_589 = tpu.memref_slice %arg19[%dma_wait3A_588] : memref<50176xf32, #tpu.memory_space<vmem_shared>> -> memref<50176xf32, #tpu.memory_space<vmem_shared>>
      tpu.wait_indirect_dma semaphore(%arg23 : memref<!tpu.dma_semaphore, #tpu.memory_space<semaphore_mem>>) src(%dma_wait3A_584 : memref<128xf32, #tpu.memory_space<vmem>>) dst(%dma_wait3A_589 : memref<50176xf32, #tpu.memory_space<vmem_shared>>)
      %dma_wait3A_590 = arith.constant 2 : i32
      %dma_wait3A_591 = arith.constant 256 : i32
      %dma_wait3A_592 = tpu.memref_slice %arg16[%dma_wait3A_591] : memref<1024xf32, #tpu.memory_space<vmem>> -> memref<128xf32, #tpu.memory_space<vmem>>
      %dma_wait3A_593 = arith.constant 0 : i32
      %dma_wait3A_594 = tpu.memref_slice %arg10[%dma_wait3A_590, %dma_wait3A_593] : memref<8x128xi32, #tpu.memory_space<vmem>> -> memref<1x128xi32, #tpu.memory_space<vmem>>
      %dma_wait3A_595 = tpu.memref_squeeze %dma_wait3A_594 : memref<1x128xi32, #tpu.memory_space<vmem>> -> memref<128xi32, #tpu.memory_space<vmem>>
      %dma_wait3A_596 = arith.constant 0 : i32
      %dma_wait3A_597 = tpu.memref_slice %arg20[%dma_wait3A_596] : memref<50176xf32, #tpu.memory_space<vmem_shared>> -> memref<50176xf32, #tpu.memory_space<vmem_shared>>
      tpu.wait_indirect_dma semaphore(%arg23 : memref<!tpu.dma_semaphore, #tpu.memory_space<semaphore_mem>>) src(%dma_wait3A_592 : memref<128xf32, #tpu.memory_space<vmem>>) dst(%dma_wait3A_597 : memref<50176xf32, #tpu.memory_space<vmem_shared>>)
      %dma_wait3A_598 = arith.constant 3 : i32
      %dma_wait3A_599 = arith.constant 384 : i32
      %dma_wait3A_600 = tpu.memref_slice %arg14[%dma_wait3A_599] : memref<1024xf32, #tpu.memory_space<vmem>> -> memref<128xf32, #tpu.memory_space<vmem>>
      %dma_wait3A_601 = arith.constant 0 : i32
      %dma_wait3A_602 = tpu.memref_slice %arg10[%dma_wait3A_598, %dma_wait3A_601] : memref<8x128xi32, #tpu.memory_space<vmem>> -> memref<1x128xi32, #tpu.memory_space<vmem>>
      %dma_wait3A_603 = tpu.memref_squeeze %dma_wait3A_602 : memref<1x128xi32, #tpu.memory_space<vmem>> -> memref<128xi32, #tpu.memory_space<vmem>>
      %dma_wait3A_604 = arith.constant 0 : i32
      %dma_wait3A_605 = tpu.memref_slice %arg18[%dma_wait3A_604] : memref<50176xf32, #tpu.memory_space<vmem_shared>> -> memref<50176xf32, #tpu.memory_space<vmem_shared>>
      tpu.wait_indirect_dma semaphore(%arg23 : memref<!tpu.dma_semaphore, #tpu.memory_space<semaphore_mem>>) src(%dma_wait3A_600 : memref<128xf32, #tpu.memory_space<vmem>>) dst(%dma_wait3A_605 : memref<50176xf32, #tpu.memory_space<vmem_shared>>)
      %dma_wait3A_606 = arith.constant 3 : i32
      %dma_wait3A_607 = arith.constant 384 : i32
      %dma_wait3A_608 = tpu.memref_slice %arg15[%dma_wait3A_607] : memref<1024xf32, #tpu.memory_space<vmem>> -> memref<128xf32, #tpu.memory_space<vmem>>
      %dma_wait3A_609 = arith.constant 0 : i32
      %dma_wait3A_610 = tpu.memref_slice %arg10[%dma_wait3A_606, %dma_wait3A_609] : memref<8x128xi32, #tpu.memory_space<vmem>> -> memref<1x128xi32, #tpu.memory_space<vmem>>
      %dma_wait3A_611 = tpu.memref_squeeze %dma_wait3A_610 : memref<1x128xi32, #tpu.memory_space<vmem>> -> memref<128xi32, #tpu.memory_space<vmem>>
      %dma_wait3A_612 = arith.constant 0 : i32
      %dma_wait3A_613 = tpu.memref_slice %arg19[%dma_wait3A_612] : memref<50176xf32, #tpu.memory_space<vmem_shared>> -> memref<50176xf32, #tpu.memory_space<vmem_shared>>
      tpu.wait_indirect_dma semaphore(%arg23 : memref<!tpu.dma_semaphore, #tpu.memory_space<semaphore_mem>>) src(%dma_wait3A_608 : memref<128xf32, #tpu.memory_space<vmem>>) dst(%dma_wait3A_613 : memref<50176xf32, #tpu.memory_space<vmem_shared>>)
      %dma_wait3A_614 = arith.constant 3 : i32
      %dma_wait3A_615 = arith.constant 384 : i32
      %dma_wait3A_616 = tpu.memref_slice %arg16[%dma_wait3A_615] : memref<1024xf32, #tpu.memory_space<vmem>> -> memref<128xf32, #tpu.memory_space<vmem>>
      %dma_wait3A_617 = arith.constant 0 : i32
      %dma_wait3A_618 = tpu.memref_slice %arg10[%dma_wait3A_614, %dma_wait3A_617] : memref<8x128xi32, #tpu.memory_space<vmem>> -> memref<1x128xi32, #tpu.memory_space<vmem>>
      %dma_wait3A_619 = tpu.memref_squeeze %dma_wait3A_618 : memref<1x128xi32, #tpu.memory_space<vmem>> -> memref<128xi32, #tpu.memory_space<vmem>>
      %dma_wait3A_620 = arith.constant 0 : i32
      %dma_wait3A_621 = tpu.memref_slice %arg20[%dma_wait3A_620] : memref<50176xf32, #tpu.memory_space<vmem_shared>> -> memref<50176xf32, #tpu.memory_space<vmem_shared>>
      tpu.wait_indirect_dma semaphore(%arg23 : memref<!tpu.dma_semaphore, #tpu.memory_space<semaphore_mem>>) src(%dma_wait3A_616 : memref<128xf32, #tpu.memory_space<vmem>>) dst(%dma_wait3A_621 : memref<50176xf32, #tpu.memory_space<vmem_shared>>)
      %dma_wait3A_622 = arith.constant 4 : i32
      %dma_wait3A_623 = arith.constant 512 : i32
      %dma_wait3A_624 = tpu.memref_slice %arg14[%dma_wait3A_623] : memref<1024xf32, #tpu.memory_space<vmem>> -> memref<128xf32, #tpu.memory_space<vmem>>
      %dma_wait3A_625 = arith.constant 0 : i32
      %dma_wait3A_626 = tpu.memref_slice %arg10[%dma_wait3A_622, %dma_wait3A_625] : memref<8x128xi32, #tpu.memory_space<vmem>> -> memref<1x128xi32, #tpu.memory_space<vmem>>
      %dma_wait3A_627 = tpu.memref_squeeze %dma_wait3A_626 : memref<1x128xi32, #tpu.memory_space<vmem>> -> memref<128xi32, #tpu.memory_space<vmem>>
      %dma_wait3A_628 = arith.constant 0 : i32
      %dma_wait3A_629 = tpu.memref_slice %arg18[%dma_wait3A_628] : memref<50176xf32, #tpu.memory_space<vmem_shared>> -> memref<50176xf32, #tpu.memory_space<vmem_shared>>
      tpu.wait_indirect_dma semaphore(%arg23 : memref<!tpu.dma_semaphore, #tpu.memory_space<semaphore_mem>>) src(%dma_wait3A_624 : memref<128xf32, #tpu.memory_space<vmem>>) dst(%dma_wait3A_629 : memref<50176xf32, #tpu.memory_space<vmem_shared>>)
      %dma_wait3A_630 = arith.constant 4 : i32
      %dma_wait3A_631 = arith.constant 512 : i32
      %dma_wait3A_632 = tpu.memref_slice %arg15[%dma_wait3A_631] : memref<1024xf32, #tpu.memory_space<vmem>> -> memref<128xf32, #tpu.memory_space<vmem>>
      %dma_wait3A_633 = arith.constant 0 : i32
      %dma_wait3A_634 = tpu.memref_slice %arg10[%dma_wait3A_630, %dma_wait3A_633] : memref<8x128xi32, #tpu.memory_space<vmem>> -> memref<1x128xi32, #tpu.memory_space<vmem>>
      %dma_wait3A_635 = tpu.memref_squeeze %dma_wait3A_634 : memref<1x128xi32, #tpu.memory_space<vmem>> -> memref<128xi32, #tpu.memory_space<vmem>>
      %dma_wait3A_636 = arith.constant 0 : i32
      %dma_wait3A_637 = tpu.memref_slice %arg19[%dma_wait3A_636] : memref<50176xf32, #tpu.memory_space<vmem_shared>> -> memref<50176xf32, #tpu.memory_space<vmem_shared>>
      tpu.wait_indirect_dma semaphore(%arg23 : memref<!tpu.dma_semaphore, #tpu.memory_space<semaphore_mem>>) src(%dma_wait3A_632 : memref<128xf32, #tpu.memory_space<vmem>>) dst(%dma_wait3A_637 : memref<50176xf32, #tpu.memory_space<vmem_shared>>)
      %dma_wait3A_638 = arith.constant 4 : i32
      %dma_wait3A_639 = arith.constant 512 : i32
      %dma_wait3A_640 = tpu.memref_slice %arg16[%dma_wait3A_639] : memref<1024xf32, #tpu.memory_space<vmem>> -> memref<128xf32, #tpu.memory_space<vmem>>
      %dma_wait3A_641 = arith.constant 0 : i32
      %dma_wait3A_642 = tpu.memref_slice %arg10[%dma_wait3A_638, %dma_wait3A_641] : memref<8x128xi32, #tpu.memory_space<vmem>> -> memref<1x128xi32, #tpu.memory_space<vmem>>
      %dma_wait3A_643 = tpu.memref_squeeze %dma_wait3A_642 : memref<1x128xi32, #tpu.memory_space<vmem>> -> memref<128xi32, #tpu.memory_space<vmem>>
      %dma_wait3A_644 = arith.constant 0 : i32
      %dma_wait3A_645 = tpu.memref_slice %arg20[%dma_wait3A_644] : memref<50176xf32, #tpu.memory_space<vmem_shared>> -> memref<50176xf32, #tpu.memory_space<vmem_shared>>
      tpu.wait_indirect_dma semaphore(%arg23 : memref<!tpu.dma_semaphore, #tpu.memory_space<semaphore_mem>>) src(%dma_wait3A_640 : memref<128xf32, #tpu.memory_space<vmem>>) dst(%dma_wait3A_645 : memref<50176xf32, #tpu.memory_space<vmem_shared>>)
      %dma_wait3A_646 = arith.constant 5 : i32
      %dma_wait3A_647 = arith.constant 640 : i32
      %dma_wait3A_648 = tpu.memref_slice %arg14[%dma_wait3A_647] : memref<1024xf32, #tpu.memory_space<vmem>> -> memref<128xf32, #tpu.memory_space<vmem>>
      %dma_wait3A_649 = arith.constant 0 : i32
      %dma_wait3A_650 = tpu.memref_slice %arg10[%dma_wait3A_646, %dma_wait3A_649] : memref<8x128xi32, #tpu.memory_space<vmem>> -> memref<1x128xi32, #tpu.memory_space<vmem>>
      %dma_wait3A_651 = tpu.memref_squeeze %dma_wait3A_650 : memref<1x128xi32, #tpu.memory_space<vmem>> -> memref<128xi32, #tpu.memory_space<vmem>>
      %dma_wait3A_652 = arith.constant 0 : i32
      %dma_wait3A_653 = tpu.memref_slice %arg18[%dma_wait3A_652] : memref<50176xf32, #tpu.memory_space<vmem_shared>> -> memref<50176xf32, #tpu.memory_space<vmem_shared>>
      tpu.wait_indirect_dma semaphore(%arg23 : memref<!tpu.dma_semaphore, #tpu.memory_space<semaphore_mem>>) src(%dma_wait3A_648 : memref<128xf32, #tpu.memory_space<vmem>>) dst(%dma_wait3A_653 : memref<50176xf32, #tpu.memory_space<vmem_shared>>)
      %dma_wait3A_654 = arith.constant 5 : i32
      %dma_wait3A_655 = arith.constant 640 : i32
      %dma_wait3A_656 = tpu.memref_slice %arg15[%dma_wait3A_655] : memref<1024xf32, #tpu.memory_space<vmem>> -> memref<128xf32, #tpu.memory_space<vmem>>
      %dma_wait3A_657 = arith.constant 0 : i32
      %dma_wait3A_658 = tpu.memref_slice %arg10[%dma_wait3A_654, %dma_wait3A_657] : memref<8x128xi32, #tpu.memory_space<vmem>> -> memref<1x128xi32, #tpu.memory_space<vmem>>
      %dma_wait3A_659 = tpu.memref_squeeze %dma_wait3A_658 : memref<1x128xi32, #tpu.memory_space<vmem>> -> memref<128xi32, #tpu.memory_space<vmem>>
      %dma_wait3A_660 = arith.constant 0 : i32
      %dma_wait3A_661 = tpu.memref_slice %arg19[%dma_wait3A_660] : memref<50176xf32, #tpu.memory_space<vmem_shared>> -> memref<50176xf32, #tpu.memory_space<vmem_shared>>
      tpu.wait_indirect_dma semaphore(%arg23 : memref<!tpu.dma_semaphore, #tpu.memory_space<semaphore_mem>>) src(%dma_wait3A_656 : memref<128xf32, #tpu.memory_space<vmem>>) dst(%dma_wait3A_661 : memref<50176xf32, #tpu.memory_space<vmem_shared>>)
      %dma_wait3A_662 = arith.constant 5 : i32
      %dma_wait3A_663 = arith.constant 640 : i32
      %dma_wait3A_664 = tpu.memref_slice %arg16[%dma_wait3A_663] : memref<1024xf32, #tpu.memory_space<vmem>> -> memref<128xf32, #tpu.memory_space<vmem>>
      %dma_wait3A_665 = arith.constant 0 : i32
      %dma_wait3A_666 = tpu.memref_slice %arg10[%dma_wait3A_662, %dma_wait3A_665] : memref<8x128xi32, #tpu.memory_space<vmem>> -> memref<1x128xi32, #tpu.memory_space<vmem>>
      %dma_wait3A_667 = tpu.memref_squeeze %dma_wait3A_666 : memref<1x128xi32, #tpu.memory_space<vmem>> -> memref<128xi32, #tpu.memory_space<vmem>>
      %dma_wait3A_668 = arith.constant 0 : i32
      %dma_wait3A_669 = tpu.memref_slice %arg20[%dma_wait3A_668] : memref<50176xf32, #tpu.memory_space<vmem_shared>> -> memref<50176xf32, #tpu.memory_space<vmem_shared>>
      tpu.wait_indirect_dma semaphore(%arg23 : memref<!tpu.dma_semaphore, #tpu.memory_space<semaphore_mem>>) src(%dma_wait3A_664 : memref<128xf32, #tpu.memory_space<vmem>>) dst(%dma_wait3A_669 : memref<50176xf32, #tpu.memory_space<vmem_shared>>)
      %dma_wait3A_670 = arith.constant 6 : i32
      %dma_wait3A_671 = arith.constant 768 : i32
      %dma_wait3A_672 = tpu.memref_slice %arg14[%dma_wait3A_671] : memref<1024xf32, #tpu.memory_space<vmem>> -> memref<128xf32, #tpu.memory_space<vmem>>
      %dma_wait3A_673 = arith.constant 0 : i32
      %dma_wait3A_674 = tpu.memref_slice %arg10[%dma_wait3A_670, %dma_wait3A_673] : memref<8x128xi32, #tpu.memory_space<vmem>> -> memref<1x128xi32, #tpu.memory_space<vmem>>
      %dma_wait3A_675 = tpu.memref_squeeze %dma_wait3A_674 : memref<1x128xi32, #tpu.memory_space<vmem>> -> memref<128xi32, #tpu.memory_space<vmem>>
      %dma_wait3A_676 = arith.constant 0 : i32
      %dma_wait3A_677 = tpu.memref_slice %arg18[%dma_wait3A_676] : memref<50176xf32, #tpu.memory_space<vmem_shared>> -> memref<50176xf32, #tpu.memory_space<vmem_shared>>
      tpu.wait_indirect_dma semaphore(%arg23 : memref<!tpu.dma_semaphore, #tpu.memory_space<semaphore_mem>>) src(%dma_wait3A_672 : memref<128xf32, #tpu.memory_space<vmem>>) dst(%dma_wait3A_677 : memref<50176xf32, #tpu.memory_space<vmem_shared>>)
      %dma_wait3A_678 = arith.constant 6 : i32
      %dma_wait3A_679 = arith.constant 768 : i32
      %dma_wait3A_680 = tpu.memref_slice %arg15[%dma_wait3A_679] : memref<1024xf32, #tpu.memory_space<vmem>> -> memref<128xf32, #tpu.memory_space<vmem>>
      %dma_wait3A_681 = arith.constant 0 : i32
      %dma_wait3A_682 = tpu.memref_slice %arg10[%dma_wait3A_678, %dma_wait3A_681] : memref<8x128xi32, #tpu.memory_space<vmem>> -> memref<1x128xi32, #tpu.memory_space<vmem>>
      %dma_wait3A_683 = tpu.memref_squeeze %dma_wait3A_682 : memref<1x128xi32, #tpu.memory_space<vmem>> -> memref<128xi32, #tpu.memory_space<vmem>>
      %dma_wait3A_684 = arith.constant 0 : i32
      %dma_wait3A_685 = tpu.memref_slice %arg19[%dma_wait3A_684] : memref<50176xf32, #tpu.memory_space<vmem_shared>> -> memref<50176xf32, #tpu.memory_space<vmem_shared>>
      tpu.wait_indirect_dma semaphore(%arg23 : memref<!tpu.dma_semaphore, #tpu.memory_space<semaphore_mem>>) src(%dma_wait3A_680 : memref<128xf32, #tpu.memory_space<vmem>>) dst(%dma_wait3A_685 : memref<50176xf32, #tpu.memory_space<vmem_shared>>)
      %dma_wait3A_686 = arith.constant 6 : i32
      %dma_wait3A_687 = arith.constant 768 : i32
      %dma_wait3A_688 = tpu.memref_slice %arg16[%dma_wait3A_687] : memref<1024xf32, #tpu.memory_space<vmem>> -> memref<128xf32, #tpu.memory_space<vmem>>
      %dma_wait3A_689 = arith.constant 0 : i32
      %dma_wait3A_690 = tpu.memref_slice %arg10[%dma_wait3A_686, %dma_wait3A_689] : memref<8x128xi32, #tpu.memory_space<vmem>> -> memref<1x128xi32, #tpu.memory_space<vmem>>
      %dma_wait3A_691 = tpu.memref_squeeze %dma_wait3A_690 : memref<1x128xi32, #tpu.memory_space<vmem>> -> memref<128xi32, #tpu.memory_space<vmem>>
      %dma_wait3A_692 = arith.constant 0 : i32
      %dma_wait3A_693 = tpu.memref_slice %arg20[%dma_wait3A_692] : memref<50176xf32, #tpu.memory_space<vmem_shared>> -> memref<50176xf32, #tpu.memory_space<vmem_shared>>
      tpu.wait_indirect_dma semaphore(%arg23 : memref<!tpu.dma_semaphore, #tpu.memory_space<semaphore_mem>>) src(%dma_wait3A_688 : memref<128xf32, #tpu.memory_space<vmem>>) dst(%dma_wait3A_693 : memref<50176xf32, #tpu.memory_space<vmem_shared>>)
      %dma_wait3A_694 = arith.constant 7 : i32
      %dma_wait3A_695 = arith.constant 896 : i32
      %dma_wait3A_696 = tpu.memref_slice %arg14[%dma_wait3A_695] : memref<1024xf32, #tpu.memory_space<vmem>> -> memref<128xf32, #tpu.memory_space<vmem>>
      %dma_wait3A_697 = arith.constant 0 : i32
      %dma_wait3A_698 = tpu.memref_slice %arg10[%dma_wait3A_694, %dma_wait3A_697] : memref<8x128xi32, #tpu.memory_space<vmem>> -> memref<1x128xi32, #tpu.memory_space<vmem>>
      %dma_wait3A_699 = tpu.memref_squeeze %dma_wait3A_698 : memref<1x128xi32, #tpu.memory_space<vmem>> -> memref<128xi32, #tpu.memory_space<vmem>>
      %dma_wait3A_700 = arith.constant 0 : i32
      %dma_wait3A_701 = tpu.memref_slice %arg18[%dma_wait3A_700] : memref<50176xf32, #tpu.memory_space<vmem_shared>> -> memref<50176xf32, #tpu.memory_space<vmem_shared>>
      tpu.wait_indirect_dma semaphore(%arg23 : memref<!tpu.dma_semaphore, #tpu.memory_space<semaphore_mem>>) src(%dma_wait3A_696 : memref<128xf32, #tpu.memory_space<vmem>>) dst(%dma_wait3A_701 : memref<50176xf32, #tpu.memory_space<vmem_shared>>)
      %dma_wait3A_702 = arith.constant 7 : i32
      %dma_wait3A_703 = arith.constant 896 : i32
      %dma_wait3A_704 = tpu.memref_slice %arg15[%dma_wait3A_703] : memref<1024xf32, #tpu.memory_space<vmem>> -> memref<128xf32, #tpu.memory_space<vmem>>
      %dma_wait3A_705 = arith.constant 0 : i32
      %dma_wait3A_706 = tpu.memref_slice %arg10[%dma_wait3A_702, %dma_wait3A_705] : memref<8x128xi32, #tpu.memory_space<vmem>> -> memref<1x128xi32, #tpu.memory_space<vmem>>
      %dma_wait3A_707 = tpu.memref_squeeze %dma_wait3A_706 : memref<1x128xi32, #tpu.memory_space<vmem>> -> memref<128xi32, #tpu.memory_space<vmem>>
      %dma_wait3A_708 = arith.constant 0 : i32
      %dma_wait3A_709 = tpu.memref_slice %arg19[%dma_wait3A_708] : memref<50176xf32, #tpu.memory_space<vmem_shared>> -> memref<50176xf32, #tpu.memory_space<vmem_shared>>
      tpu.wait_indirect_dma semaphore(%arg23 : memref<!tpu.dma_semaphore, #tpu.memory_space<semaphore_mem>>) src(%dma_wait3A_704 : memref<128xf32, #tpu.memory_space<vmem>>) dst(%dma_wait3A_709 : memref<50176xf32, #tpu.memory_space<vmem_shared>>)
      %dma_wait3A_710 = arith.constant 7 : i32
      %dma_wait3A_711 = arith.constant 896 : i32
      %dma_wait3A_712 = tpu.memref_slice %arg16[%dma_wait3A_711] : memref<1024xf32, #tpu.memory_space<vmem>> -> memref<128xf32, #tpu.memory_space<vmem>>
      %dma_wait3A_713 = arith.constant 0 : i32
      %dma_wait3A_714 = tpu.memref_slice %arg10[%dma_wait3A_710, %dma_wait3A_713] : memref<8x128xi32, #tpu.memory_space<vmem>> -> memref<1x128xi32, #tpu.memory_space<vmem>>
      %dma_wait3A_715 = tpu.memref_squeeze %dma_wait3A_714 : memref<1x128xi32, #tpu.memory_space<vmem>> -> memref<128xi32, #tpu.memory_space<vmem>>
      %dma_wait3A_716 = arith.constant 0 : i32
      %dma_wait3A_717 = tpu.memref_slice %arg20[%dma_wait3A_716] : memref<50176xf32, #tpu.memory_space<vmem_shared>> -> memref<50176xf32, #tpu.memory_space<vmem_shared>>
      tpu.wait_indirect_dma semaphore(%arg23 : memref<!tpu.dma_semaphore, #tpu.memory_space<semaphore_mem>>) src(%dma_wait3A_712 : memref<128xf32, #tpu.memory_space<vmem>>) dst(%dma_wait3A_717 : memref<50176xf32, #tpu.memory_space<vmem_shared>>)
      scf.yield %scan3A_332 : vector<16xf32>
    }
    %scan3A_16 = arith.constant 49 : i32
    %barrier3A_17 = arith.constant 0 : index
    tpu.barrier barrier_id(%barrier3A_17)
    %mul3A_18 = arith.constant 3 : i32
    %mul3A_19 = arith.muli %arg0, %mul3A_18 : i32
    %mul3A_20 = arith.constant 50176 : i32
    %mul3A_21 = arith.muli %mul3A_19, %mul3A_20 : i32
    %mul3A_22 = arith.constant 3136 : i32
    %mul3A_23 = arith.muli %arg1, %mul3A_22 : i32
    %add3A_24 = arith.addi %mul3A_21, %mul3A_23 : i32
    %mul3A_25 = arith.constant 3136 : i32
    %mul3A_26 = arith.muli %arg1, %mul3A_25 : i32
    "tpu.region"() ({
      %run_scoped3A = tpu.sem_alloc : memref<!tpu.dma_semaphore, #tpu.memory_space<semaphore_mem>>
      %dma_start3A = tpu.memref_slice %arg7[%add3A_24] : memref<301056xf32, #tpu.memory_space<hbm>> -> memref<3136xf32, #tpu.memory_space<hbm>>
      %dma_start3A_38 = tpu.memref_slice %arg18[%mul3A_26] : memref<50176xf32, #tpu.memory_space<vmem_shared>> -> memref<3136xf32, #tpu.memory_space<vmem_shared>>
      tpu.enqueue_dma source(%dma_start3A_38 : memref<3136xf32, #tpu.memory_space<vmem_shared>>) target(%dma_start3A : memref<3136xf32, #tpu.memory_space<hbm>>) target_semaphore(%run_scoped3A : memref<!tpu.dma_semaphore, #tpu.memory_space<semaphore_mem>>)
      %dma_wait3A = tpu.memref_slice %arg7[%add3A_24] : memref<301056xf32, #tpu.memory_space<hbm>> -> memref<3136xf32, #tpu.memory_space<hbm>>
      %dma_wait3A_39 = tpu.memref_slice %arg18[%mul3A_26] : memref<50176xf32, #tpu.memory_space<vmem_shared>> -> memref<3136xf32, #tpu.memory_space<vmem_shared>>
      tpu.wait_dma2 semaphore(%run_scoped3A : memref<!tpu.dma_semaphore, #tpu.memory_space<semaphore_mem>>) src(%dma_wait3A_39 : memref<3136xf32, #tpu.memory_space<vmem_shared>>) dst(%dma_wait3A : memref<3136xf32, #tpu.memory_space<hbm>>)
      tpu.yield
    }) : () -> ()
    %mul3A_27 = arith.constant 3136 : i32
    %mul3A_28 = arith.muli %arg1, %mul3A_27 : i32
    %add3A_29 = arith.constant 50176 : i32
    %add3A_30 = arith.addi %add3A_24, %add3A_29 : i32
    "tpu.region"() ({
      %run_scoped3A = tpu.sem_alloc : memref<!tpu.dma_semaphore, #tpu.memory_space<semaphore_mem>>
      %dma_start3A = tpu.memref_slice %arg7[%add3A_30] : memref<301056xf32, #tpu.memory_space<hbm>> -> memref<3136xf32, #tpu.memory_space<hbm>>
      %dma_start3A_38 = tpu.memref_slice %arg19[%mul3A_28] : memref<50176xf32, #tpu.memory_space<vmem_shared>> -> memref<3136xf32, #tpu.memory_space<vmem_shared>>
      tpu.enqueue_dma source(%dma_start3A_38 : memref<3136xf32, #tpu.memory_space<vmem_shared>>) target(%dma_start3A : memref<3136xf32, #tpu.memory_space<hbm>>) target_semaphore(%run_scoped3A : memref<!tpu.dma_semaphore, #tpu.memory_space<semaphore_mem>>)
      %dma_wait3A = tpu.memref_slice %arg7[%add3A_30] : memref<301056xf32, #tpu.memory_space<hbm>> -> memref<3136xf32, #tpu.memory_space<hbm>>
      %dma_wait3A_39 = tpu.memref_slice %arg19[%mul3A_28] : memref<50176xf32, #tpu.memory_space<vmem_shared>> -> memref<3136xf32, #tpu.memory_space<vmem_shared>>
      tpu.wait_dma2 semaphore(%run_scoped3A : memref<!tpu.dma_semaphore, #tpu.memory_space<semaphore_mem>>) src(%dma_wait3A_39 : memref<3136xf32, #tpu.memory_space<vmem_shared>>) dst(%dma_wait3A : memref<3136xf32, #tpu.memory_space<hbm>>)
      tpu.yield
    }) : () -> ()
    %mul3A_31 = arith.constant 3136 : i32
    %mul3A_32 = arith.muli %arg1, %mul3A_31 : i32
    %add3A_33 = arith.constant 100352 : i32
    %add3A_34 = arith.addi %add3A_24, %add3A_33 : i32
    "tpu.region"() ({
      %run_scoped3A = tpu.sem_alloc : memref<!tpu.dma_semaphore, #tpu.memory_space<semaphore_mem>>
      %dma_start3A = tpu.memref_slice %arg7[%add3A_34] : memref<301056xf32, #tpu.memory_space<hbm>> -> memref<3136xf32, #tpu.memory_space<hbm>>
      %dma_start3A_38 = tpu.memref_slice %arg20[%mul3A_32] : memref<50176xf32, #tpu.memory_space<vmem_shared>> -> memref<3136xf32, #tpu.memory_space<vmem_shared>>
      tpu.enqueue_dma source(%dma_start3A_38 : memref<3136xf32, #tpu.memory_space<vmem_shared>>) target(%dma_start3A : memref<3136xf32, #tpu.memory_space<hbm>>) target_semaphore(%run_scoped3A : memref<!tpu.dma_semaphore, #tpu.memory_space<semaphore_mem>>)
      %dma_wait3A = tpu.memref_slice %arg7[%add3A_34] : memref<301056xf32, #tpu.memory_space<hbm>> -> memref<3136xf32, #tpu.memory_space<hbm>>
      %dma_wait3A_39 = tpu.memref_slice %arg20[%mul3A_32] : memref<50176xf32, #tpu.memory_space<vmem_shared>> -> memref<3136xf32, #tpu.memory_space<vmem_shared>>
      tpu.wait_dma2 semaphore(%run_scoped3A : memref<!tpu.dma_semaphore, #tpu.memory_space<semaphore_mem>>) src(%dma_wait3A_39 : memref<3136xf32, #tpu.memory_space<vmem_shared>>) dst(%dma_wait3A : memref<3136xf32, #tpu.memory_space<hbm>>)
      tpu.yield
    }) : () -> ()
    %swap3A = arith.constant 0 : index
    %swap3A_35 = tpu.vector_load %arg17[%swap3A] {strides = array<i32>} : memref<16xf32, #tpu.memory_space<vmem>>, vector<16xf32>,
    tpu.vector_store %arg17[%swap3A], %scan3A_15 {strides = array<i32>} : memref<16xf32, #tpu.memory_space<vmem>>, vector<16xf32>,
    %mul3A_36 = arith.constant 16 : i32
    %mul3A_37 = arith.muli %add3A, %mul3A_36 : i32
    "tpu.region"() ({
      %run_scoped3A = tpu.sem_alloc : memref<!tpu.dma_semaphore, #tpu.memory_space<semaphore_mem>>
      %dma_start3A = tpu.memref_slice %arg8[%mul3A_37] : memref<512xf32, #tpu.memory_space<hbm>> -> memref<16xf32, #tpu.memory_space<hbm>>
      %dma_start3A_38 = tpu.memref_slice %arg8[%mul3A_37] : memref<512xf32, #tpu.memory_space<hbm>> -> memref<16xf32, #tpu.memory_space<hbm>>
      tpu.enqueue_dma source(%arg17 : memref<16xf32, #tpu.memory_space<vmem>>) target(%dma_start3A_38 : memref<16xf32, #tpu.memory_space<hbm>>) target_semaphore(%run_scoped3A : memref<!tpu.dma_semaphore, #tpu.memory_space<semaphore_mem>>)
      %dma_wait3A = tpu.memref_slice %arg8[%mul3A_37] : memref<512xf32, #tpu.memory_space<hbm>> -> memref<16xf32, #tpu.memory_space<hbm>>
      %dma_wait3A_39 = tpu.memref_slice %arg8[%mul3A_37] : memref<512xf32, #tpu.memory_space<hbm>> -> memref<16xf32, #tpu.memory_space<hbm>>
      tpu.wait_dma2 semaphore(%run_scoped3A : memref<!tpu.dma_semaphore, #tpu.memory_space<semaphore_mem>>) src(%arg17 : memref<16xf32, #tpu.memory_space<vmem>>) dst(%dma_wait3A_39 : memref<16xf32, #tpu.memory_space<hbm>>)
      tpu.yield
    }) : () -> ()
    return
  }
}

module attributes {stable_mosaic.version = 14 : i64} {
  func.func @_tc_r_body(%arg0: i32, %arg1: memref<5x32768xf32, #tpu.memory_space<vmem>>, %arg2: memref<1x32768xf32, #tpu.memory_space<vmem>>) attributes {dimension_semantics = [#tpu.dimension_semantics<arbitrary>], iteration_bounds = array<i64: 49>, scalar_prefetch = 0 : i64, scratch_operands = 0 : i64, tpu.core_type = #tpu.core_type<tc>, window_params = [{transform_indices = @transform_0, window_bounds = array<i64: 5, 32768>}, {transform_indices = @transform_1, window_bounds = array<i64: 1, 32768>}]} {
    %get3A = arith.constant 0 : index
    %get3A_0 = arith.constant 0 : index
    %get3A_1 = vector.load %arg1[%get3A, %get3A_0] : memref<5x32768xf32, #tpu.memory_space<vmem>>, vector<1x32768xf32>
    %get3A_2 = vector.shape_cast %get3A_1 : vector<1x32768xf32> to vector<32768xf32>
    %get3A_3 = arith.constant 1 : index
    %get3A_4 = arith.constant 0 : index
    %get3A_5 = vector.load %arg1[%get3A_3, %get3A_4] : memref<5x32768xf32, #tpu.memory_space<vmem>>, vector<1x32768xf32>
    %get3A_6 = vector.shape_cast %get3A_5 : vector<1x32768xf32> to vector<32768xf32>
    %get3A_7 = arith.constant 2 : index
    %get3A_8 = arith.constant 0 : index
    %get3A_9 = vector.load %arg1[%get3A_7, %get3A_8] : memref<5x32768xf32, #tpu.memory_space<vmem>>, vector<1x32768xf32>
    %get3A_10 = vector.shape_cast %get3A_9 : vector<1x32768xf32> to vector<32768xf32>
    %mul3A = arith.mulf %get3A_2, %get3A_2 : vector<32768xf32>
    %mul3A_11 = arith.mulf %get3A_6, %get3A_6 : vector<32768xf32>
    %add3A = arith.addf %mul3A, %mul3A_11 : vector<32768xf32>
    %mul3A_12 = arith.mulf %get3A_10, %get3A_10 : vector<32768xf32>
    %add3A_13 = arith.addf %add3A, %mul3A_12 : vector<32768xf32>
    %add3A_14 = arith.constant 9.99999996E-13 : f32
    %add3A_15 = vector.broadcast %add3A_14 : f32 to vector<32768xf32>
    %add3A_16 = arith.addf %add3A_13, %add3A_15 : vector<32768xf32>
    %sqrt3A = math.sqrt %add3A_16 : vector<32768xf32>
    %swap3A = arith.constant 0 : index
    %swap3A_17 = arith.constant 0 : index
    %swap3A_18 = vector.load %arg2[%swap3A, %swap3A_17] : memref<1x32768xf32, #tpu.memory_space<vmem>>, vector<1x32768xf32>
    %swap3A_19 = vector.shape_cast %swap3A_18 : vector<1x32768xf32> to vector<32768xf32>
    %swap3A_20 = vector.shape_cast %sqrt3A : vector<32768xf32> to vector<1x32768xf32>
    tpu.vector_store %arg2[%swap3A, %swap3A_17], %swap3A_20 {strides = array<i32>} : memref<1x32768xf32, #tpu.memory_space<vmem>>, vector<1x32768xf32>,
    return
  }
  func.func @transform_0(%arg0: i32) -> (i32, i32) {
    %c0_i32 = arith.constant 0 : i32
    %c0_i32_0 = arith.constant 0 : i32
    return %c0_i32, %arg0 : i32, i32
  }
  func.func @transform_1(%arg0: i32) -> (i32, i32) {
    %c0_i32 = arith.constant 0 : i32
    %c0_i32_0 = arith.constant 0 : i32
    return %c0_i32, %arg0 : i32, i32
  }
}

</mosaic_0001>

<sc_bundles>
// kernel: kernel.10.cloned.1.call-start
scs
__scs_entry_jumppad:
0x0: {  	(pc) =	sbr.rel $0x88, $3  }
0x1: {  	(tag) =	ssettag $0x0;
	lr =	simm.s32 $0x1  }
0x2: {  	[smem:$0x3F94] =	sst lr;
	_ =	strace $0xD0000000  }
0x3: {  	_ = 	snop  }
0x4: {  	_ = 	snop  }
0x5: {  	_ = 	snop  }
0x6: {  	_ = 	snop  }
0x7: {  	_ = 	snop  }
__scs_overlays_trampoline_lowered:
0x8: {  	[smem:$0x3FA3] =	sst s0  }
0x9: {  	[smem:$0x3FA4] =	sst s1  }
0xa: {  	[smem:$0x3FA5] =	sst s2  }
0xb: {  	[smem:$0x3FA6] =	sst s3  }
0xc: {  	[smem:$0x3FA7] =	sst s4  }
0xd: {  	[smem:$0x3FA8] =	sst s5  }
0xe: {  	[smem:$0x3FA9] =	sst s6  }
0xf: {  	[smem:$0x3FAA] =	sst s7  }
0x10: {  	[smem:$0x3FAB] =	sst s8  }
0x11: {  	[smem:$0x3FAC] =	sst s9;
	s0 =	simm.s32 @!p0 $0x0  }
0x12: {  	s1 =	sld [smem:$0x3F92];
	s0 =	simm.s32 @p0 $0x1  }
0x13: {  	[smem:$0x3FAD] =	sst s0;
	s0 =	simm.s32 @!p1 $0x0  }
0x14: {  	s2 =	sld [smem:$0x3F91];
	s0 =	simm.s32 @p1 $0x1  }
0x15: {  	[smem:$0x3FAE] =	sst s0;
	s0 =	simm.s32 @!p2 $0x0  }
0x16: {  	s3 =	sld [smem:$0x3FDB];
	s0 =	simm.s32 @p2 $0x1  }
0x17: {  	s4 =	simm.s32 $0x1BF5;
	[smem:$0x3FB0] =	sst s0  }
0x18: {  	s0 =	sld [smem:$0x3F93];
	_ =	swait.ge [sflag:s4], $0x0  }
0x19: {  	s7 =	sld [smem:$0x3F94]  }
0x1a: {  	s8 =	sadd.s32 $0xFFFFE003, lr  }
0x1b: {  	s9 =	sadd.s32 $0xFFFFFEF7, lr;
	s5 =	simm.s32 $0xFFFFFFFF;
	p2 =	slt.u32 s8, $0xFFFFF086  }
0x1c: {  	p1 =	slt.u32 s9, $0xF7A;
	s5 =	simm.s32 @!p2 $0x0  }
0x1d: {  	s5 =	simm.s32 @p1 $0x1;
	p0 =	seq.s32 s7, s2  }
0x1e: {  	s7 =	smul.u32 @!p0 $0xF7A, s2;
	p2 =	seq.s32 @!p0 s5, $0x0  }
0x1f: {  	s9 =	smul.u32 $0xF7A, s1;
	s8 =	simm.s32 @!p0 $0x1BF5;
	p2 =	por !p2, p0  }
0x20: {  	[sflag:s8] =	ssyncset.s32 @!p0 $0xFFFFF086;
	s6 =	sadd.s32 @!p0 s3, s7;
	s7 =	simm.s32 @!p0 $0x108  }
0x21: {  	s3 =	sadd.s32 s3, s9;
	s6 =	sadd.s32 @!p0 $0x88, s6;
	s7 =	simm.s32 @p2 $0x1082  }
0x22: {  	[simem:s7], [sflag:s8] =	dma.local @!p0 [hbm:s6], $0xF7A  }
0x23: {  	s9 =	sor.u32 $0xD0000000, s2;
	s6 =	simm.s32 $0x108;
	_ =	swait.ge @!p0 [sflag:s8], $0x0  }
0x24: {  	s3 =	sadd.s32 $0x88, s3;
	s6 =	simm.s32 @!p1 $0x1082;
	[sflag:s4] =	ssyncset.s32 $0xFFFFF086  }
0x25: {  	[simem:s6], [sflag:s4] =	dma.local [hbm:s3], $0xF7A  }
0x26: {  	[smem:$0x3F94] =	sst s1;
	(tag) =	ssettag s2;
	_ =	strace s9  }
0x27: {  	s1 =	sld [smem:$0x3FA4]  }
0x28: {  	s2 =	sld [smem:$0x3FA5]  }
0x29: {  	s4 =	sld [smem:$0x3FA7]  }
0x2a: {  	p0 =	seq.s32 s5, $0x0;
	s5 =	sld [smem:$0x3FA8]  }
0x2b: {  	s6 =	sld [smem:$0x3FA9]  }
0x2c: {  	s7 =	sld [smem:$0x3FAA]  }
0x2d: {  	s3 =	simm.s32 $0x108;
	s8 =	sld [smem:$0x3FAB]  }
0x2e: {  	s3 =	simm.s32 @!p0 $0x1082;
	s9 =	sld [smem:$0x3FAC]  }
0x2f: {  	lr =	sadd.s32 s0, s3;
	s0 =	sld [smem:$0x3FA3]  }
0x30: {  	s3 =	sld [smem:$0x3FA6]  }
0x31: {  	[smem:$0x3FAF] =	sst s10  }
0x32: {  	s10 =	sld [smem:$0x3FAD];
	_ =	sdelay $0x3  }
0x33: {  	p0 =	seq.s32 s10, $0x1;
	s10 =	sld [smem:$0x3FAF];
	_ =	sdelay $0x3  }
0x34: {  	[smem:$0x3FAF] =	sst s10  }
0x35: {  	s10 =	sld [smem:$0x3FAE];
	_ =	sdelay $0x3  }
0x36: {  	p1 =	seq.s32 s10, $0x1;
	s10 =	sld [smem:$0x3FAF];
	_ =	sdelay $0x3  }
0x37: {  	[smem:$0x3FAF] =	sst s10  }
0x38: {  	s10 =	sld [smem:$0x3FB0]  }
0x39: {  	_ = 	snop;
	(pc) =	sbr.ind lr, $3  }
0x3a: {  	_ = 	snop  }
0x3b: {  	_ = 	snop  }
0x3c: {  	p2 =	seq.s32 s10, $0x1;
	s10 =	sld [smem:$0x3FAF]  }
0x3d: {  	_ =	shalt  }
0x3e: {  	_ =	shalt  }
0x3f: {  	_ =	shalt  }
0x40: {  	_ =	shalt  }
0x41: {  	_ =	shalt  }
0x42: {  	_ =	shalt  }
0x43: {  	_ =	shalt  }
0x44: {  	_ =	shalt  }
0x45: {  	_ =	shalt  }
0x46: {  	_ =	shalt  }
0x47: {  	_ =	shalt  }
0x48: {  	_ =	shalt  }
0x49: {  	_ =	shalt  }
0x4a: {  	_ =	shalt  }
0x4b: {  	_ =	shalt  }
0x4c: {  	_ =	shalt  }
0x4d: {  	_ =	shalt  }
0x4e: {  	_ =	shalt  }
0x4f: {  	_ =	shalt  }
0x50: {  	_ =	shalt  }
0x51: {  	_ =	shalt  }
0x52: {  	_ =	shalt  }
0x53: {  	_ =	shalt  }
0x54: {  	_ =	shalt  }
0x55: {  	_ =	shalt  }
0x56: {  	_ =	shalt  }
0x57: {  	_ =	shalt  }
0x58: {  	_ =	shalt  }
0x59: {  	_ =	shalt  }
0x5a: {  	_ =	shalt  }
0x5b: {  	_ =	shalt  }
0x5c: {  	_ =	shalt  }
0x5d: {  	_ =	shalt  }
0x5e: {  	_ =	shalt  }
0x5f: {  	_ =	shalt  }
0x60: {  	_ =	shalt  }
0x61: {  	_ =	shalt  }
0x62: {  	_ =	shalt  }
0x63: {  	_ =	shalt  }
0x64: {  	_ =	shalt  }
0x65: {  	_ =	shalt  }
0x66: {  	_ =	shalt  }
0x67: {  	_ =	shalt  }
0x68: {  	_ =	shalt  }
0x69: {  	_ =	shalt  }
0x6a: {  	_ =	shalt  }
0x6b: {  	_ =	shalt  }
0x6c: {  	_ =	shalt  }
0x6d: {  	_ =	shalt  }
0x6e: {  	_ =	shalt  }
0x6f: {  	_ =	shalt  }
0x70: {  	_ =	shalt  }
0x71: {  	_ =	shalt  }
0x72: {  	_ =	shalt  }
0x73: {  	_ =	shalt  }
0x74: {  	_ =	shalt  }
0x75: {  	_ =	shalt  }
0x76: {  	_ =	shalt  }
0x77: {  	_ =	shalt  }
0x78: {  	_ =	shalt  }
0x79: {  	_ =	shalt  }
0x7a: {  	_ =	shalt  }
0x7b: {  	_ =	shalt  }
0x7c: {  	_ =	shalt  }
0x7d: {  	_ =	shalt  }
0x7e: {  	_ =	shalt  }
0x7f: {  	_ =	shalt  }
0x80: {  	_ =	shalt  }
0x81: {  	_ =	shalt  }
0x82: {  	_ =	shalt  }
0x83: {  	_ =	shalt  }
0x84: {  	_ =	shalt  }
0x85: {  	_ =	shalt  }
0x86: {  	_ =	shalt  }
0x87: {  	_ =	shalt  }
.Lfunc_end0:
.L_simem_size_0:
called_computation.1_lowered:
.L_overlay_start_0:
0x88: {  	s2 =	sld [smem:$0x3FD9]  }
0x89: {  	s3 =	sld [smem:$0x3FFE];
	_ =	sdelay $0x1  }
0x8a: {  	s1 =	srdreg.scid  }
0x8b: {  	s0 =	sand.u32 $0x1, s1  }
0x8c: {  	s14 =	sshll.u32 s0, $0xA;
	s2 =	sadd.s32 s3, s2  }
0x8d: {  	s2 =	sadd.s32 s2, s14  }
0x8e: {  	[smem:$0x3FBB] =	sst s2  }
0x8f: {  	_ = 	snop  }
0x90: {  	s2 =	sld [smem:$0x3FD0];
	_ =	sdelay $0x2  }
0x91: {  	s15 =	simm.s32 $0xA;
	s4 =	simm.s32 $0x10  }
0x92: {  	[smem:s4], [sflag:s15] =	dma.local [hbm:s2], $0x1  }
0x93: {  	_ =	swait.eq [sflag:s15], $0x1  }
0x94: {  	[sflag:s15] =	ssyncset.done $0x0  }
0x95: {  	s16 =	sld [smem:$0x10];
	[sflag:s15] =	ssyncadd.s32 $0xFFFFFFFF  }
0x96: {  	s17 =	sld [smem:$0x11];
	(tm) =	ssettm $0x1  }
0x97: {  	s18 =	sld [smem:$0x3FFB];
	_ =	sdelay $0x3  }
0x98: {  	_ =	strace s18  }
0x99: {  	s4 =	sld [smem:$0x3FFC];
	_ =	sdelay $0x3  }
0x9a: {  	_ =	strace s4  }
0x9b: {  	s4 =	sld [smem:$0x3FFD];
	_ =	sdelay $0x3  }
0x9c: {  	_ =	strace s4  }
0x9d: {  	_ =	strace $0x8FFFFFFF  }
0x9e: {  	s19 =	sld [smem:$0x3FDB];
	_ =	sdelay $0x1  }
0x9f: {  	s5 =	simm.s32 $_scs_section_size  }
0xa0: {  	s6 =	simm.s32 $_size__tile_overlayer_lowered;
	s7 =	simm.s32 $_tile_overlayer_lowered  }
0xa1: {  	s22 =	simm.s32 $0x1BFF;
	s21 =	sshll.u32 s7, $0x1;
	s4 =	sadd.s32 s5, s19  }
0xa2: {  	s8 =	simm.s32 $0x0;
	s20 =	sshll.u32 s6, $0x1;
	s6 =	sadd.s32 s21, s4  }
0xa3: {  	[timem:s8], [sflag:s22] =	dma.local [hbm:s6], s20  }
0xa4: {  	_ =	swait.ge [sflag:s22], s20  }
0xa5: {  	s5 =	ssub.s32 $0x0, s20;
	[sflag:s22] =	ssyncset.done $0x0  }
0xa6: {  	[sflag:s22] =	ssyncadd.s32 s5;
	_ =	sdelay $0x1  }
0xa7: {  	s23 =	simm.s32 $0x1B8B  }
0xa8: {  	_ =	swait.ge [sflag:s23], $0x1  }
0xa9: {  	[sflag:s23] =	ssyncset.done $0x0  }
0xaa: {  	s25 =	simm.s32 $0x1B8E;
	s24 =	sld [smem:$0x3FFE];
	[sflag:s23] =	ssyncadd.s32 $0xFFFFFFFF  }
0xab: {  	s26 =	simm.s32 $execute0_lowered;
	[smem:$0x3FD2] =	sst s25  }
0xac: {  	s6 =	sshll.u32 s26, $0x1;
	_ =	strace $0x80000049;
	[dreg:$0x1] =	wrdreg $0xFFFFFFFF  }
0xad: {  	s28 =	simm.s32 $_size_execute0_lowered;
	s4 =	sadd.s32 s4, s6;
	[dreg:$0x0] =	wrdreg $0x0  }
0xae: {  	s6 =	sshll.u32 s28, $0x1;
	[dreg:$0x2] =	wrdreg s4  }
0xaf: {  	[dreg:$0x3] =	wrdreg s6  }
0xb0: {  	[dreg:$0x4] =	wrdreg $0xC0  }
0xb1: {  	_ =	task [dreg:s8], $0x5FFFF  }
0xb2: {  	[dreg:$0x1] =	wrdreg $0xFFFFFFFF  }
0xb3: {  	[dreg:$0x0] =	wrdreg $0x60  }
0xb4: {  	[dreg:$0x2] =	wrdreg s24  }
0xb5: {  	[dreg:$0x3] =	wrdreg s16  }
0xb6: {  	[dreg:$0x4] =	wrdreg s17  }
0xb7: {  	[dreg:$0x5] =	wrdreg $0x1BC500  }
0xb8: {  	[dreg:$0x6] =	wrdreg $0x9  }
0xb9: {  	_ =	task.clear_ibuf [dreg:s8], $0x7FFFF;
	_ =	strace $0x90000049  }
0xba: {  	s29 =	simm.s32 $0x9;
	_ =	strace $0x8000004B  }
0xbb: {  	_ =	swait.ge [sflag:s29], $0x1  }
0xbc: {  	[sflag:s29] =	ssyncadd.s32 $0xFFFFFFFF  }
0xbd: {  	_ =	strace $0x9000004B  }
0xbe: {  	_ =	sfence  }
0xbf: {  	s30 =	sld [smem:$0x0];
	_ =	sdelay $0x2  }
0xc0: {  	s31 =	sshll.u32 s1, $0xD;
	s1 =	sshrl.u32 s1, $0x2  }
0xc1: {  	s3 =	sand.u32 $0x4000, s31;
	s1 =	sadd.s32 s1, s30  }
0xc2: {  	s0 =	sor.u32 s3, s0;
	s1 =	sshll.u32 s1, $0x11  }
0xc3: {  	s0 =	sor.u32 s1, s0  }
0xc4: {  	s0 =	sadd.s32 $0x8F2B, s0  }
0xc5: {  	[sflag:s0] =	ssyncadd.remote.s32 $0x1  }
0xc6: {  	_ =	sfence.sel $0xFFFF  }
0xc7: {  	[dreg:$0x0] =	wrdreg $0xFFFFFFFF;
	(pc) =	sbr.abs _section_cstart, $3  }
0xc8: {  	[dreg:$0x1] =	wrdreg $0xFFFFFFFF  }
0xc9: {  	_ =	task.clear_ibuf [dreg:s8], $0x2FFFF;
	_ =	strace $0x9FFFFFFF  }
0xca: {  	(tm) =	ssettm $0x7FFFFFFF  }
0xcb: {  	_ =	shalt  }
tec
execute0_lowered:
.L_overlay_start_1:
0x0: {  	(tag) =	ssettag $0x1  }
0x1: {  	s0 =	rddreg [dreg:$0x0]  }
0x2: {  	s1 =	rddreg [dreg:$0x2]  }
0x3: {  	s2 =	rddreg [dreg:$0x3];
	s3 =	simm.s32 $0x0;
	s22 =	srdreg.scid  }
0x4: {  	s15 =	stileid.u32;
	s19 =	simm.s32 $0x4000;
	s28 =	simm.s32 $0x188000  }
0x5: {  	s29 =	simm.s32 $0x18440;
	s30 =	simm.s32 $0x19840;
	s31 =	simm.s32 $0x1  }
0x6: {  	s17 =	simm.s32 $0x182C0;
	s18 =	simm.s32 $0x1BB40;
	[smem:$0x7FF] =	sst s3  }
0x7: {  	s4 =	sadd.s32 $0x7CA00, s0;
	s5 =	sadd.s32 $0x171A00, s0;
	s6 =	sadd.s32 $0x2200, s0  }
0x8: {  	s16 =	simm.s32 $0x0;
	s7 =	sadd.s32 $0x2FC200, s0;
	s20 =	sadd.s32 $0x2FBA00, s0  }
0x9: {  	s21 =	sadd.s32 $0x2FAA00, s0;
	_ =	strace $0x8000004A;
	[dreg:$0x5] =	wrdreg s7  }
0xa: {  	s8 =	sadd.s32 $0x2F9A00, s0;
	s23 =	smul.u32 $0xC40, s15;
	[dreg:$0x6] =	wrdreg s20  }
0xb: {  	s9 =	sadd.s32 $0x64200, s0;
	s13 =	sadd.s32 $0x1A2A00, s0;
	[dreg:$0x7] =	wrdreg s21  }
0xc: {  	s26 =	sshll.u32 s15, $0x6;
	[dreg:$0x8] =	wrdreg s8;
	s7 =	sand.u32 $0x1, s22  }
0xd: {  	[dreg:$0x9] =	wrdreg s9;
	s20 =	simm.s32 $0x8000;
	s21 =	simm.s32 $0x10000  }
0xe: {  	s22 =	simm.s32 $0x183C0;
	s24 =	sshll.u32 s7, $0x4;
	s10 =	smul.u32 $0xC400, s7  }
0xf: {  	s7 =	ssub.s32 $0x2, s7;
	s8 =	sadd.s32 s23, s2;
	s9 =	sor.u32 s15, s24  }
0x10: {  	s12 =	sshrl.u32 s7, $0x1;
	s15 =	sor.u32 $0x1C03, s26;
	s26 =	simm.s32 $0x400  }
0x11: {  	s24 =	simm.s32 $0x18340;
	s11 =	sshll.u32 s9, $0x1;
	s10 =	sadd.s32 s23, s10  }
0x12: {  	s7 =	ssub.s32 s7, s12;
	s14 =	smul.u32 $0xC400, s9;
	s12 =	sshrl.u32 s8, $0x3  }
0x13: {  	s23 =	simm.s32 $0x1BAC0;
	s8 =	simm.s32 $0x1BBC0;
	s9 =	simm.s32 $0x2  }
0x14: {  	[dreg:$0xd] =	wrdreg s15;
	s0 =	sadd.s32 s11, s0;
	s10 =	sshrl.u32 s10, $0x3  }
0x15: {  	s25 =	smax.u32 s7, $0x1;
	s11 =	simm.s32 $0x3;
	[dreg:$0xe] =	wrdreg s12  }
0x16: {  	v0 =	vlaneseq.u32;
	v5 =	vimm.f32 $0.0e+00;
	s7 =	simm.s32 $0x1B840;
	s1 =	sadd.s32 s1, s10;
	[dreg:$0xc] =	wrdreg s25  }
0x17: {  	v1 =	vor.u32 $0x400, v0;
	v2 =	vor.u32 $0x800, v0;
	v3 =	vor.u32 $0xC00, v0;
	s0 =	sadd.s32 $0x64400, s0;
	s25 =	simm.s32 $0x18040;
	[dreg:$0xa] =	wrdreg s1  }
0x18: {  	v4 =	vor.u32 $0x1000, v0;
	v6 =	vor.u32 $0x1400, v0;
	v7 =	vor.u32 $0x1800, v0;
	[dreg:$0xb] =	wrdreg s0;
	s0 =	simm.s32 $0x19C40;
	s1 =	simm.s32 $0x80  }
.LBB2_1:
0x19: {  	[dreg:$0xf] =	wrdreg s16  }
0x1a: {  	s10 =	rddreg [dreg:$0x5]  }
0x1b: {  	[tilespmem:s3], [sflag:$0x3] =	stream.linear.gather [hbm4b:s10+s3], $0x4000, $0x38;
	[tilespmem:$0x1C890] =	vst v63  }
0x1c: {  	_ =	swait.ge [sflag:s11], $0x4000  }
0x1d: {  	[sflag:s11] =	ssyncset.done $0x0  }
0x1e: {  	s16 =	rddreg [dreg:$0x6];
	[sflag:s11] =	ssyncadd.s32 $0xFFFFC000  }
0x1f: {  	[tilespmem:s19], [sflag:$0x3] =	stream.linear.gather [hbm4b:s16+s3], $0x4000, $0x38;
	[tilespmem:$0x1C890] =	vst v63  }
0x20: {  	_ =	swait.ge [sflag:s11], $0x4000  }
0x21: {  	[sflag:s11] =	ssyncset.done $0x0  }
0x22: {  	s16 =	rddreg [dreg:$0x7];
	[sflag:s11] =	ssyncadd.s32 $0xFFFFC000  }
0x23: {  	[tilespmem:s20], [sflag:$0x3] =	stream.linear.gather [hbm4b:s16+s3], $0x8000, $0x38;
	[tilespmem:$0x1C890] =	vst v63  }
0x24: {  	_ =	swait.ge [sflag:s11], $0x8000  }
0x25: {  	[sflag:s11] =	ssyncset.done $0x0  }
0x26: {  	s16 =	rddreg [dreg:$0x8];
	[sflag:s11] =	ssyncadd.s32 $0xFFFF8000  }
0x27: {  	[tilespmem:s21], [sflag:$0x3] =	stream.linear.gather [hbm4b:s16+s3], $0x8000, $0x38;
	[tilespmem:$0x1C890] =	vst v63  }
0x28: {  	_ =	swait.ge [sflag:s11], $0x8000  }
0x29: {  	[sflag:s11] =	ssyncset.done $0x0  }
0x2a: {  	[sflag:s11] =	ssyncadd.s32 $0xFFFF8000  }
0x2b: {  	s16 =	smov.u32 s12;
	s12 =	simm.s32 $0x18000;
	s10 =	rddreg [dreg:$0x1]  }
0x2c: {  	[tilespmem:s12], [sflag:$0x3] =	stream.linear.gather [hbm4b:s10+s3], $0x40, $0x38;
	[tilespmem:$0x1C890] =	vst v63  }
0x2d: {  	_ =	swait.ge [sflag:s11], $0x40  }
0x2e: {  	[sflag:s11] =	ssyncset.done $0x0  }
0x2f: {  	s12 =	rddreg [dreg:$0x9];
	[sflag:s11] =	ssyncadd.s32 $0xFFFFFFC0  }
0x30: {  	[spmem:s16], [sflag:s15] =	dma.local [hbm:s12], $0x188  }
0x31: {  	_ =	swait.ge [sflag:s11], $0x188  }
0x32: {  	[sflag:s11] =	ssyncset.done $0x0  }
0x33: {  	[sflag:s11] =	ssyncadd.s32 $0xFFFFFE78  }
0x34: {  	[bflag:$0x0] =	sbarrier.arrive $0xFFFF  }
0x35: {  	v8 =	vld [tilespmem:$0x18000]  }
0x36: {  	v9 =	vld [tilespmem:$0x18020]  }
0x37: {  	v11 =	vimm.f32 $0.0e+00;
	s10 =	simm.s32 $0x0;
	s16 =	simm.s32 $0x180C0;
	v10 =	vld [tilespmem:$0x18030]  }
.LBB2_2:
0x38: {  	s11 =	sshll.u32 s10, $0xA  }
0x39: {  	s11 =	sadd.s32 s14, s11  }
0x3a: {  	s11 =	sshrl.u32 s11, $0x3  }
0x3b: {  	s12 =	simm.s32 $0x0;
	s15 =	sadd.s32 s6, s11  }
0x3c: {  	[tilespmem:s25], [sflag:$0x1] =	stream.linear.gather [hbm4b:s15+s12], $0x400, $0x38;
	[tilespmem:$0x1C890] =	vst v63  }
0x3d: {  	s15 =	sadd.s32 s4, s11  }
0x3e: {  	[tilespmem:s29], [sflag:$0x1] =	stream.strided.gather [hbm4b:s15+s26], $0x1400, s28, s26, $0x38;
	[tilespmem:$0x1C890] =	vst v63  }
0x3f: {  	s15 =	sadd.s32 s5, s11  }
0x40: {  	[tilespmem:s30], [sflag:$0x1] =	stream.linear.gather [hbm4b:s15+s12], $0x400, $0x38;
	[tilespmem:$0x1C890] =	vst v63  }
0x41: {  	_ =	swait.ge [sflag:s31], $0x400  }
0x42: {  	[sflag:s31] =	ssyncset.done $0x0  }
0x43: {  	[sflag:s31] =	ssyncadd.s32 $0xFFFFFC00  }
0x44: {  	_ =	swait.ge [sflag:s31], $0x1400  }
0x45: {  	[sflag:s31] =	ssyncset.done $0x0  }
0x46: {  	[sflag:s31] =	ssyncadd.s32 $0xFFFFEC00  }
0x47: {  	_ =	swait.ge [sflag:s31], $0x400  }
0x48: {  	[sflag:s31] =	ssyncset.done $0x0  }
0x49: {  	[sflag:s31] =	ssyncadd.s32 $0xFFFFFC00  }
.LBB2_3:
0x4a: {  	v16 =	vor.u32 s12, v0  }
0x4b: {  	v18 =	vor.u32 s12, v4  }
0x4c: {  	v17 =	vor.u32 s12, v3;
	_ =	sdelay $0x2  }
0x4d: {  	v19 =	vld.idx.msk [tilespmem:v16+s30+$0x0], $0xffff  }
0x4e: {  	v13 =	vld.idx.msk [tilespmem:v18+s29+$0x0], $0xffff  }
0x4f: {  	v12 =	vld.idx.msk [tilespmem:v17+s29+$0x0], $0xffff;
	_ =	sdelay $0x3  }
0x50: {  	v14 =	vmin.f32 v19, v10;
	v13 =	vtrunc.f32 v13  }
0x51: {  	v12 =	vtrunc.f32 v12;
	v14 =	vmul.f32 v14, v9  }
0x52: {  	v13 =	vcvt.f32.s32 v13;
	v12 =	vcvt.f32.s32 v12  }
0x53: {  	v15 =	vtrunc.f32 v14  }
0x54: {  	v13 =	vshll.u32 v13, $0xD;
	v20 =	vshll.u32 v12, $0xE;
	v15 =	vcvt.f32.s32 v15  }
0x55: {  	v20 =	vadd.s32 v20, v13  }
0x56: {  	v21 =	vadd.s32 $0x1, v15;
	v22 =	vadd.s32 v15, v20  }
0x57: {  	v12 =	vshll.u32 v12, $0xD;
	v23 =	vadd.s32 v15, v13;
	vm0 =	vlt.s32 v21, $0x1FFF  }
0x58: {  	v24 =	vadd.s32 v15, v12;
	v21 =	vnsel vm0, $0x1FFF, v21  }
0x59: {  	v13 =	vadd.s32 v13, v21  }
0x5a: {  	v12 =	vadd.s32 v12, v21  }
0x5b: {  	v20 =	vadd.s32 v20, v21;
	v56 =	vld.idx.msk [tilespmem:v22+s21+$0x0], $0xffff  }
0x5c: {  	v25 =	vld.idx.msk [tilespmem:v23+s19+$0x0], $0xffff  }
0x5d: {  	v24 =	vld.idx.msk [tilespmem:v24+s19+$0x0], $0xffff  }
0x5e: {  	v26 =	vld.idx.msk [tilespmem:v13+s19+$0x0], $0xffff  }
0x5f: {  	v27 =	vld.idx.msk [tilespmem:v12+s19+$0x0], $0xffff  }
0x60: {  	vm6 =	vgt.f32 v19, $9.999999970e-07;
	v28 =	vld.idx.msk [tilespmem:v20+s21+$0x0], $0xffff  }
0x61: {  	v58 =	vnsel vm6, $0x3F800000, v19;
	v57 =	vcvt.s32.f32 v15  }
0x62: {  	(erf) = vrcp.f32 v58  }
0x63: {  	v29 =	vor.u32 s12, v1;
	v12 =	vsub.f32 v14, v57;
	v59 =	vsub.f32 v26, v25  }
0x64: {  	v30 =	vor.u32 s12, v2;
	v23 =	vld.idx.msk [tilespmem:v23+s3+$0x0], $0xffff;
	v60 =	vsub.f32 v27, v24  }
0x65: {  	v61 =	vld.idx.msk [tilespmem:v13+s3+$0x0], $0xffff;
	v62 =	vsub.f32 v28, v56;
	v14 =	vmul.f32 v59, v12  }
0x66: {  	vm1 =	vlt.f32 v19, v8;
	v15 =	vmul.f32 v60, v12  }
0x67: {  	v63 =	vld.idx.msk [tilespmem:v16+s29+$0x0], $0xffff;
	vm0 =	vmand vm1, vm6;
	v31 =	vmul.f32 v62, v12;
	v25 =	vadd.f32 v14, v25  }
0x68: {  	v36 =	vld.idx.msk [tilespmem:v29+s29+$0x0], $0xffff;
	v13 =	vsel vm0, $0x3F800000, v5;
	v24 =	vadd.f32 v15, v24  }
0x69: {  	v32 =	vld.idx.msk [tilespmem:v30+s29+$0x0], $0xffff;
	v21 =	vadd.f32 v31, v56;
	v37 =	vmul.f32 v25, v13  }
0x6a: {  	v38 =	vsub.f32 v61, v23;
	v14 =	vld.idx.msk [tilespmem:v22+s20+$0x0], $0xffff;
	v39 =	vmul.f32 v24, v13  }
0x6b: {  	v41 =	vor.u32 s12, v6;
	v40 =	vpop (erf);
	v15 =	vld.idx.msk [tilespmem:v20+s20+$0x0], $0xffff;
	v21 =	vmul.f32 v21, v13;
	[tilespmem:v16+s0+$0x0] =	vst.idx.msk $0xffff, v37  }
0x6c: {  	v43 =	vor.u32 s12, v7;
	v42 =	vmul.f32 v40, v63;
	v25 =	vmul.f32 v12, v38;
	[tilespmem:v29+s0+$0x0] =	vst.idx.msk $0xffff, v39  }
0x6d: {  	s15 =	sadd.s32 $0x10, s12;
	v44 =	vmul.f32 v40, v36;
	[tilespmem:v30+s0+$0x0] =	vst.idx.msk $0xffff, v21  }
0x6e: {  	v45 =	vmul.f32 v40, v32;
	v20 =	vor.u32 s15, v0;
	v23 =	vadd.f32 v25, v23;
	[tilespmem:v17+s0+$0x0] =	vst.idx.msk $0xffff, v42  }
0x6f: {  	v22 =	vor.u32 s15, v4;
	[tilespmem:v18+s0+$0x0] =	vst.idx.msk $0xffff, v44  }
0x70: {  	v46 =	vmul.f32 v23, v13;
	v21 =	vor.u32 s15, v3;
	[tilespmem:v41+s0+$0x0] =	vst.idx.msk $0xffff, v45  }
0x71: {  	[tilespmem:v43+s0+$0x0] =	vst.idx.msk $0xffff, v19  }
0x72: {  	[tilespmem:v16+s7+$0x0] =	vst.idx.msk $0xffff, v46  }
0x73: {  	v23 =	vld.idx.msk [tilespmem:v20+s30+$0x0], $0xffff  }
0x74: {  	v17 =	vld.idx.msk [tilespmem:v22+s29+$0x0], $0xffff  }
0x75: {  	v16 =	vld.idx.msk [tilespmem:v21+s29+$0x0], $0xffff;
	_ =	sdelay $0x3  }
0x76: {  	v47 =	vmin.f32 v23, v10;
	v17 =	vtrunc.f32 v17  }
0x77: {  	v16 =	vtrunc.f32 v16;
	v18 =	vmul.f32 v47, v9  }
0x78: {  	v17 =	vcvt.f32.s32 v17;
	v16 =	vcvt.f32.s32 v16  }
0x79: {  	v48 =	vtrunc.f32 v18  }
0x7a: {  	v17 =	vshll.u32 v17, $0xD;
	v49 =	vshll.u32 v16, $0xE;
	v19 =	vcvt.f32.s32 v48  }
0x7b: {  	v24 =	vadd.s32 v49, v17  }
0x7c: {  	v50 =	vadd.s32 $0x1, v19;
	v51 =	vadd.s32 v19, v24  }
0x7d: {  	v16 =	vshll.u32 v16, $0xD;
	v52 =	vadd.s32 v19, v17;
	vm7 =	vlt.s32 v50, $0x1FFF  }
0x7e: {  	v53 =	vadd.s32 v19, v16;
	v25 =	vnsel vm7, $0x1FFF, v50  }
0x7f: {  	v17 =	vadd.s32 v17, v25  }
0x80: {  	v16 =	vadd.s32 v16, v25  }
0x81: {  	v24 =	vadd.s32 v24, v25;
	v54 =	vld.idx.msk [tilespmem:v51+s21+$0x0], $0xffff  }
0x82: {  	v29 =	vld.idx.msk [tilespmem:v52+s19+$0x0], $0xffff  }
0x83: {  	v28 =	vld.idx.msk [tilespmem:v53+s19+$0x0], $0xffff  }
0x84: {  	v30 =	vld.idx.msk [tilespmem:v17+s19+$0x0], $0xffff  }
0x85: {  	v55 =	vld.idx.msk [tilespmem:v16+s19+$0x0], $0xffff  }
0x86: {  	vm8 =	vgt.f32 v23, $9.999999970e-07;
	v56 =	vld.idx.msk [tilespmem:v24+s21+$0x0], $0xffff  }
0x87: {  	v58 =	vnsel vm8, $0x3F800000, v23;
	v57 =	vcvt.s32.f32 v19  }
0x88: {  	(erf) = vrcp.f32 v58  }
0x89: {  	v33 =	vor.u32 s15, v1;
	v16 =	vsub.f32 v18, v57;
	v59 =	vsub.f32 v30, v29  }
0x8a: {  	v34 =	vor.u32 s15, v2;
	v27 =	vld.idx.msk [tilespmem:v52+s3+$0x0], $0xffff;
	v60 =	vsub.f32 v55, v28  }
0x8b: {  	v61 =	vld.idx.msk [tilespmem:v17+s3+$0x0], $0xffff;
	v62 =	vsub.f32 v56, v54;
	v18 =	vmul.f32 v59, v16  }
0x8c: {  	vm9 =	vlt.f32 v23, v8;
	v19 =	vmul.f32 v60, v16  }
0x8d: {  	v63 =	vld.idx.msk [tilespmem:v20+s29+$0x0], $0xffff;
	vm0 =	vmand vm9, vm8;
	v35 =	vmul.f32 v62, v16;
	v29 =	vadd.f32 v18, v29  }
0x8e: {  	v40 =	vld.idx.msk [tilespmem:v33+s29+$0x0], $0xffff;
	v17 =	vsel vm0, $0x3F800000, v5;
	v28 =	vadd.f32 v19, v28  }
0x8f: {  	v36 =	vld.idx.msk [tilespmem:v34+s29+$0x0], $0xffff;
	v25 =	vadd.f32 v35, v54;
	v41 =	vmul.f32 v29, v17  }
0x90: {  	v42 =	vsub.f32 v61, v27;
	v18 =	vld.idx.msk [tilespmem:v51+s20+$0x0], $0xffff;
	v43 =	vmul.f32 v28, v17  }
0x91: {  	v45 =	vor.u32 s15, v6;
	v44 =	vpop (erf);
	v19 =	vld.idx.msk [tilespmem:v24+s20+$0x0], $0xffff;
	v25 =	vmul.f32 v25, v17;
	[tilespmem:v20+s0+$0x0] =	vst.idx.msk $0xffff, v41  }
0x92: {  	v47 =	vor.u32 s15, v7;
	v46 =	vmul.f32 v44, v63;
	v29 =	vmul.f32 v16, v42;
	[tilespmem:v33+s0+$0x0] =	vst.idx.msk $0xffff, v43  }
0x93: {  	s15 =	sadd.s32 $0x20, s12;
	v48 =	vmul.f32 v44, v40;
	[tilespmem:v34+s0+$0x0] =	vst.idx.msk $0xffff, v25  }
0x94: {  	v49 =	vmul.f32 v44, v36;
	v24 =	vor.u32 s15, v0;
	v27 =	vadd.f32 v29, v27;
	[tilespmem:v21+s0+$0x0] =	vst.idx.msk $0xffff, v46  }
0x95: {  	v52 =	vor.u32 s15, v4;
	[tilespmem:v22+s0+$0x0] =	vst.idx.msk $0xffff, v48  }
0x96: {  	v51 =	vor.u32 s15, v3;
	v50 =	vmul.f32 v27, v17;
	[tilespmem:v45+s0+$0x0] =	vst.idx.msk $0xffff, v49  }
0x97: {  	[tilespmem:v47+s0+$0x0] =	vst.idx.msk $0xffff, v23  }
0x98: {  	[tilespmem:v20+s7+$0x0] =	vst.idx.msk $0xffff, v50  }
0x99: {  	v22 =	vld.idx.msk [tilespmem:v24+s30+$0x0], $0xffff  }
0x9a: {  	v25 =	vld.idx.msk [tilespmem:v52+s29+$0x0], $0xffff  }
0x9b: {  	v23 =	vld.idx.msk [tilespmem:v51+s29+$0x0], $0xffff;
	_ =	sdelay $0x3  }
0x9c: {  	v53 =	vmin.f32 v22, v10;
	v25 =	vtrunc.f32 v25  }
0x9d: {  	v23 =	vtrunc.f32 v23;
	v26 =	vmul.f32 v53, v9  }
0x9e: {  	v25 =	vcvt.f32.s32 v25;
	v23 =	vcvt.f32.s32 v23  }
0x9f: {  	v54 =	vtrunc.f32 v26  }
0xa0: {  	v25 =	vshll.u32 v25, $0xD;
	v55 =	vshll.u32 v23, $0xE;
	v27 =	vcvt.f32.s32 v54  }
0xa1: {  	v28 =	vadd.s32 v55, v25  }
0xa2: {  	v56 =	vadd.s32 $0x1, v27;
	v57 =	vadd.s32 v27, v28  }
0xa3: {  	v23 =	vshll.u32 v23, $0xD;
	v58 =	vadd.s32 v27, v25;
	vm10 =	vlt.s32 v56, $0x1FFF  }
0xa4: {  	v59 =	vadd.s32 v27, v23;
	v29 =	vnsel vm10, $0x1FFF, v56  }
0xa5: {  	v25 =	vadd.s32 v25, v29  }
0xa6: {  	v23 =	vadd.s32 v23, v29  }
0xa7: {  	v28 =	vadd.s32 v28, v29;
	v60 =	vld.idx.msk [tilespmem:v57+s21+$0x0], $0xffff  }
0xa8: {  	v33 =	vld.idx.msk [tilespmem:v58+s19+$0x0], $0xffff  }
0xa9: {  	v32 =	vld.idx.msk [tilespmem:v59+s19+$0x0], $0xffff  }
0xaa: {  	v34 =	vld.idx.msk [tilespmem:v25+s19+$0x0], $0xffff  }
0xab: {  	v23 =	vld.idx.msk [tilespmem:v23+s19+$0x0], $0xffff  }
0xac: {  	vm11 =	vgt.f32 v22, $9.999999970e-07;
	v61 =	vld.idx.msk [tilespmem:v28+s21+$0x0], $0xffff  }
0xad: {  	v62 =	vnsel vm11, $0x3F800000, v22;
	v27 =	vcvt.s32.f32 v27  }
0xae: {  	(erf) = vrcp.f32 v62  }
0xaf: {  	v37 =	vor.u32 s15, v1;
	v26 =	vsub.f32 v26, v27;
	v39 =	vsub.f32 v34, v33  }
0xb0: {  	v63 =	vor.u32 s15, v2;
	v31 =	vld.idx.msk [tilespmem:v58+s3+$0x0], $0xffff;
	v23 =	vsub.f32 v23, v32  }
0xb1: {  	v25 =	vld.idx.msk [tilespmem:v25+s3+$0x0], $0xffff;
	v40 =	vsub.f32 v61, v60;
	v27 =	vmul.f32 v39, v26  }
0xb2: {  	vm12 =	vlt.f32 v22, v8;
	v23 =	vmul.f32 v23, v26  }
0xb3: {  	v41 =	vld.idx.msk [tilespmem:v24+s29+$0x0], $0xffff;
	vm0 =	vmand vm12, vm11;
	v34 =	vmul.f32 v40, v26;
	v27 =	vadd.f32 v27, v33  }
0xb4: {  	v42 =	vld.idx.msk [tilespmem:v37+s29+$0x0], $0xffff;
	v38 =	vsel vm0, $0x3F800000, v5;
	v23 =	vadd.f32 v23, v32  }
0xb5: {  	v43 =	vld.idx.msk [tilespmem:v63+s29+$0x0], $0xffff;
	v29 =	vadd.f32 v34, v60;
	v27 =	vmul.f32 v27, v38  }
0xb6: {  	v30 =	vld.idx.msk [tilespmem:v57+s20+$0x0], $0xffff;
	v25 =	vsub.f32 v25, v31;
	v23 =	vmul.f32 v23, v38  }
0xb7: {  	v45 =	vor.u32 s15, v6;
	v44 =	vpop (erf);
	v28 =	vld.idx.msk [tilespmem:v28+s20+$0x0], $0xffff;
	v29 =	vmul.f32 v29, v38;
	[tilespmem:v24+s0+$0x0] =	vst.idx.msk $0xffff, v27  }
0xb8: {  	v48 =	vor.u32 s15, v7;
	v47 =	vmul.f32 v44, v41;
	v46 =	vmul.f32 v26, v25;
	[tilespmem:v37+s0+$0x0] =	vst.idx.msk $0xffff, v23  }
0xb9: {  	s15 =	sadd.s32 $0x30, s12;
	v49 =	vmul.f32 v44, v42;
	[tilespmem:v63+s0+$0x0] =	vst.idx.msk $0xffff, v29  }
0xba: {  	v50 =	vmul.f32 v44, v43;
	v25 =	vor.u32 s15, v0;
	v23 =	vadd.f32 v46, v31;
	[tilespmem:v51+s0+$0x0] =	vst.idx.msk $0xffff, v47  }
0xbb: {  	v20 =	vor.u32 s15, v4;
	[tilespmem:v52+s0+$0x0] =	vst.idx.msk $0xffff, v49  }
0xbc: {  	v21 =	vor.u32 s15, v3;
	v51 =	vmul.f32 v23, v38;
	[tilespmem:v45+s0+$0x0] =	vst.idx.msk $0xffff, v50  }
0xbd: {  	[tilespmem:v48+s0+$0x0] =	vst.idx.msk $0xffff, v22  }
0xbe: {  	[tilespmem:v24+s7+$0x0] =	vst.idx.msk $0xffff, v51  }
0xbf: {  	v22 =	vld.idx.msk [tilespmem:v25+s30+$0x0], $0xffff  }
0xc0: {  	v24 =	vld.idx.msk [tilespmem:v20+s29+$0x0], $0xffff  }
0xc1: {  	v52 =	vld.idx.msk [tilespmem:v21+s29+$0x0], $0xffff;
	_ =	sdelay $0x3  }
0xc2: {  	v53 =	vmin.f32 v22, v10;
	v24 =	vtrunc.f32 v24  }
0xc3: {  	v23 =	vtrunc.f32 v52;
	v27 =	vmul.f32 v53, v9  }
0xc4: {  	v24 =	vcvt.f32.s32 v24;
	v23 =	vcvt.f32.s32 v23  }
0xc5: {  	v54 =	vtrunc.f32 v27  }
0xc6: {  	v24 =	vshll.u32 v24, $0xD;
	v55 =	vshll.u32 v23, $0xE;
	v29 =	vcvt.f32.s32 v54  }
0xc7: {  	v31 =	vadd.s32 v55, v24  }
0xc8: {  	v56 =	vadd.s32 $0x1, v29;
	v57 =	vadd.s32 v29, v31  }
0xc9: {  	v23 =	vshll.u32 v23, $0xD;
	v58 =	vadd.s32 v29, v24;
	vm13 =	vlt.s32 v56, $0x1FFF  }
0xca: {  	v59 =	vadd.s32 v29, v23;
	v32 =	vnsel vm13, $0x1FFF, v56  }
0xcb: {  	v24 =	vadd.s32 v24, v32  }
0xcc: {  	v23 =	vadd.s32 v23, v32  }
0xcd: {  	v15 =	vsub.f32 v15, v14;
	v31 =	vadd.s32 v31, v32;
	v60 =	vld.idx.msk [tilespmem:v57+s21+$0x0], $0xffff  }
0xce: {  	v62 =	vld.idx.msk [tilespmem:v58+s19+$0x0], $0xffff  }
0xcf: {  	v12 =	vmul.f32 v15, v12;
	v37 =	vld.idx.msk [tilespmem:v59+s19+$0x0], $0xffff  }
0xd0: {  	v61 =	vsub.f32 v19, v18;
	v50 =	vor.u32 s15, v2;
	vm14 =	vgt.f32 v22, $9.999999970e-07;
	v36 =	vld.idx.msk [tilespmem:v24+s19+$0x0], $0xffff  }
0xd1: {  	v43 =	vnsel vm14, $0x3F800000, v22;
	v39 =	vld.idx.msk [tilespmem:v23+s19+$0x0], $0xffff  }
0xd2: {  	v12 =	vadd.f32 v12, v14;
	v63 =	vmul.f32 v61, v16;
	(erf) = vrcp.f32 v43;
	v41 =	vld.idx.msk [tilespmem:v31+s21+$0x0], $0xffff  }
0xd3: {  	v42 =	vcvt.s32.f32 v29;
	v45 =	vld.idx.msk [tilespmem:v58+s3+$0x0], $0xffff  }
0xd4: {  	v12 =	vmul.f32 v12, v13;
	v40 =	vadd.f32 v63, v18;
	v49 =	vsub.f32 v28, v30;
	v51 =	vld.idx.msk [tilespmem:v57+s20+$0x0], $0xffff  }
0xd5: {  	v46 =	vor.u32 s15, v1;
	v18 =	vsub.f32 v27, v42;
	v57 =	vld.idx.msk [tilespmem:v50+s29+$0x0], $0xffff;
	v48 =	vsub.f32 v36, v62  }
0xd6: {  	v11 =	vadd.f32 v12, v11;
	v44 =	vmul.f32 v40, v17;
	v47 =	vld.idx.msk [tilespmem:v24+s3+$0x0], $0xffff;
	v16 =	vsub.f32 v39, v37  }
0xd7: {  	v26 =	vmul.f32 v49, v26;
	v52 =	vld.idx.msk [tilespmem:v31+s20+$0x0], $0xffff;
	v14 =	vsub.f32 v41, v60;
	v24 =	vmul.f32 v48, v18  }
0xd8: {  	v11 =	vadd.f32 v44, v11;
	vm15 =	vlt.f32 v22, v8;
	v16 =	vmul.f32 v16, v18  }
0xd9: {  	vm0 =	vmand vm15, vm14;
	v53 =	vld.idx.msk [tilespmem:v25+s29+$0x0], $0xffff;
	v14 =	vmul.f32 v14, v18;
	v19 =	vadd.f32 v24, v62  }
0xda: {  	v54 =	vadd.f32 v26, v30;
	v55 =	vld.idx.msk [tilespmem:v46+s29+$0x0], $0xffff;
	v56 =	vsel vm0, $0x3F800000, v5;
	v15 =	vadd.f32 v16, v37  }
0xdb: {  	v58 =	vpop (erf);
	v23 =	vsub.f32 v47, v45;
	v14 =	vadd.f32 v14, v60;
	v19 =	vmul.f32 v19, v56  }
0xdc: {  	v63 =	vmul.f32 v58, v57;
	v12 =	vsub.f32 v52, v51;
	v15 =	vmul.f32 v15, v56  }
0xdd: {  	v59 =	vor.u32 s15, v6;
	v23 =	vmul.f32 v18, v23;
	v14 =	vmul.f32 v14, v56;
	[tilespmem:v25+s0+$0x0] =	vst.idx.msk $0xffff, v19  }
0xde: {  	v61 =	vor.u32 s15, v7;
	v12 =	vmul.f32 v12, v18;
	v60 =	vmul.f32 v58, v53;
	[tilespmem:v46+s0+$0x0] =	vst.idx.msk $0xffff, v15  }
0xdf: {  	p0 =	sne.s32 s12, $0x3C0;
	v24 =	vmul.f32 v54, v38;
	v62 =	vmul.f32 v58, v55;
	[tilespmem:v50+s0+$0x0] =	vst.idx.msk $0xffff, v14  }
.Ltmp0:
0xe0: {  	v13 =	vadd.f32 v23, v45;
	v12 =	vadd.f32 v12, v51;
	[tilespmem:v21+s0+$0x0] =	vst.idx.msk $0xffff, v60;
	(pc) =	sbr.rel @p0 .LBB2_3-.Ltmp0, $4  }
0xe1: {  	v11 =	vadd.f32 v24, v11;
	[tilespmem:v20+s0+$0x0] =	vst.idx.msk $0xffff, v62  }
0xe2: {  	v13 =	vmul.f32 v13, v56;
	v12 =	vmul.f32 v12, v56;
	[tilespmem:v59+s0+$0x0] =	vst.idx.msk $0xffff, v63  }
0xe3: {  	[tilespmem:v61+s0+$0x0] =	vst.idx.msk $0xffff, v22  }
0xe4: {  	s12 =	sadd.s32 $0x40, s12;
	v11 =	vadd.f32 v12, v11;
	[tilespmem:v25+s7+$0x0] =	vst.idx.msk $0xffff, v13  }
0xe5: {  	s11 =	sadd.s32 s13, s11  }
0xe6: {  	[hbm4b:s11+s26] =	stream.strided.scatter [tilespmem:s0], [sflag:$0x1], $0x1C00, s28, s26, $0x38;
	[tilespmem:$0x1C890] =	vst v63  }
0xe7: {  	_ = 	snop  }
0xe8: {  	[spmem:s2] =	stream.indirect.scatter.add.f32 [tilespmem:s7], [sflag:$0x2], $0x1, s25, s1, $0xb8;
	[tilespmem:$0x1C890] =	vst v63  }
0xe9: {  	s12 =	simm.s32 $0x1B8C0  }
0xea: {  	[spmem:s2] =	stream.indirect.scatter.add.f32 [tilespmem:s12], [sflag:$0x2], $0x1, s16, s1, $0xb8;
	[tilespmem:$0x1C890] =	vst v63  }
0xeb: {  	s15 =	simm.s32 $0x18140;
	s12 =	simm.s32 $0x1B940  }
0xec: {  	[spmem:s2] =	stream.indirect.scatter.add.f32 [tilespmem:s12], [sflag:$0x2], $0x1, s15, s1, $0xb8;
	[tilespmem:$0x1C890] =	vst v63  }
0xed: {  	s12 =	simm.s32 $0x181C0;
	s15 =	simm.s32 $0x1B9C0  }
0xee: {  	[spmem:s2] =	stream.indirect.scatter.add.f32 [tilespmem:s15], [sflag:$0x2], $0x1, s12, s1, $0xb8;
	[tilespmem:$0x1C890] =	vst v63  }
0xef: {  	s12 =	simm.s32 $0x18240;
	s15 =	simm.s32 $0x1BA40  }
0xf0: {  	[spmem:s2] =	stream.indirect.scatter.add.f32 [tilespmem:s15], [sflag:$0x2], $0x1, s12, s1, $0xb8;
	[tilespmem:$0x1C890] =	vst v63  }
0xf1: {  	_ = 	snop  }
0xf2: {  	[spmem:s2] =	stream.indirect.scatter.add.f32 [tilespmem:s23], [sflag:$0x2], $0x1, s17, s1, $0xb8;
	[tilespmem:$0x1C890] =	vst v63  }
0xf3: {  	_ = 	snop  }
0xf4: {  	[spmem:s2] =	stream.indirect.scatter.add.f32 [tilespmem:s18], [sflag:$0x2], $0x1, s24, s1, $0xb8;
	[tilespmem:$0x1C890] =	vst v63  }
0xf5: {  	_ = 	snop  }
0xf6: {  	[spmem:s2] =	stream.indirect.scatter.add.f32 [tilespmem:s8], [sflag:$0x2], $0x1, s22, s1, $0xb8;
	[tilespmem:$0x1C890] =	vst v63  }
0xf7: {  	_ =	swait.ge [sflag:s9], $0x80  }
0xf8: {  	[sflag:s9] =	ssyncset.done $0x0  }
0xf9: {  	[sflag:s9] =	ssyncadd.s32 $0xFFFFFF80  }
0xfa: {  	_ =	swait.ge [sflag:s9], $0x80  }
0xfb: {  	[sflag:s9] =	ssyncset.done $0x0  }
0xfc: {  	[sflag:s9] =	ssyncadd.s32 $0xFFFFFF80  }
0xfd: {  	_ =	swait.ge [sflag:s9], $0x80  }
0xfe: {  	[sflag:s9] =	ssyncset.done $0x0  }
0xff: {  	[sflag:s9] =	ssyncadd.s32 $0xFFFFFF80  }
0x100: {  	_ =	swait.ge [sflag:s9], $0x80  }
0x101: {  	[sflag:s9] =	ssyncset.done $0x0  }
0x102: {  	[sflag:s9] =	ssyncadd.s32 $0xFFFFFF80  }
0x103: {  	_ =	swait.ge [sflag:s9], $0x80  }
0x104: {  	[sflag:s9] =	ssyncset.done $0x0  }
0x105: {  	[sflag:s9] =	ssyncadd.s32 $0xFFFFFF80  }
0x106: {  	_ =	swait.ge [sflag:s9], $0x80  }
0x107: {  	[sflag:s9] =	ssyncset.done $0x0  }
0x108: {  	[sflag:s9] =	ssyncadd.s32 $0xFFFFFF80  }
0x109: {  	_ =	swait.ge [sflag:s9], $0x80  }
0x10a: {  	[sflag:s9] =	ssyncset.done $0x0  }
0x10b: {  	s10 =	sadd.s32 $0x1, s10;
	[sflag:s9] =	ssyncadd.s32 $0xFFFFFF80  }
0x10c: {  	p0 =	sne.s32 s10, $0x31;
	_ =	swait.ge [sflag:s9], $0x80  }
.Ltmp1:
0x10d: {  	[sflag:s9] =	ssyncset.done $0x0;
	(pc) =	sbr.rel @p0 .LBB2_2-.Ltmp1, $4  }
0x10e: {  	[sflag:s9] =	ssyncadd.s32 $0xFFFFFF80  }
0x10f: {  	_ =	swait.ge [sflag:s31], $0x1C00  }
0x110: {  	[sflag:s31] =	ssyncset.done $0x0  }
0x111: {  	[sflag:s31] =	ssyncadd.s32 $0xFFFFE400  }
0x112: {  	[bflag:$0x0] =	sbarrier.arrive $0xFFFF  }
0x113: {  	s10 =	rddreg [dreg:$0xa]  }
0x114: {  	s15 =	rddreg [dreg:$0xd]  }
0x115: {  	s11 =	simm.s32 $0x3;
	s12 =	rddreg [dreg:$0xe]  }
0x116: {  	[hbm:s10], [sflag:s15] =	dma.local [spmem:s12], $0x188  }
0x117: {  	_ =	swait.ge [sflag:s11], $0x188  }
0x118: {  	[sflag:s11] =	ssyncset.done $0x0  }
0x119: {  	[sflag:s11] =	ssyncadd.s32 $0xFFFFFE78  }
0x11a: {  	s16 =	simm.s32 $0x1BC40;
	s10 =	rddreg [dreg:$0xb];
	[tilespmem:$0x1BC40] =	vst v11  }
0x11b: {  	[hbm4b:s10+s3] =	stream.linear.scatter [tilespmem:s16], [sflag:$0x3], $0x10, $0x38;
	[tilespmem:$0x1C890] =	vst v63  }
0x11c: {  	_ =	swait.ge [sflag:s11], $0x10  }
0x11d: {  	s10 =	rddreg [dreg:$0xf]  }
0x11e: {  	s16 =	sadd.s32 $0x1, s10;
	s10 =	rddreg [dreg:$0xc]  }
0x11f: {  	p0 =	sne.s32 s16, s10  }
.Ltmp2:
0x120: {  	_ = 	snop;
	(pc) =	sbr.rel @p0 .LBB2_1-.Ltmp2, $3  }
0x121: {  	_ =	sdelay $0x1  }
0x122: {  	[sflag:s11] =	ssyncset.done $0x0  }
0x123: {  	[sflag:s11] =	ssyncadd.s32 $0xFFFFFFF0  }
0x124: {  	_ =	sfence.sel $0x180000  }
0x125: {  	[bflag:$0x0] =	sbarrier.arrive $0xFFFF  }
0x126: {  	_ =	strace $0x9000004A  }
0x127: {  	s0 =	stileid.u32;
	[bflag:$0x2] =	sbarrier.arrive $0xFFFF  }
0x128: {  	p0 =	sne.s32 s0, $0x0;
	s0 =	rddreg [dreg:$0x4]  }
0x129: {  	s0 =	sadd.s32 @!p0 $0x100000, s0  }
0x12a: {  	[sflag:s0] =	ssyncadd.tile.s32 @!p0 $0x1;
	_ =	shalt  }
.Lfunc_end2:
_tile_overlayer_lowered:
.L_overlay_start_2:
0x12b: {  	(tag) =	ssettag $0x2  }
0x12c: {  	s0 =	rddreg [dreg:$0x0];
	s2 =	stileid.u32  }
0x12d: {  	s1 =	rddreg [dreg:$0x1];
	p0 =	sne.s32 s2, $0x0  }
0x12e: {  	s3 =	rddreg [dreg:$0x2];
	[bflag:$0x3] =	sbarrier.arrive $0xFFFF;
	s2 =	simm.s32 @!p0 $0x1C03  }
0x12f: {  	[timem:s3], [sflag:s2] =	dma.local @!p0 [hbm:s0], s1  }
0x130: {  	s0 =	simm.s32 @!p0 $0x3  }
0x131: {  	_ =	swait.ge @!p0 [sflag:s0], s1  }
0x132: {  	s1 =	ssub.s32 @!p0 $0x0, s1;
	[sflag:s0] =	ssyncset.done @!p0 $0x0  }
0x133: {  	[sflag:s0] =	ssyncadd.s32 @!p0 s1  }
0x134: {  	[bflag:$0x3] =	sbarrier.arrive $0xFFFF  }
0x135: {  	_ =	shalt  }

// kernel: kernel.13.cloned.1.call-start
scs
__scs_entry_jumppad:
0x0: {  	(pc) =	sbr.rel $0x88, $3  }
0x1: {  	(tag) =	ssettag $0x0;
	lr =	simm.s32 $0x1  }
0x2: {  	[smem:$0x3F94] =	sst lr;
	_ =	strace $0xD0000000  }
0x3: {  	_ = 	snop  }
0x4: {  	_ = 	snop  }
0x5: {  	_ = 	snop  }
0x6: {  	_ = 	snop  }
0x7: {  	_ = 	snop  }
__scs_overlays_trampoline_lowered:
0x8: {  	[smem:$0x3FA3] =	sst s0  }
0x9: {  	[smem:$0x3FA4] =	sst s1  }
0xa: {  	[smem:$0x3FA5] =	sst s2  }
0xb: {  	[smem:$0x3FA6] =	sst s3  }
0xc: {  	[smem:$0x3FA7] =	sst s4  }
0xd: {  	[smem:$0x3FA8] =	sst s5  }
0xe: {  	[smem:$0x3FA9] =	sst s6  }
0xf: {  	[smem:$0x3FAA] =	sst s7  }
0x10: {  	[smem:$0x3FAB] =	sst s8  }
0x11: {  	[smem:$0x3FAC] =	sst s9;
	s0 =	simm.s32 @!p0 $0x0  }
0x12: {  	s1 =	sld [smem:$0x3F92];
	s0 =	simm.s32 @p0 $0x1  }
0x13: {  	[smem:$0x3FAD] =	sst s0;
	s0 =	simm.s32 @!p1 $0x0  }
0x14: {  	s2 =	sld [smem:$0x3F91];
	s0 =	simm.s32 @p1 $0x1  }
0x15: {  	[smem:$0x3FAE] =	sst s0;
	s0 =	simm.s32 @!p2 $0x0  }
0x16: {  	s3 =	sld [smem:$0x3FDB];
	s0 =	simm.s32 @p2 $0x1  }
0x17: {  	s4 =	simm.s32 $0x1BF5;
	[smem:$0x3FB0] =	sst s0  }
0x18: {  	s0 =	sld [smem:$0x3F93];
	_ =	swait.ge [sflag:s4], $0x0  }
0x19: {  	s7 =	sld [smem:$0x3F94]  }
0x1a: {  	s8 =	sadd.s32 $0xFFFFE003, lr  }
0x1b: {  	s9 =	sadd.s32 $0xFFFFFEF7, lr;
	s5 =	simm.s32 $0xFFFFFFFF;
	p2 =	slt.u32 s8, $0xFFFFF086  }
0x1c: {  	p1 =	slt.u32 s9, $0xF7A;
	s5 =	simm.s32 @!p2 $0x0  }
0x1d: {  	s5 =	simm.s32 @p1 $0x1;
	p0 =	seq.s32 s7, s2  }
0x1e: {  	s7 =	smul.u32 @!p0 $0xF7A, s2;
	p2 =	seq.s32 @!p0 s5, $0x0  }
0x1f: {  	s9 =	smul.u32 $0xF7A, s1;
	s8 =	simm.s32 @!p0 $0x1BF5;
	p2 =	por !p2, p0  }
0x20: {  	[sflag:s8] =	ssyncset.s32 @!p0 $0xFFFFF086;
	s6 =	sadd.s32 @!p0 s3, s7;
	s7 =	simm.s32 @!p0 $0x108  }
0x21: {  	s3 =	sadd.s32 s3, s9;
	s6 =	sadd.s32 @!p0 $0x88, s6;
	s7 =	simm.s32 @p2 $0x1082  }
0x22: {  	[simem:s7], [sflag:s8] =	dma.local @!p0 [hbm:s6], $0xF7A  }
0x23: {  	s9 =	sor.u32 $0xD0000000, s2;
	s6 =	simm.s32 $0x108;
	_ =	swait.ge @!p0 [sflag:s8], $0x0  }
0x24: {  	s3 =	sadd.s32 $0x88, s3;
	s6 =	simm.s32 @!p1 $0x1082;
	[sflag:s4] =	ssyncset.s32 $0xFFFFF086  }
0x25: {  	[simem:s6], [sflag:s4] =	dma.local [hbm:s3], $0xF7A  }
0x26: {  	[smem:$0x3F94] =	sst s1;
	(tag) =	ssettag s2;
	_ =	strace s9  }
0x27: {  	s1 =	sld [smem:$0x3FA4]  }
0x28: {  	s2 =	sld [smem:$0x3FA5]  }
0x29: {  	s4 =	sld [smem:$0x3FA7]  }
0x2a: {  	p0 =	seq.s32 s5, $0x0;
	s5 =	sld [smem:$0x3FA8]  }
0x2b: {  	s6 =	sld [smem:$0x3FA9]  }
0x2c: {  	s7 =	sld [smem:$0x3FAA]  }
0x2d: {  	s3 =	simm.s32 $0x108;
	s8 =	sld [smem:$0x3FAB]  }
0x2e: {  	s3 =	simm.s32 @!p0 $0x1082;
	s9 =	sld [smem:$0x3FAC]  }
0x2f: {  	lr =	sadd.s32 s0, s3;
	s0 =	sld [smem:$0x3FA3]  }
0x30: {  	s3 =	sld [smem:$0x3FA6]  }
0x31: {  	[smem:$0x3FAF] =	sst s10  }
0x32: {  	s10 =	sld [smem:$0x3FAD];
	_ =	sdelay $0x3  }
0x33: {  	p0 =	seq.s32 s10, $0x1;
	s10 =	sld [smem:$0x3FAF];
	_ =	sdelay $0x3  }
0x34: {  	[smem:$0x3FAF] =	sst s10  }
0x35: {  	s10 =	sld [smem:$0x3FAE];
	_ =	sdelay $0x3  }
0x36: {  	p1 =	seq.s32 s10, $0x1;
	s10 =	sld [smem:$0x3FAF];
	_ =	sdelay $0x3  }
0x37: {  	[smem:$0x3FAF] =	sst s10  }
0x38: {  	s10 =	sld [smem:$0x3FB0]  }
0x39: {  	_ = 	snop;
	(pc) =	sbr.ind lr, $3  }
0x3a: {  	_ = 	snop  }
0x3b: {  	_ = 	snop  }
0x3c: {  	p2 =	seq.s32 s10, $0x1;
	s10 =	sld [smem:$0x3FAF]  }
0x3d: {  	_ =	shalt  }
0x3e: {  	_ =	shalt  }
0x3f: {  	_ =	shalt  }
0x40: {  	_ =	shalt  }
0x41: {  	_ =	shalt  }
0x42: {  	_ =	shalt  }
0x43: {  	_ =	shalt  }
0x44: {  	_ =	shalt  }
0x45: {  	_ =	shalt  }
0x46: {  	_ =	shalt  }
0x47: {  	_ =	shalt  }
0x48: {  	_ =	shalt  }
0x49: {  	_ =	shalt  }
0x4a: {  	_ =	shalt  }
0x4b: {  	_ =	shalt  }
0x4c: {  	_ =	shalt  }
0x4d: {  	_ =	shalt  }
0x4e: {  	_ =	shalt  }
0x4f: {  	_ =	shalt  }
0x50: {  	_ =	shalt  }
0x51: {  	_ =	shalt  }
0x52: {  	_ =	shalt  }
0x53: {  	_ =	shalt  }
0x54: {  	_ =	shalt  }
0x55: {  	_ =	shalt  }
0x56: {  	_ =	shalt  }
0x57: {  	_ =	shalt  }
0x58: {  	_ =	shalt  }
0x59: {  	_ =	shalt  }
0x5a: {  	_ =	shalt  }
0x5b: {  	_ =	shalt  }
0x5c: {  	_ =	shalt  }
0x5d: {  	_ =	shalt  }
0x5e: {  	_ =	shalt  }
0x5f: {  	_ =	shalt  }
0x60: {  	_ =	shalt  }
0x61: {  	_ =	shalt  }
0x62: {  	_ =	shalt  }
0x63: {  	_ =	shalt  }
0x64: {  	_ =	shalt  }
0x65: {  	_ =	shalt  }
0x66: {  	_ =	shalt  }
0x67: {  	_ =	shalt  }
0x68: {  	_ =	shalt  }
0x69: {  	_ =	shalt  }
0x6a: {  	_ =	shalt  }
0x6b: {  	_ =	shalt  }
0x6c: {  	_ =	shalt  }
0x6d: {  	_ =	shalt  }
0x6e: {  	_ =	shalt  }
0x6f: {  	_ =	shalt  }
0x70: {  	_ =	shalt  }
0x71: {  	_ =	shalt  }
0x72: {  	_ =	shalt  }
0x73: {  	_ =	shalt  }
0x74: {  	_ =	shalt  }
0x75: {  	_ =	shalt  }
0x76: {  	_ =	shalt  }
0x77: {  	_ =	shalt  }
0x78: {  	_ =	shalt  }
0x79: {  	_ =	shalt  }
0x7a: {  	_ =	shalt  }
0x7b: {  	_ =	shalt  }
0x7c: {  	_ =	shalt  }
0x7d: {  	_ =	shalt  }
0x7e: {  	_ =	shalt  }
0x7f: {  	_ =	shalt  }
0x80: {  	_ =	shalt  }
0x81: {  	_ =	shalt  }
0x82: {  	_ =	shalt  }
0x83: {  	_ =	shalt  }
0x84: {  	_ =	shalt  }
0x85: {  	_ =	shalt  }
0x86: {  	_ =	shalt  }
0x87: {  	_ =	shalt  }
.Lfunc_end0:
.L_simem_size_0:
called_computation.2_lowered:
.L_overlay_start_0:
0x88: {  	s2 =	sld [smem:$0x3FD9]  }
0x89: {  	s3 =	sld [smem:$0x3FFE];
	_ =	sdelay $0x1  }
0x8a: {  	s1 =	srdreg.scid  }
0x8b: {  	s0 =	sand.u32 $0x1, s1  }
0x8c: {  	s14 =	sshll.u32 s0, $0xA;
	s2 =	sadd.s32 s3, s2  }
0x8d: {  	s2 =	sadd.s32 s2, s14  }
0x8e: {  	[smem:$0x3FBB] =	sst s2  }
0x8f: {  	_ = 	snop  }
0x90: {  	s2 =	sld [smem:$0x3FD0];
	_ =	sdelay $0x2  }
0x91: {  	s15 =	simm.s32 $0xA;
	s4 =	simm.s32 $0x10  }
0x92: {  	[smem:s4], [sflag:s15] =	dma.local [hbm:s2], $0x1  }
0x93: {  	_ =	swait.eq [sflag:s15], $0x1  }
0x94: {  	[sflag:s15] =	ssyncset.done $0x0  }
0x95: {  	s16 =	sld [smem:$0x11];
	[sflag:s15] =	ssyncadd.s32 $0xFFFFFFFF  }
0x96: {  	s17 =	sld [smem:$0x12];
	(tm) =	ssettm $0x1  }
0x97: {  	s18 =	sld [smem:$0x3FFB];
	_ =	sdelay $0x3  }
0x98: {  	_ =	strace s18  }
0x99: {  	s4 =	sld [smem:$0x3FFC];
	_ =	sdelay $0x3  }
0x9a: {  	_ =	strace s4  }
0x9b: {  	s4 =	sld [smem:$0x3FFD];
	_ =	sdelay $0x3  }
0x9c: {  	_ =	strace s4  }
0x9d: {  	_ =	strace $0x8FFFFFFF  }
0x9e: {  	s19 =	sld [smem:$0x3FDB];
	_ =	sdelay $0x1  }
0x9f: {  	s5 =	simm.s32 $_scs_section_size  }
0xa0: {  	s6 =	simm.s32 $_size__tile_overlayer_lowered;
	s7 =	simm.s32 $_tile_overlayer_lowered  }
0xa1: {  	s22 =	simm.s32 $0x1BFF;
	s21 =	sshll.u32 s7, $0x1;
	s4 =	sadd.s32 s5, s19  }
0xa2: {  	s8 =	simm.s32 $0x0;
	s20 =	sshll.u32 s6, $0x1;
	s6 =	sadd.s32 s21, s4  }
0xa3: {  	[timem:s8], [sflag:s22] =	dma.local [hbm:s6], s20  }
0xa4: {  	_ =	swait.ge [sflag:s22], s20  }
0xa5: {  	s5 =	ssub.s32 $0x0, s20;
	[sflag:s22] =	ssyncset.done $0x0  }
0xa6: {  	[sflag:s22] =	ssyncadd.s32 s5;
	_ =	sdelay $0x1  }
0xa7: {  	s23 =	simm.s32 $0x1B8B  }
0xa8: {  	_ =	swait.ge [sflag:s23], $0x1  }
0xa9: {  	[sflag:s23] =	ssyncset.done $0x0  }
0xaa: {  	s25 =	simm.s32 $0x1B8E;
	s24 =	sld [smem:$0x3FFE];
	[sflag:s23] =	ssyncadd.s32 $0xFFFFFFFF  }
0xab: {  	s26 =	simm.s32 $execute0_lowered;
	[smem:$0x3FD2] =	sst s25  }
0xac: {  	s6 =	sshll.u32 s26, $0x1;
	_ =	strace $0x8000004C;
	[dreg:$0x1] =	wrdreg $0xFFFFFFFF  }
0xad: {  	s28 =	simm.s32 $_size_execute0_lowered;
	s4 =	sadd.s32 s4, s6;
	[dreg:$0x0] =	wrdreg $0x0  }
0xae: {  	s6 =	sshll.u32 s28, $0x1;
	[dreg:$0x2] =	wrdreg s4  }
0xaf: {  	[dreg:$0x3] =	wrdreg s6  }
0xb0: {  	[dreg:$0x4] =	wrdreg $0xC0  }
0xb1: {  	_ =	task [dreg:s8], $0x5FFFF  }
0xb2: {  	[dreg:$0x1] =	wrdreg $0xFFFFFFFF  }
0xb3: {  	[dreg:$0x0] =	wrdreg $0x60  }
0xb4: {  	[dreg:$0x2] =	wrdreg s16  }
0xb5: {  	[dreg:$0x3] =	wrdreg s24  }
0xb6: {  	[dreg:$0x4] =	wrdreg s17  }
0xb7: {  	[dreg:$0x5] =	wrdreg $0x9  }
0xb8: {  	_ =	task.clear_ibuf [dreg:s8], $0x6FFFF;
	_ =	strace $0x9000004C  }
0xb9: {  	s29 =	simm.s32 $0x9;
	_ =	strace $0x8000004E  }
0xba: {  	_ =	swait.ge [sflag:s29], $0x1  }
0xbb: {  	[sflag:s29] =	ssyncadd.s32 $0xFFFFFFFF  }
0xbc: {  	_ =	strace $0x9000004E  }
0xbd: {  	_ =	sfence  }
0xbe: {  	s30 =	sld [smem:$0x0];
	_ =	sdelay $0x2  }
0xbf: {  	s31 =	sshll.u32 s1, $0xD;
	s1 =	sshrl.u32 s1, $0x2  }
0xc0: {  	s3 =	sand.u32 $0x4000, s31;
	s1 =	sadd.s32 s1, s30  }
0xc1: {  	s0 =	sor.u32 s3, s0;
	s1 =	sshll.u32 s1, $0x11  }
0xc2: {  	s0 =	sor.u32 s1, s0  }
0xc3: {  	s0 =	sadd.s32 $0x8F2B, s0  }
0xc4: {  	[sflag:s0] =	ssyncadd.remote.s32 $0x1  }
0xc5: {  	_ =	sfence.sel $0xFFFF  }
0xc6: {  	[dreg:$0x0] =	wrdreg $0xFFFFFFFF;
	(pc) =	sbr.abs _section_cstart, $3  }
0xc7: {  	[dreg:$0x1] =	wrdreg $0xFFFFFFFF  }
0xc8: {  	_ =	task.clear_ibuf [dreg:s8], $0x2FFFF;
	_ =	strace $0x9FFFFFFF  }
0xc9: {  	(tm) =	ssettm $0x7FFFFFFF  }
tec
execute0_lowered:
.L_overlay_start_1:
0x0: {  	(tag) =	ssettag $0x1  }
0x1: {  	s8 =	rddreg [dreg:$0x0]  }
0x2: {  	s0 =	srdreg.scid;
	s9 =	rddreg [dreg:$0x1]  }
0x3: {  	s2 =	rddreg [dreg:$0x2];
	s1 =	stileid.u32;
	s3 =	simm.s32 $0x0  }
0x4: {  	s16 =	simm.s32 $0x5880;
	s17 =	simm.s32 $0x5890;
	s18 =	simm.s32 $0x4000  }
0x5: {  	s19 =	simm.s32 $0x4620;
	s20 =	simm.s32 $0x4C40;
	s21 =	simm.s32 $0x5260  }
0x6: {  	s22 =	simm.s32 $0x58A0;
	s10 =	sand.u32 $0x1, s0;
	s0 =	rddreg [dreg:$0x3]  }
0x7: {  	s23 =	simm.s32 $0x0;
	[smem:$0x7FF] =	sst s3;
	s4 =	sshll.u32 s10, $0x4  }
0x8: {  	s5 =	sadd.s32 $0x66400, s9;
	s6 =	sadd.s32 $0x66000, s9;
	s11 =	sor.u32 s1, s4  }
0x9: {  	s7 =	sadd.s32 $0x66800, s9;
	s10 =	ssub.s32 $0x2, s10;
	s4 =	smul.u32 $0x620, s11  }
0xa: {  	_ =	strace $0x8000004D;
	s14 =	sshrl.u32 s10, $0x1;
	s11 =	sshll.u32 s11, $0x1  }
0xb: {  	s14 =	ssub.s32 s10, s14;
	s15 =	sadd.s32 s11, s9;
	s12 =	sshrl.u32 s4, $0x3  }
0xc: {  	s13 =	sadd.s32 s12, s9;
	s8 =	sadd.s32 s8, s12;
	s12 =	sadd.s32 $0x66A00, s15  }
0xd: {  	v0 =	vlaneseq.u32;
	s15 =	simm.s32 $0x2000;
	s9 =	sadd.s32 $0x1880, s8;
	s10 =	sadd.s32 $0x64600, s13  }
0xe: {  	v2 =	vimm.f32 $1.000000000e+00;
	v1 =	vor.u32 $0xFFFFFFF8, v0;
	s11 =	sadd.s32 $0x66C00, s13;
	s13 =	smax.u32 s14, $0x1;
	s14 =	simm.s32 $0x1  }
.LBB2_1:
0xf: {  	[tilespmem:s3], [sflag:$0x1] =	stream.linear.gather [hbm4b:s5+s3], $0x2000, $0x38;
	[tilespmem:$0x58B0] =	vst v63  }
0x10: {  	_ =	swait.ge [sflag:s14], $0x2000  }
0x11: {  	[sflag:s14] =	ssyncset.done $0x0  }
0x12: {  	[sflag:s14] =	ssyncadd.s32 $0xFFFFE000  }
0x13: {  	[tilespmem:s15], [sflag:$0x1] =	stream.linear.gather [hbm4b:s6+s3], $0x2000, $0x38;
	[tilespmem:$0x58B0] =	vst v63  }
0x14: {  	_ =	swait.ge [sflag:s14], $0x2000  }
0x15: {  	[sflag:s14] =	ssyncset.done $0x0  }
0x16: {  	[sflag:s14] =	ssyncadd.s32 $0xFFFFE000  }
0x17: {  	[tilespmem:s16], [sflag:$0x1] =	stream.linear.gather [hbm4b:s2+s3], $0x10, $0x38;
	[tilespmem:$0x58B0] =	vst v63  }
0x18: {  	_ =	swait.ge [sflag:s14], $0x10  }
0x19: {  	[sflag:s14] =	ssyncset.done $0x0  }
0x1a: {  	[sflag:s14] =	ssyncadd.s32 $0xFFFFFFF0  }
0x1b: {  	[tilespmem:s17], [sflag:$0x1] =	stream.linear.gather [hbm4b:s7+s3], $0x10, $0x38;
	[tilespmem:$0x58B0] =	vst v63  }
0x1c: {  	_ =	swait.ge [sflag:s14], $0x10  }
0x1d: {  	[sflag:s14] =	ssyncset.done $0x0  }
0x1e: {  	[sflag:s14] =	ssyncadd.s32 $0xFFFFFFF0  }
0x1f: {  	[tilespmem:s18], [sflag:$0x1] =	stream.linear.gather [hbm4b:s8+s3], $0x620, $0x38;
	[tilespmem:$0x58B0] =	vst v63  }
0x20: {  	_ =	swait.ge [sflag:s14], $0x620  }
0x21: {  	[sflag:s14] =	ssyncset.done $0x0  }
0x22: {  	[sflag:s14] =	ssyncadd.s32 $0xFFFFF9E0  }
0x23: {  	[tilespmem:s19], [sflag:$0x1] =	stream.linear.gather [hbm4b:s9+s3], $0x620, $0x38;
	[tilespmem:$0x58B0] =	vst v63  }
0x24: {  	_ =	swait.ge [sflag:s14], $0x620  }
0x25: {  	v3 =	vor.u32 s3, v0;
	[sflag:s14] =	ssyncset.done $0x0  }
0x26: {  	v4 =	vand.u32 v1, v3;
	[sflag:s14] =	ssyncadd.s32 $0xFFFFF9E0  }
0x27: {  	[tilespmem:s20], [sflag:$0x1] =	stream.linear.gather [hbm4b:s10+s3], $0x620, $0x38;
	[tilespmem:$0x58B0] =	vst v63  }
0x28: {  	_ =	swait.ge [sflag:s14], $0x620  }
0x29: {  	[sflag:s14] =	ssyncset.done $0x0  }
0x2a: {  	[sflag:s14] =	ssyncadd.s32 $0xFFFFF9E0  }
0x2b: {  	v3 =	vld.idx.msk [tilespmem:v4+s20+$0x0], $0xffff;
	_ =	sdelay $0x7  }
0x2c: {  	v5 =	vld.idx.msk [tilespmem:v3+s17+$0x0], $0xffff;
	_ =	sdelay $0x2  }
0x2d: {  	v6 =	vld.idx.msk [tilespmem:v4+s19+$0x0], $0xffff  }
0x2e: {  	v7 =	vld.idx.msk [tilespmem:v4+s18+$0x0], $0xffff  }
0x2f: {  	v8 =	vld.idx.msk [tilespmem:v3+s16+$0x0], $0xffff;
	(erf) = vrcp.f32 v5;
	_ =	sdelay $0x2  }
0x30: {  	v5 =	vmul.f32 $4.094999510e+03, v5  }
0x31: {  	v6 =	vadd.f32 v6, v7  }
0x32: {  	v5 =	vadd.f32 v5, v8  }
0x33: {  	v6 =	vmax.f32 v6, v8  }
0x34: {  	v5 =	vmin.f32 v6, v5  }
0x35: {  	v5 =	vsub.f32 v5, v8  }
0x36: {  	v6 =	vpop (erf)  }
0x37: {  	v5 =	vmul.f32 v5, v6;
	_ =	sdelay $0x1  }
0x38: {  	v6 =	vtrunc.f32 v5  }
0x39: {  	v10 =	vcvt.f32.s32 v6;
	_ =	sdelay $0x1  }
0x3a: {  	v6 =	vadd.s32 $0x1, v10  }
0x3b: {  	v3 =	vshll.u32 v3, $0xC;
	vm0 =	vlt.s32 v6, $0xFFF  }
0x3c: {  	v7 =	vnsel vm0, $0xFFF, v6;
	v6 =	vadd.s32 v10, v3  }
0x3d: {  	v7 =	vadd.s32 v3, v7;
	_ =	sdelay $0x3  }
0x3e: {  	v8 =	vld.idx.msk [tilespmem:v6+s15+$0x0], $0xffff  }
0x3f: {  	v9 =	vld.idx.msk [tilespmem:v7+s15+$0x0], $0xffff;
	_ =	sdelay $0x2  }
0x40: {  	v10 =	vcvt.s32.f32 v10  }
0x41: {  	s24 =	simm.s32 $0x10;
	s26 =	simm.s32 $0x20;
	s25 =	simm.s32 $0x0;
	v3 =	vimm.f32 $0.0e+00  }
.LBB2_2:
0x42: {  	p0 =	sne.s32 s26, $0x610;
	v5 =	vsub.f32 v5, v10;
	v9 =	vsub.f32 v9, v8  }
0x43: {  	v10 =	vor.u32 s24, v0  }
0x44: {  	v10 =	vand.u32 v1, v10;
	v9 =	vmul.f32 v5, v9;
	_ =	sdelay $0x1  }
0x45: {  	v8 =	vadd.f32 v9, v8  }
0x46: {  	v6 =	vld.idx.msk [tilespmem:v6+s3+$0x0], $0xffff  }
0x47: {  	v7 =	vld.idx.msk [tilespmem:v7+s3+$0x0], $0xffff;
	[tilespmem:v4+s21+$0x0] =	vst.idx.msk $0xffff, v8;
	v4 =	vmov v10  }
0x48: {  	v8 =	vld.idx.msk [tilespmem:v10+s20+$0x0], $0xffff;
	_ =	sdelay $0x4  }
0x49: {  	v7 =	vsub.f32 v7, v6;
	_ =	sdelay $0x1  }
0x4a: {  	v5 =	vmul.f32 v5, v7  }
0x4b: {  	s28 =	sadd.s32 s4, s25;
	s25 =	smov.u32 s24;
	s24 =	smov.u32 s26;
	v7 =	vld.idx.msk [tilespmem:v8+s17+$0x0], $0xffff  }
0x4c: {  	p1 =	slt.u32 s28, $0xC350;
	v5 =	vadd.f32 v5, v6  }
0x4d: {  	v6 =	vpsel !p1, $0x0, v2  }
0x4e: {  	v5 =	vmul.f32 v5, v6;
	v9 =	vld.idx.msk [tilespmem:v10+s19+$0x0], $0xffff  }
0x4f: {  	v6 =	vld.idx.msk [tilespmem:v10+s18+$0x0], $0xffff  }
0x50: {  	v3 =	vadd.f32 v5, v3;
	v10 =	vld.idx.msk [tilespmem:v8+s16+$0x0], $0xffff  }
0x51: {  	(erf) = vrcp.f32 v7;
	_ =	sdelay $0x2  }
0x52: {  	v5 =	vmul.f32 $4.094999510e+03, v7  }
0x53: {  	v6 =	vadd.f32 v9, v6  }
0x54: {  	v5 =	vadd.f32 v5, v10  }
0x55: {  	v6 =	vmax.f32 v6, v10  }
0x56: {  	v5 =	vmin.f32 v6, v5  }
0x57: {  	v5 =	vsub.f32 v5, v10  }
0x58: {  	v6 =	vpop (erf)  }
0x59: {  	v5 =	vmul.f32 v5, v6;
	_ =	sdelay $0x1  }
0x5a: {  	v6 =	vtrunc.f32 v5  }
0x5b: {  	v10 =	vcvt.f32.s32 v6;
	_ =	sdelay $0x1  }
0x5c: {  	v6 =	vadd.s32 $0x1, v10  }
0x5d: {  	v7 =	vshll.u32 v8, $0xC;
	vm0 =	vlt.s32 v6, $0xFFF  }
0x5e: {  	v8 =	vnsel vm0, $0xFFF, v6;
	v6 =	vadd.s32 v10, v7  }
0x5f: {  	v7 =	vadd.s32 v7, v8;
	_ =	sdelay $0x3  }
0x60: {  	v8 =	vld.idx.msk [tilespmem:v6+s15+$0x0], $0xffff  }
0x61: {  	v9 =	vld.idx.msk [tilespmem:v7+s15+$0x0], $0xffff  }
.Ltmp0:
0x62: {  	(pc) =	sbr.rel @p0 .LBB2_2-.Ltmp0, $3  }
0x63: {  	_ =	sdelay $0x1  }
0x64: {  	v10 =	vcvt.s32.f32 v10  }
0x65: {  	s26 =	sadd.s32 $0x10, s26  }
0x66: {  	v5 =	vsub.f32 v5, v10;
	v9 =	vsub.f32 v9, v8  }
0x67: {  	v53 =	vor.u32 s24, v0  }
0x68: {  	v10 =	vand.u32 v1, v53;
	v9 =	vmul.f32 v5, v9;
	_ =	sdelay $0x1  }
0x69: {  	v54 =	vadd.f32 v9, v8  }
0x6a: {  	v6 =	vld.idx.msk [tilespmem:v6+s3+$0x0], $0xffff  }
0x6b: {  	v7 =	vld.idx.msk [tilespmem:v7+s3+$0x0], $0xffff;
	[tilespmem:v4+s21+$0x0] =	vst.idx.msk $0xffff, v54  }
0x6c: {  	v4 =	vld.idx.msk [tilespmem:v10+s20+$0x0], $0xffff;
	_ =	sdelay $0x7  }
0x6d: {  	v8 =	vld.idx.msk [tilespmem:v4+s17+$0x0], $0xffff;
	_ =	sdelay $0x2  }
0x6e: {  	v55 =	vld.idx.msk [tilespmem:v10+s19+$0x0], $0xffff  }
0x6f: {  	v11 =	vld.idx.msk [tilespmem:v10+s18+$0x0], $0xffff  }
0x70: {  	v12 =	vld.idx.msk [tilespmem:v4+s16+$0x0], $0xffff;
	(erf) = vrcp.f32 v8;
	_ =	sdelay $0x2  }
0x71: {  	v8 =	vmul.f32 $4.094999510e+03, v8  }
0x72: {  	v9 =	vadd.f32 v55, v11  }
0x73: {  	v8 =	vadd.f32 v8, v12  }
0x74: {  	v9 =	vmax.f32 v9, v12  }
0x75: {  	v8 =	vmin.f32 v9, v8  }
0x76: {  	v8 =	vsub.f32 v8, v12  }
0x77: {  	v56 =	vpop (erf)  }
0x78: {  	v8 =	vmul.f32 v8, v56;
	_ =	sdelay $0x1  }
0x79: {  	v9 =	vtrunc.f32 v8  }
0x7a: {  	v9 =	vcvt.f32.s32 v9;
	_ =	sdelay $0x1  }
0x7b: {  	v4 =	vshll.u32 v4, $0xC;
	v57 =	vadd.s32 $0x1, v9  }
0x7c: {  	v58 =	vadd.s32 v9, v4;
	vm0 =	vlt.s32 v57, $0xFFF  }
0x7d: {  	v11 =	vnsel vm0, $0xFFF, v57  }
0x7e: {  	v4 =	vadd.s32 v4, v11;
	_ =	sdelay $0x2  }
0x7f: {  	v59 =	vld.idx.msk [tilespmem:v58+s15+$0x0], $0xffff  }
0x80: {  	v12 =	vld.idx.msk [tilespmem:v58+s3+$0x0], $0xffff  }
0x81: {  	v13 =	vld.idx.msk [tilespmem:v4+s15+$0x0], $0xffff  }
0x82: {  	v4 =	vld.idx.msk [tilespmem:v4+s3+$0x0], $0xffff;
	_ =	sdelay $0x1  }
0x83: {  	v9 =	vcvt.s32.f32 v9  }
0x84: {  	v7 =	vsub.f32 v7, v6  }
0x85: {  	v8 =	vsub.f32 v8, v9;
	v60 =	vsub.f32 v13, v59  }
0x86: {  	v5 =	vmul.f32 v5, v7;
	v4 =	vsub.f32 v4, v12  }
0x87: {  	s25 =	sadd.s32 s4, s25;
	v61 =	vmul.f32 v8, v60  }
0x88: {  	p0 =	slt.u32 s25, $0xC350;
	v5 =	vadd.f32 v5, v6;
	v4 =	vmul.f32 v8, v4  }
0x89: {  	s31 =	sadd.s32 s4, s24;
	v62 =	vpsel !p0, $0x0, v2;
	v7 =	vadd.f32 v61, v59  }
0x8a: {  	p6 =	slt.u32 s31, $0xC350;
	v5 =	vmul.f32 v5, v62;
	v4 =	vadd.f32 v4, v12  }
0x8b: {  	v63 =	vpsel !p6, $0x0, v2;
	[tilespmem:v10+s21+$0x0] =	vst.idx.msk $0xffff, v7  }
0x8c: {  	v3 =	vadd.f32 v5, v3;
	v4 =	vmul.f32 v4, v63;
	[hbm4b:s11+s3] =	stream.linear.scatter [tilespmem:s21], [sflag:$0x1], $0x620, $0x38;
	[tilespmem:$0x58B0] =	vst v63  }
0x8d: {  	_ =	swait.ge [sflag:s14], $0x620  }
0x8e: {  	s23 =	sadd.s32 $0x1, s23;
	v3 =	vadd.f32 v4, v3;
	[sflag:s14] =	ssyncset.done $0x0  }
0x8f: {  	p0 =	sne.s32 s23, s13;
	[sflag:s14] =	ssyncadd.s32 $0xFFFFF9E0  }
.Ltmp1:
0x90: {  	[tilespmem:$0x58A0] =	vst v3;
	(pc) =	sbr.rel @p0 .LBB2_1-.Ltmp1, $4  }
0x91: {  	[hbm4b:s12+s3] =	stream.linear.scatter [tilespmem:s22], [sflag:$0x1], $0x10, $0x38;
	[tilespmem:$0x58B0] =	vst v63  }
0x92: {  	_ =	swait.ge [sflag:s14], $0x10  }
0x93: {  	[sflag:s14] =	ssyncset.done $0x0  }
0x94: {  	[sflag:s14] =	ssyncadd.s32 $0xFFFFFFF0  }
0x95: {  	_ =	sfence.sel $0x180000  }
0x96: {  	[bflag:$0x0] =	sbarrier.arrive $0xFFFF  }
0x97: {  	p0 =	sne.s32 s1, $0x0;
	_ =	strace $0x9000004D  }
0x98: {  	s0 =	sadd.s32 @!p0 $0x100000, s0;
	[bflag:$0x2] =	sbarrier.arrive $0xFFFF  }
0x99: {  	[sflag:s0] =	ssyncadd.tile.s32 @!p0 $0x1;
	_ =	shalt  }
.Lfunc_end2:
_tile_overlayer_lowered:
.L_overlay_start_2:
0x9a: {  	(tag) =	ssettag $0x2  }
0x9b: {  	s0 =	rddreg [dreg:$0x0];
	s2 =	stileid.u32  }
0x9c: {  	s1 =	rddreg [dreg:$0x1];
	p0 =	sne.s32 s2, $0x0  }
0x9d: {  	s3 =	rddreg [dreg:$0x2];
	[bflag:$0x3] =	sbarrier.arrive $0xFFFF;
	s2 =	simm.s32 @!p0 $0x1C01  }
0x9e: {  	[timem:s3], [sflag:s2] =	dma.local @!p0 [hbm:s0], s1  }
0x9f: {  	s0 =	simm.s32 @!p0 $0x1  }
0xa0: {  	_ =	swait.ge @!p0 [sflag:s0], s1  }
0xa1: {  	s1 =	ssub.s32 @!p0 $0x0, s1;
	[sflag:s0] =	ssyncset.done @!p0 $0x0  }
0xa2: {  	[sflag:s0] =	ssyncadd.s32 @!p0 s1  }
0xa3: {  	[bflag:$0x3] =	sbarrier.arrive $0xFFFF  }
0xa4: {  	_ =	shalt  }

// kernel: kernel.16.cloned.1.call-start
scs
__scs_entry_jumppad:
0x0: {  	(pc) =	sbr.rel $0x88, $3  }
0x1: {  	(tag) =	ssettag $0x0;
	lr =	simm.s32 $0x1  }
0x2: {  	[smem:$0x3F94] =	sst lr;
	_ =	strace $0xD0000000  }
0x3: {  	_ = 	snop  }
0x4: {  	_ = 	snop  }
0x5: {  	_ = 	snop  }
0x6: {  	_ = 	snop  }
0x7: {  	_ = 	snop  }
__scs_overlays_trampoline_lowered:
0x8: {  	[smem:$0x3FA3] =	sst s0  }
0x9: {  	[smem:$0x3FA4] =	sst s1  }
0xa: {  	[smem:$0x3FA5] =	sst s2  }
0xb: {  	[smem:$0x3FA6] =	sst s3  }
0xc: {  	[smem:$0x3FA7] =	sst s4  }
0xd: {  	[smem:$0x3FA8] =	sst s5  }
0xe: {  	[smem:$0x3FA9] =	sst s6  }
0xf: {  	[smem:$0x3FAA] =	sst s7  }
0x10: {  	[smem:$0x3FAB] =	sst s8  }
0x11: {  	[smem:$0x3FAC] =	sst s9;
	s0 =	simm.s32 @!p0 $0x0  }
0x12: {  	s1 =	sld [smem:$0x3F92];
	s0 =	simm.s32 @p0 $0x1  }
0x13: {  	[smem:$0x3FAD] =	sst s0;
	s0 =	simm.s32 @!p1 $0x0  }
0x14: {  	s2 =	sld [smem:$0x3F91];
	s0 =	simm.s32 @p1 $0x1  }
0x15: {  	[smem:$0x3FAE] =	sst s0;
	s0 =	simm.s32 @!p2 $0x0  }
0x16: {  	s3 =	sld [smem:$0x3FDB];
	s0 =	simm.s32 @p2 $0x1  }
0x17: {  	s4 =	simm.s32 $0x1BF5;
	[smem:$0x3FB0] =	sst s0  }
0x18: {  	s0 =	sld [smem:$0x3F93];
	_ =	swait.ge [sflag:s4], $0x0  }
0x19: {  	s7 =	sld [smem:$0x3F94]  }
0x1a: {  	s8 =	sadd.s32 $0xFFFFE003, lr  }
0x1b: {  	s9 =	sadd.s32 $0xFFFFFEF7, lr;
	s5 =	simm.s32 $0xFFFFFFFF;
	p2 =	slt.u32 s8, $0xFFFFF086  }
0x1c: {  	p1 =	slt.u32 s9, $0xF7A;
	s5 =	simm.s32 @!p2 $0x0  }
0x1d: {  	s5 =	simm.s32 @p1 $0x1;
	p0 =	seq.s32 s7, s2  }
0x1e: {  	s7 =	smul.u32 @!p0 $0xF7A, s2;
	p2 =	seq.s32 @!p0 s5, $0x0  }
0x1f: {  	s9 =	smul.u32 $0xF7A, s1;
	s8 =	simm.s32 @!p0 $0x1BF5;
	p2 =	por !p2, p0  }
0x20: {  	[sflag:s8] =	ssyncset.s32 @!p0 $0xFFFFF086;
	s6 =	sadd.s32 @!p0 s3, s7;
	s7 =	simm.s32 @!p0 $0x108  }
0x21: {  	s3 =	sadd.s32 s3, s9;
	s6 =	sadd.s32 @!p0 $0x88, s6;
	s7 =	simm.s32 @p2 $0x1082  }
0x22: {  	[simem:s7], [sflag:s8] =	dma.local @!p0 [hbm:s6], $0xF7A  }
0x23: {  	s9 =	sor.u32 $0xD0000000, s2;
	s6 =	simm.s32 $0x108;
	_ =	swait.ge @!p0 [sflag:s8], $0x0  }
0x24: {  	s3 =	sadd.s32 $0x88, s3;
	s6 =	simm.s32 @!p1 $0x1082;
	[sflag:s4] =	ssyncset.s32 $0xFFFFF086  }
0x25: {  	[simem:s6], [sflag:s4] =	dma.local [hbm:s3], $0xF7A  }
0x26: {  	[smem:$0x3F94] =	sst s1;
	(tag) =	ssettag s2;
	_ =	strace s9  }
0x27: {  	s1 =	sld [smem:$0x3FA4]  }
0x28: {  	s2 =	sld [smem:$0x3FA5]  }
0x29: {  	s4 =	sld [smem:$0x3FA7]  }
0x2a: {  	p0 =	seq.s32 s5, $0x0;
	s5 =	sld [smem:$0x3FA8]  }
0x2b: {  	s6 =	sld [smem:$0x3FA9]  }
0x2c: {  	s7 =	sld [smem:$0x3FAA]  }
0x2d: {  	s3 =	simm.s32 $0x108;
	s8 =	sld [smem:$0x3FAB]  }
0x2e: {  	s3 =	simm.s32 @!p0 $0x1082;
	s9 =	sld [smem:$0x3FAC]  }
0x2f: {  	lr =	sadd.s32 s0, s3;
	s0 =	sld [smem:$0x3FA3]  }
0x30: {  	s3 =	sld [smem:$0x3FA6]  }
0x31: {  	[smem:$0x3FAF] =	sst s10  }
0x32: {  	s10 =	sld [smem:$0x3FAD];
	_ =	sdelay $0x3  }
0x33: {  	p0 =	seq.s32 s10, $0x1;
	s10 =	sld [smem:$0x3FAF];
	_ =	sdelay $0x3  }
0x34: {  	[smem:$0x3FAF] =	sst s10  }
0x35: {  	s10 =	sld [smem:$0x3FAE];
	_ =	sdelay $0x3  }
0x36: {  	p1 =	seq.s32 s10, $0x1;
	s10 =	sld [smem:$0x3FAF];
	_ =	sdelay $0x3  }
0x37: {  	[smem:$0x3FAF] =	sst s10  }
0x38: {  	s10 =	sld [smem:$0x3FB0]  }
0x39: {  	_ = 	snop;
	(pc) =	sbr.ind lr, $3  }
0x3a: {  	_ = 	snop  }
0x3b: {  	_ = 	snop  }
0x3c: {  	p2 =	seq.s32 s10, $0x1;
	s10 =	sld [smem:$0x3FAF]  }
0x3d: {  	_ =	shalt  }
0x3e: {  	_ =	shalt  }
0x3f: {  	_ =	shalt  }
0x40: {  	_ =	shalt  }
0x41: {  	_ =	shalt  }
0x42: {  	_ =	shalt  }
0x43: {  	_ =	shalt  }
0x44: {  	_ =	shalt  }
0x45: {  	_ =	shalt  }
0x46: {  	_ =	shalt  }
0x47: {  	_ =	shalt  }
0x48: {  	_ =	shalt  }
0x49: {  	_ =	shalt  }
0x4a: {  	_ =	shalt  }
0x4b: {  	_ =	shalt  }
0x4c: {  	_ =	shalt  }
0x4d: {  	_ =	shalt  }
0x4e: {  	_ =	shalt  }
0x4f: {  	_ =	shalt  }
0x50: {  	_ =	shalt  }
0x51: {  	_ =	shalt  }
0x52: {  	_ =	shalt  }
0x53: {  	_ =	shalt  }
0x54: {  	_ =	shalt  }
0x55: {  	_ =	shalt  }
0x56: {  	_ =	shalt  }
0x57: {  	_ =	shalt  }
0x58: {  	_ =	shalt  }
0x59: {  	_ =	shalt  }
0x5a: {  	_ =	shalt  }
0x5b: {  	_ =	shalt  }
0x5c: {  	_ =	shalt  }
0x5d: {  	_ =	shalt  }
0x5e: {  	_ =	shalt  }
0x5f: {  	_ =	shalt  }
0x60: {  	_ =	shalt  }
0x61: {  	_ =	shalt  }
0x62: {  	_ =	shalt  }
0x63: {  	_ =	shalt  }
0x64: {  	_ =	shalt  }
0x65: {  	_ =	shalt  }
0x66: {  	_ =	shalt  }
0x67: {  	_ =	shalt  }
0x68: {  	_ =	shalt  }
0x69: {  	_ =	shalt  }
0x6a: {  	_ =	shalt  }
0x6b: {  	_ =	shalt  }
0x6c: {  	_ =	shalt  }
0x6d: {  	_ =	shalt  }
0x6e: {  	_ =	shalt  }
0x6f: {  	_ =	shalt  }
0x70: {  	_ =	shalt  }
0x71: {  	_ =	shalt  }
0x72: {  	_ =	shalt  }
0x73: {  	_ =	shalt  }
0x74: {  	_ =	shalt  }
0x75: {  	_ =	shalt  }
0x76: {  	_ =	shalt  }
0x77: {  	_ =	shalt  }
0x78: {  	_ =	shalt  }
0x79: {  	_ =	shalt  }
0x7a: {  	_ =	shalt  }
0x7b: {  	_ =	shalt  }
0x7c: {  	_ =	shalt  }
0x7d: {  	_ =	shalt  }
0x7e: {  	_ =	shalt  }
0x7f: {  	_ =	shalt  }
0x80: {  	_ =	shalt  }
0x81: {  	_ =	shalt  }
0x82: {  	_ =	shalt  }
0x83: {  	_ =	shalt  }
0x84: {  	_ =	shalt  }
0x85: {  	_ =	shalt  }
0x86: {  	_ =	shalt  }
0x87: {  	_ =	shalt  }
.Lfunc_end0:
.L_simem_size_0:
called_computation.3_lowered:
.L_overlay_start_0:
0x88: {  	s2 =	sld [smem:$0x3FD9]  }
0x89: {  	s3 =	sld [smem:$0x3FFE];
	_ =	sdelay $0x1  }
0x8a: {  	s1 =	srdreg.scid  }
0x8b: {  	s0 =	sand.u32 $0x1, s1  }
0x8c: {  	s16 =	sshll.u32 s0, $0xA;
	s2 =	sadd.s32 s3, s2  }
0x8d: {  	s2 =	sadd.s32 s2, s16  }
0x8e: {  	[smem:$0x3FBB] =	sst s2  }
0x8f: {  	_ = 	snop  }
0x90: {  	(tm) =	ssettm $0x1  }
0x91: {  	s17 =	sld [smem:$0x3FFB];
	_ =	sdelay $0x3  }
0x92: {  	_ =	strace s17  }
0x93: {  	s2 =	sld [smem:$0x3FFC];
	_ =	sdelay $0x3  }
0x94: {  	_ =	strace s2  }
0x95: {  	s2 =	sld [smem:$0x3FFD];
	_ =	sdelay $0x3  }
0x96: {  	_ =	strace s2  }
0x97: {  	_ =	strace $0x8FFFFFFF  }
0x98: {  	s18 =	sld [smem:$0x3FDB];
	_ =	sdelay $0x1  }
0x99: {  	s19 =	simm.s32 $_scs_section_size  }
0x9a: {  	s4 =	simm.s32 $_size__tile_overlayer_lowered;
	s5 =	simm.s32 $_tile_overlayer_lowered  }
0x9b: {  	s22 =	simm.s32 $0x1BFF;
	s21 =	sshll.u32 s5, $0x1;
	s2 =	sadd.s32 s19, s18  }
0x9c: {  	s6 =	simm.s32 $0x0;
	s20 =	sshll.u32 s4, $0x1;
	s4 =	sadd.s32 s21, s2  }
0x9d: {  	[timem:s6], [sflag:s22] =	dma.local [hbm:s4], s20  }
0x9e: {  	_ =	swait.ge [sflag:s22], s20  }
0x9f: {  	s3 =	ssub.s32 $0x0, s20;
	[sflag:s22] =	ssyncset.done $0x0  }
0xa0: {  	[sflag:s22] =	ssyncadd.s32 s3;
	_ =	sdelay $0x1  }
0xa1: {  	s23 =	simm.s32 $0x1B8B  }
0xa2: {  	_ =	swait.ge [sflag:s23], $0x1  }
0xa3: {  	[sflag:s23] =	ssyncset.done $0x0  }
0xa4: {  	s25 =	simm.s32 $0x1B8E;
	s24 =	sld [smem:$0x3FFE];
	[sflag:s23] =	ssyncadd.s32 $0xFFFFFFFF  }
0xa5: {  	s26 =	simm.s32 $execute0_lowered;
	[smem:$0x3FD2] =	sst s25  }
0xa6: {  	s4 =	sshll.u32 s26, $0x1;
	_ =	strace $0x8000004F;
	[dreg:$0x1] =	wrdreg $0xFFFFFFFF  }
0xa7: {  	s28 =	simm.s32 $_size_execute0_lowered;
	s2 =	sadd.s32 s2, s4;
	[dreg:$0x0] =	wrdreg $0x0  }
0xa8: {  	s4 =	sshll.u32 s28, $0x1;
	[dreg:$0x2] =	wrdreg s2  }
0xa9: {  	[dreg:$0x3] =	wrdreg s4  }
0xaa: {  	[dreg:$0x4] =	wrdreg $0xC0  }
0xab: {  	_ =	task [dreg:s6], $0x5FFFF  }
0xac: {  	[dreg:$0x1] =	wrdreg $0xFFFFFFFF  }
0xad: {  	[dreg:$0x0] =	wrdreg $0x60  }
0xae: {  	[dreg:$0x2] =	wrdreg s24  }
0xaf: {  	[dreg:$0x3] =	wrdreg $0x38100  }
0xb0: {  	[dreg:$0x4] =	wrdreg $0x44500  }
0xb1: {  	[dreg:$0x5] =	wrdreg $0x50900  }
0xb2: {  	[dreg:$0x6] =	wrdreg $0x5CD00  }
0xb3: {  	[dreg:$0x7] =	wrdreg $0x9  }
0xb4: {  	_ =	task.clear_ibuf [dreg:s6], $0x8FFFF;
	_ =	strace $0x9000004F  }
0xb5: {  	s29 =	simm.s32 $0x9;
	_ =	strace $0x80000051  }
0xb6: {  	_ =	swait.ge [sflag:s29], $0x1  }
0xb7: {  	[sflag:s29] =	ssyncadd.s32 $0xFFFFFFFF  }
0xb8: {  	_ =	strace $0x90000051  }
0xb9: {  	_ =	sfence  }
0xba: {  	s30 =	sld [smem:$0x0];
	_ =	sdelay $0x2  }
0xbb: {  	s31 =	sshll.u32 s1, $0xD;
	s1 =	sshrl.u32 s1, $0x2  }
0xbc: {  	s3 =	sand.u32 $0x4000, s31;
	s1 =	sadd.s32 s1, s30  }
0xbd: {  	s0 =	sor.u32 s3, s0;
	s1 =	sshll.u32 s1, $0x11  }
0xbe: {  	s0 =	sor.u32 s1, s0  }
0xbf: {  	s0 =	sadd.s32 $0x8F2B, s0  }
0xc0: {  	[sflag:s0] =	ssyncadd.remote.s32 $0x1  }
0xc1: {  	_ =	sfence.sel $0xFFFF  }
0xc2: {  	[dreg:$0x0] =	wrdreg $0xFFFFFFFF;
	(pc) =	sbr.abs _section_cstart, $3  }
0xc3: {  	[dreg:$0x1] =	wrdreg $0xFFFFFFFF  }
0xc4: {  	_ =	task.clear_ibuf [dreg:s6], $0x2FFFF;
	_ =	strace $0x9FFFFFFF  }
0xc5: {  	(tm) =	ssettm $0x7FFFFFFF  }
tec
execute0_lowered:
.L_overlay_start_1:
0x0: {  	(tag) =	ssettag $0x1  }
0x1: {  	s0 =	rddreg [dreg:$0x0]  }
0x2: {  	s1 =	rddreg [dreg:$0x1]  }
0x3: {  	s2 =	rddreg [dreg:$0x2]  }
0x4: {  	s3 =	rddreg [dreg:$0x3]  }
0x5: {  	s5 =	rddreg [dreg:$0x4];
	s6 =	simm.s32 $0x0  }
0x6: {  	s16 =	stileid.u32;
	s7 =	srdreg.scid;
	s29 =	simm.s32 $0x3  }
0x7: {  	s30 =	simm.s32 $0x80;
	s31 =	simm.s32 $0x2400;
	[smem:$0x7FF] =	sst s6  }
0x8: {  	s4 =	smul.u32 $0xC40, s16;
	s10 =	sand.u32 $0x1, s7;
	s7 =	sadd.s32 $0x1A2A00, s0  }
0x9: {  	s8 =	sadd.s32 $0x2200, s0;
	s9 =	sadd.s32 $0x33200, s0;
	s13 =	sadd.s32 $0x64200, s0  }
0xa: {  	s17 =	sshll.u32 s16, $0x6;
	_ =	strace $0x80000050;
	s12 =	smul.u32 $0x24C00, s10  }
0xb: {  	[dreg:$0x6] =	wrdreg s13;
	s15 =	sshll.u32 s10, $0x4;
	s10 =	ssub.s32 $0x2, s10  }
0xc: {  	s22 =	sor.u32 $0x1C03, s17;
	s17 =	simm.s32 $0x3000;
	s11 =	sshrl.u32 s4, $0x3  }
0xd: {  	s13 =	sor.u32 s16, s15;
	s15 =	sshrl.u32 s10, $0x1;
	s18 =	sadd.s32 s4, s1  }
0xe: {  	s19 =	sadd.s32 s4, s2;
	s20 =	sadd.s32 s4, s3;
	s16 =	simm.s32 $0x1D00  }
0xf: {  	[dreg:$0x7] =	wrdreg s22;
	s11 =	sadd.s32 s11, s0;
	s12 =	sadd.s32 s4, s12  }
0x10: {  	s14 =	sshll.u32 s13, $0x1;
	s10 =	ssub.s32 s10, s15;
	[dreg:$0x8] =	wrdreg s19  }
0x11: {  	[dreg:$0x9] =	wrdreg s20;
	s4 =	sadd.s32 s4, s5;
	s15 =	smul.u32 $0xC400, s13  }
0x12: {  	s28 =	sshrl.u32 s18, $0x3;
	s20 =	simm.s32 $0x1D80;
	s18 =	simm.s32 $0x1F00  }
0x13: {  	s13 =	simm.s32 $0x2;
	s19 =	simm.s32 $0x3400;
	s12 =	sshrl.u32 s12, $0x3  }
0x14: {  	s11 =	sadd.s32 $0x66C00, s11;
	s25 =	smax.u32 s10, $0x1;
	[dreg:$0x10] =	wrdreg s28  }
0x15: {  	s26 =	sshrl.u32 s4, $0x3;
	s4 =	simm.s32 $0x1C80;
	[dreg:$0xa] =	wrdreg s11  }
0x16: {  	s10 =	simm.s32 $0x1F80;
	s12 =	sadd.s32 s12, s0;
	[dreg:$0xf] =	wrdreg s25  }
0x17: {  	s0 =	sadd.s32 s14, s0;
	[dreg:$0x11] =	wrdreg s26;
	s21 =	sadd.s32 $0x68600, s12  }
0x18: {  	s25 =	simm.s32 $0x2000;
	s23 =	sadd.s32 $0x69E80, s12;
	[dreg:$0xb] =	wrdreg s21  }
0x19: {  	s26 =	simm.s32 $0x1;
	s24 =	sadd.s32 $0x6B700, s12;
	[dreg:$0xc] =	wrdreg s23  }
0x1a: {  	v0 =	vlaneseq.u32;
	s11 =	simm.s32 $0x1E00;
	s0 =	sadd.s32 $0x64600, s0;
	[dreg:$0xd] =	wrdreg s24  }
0x1b: {  	v1 =	vor.u32 $0x400, v0;
	v2 =	vor.u32 $0x800, v0;
	v3 =	vor.u32 $0xC00, v0;
	s14 =	simm.s32 $0x2C00;
	s12 =	simm.s32 $0x1E80;
	[dreg:$0xe] =	wrdreg s0  }
0x1c: {  	v4 =	vor.u32 $0x1000, v0;
	v5 =	vor.u32 $0x1400, v0;
	v6 =	vor.u32 $0x1800, v0;
	s24 =	simm.s32 $0x1C00;
	s0 =	simm.s32 $0x2800;
	s23 =	simm.s32 $0x0  }
.LBB2_1:
0x1d: {  	[dreg:$0x12] =	wrdreg s23  }
0x1e: {  	s21 =	rddreg [dreg:$0x6]  }
0x1f: {  	[spmem:s28], [sflag:s22] =	dma.local [hbm:s21], $0x188  }
0x20: {  	_ =	swait.ge [sflag:s29], $0x188  }
0x21: {  	s23 =	rddreg [dreg:$0x8]  }
0x22: {  	[sflag:s29] =	ssyncset.done $0x0;
	s28 =	sshrl.u32 s23, $0x3  }
0x23: {  	[sflag:s29] =	ssyncadd.s32 $0xFFFFFE78;
	[dreg:$0x13] =	wrdreg s28  }
0x24: {  	[spmem:s28], [sflag:s22] =	dma.local [hbm:s21], $0x188  }
0x25: {  	_ =	swait.ge [sflag:s29], $0x188  }
0x26: {  	s23 =	rddreg [dreg:$0x9]  }
0x27: {  	[sflag:s29] =	ssyncset.done $0x0;
	s28 =	sshrl.u32 s23, $0x3  }
0x28: {  	[sflag:s29] =	ssyncadd.s32 $0xFFFFFE78;
	[dreg:$0x14] =	wrdreg s28  }
0x29: {  	[spmem:s28], [sflag:s22] =	dma.local [hbm:s21], $0x188  }
0x2a: {  	_ =	swait.ge [sflag:s29], $0x188  }
0x2b: {  	[sflag:s29] =	ssyncset.done $0x0;
	s21 =	rddreg [dreg:$0xa]  }
0x2c: {  	s23 =	rddreg [dreg:$0x11];
	[sflag:s29] =	ssyncadd.s32 $0xFFFFFE78  }
0x2d: {  	[spmem:s23], [sflag:s22] =	dma.local [hbm:s21], $0x188  }
0x2e: {  	_ =	swait.ge [sflag:s29], $0x188  }
0x2f: {  	[sflag:s29] =	ssyncset.done $0x0  }
0x30: {  	[sflag:s29] =	ssyncadd.s32 $0xFFFFFE78  }
0x31: {  	v7 =	vimm.f32 $0.0e+00;
	s21 =	simm.s32 $0x0;
	[bflag:$0x0] =	sbarrier.arrive $0xFFFF  }
.LBB2_2:
0x32: {  	s22 =	sshll.u32 s21, $0xA  }
0x33: {  	s22 =	sadd.s32 s15, s22  }
0x34: {  	s28 =	sshrl.u32 s22, $0x3  }
0x35: {  	s22 =	simm.s32 $0x0;
	s29 =	sadd.s32 s8, s28  }
0x36: {  	[tilespmem:s24], [sflag:$0x1] =	stream.linear.gather [hbm4b:s29+s22], $0x400, $0x38;
	[tilespmem:$0x6910] =	vst v63  }
0x37: {  	s23 =	sadd.s32 s9, s28  }
0x38: {  	[tilespmem:s25], [sflag:$0x1] =	stream.linear.gather [hbm4b:s23+s22], $0x400, $0x38;
	[tilespmem:$0x6910] =	vst v63  }
0x39: {  	_ =	swait.ge [sflag:s26], $0x400  }
0x3a: {  	[sflag:s26] =	ssyncset.done $0x0  }
0x3b: {  	[sflag:s26] =	ssyncadd.s32 $0xFFFFFC00  }
0x3c: {  	_ =	swait.ge [sflag:s26], $0x400  }
0x3d: {  	s28 =	sadd.s32 s7, s28;
	[sflag:s26] =	ssyncset.done $0x0  }
0x3e: {  	s29 =	simm.s32 $0x400;
	s23 =	simm.s32 $0x188000;
	[sflag:s26] =	ssyncadd.s32 $0xFFFFFC00  }
0x3f: {  	[tilespmem:s22], [sflag:$0x1] =	stream.strided.gather [hbm4b:s28+s29], $0x1C00, s23, s29, $0x38;
	[tilespmem:$0x6910] =	vst v63  }
0x40: {  	_ = 	snop  }
0x41: {  	[tilespmem:s31], [sflag:$0x2] =	stream.indirect.gather [spmem:s5], $0x1, s24, s30, $0xb8;
	[tilespmem:$0x6910] =	vst v63  }
0x42: {  	_ = 	snop  }
0x43: {  	[tilespmem:s0], [sflag:$0x2] =	stream.indirect.gather [spmem:s5], $0x1, s25, s30, $0xb8;
	[tilespmem:$0x6910] =	vst v63  }
0x44: {  	s28 =	simm.s32 $0x2480  }
0x45: {  	[tilespmem:s28], [sflag:$0x2] =	stream.indirect.gather [spmem:s5], $0x1, s4, s30, $0xb8;
	[tilespmem:$0x6910] =	vst v63  }
0x46: {  	s23 =	simm.s32 $0x2080;
	s29 =	simm.s32 $0x2880  }
0x47: {  	[tilespmem:s29], [sflag:$0x2] =	stream.indirect.gather [spmem:s5], $0x1, s23, s30, $0xb8;
	[tilespmem:$0x6910] =	vst v63  }
0x48: {  	s28 =	simm.s32 $0x2500  }
0x49: {  	[tilespmem:s28], [sflag:$0x2] =	stream.indirect.gather [spmem:s5], $0x1, s16, s30, $0xb8;
	[tilespmem:$0x6910] =	vst v63  }
0x4a: {  	s23 =	simm.s32 $0x2100;
	s29 =	simm.s32 $0x2900  }
0x4b: {  	[tilespmem:s29], [sflag:$0x2] =	stream.indirect.gather [spmem:s5], $0x1, s23, s30, $0xb8;
	[tilespmem:$0x6910] =	vst v63  }
0x4c: {  	s28 =	simm.s32 $0x2580  }
0x4d: {  	[tilespmem:s28], [sflag:$0x2] =	stream.indirect.gather [spmem:s5], $0x1, s20, s30, $0xb8;
	[tilespmem:$0x6910] =	vst v63  }
0x4e: {  	s23 =	simm.s32 $0x2180;
	s29 =	simm.s32 $0x2980  }
0x4f: {  	[tilespmem:s29], [sflag:$0x2] =	stream.indirect.gather [spmem:s5], $0x1, s23, s30, $0xb8;
	[tilespmem:$0x6910] =	vst v63  }
0x50: {  	s28 =	simm.s32 $0x2600  }
0x51: {  	[tilespmem:s28], [sflag:$0x2] =	stream.indirect.gather [spmem:s5], $0x1, s11, s30, $0xb8;
	[tilespmem:$0x6910] =	vst v63  }
0x52: {  	s23 =	simm.s32 $0x2200;
	s29 =	simm.s32 $0x2A00  }
0x53: {  	[tilespmem:s29], [sflag:$0x2] =	stream.indirect.gather [spmem:s5], $0x1, s23, s30, $0xb8;
	[tilespmem:$0x6910] =	vst v63  }
0x54: {  	s28 =	simm.s32 $0x2680  }
0x55: {  	[tilespmem:s28], [sflag:$0x2] =	stream.indirect.gather [spmem:s5], $0x1, s12, s30, $0xb8;
	[tilespmem:$0x6910] =	vst v63  }
0x56: {  	s23 =	simm.s32 $0x2280;
	s29 =	simm.s32 $0x2A80  }
0x57: {  	[tilespmem:s29], [sflag:$0x2] =	stream.indirect.gather [spmem:s5], $0x1, s23, s30, $0xb8;
	[tilespmem:$0x6910] =	vst v63  }
0x58: {  	s28 =	simm.s32 $0x2700  }
0x59: {  	[tilespmem:s28], [sflag:$0x2] =	stream.indirect.gather [spmem:s5], $0x1, s18, s30, $0xb8;
	[tilespmem:$0x6910] =	vst v63  }
0x5a: {  	s23 =	simm.s32 $0x2300;
	s29 =	simm.s32 $0x2B00  }
0x5b: {  	[tilespmem:s29], [sflag:$0x2] =	stream.indirect.gather [spmem:s5], $0x1, s23, s30, $0xb8;
	[tilespmem:$0x6910] =	vst v63  }
0x5c: {  	s28 =	simm.s32 $0x2780  }
0x5d: {  	[tilespmem:s28], [sflag:$0x2] =	stream.indirect.gather [spmem:s5], $0x1, s10, s30, $0xb8;
	[tilespmem:$0x6910] =	vst v63  }
0x5e: {  	s23 =	simm.s32 $0x2380;
	s29 =	simm.s32 $0x2B80  }
0x5f: {  	[tilespmem:s29], [sflag:$0x2] =	stream.indirect.gather [spmem:s5], $0x1, s23, s30, $0xb8;
	[tilespmem:$0x6910] =	vst v63  }
0x60: {  	_ =	swait.ge [sflag:s26], $0x1C00  }
0x61: {  	[sflag:s26] =	ssyncset.done $0x0  }
0x62: {  	[sflag:s26] =	ssyncadd.s32 $0xFFFFE400  }
0x63: {  	_ =	swait.ge [sflag:s13], $0x80  }
0x64: {  	[sflag:s13] =	ssyncset.done $0x0  }
0x65: {  	[sflag:s13] =	ssyncadd.s32 $0xFFFFFF80  }
0x66: {  	_ =	swait.ge [sflag:s13], $0x80  }
0x67: {  	[sflag:s13] =	ssyncset.done $0x0  }
0x68: {  	[sflag:s13] =	ssyncadd.s32 $0xFFFFFF80  }
0x69: {  	_ =	swait.ge [sflag:s13], $0x80  }
0x6a: {  	[sflag:s13] =	ssyncset.done $0x0  }
0x6b: {  	[sflag:s13] =	ssyncadd.s32 $0xFFFFFF80  }
0x6c: {  	_ =	swait.ge [sflag:s13], $0x80  }
0x6d: {  	[sflag:s13] =	ssyncset.done $0x0  }
0x6e: {  	[sflag:s13] =	ssyncadd.s32 $0xFFFFFF80  }
0x6f: {  	_ =	swait.ge [sflag:s13], $0x80  }
0x70: {  	[sflag:s13] =	ssyncset.done $0x0  }
0x71: {  	[sflag:s13] =	ssyncadd.s32 $0xFFFFFF80  }
0x72: {  	_ =	swait.ge [sflag:s13], $0x80  }
0x73: {  	[sflag:s13] =	ssyncset.done $0x0  }
0x74: {  	[sflag:s13] =	ssyncadd.s32 $0xFFFFFF80  }
0x75: {  	_ =	swait.ge [sflag:s13], $0x80  }
0x76: {  	[sflag:s13] =	ssyncset.done $0x0  }
0x77: {  	[sflag:s13] =	ssyncadd.s32 $0xFFFFFF80  }
0x78: {  	_ =	swait.ge [sflag:s13], $0x80  }
0x79: {  	[sflag:s13] =	ssyncset.done $0x0  }
0x7a: {  	[sflag:s13] =	ssyncadd.s32 $0xFFFFFF80  }
0x7b: {  	_ =	swait.ge [sflag:s13], $0x80  }
0x7c: {  	[sflag:s13] =	ssyncset.done $0x0  }
0x7d: {  	[sflag:s13] =	ssyncadd.s32 $0xFFFFFF80  }
0x7e: {  	_ =	swait.ge [sflag:s13], $0x80  }
0x7f: {  	[sflag:s13] =	ssyncset.done $0x0  }
0x80: {  	[sflag:s13] =	ssyncadd.s32 $0xFFFFFF80  }
0x81: {  	_ =	swait.ge [sflag:s13], $0x80  }
0x82: {  	[sflag:s13] =	ssyncset.done $0x0  }
0x83: {  	[sflag:s13] =	ssyncadd.s32 $0xFFFFFF80  }
0x84: {  	_ =	swait.ge [sflag:s13], $0x80  }
0x85: {  	[sflag:s13] =	ssyncset.done $0x0  }
0x86: {  	[sflag:s13] =	ssyncadd.s32 $0xFFFFFF80  }
0x87: {  	_ =	swait.ge [sflag:s13], $0x80  }
0x88: {  	[sflag:s13] =	ssyncset.done $0x0  }
0x89: {  	[sflag:s13] =	ssyncadd.s32 $0xFFFFFF80  }
0x8a: {  	_ =	swait.ge [sflag:s13], $0x80  }
0x8b: {  	[sflag:s13] =	ssyncset.done $0x0  }
0x8c: {  	[sflag:s13] =	ssyncadd.s32 $0xFFFFFF80  }
0x8d: {  	_ =	swait.ge [sflag:s13], $0x80  }
0x8e: {  	v8 =	vor.u32 s22, v1;
	[sflag:s13] =	ssyncset.done $0x0  }
0x8f: {  	v9 =	vor.u32 s22, v0;
	[sflag:s13] =	ssyncadd.s32 $0xFFFFFF80  }
0x90: {  	_ =	swait.ge [sflag:s13], $0x80  }
0x91: {  	[sflag:s13] =	ssyncset.done $0x0  }
0x92: {  	[sflag:s13] =	ssyncadd.s32 $0xFFFFFF80  }
0x93: {  	v8 =	vld.idx.msk [tilespmem:v8+s6+$0x0], $0xffff  }
0x94: {  	v10 =	vld.idx.msk [tilespmem:v9+s6+$0x0], $0xffff  }
0x95: {  	v12 =	vor.u32 s22, v2;
	v11 =	vld.idx.msk [tilespmem:v9+s31+$0x0], $0xffff  }
0x96: {  	v13 =	vld.idx.msk [tilespmem:v9+s0+$0x0], $0xffff  }
0x97: {  	v14 =	vor.u32 s22, v3  }
0x98: {  	v15 =	vor.u32 s22, v4  }
0x99: {  	v16 =	vor.u32 s22, v5  }
0x9a: {  	v12 =	vld.idx.msk [tilespmem:v12+s6+$0x0], $0xffff  }
0x9b: {  	v10 =	vmul.f32 v10, v11;
	v8 =	vmul.f32 v8, v13  }
0x9c: {  	v11 =	vld.idx.msk [tilespmem:v14+s6+$0x0], $0xffff  }
0x9d: {  	v13 =	vld.idx.msk [tilespmem:v15+s6+$0x0], $0xffff;
	v8 =	vadd.f32 v8, v10  }
0x9e: {  	v10 =	vld.idx.msk [tilespmem:v16+s6+$0x0], $0xffff  }
0x9f: {  	v14 =	vor.u32 s22, v6;
	v8 =	vadd.f32 v8, v12;
	_ =	sdelay $0x1  }
0xa0: {  	v11 =	vmul.f32 v8, v11  }
0xa1: {  	s23 =	simm.s32 $0x10;
	v12 =	vmul.f32 v13, v8  }
0xa2: {  	v13 =	vor.u32 s23, v1;
	v10 =	vmul.f32 v10, v8;
	v11 =	vsub.f32 $0.0e+00, v11  }
0xa3: {  	v16 =	vld.idx.msk [tilespmem:v14+s6+$0x0], $0xffff;
	v14 =	vor.u32 s23, v0;
	v12 =	vsub.f32 $0.0e+00, v12  }
0xa4: {  	v10 =	vsub.f32 $0.0e+00, v10;
	[tilespmem:v9+s14+$0x0] =	vst.idx.msk $0xffff, v11  }
0xa5: {  	[tilespmem:v9+s17+$0x0] =	vst.idx.msk $0xffff, v12  }
0xa6: {  	[tilespmem:v9+s19+$0x0] =	vst.idx.msk $0xffff, v10  }
0xa7: {  	v9 =	vld.idx.msk [tilespmem:v13+s6+$0x0], $0xffff  }
0xa8: {  	v10 =	vld.idx.msk [tilespmem:v14+s0+$0x0], $0xffff  }
0xa9: {  	v12 =	vor.u32 s23, v2;
	v11 =	vld.idx.msk [tilespmem:v14+s31+$0x0], $0xffff  }
0xaa: {  	v13 =	vld.idx.msk [tilespmem:v14+s6+$0x0], $0xffff  }
0xab: {  	v15 =	vor.u32 s23, v3  }
0xac: {  	v17 =	vor.u32 s23, v4  }
0xad: {  	v18 =	vor.u32 s23, v5  }
0xae: {  	v12 =	vld.idx.msk [tilespmem:v12+s6+$0x0], $0xffff  }
0xaf: {  	v9 =	vmul.f32 v9, v10;
	v10 =	vmul.f32 v13, v11  }
0xb0: {  	v11 =	vld.idx.msk [tilespmem:v15+s6+$0x0], $0xffff  }
0xb1: {  	v13 =	vld.idx.msk [tilespmem:v17+s6+$0x0], $0xffff;
	v9 =	vadd.f32 v9, v10  }
0xb2: {  	v10 =	vld.idx.msk [tilespmem:v18+s6+$0x0], $0xffff  }
0xb3: {  	v9 =	vadd.f32 v9, v12  }
0xb4: {  	v15 =	vor.u32 s23, v6  }
0xb5: {  	v11 =	vmul.f32 v9, v11  }
0xb6: {  	s28 =	simm.s32 $0x20;
	v12 =	vmul.f32 v13, v9  }
0xb7: {  	v13 =	vor.u32 s28, v0;
	v10 =	vmul.f32 v10, v9;
	v11 =	vsub.f32 $0.0e+00, v11  }
0xb8: {  	v12 =	vsub.f32 $0.0e+00, v12  }
0xb9: {  	v19 =	vld.idx.msk [tilespmem:v15+s6+$0x0], $0xffff;
	v10 =	vsub.f32 $0.0e+00, v10;
	[tilespmem:v14+s14+$0x0] =	vst.idx.msk $0xffff, v11  }
0xba: {  	v11 =	vor.u32 s28, v1;
	[tilespmem:v14+s17+$0x0] =	vst.idx.msk $0xffff, v12  }
0xbb: {  	[tilespmem:v14+s19+$0x0] =	vst.idx.msk $0xffff, v10  }
0xbc: {  	v10 =	vld.idx.msk [tilespmem:v13+s6+$0x0], $0xffff  }
0xbd: {  	v12 =	vld.idx.msk [tilespmem:v13+s0+$0x0], $0xffff  }
0xbe: {  	v14 =	vor.u32 s28, v2;
	v15 =	vld.idx.msk [tilespmem:v13+s31+$0x0], $0xffff  }
0xbf: {  	v11 =	vld.idx.msk [tilespmem:v11+s6+$0x0], $0xffff  }
0xc0: {  	v17 =	vor.u32 s28, v3  }
0xc1: {  	v18 =	vor.u32 s28, v4  }
0xc2: {  	v20 =	vor.u32 s28, v5  }
0xc3: {  	v14 =	vld.idx.msk [tilespmem:v14+s6+$0x0], $0xffff  }
0xc4: {  	v10 =	vmul.f32 v10, v15;
	v11 =	vmul.f32 v11, v12  }
0xc5: {  	v12 =	vld.idx.msk [tilespmem:v17+s6+$0x0], $0xffff  }
0xc6: {  	v15 =	vld.idx.msk [tilespmem:v18+s6+$0x0], $0xffff;
	v10 =	vadd.f32 v11, v10  }
0xc7: {  	v11 =	vld.idx.msk [tilespmem:v20+s6+$0x0], $0xffff  }
0xc8: {  	v17 =	vor.u32 s28, v6;
	v10 =	vadd.f32 v10, v14;
	_ =	sdelay $0x1  }
0xc9: {  	v12 =	vmul.f32 v10, v12  }
0xca: {  	s29 =	simm.s32 $0x30;
	v14 =	vmul.f32 v15, v10  }
0xcb: {  	v11 =	vmul.f32 v11, v10;
	v15 =	vsub.f32 $0.0e+00, v12;
	v12 =	vor.u32 s29, v0  }
0xcc: {  	v20 =	vld.idx.msk [tilespmem:v17+s6+$0x0], $0xffff;
	v17 =	vor.u32 s29, v1;
	v14 =	vsub.f32 $0.0e+00, v14  }
0xcd: {  	v11 =	vsub.f32 $0.0e+00, v11;
	[tilespmem:v13+s14+$0x0] =	vst.idx.msk $0xffff, v15  }
0xce: {  	[tilespmem:v13+s17+$0x0] =	vst.idx.msk $0xffff, v14  }
0xcf: {  	v23 =	vor.u32 s29, v5;
	[tilespmem:v13+s19+$0x0] =	vst.idx.msk $0xffff, v11  }
0xd0: {  	v15 =	vor.u32 s29, v4;
	v13 =	vld.idx.msk [tilespmem:v12+s31+$0x0], $0xffff  }
0xd1: {  	v14 =	vor.u32 s29, v3;
	v21 =	vld.idx.msk [tilespmem:v17+s6+$0x0], $0xffff  }
0xd2: {  	v11 =	vor.u32 s29, v2;
	v22 =	vld.idx.msk [tilespmem:v12+s0+$0x0], $0xffff  }
0xd3: {  	v24 =	vor.u32 s29, v6;
	v18 =	vld.idx.msk [tilespmem:v12+s6+$0x0], $0xffff  }
0xd4: {  	v8 =	vmul.f32 v16, v8;
	v16 =	vld.idx.msk [tilespmem:v23+s6+$0x0], $0xffff  }
0xd5: {  	v15 =	vld.idx.msk [tilespmem:v15+s6+$0x0], $0xffff  }
0xd6: {  	v14 =	vld.idx.msk [tilespmem:v14+s6+$0x0], $0xffff  }
0xd7: {  	v9 =	vmul.f32 v19, v9;
	v17 =	vld.idx.msk [tilespmem:v11+s6+$0x0], $0xffff  }
0xd8: {  	s22 =	simm.s32 $0x40;
	v10 =	vmul.f32 v20, v10;
	v11 =	vld.idx.msk [tilespmem:v24+s6+$0x0], $0xffff;
	v19 =	vmul.f32 v21, v22  }
.LBB2_3:
0xd9: {  	p0 =	sne.s32 s22, $0x3C0;
	v13 =	vmul.f32 v18, v13;
	s28 =	smov.u32 s22;
	s22 =	sadd.s32 $0x40, s22  }
0xda: {  	_ = 	snop  }
0xdb: {  	v13 =	vadd.f32 v19, v13  }
0xdc: {  	v7 =	vadd.f32 v8, v7  }
0xdd: {  	v8 =	vadd.f32 v13, v17  }
0xde: {  	v7 =	vadd.f32 v9, v7  }
0xdf: {  	v9 =	vmul.f32 v8, v14;
	v13 =	vmul.f32 v15, v8  }
0xe0: {  	v7 =	vadd.f32 v10, v7;
	v10 =	vmul.f32 v11, v8;
	v8 =	vmul.f32 v16, v8  }
0xe1: {  	v11 =	vor.u32 s28, v0;
	v14 =	vor.u32 s28, v1;
	v9 =	vsub.f32 $0.0e+00, v9  }
0xe2: {  	v13 =	vsub.f32 $0.0e+00, v13;
	v8 =	vsub.f32 $0.0e+00, v8  }
0xe3: {  	v7 =	vadd.f32 v10, v7;
	[tilespmem:v12+s14+$0x0] =	vst.idx.msk $0xffff, v9  }
0xe4: {  	[tilespmem:v12+s17+$0x0] =	vst.idx.msk $0xffff, v13  }
0xe5: {  	[tilespmem:v12+s19+$0x0] =	vst.idx.msk $0xffff, v8  }
0xe6: {  	v8 =	vld.idx.msk [tilespmem:v14+s6+$0x0], $0xffff  }
0xe7: {  	v9 =	vld.idx.msk [tilespmem:v11+s6+$0x0], $0xffff  }
0xe8: {  	v12 =	vor.u32 s28, v2;
	v10 =	vld.idx.msk [tilespmem:v11+s31+$0x0], $0xffff  }
0xe9: {  	v14 =	vor.u32 s28, v4;
	v13 =	vld.idx.msk [tilespmem:v11+s0+$0x0], $0xffff  }
0xea: {  	v15 =	vor.u32 s28, v3  }
0xeb: {  	v16 =	vor.u32 s28, v5;
	_ =	sdelay $0x1  }
0xec: {  	v12 =	vld.idx.msk [tilespmem:v12+s6+$0x0], $0xffff  }
0xed: {  	v9 =	vmul.f32 v9, v10;
	v14 =	vld.idx.msk [tilespmem:v14+s6+$0x0], $0xffff  }
0xee: {  	v8 =	vmul.f32 v8, v13;
	v10 =	vld.idx.msk [tilespmem:v15+s6+$0x0], $0xffff  }
0xef: {  	v13 =	vld.idx.msk [tilespmem:v16+s6+$0x0], $0xffff  }
0xf0: {  	v8 =	vadd.f32 v8, v9;
	_ =	sdelay $0x1  }
0xf1: {  	v9 =	vor.u32 s28, v6;
	v8 =	vadd.f32 v8, v12;
	_ =	sdelay $0x1  }
0xf2: {  	v10 =	vmul.f32 v8, v10;
	v12 =	vmul.f32 v14, v8  }
0xf3: {  	s29 =	sadd.s32 $0x10, s28;
	v13 =	vmul.f32 v13, v8  }
0xf4: {  	v14 =	vor.u32 s29, v1;
	v10 =	vsub.f32 $0.0e+00, v10  }
0xf5: {  	v15 =	vor.u32 s29, v0;
	v12 =	vsub.f32 $0.0e+00, v12;
	v9 =	vld.idx.msk [tilespmem:v9+s6+$0x0], $0xffff  }
0xf6: {  	[tilespmem:v11+s14+$0x0] =	vst.idx.msk $0xffff, v10;
	v10 =	vsub.f32 $0.0e+00, v13  }
0xf7: {  	[tilespmem:v11+s17+$0x0] =	vst.idx.msk $0xffff, v12  }
0xf8: {  	[tilespmem:v11+s19+$0x0] =	vst.idx.msk $0xffff, v10  }
0xf9: {  	v10 =	vld.idx.msk [tilespmem:v14+s6+$0x0], $0xffff  }
0xfa: {  	v11 =	vld.idx.msk [tilespmem:v15+s0+$0x0], $0xffff  }
0xfb: {  	v12 =	vor.u32 s29, v2;
	v8 =	vmul.f32 v9, v8;
	v9 =	vld.idx.msk [tilespmem:v15+s31+$0x0], $0xffff  }
0xfc: {  	v14 =	vor.u32 s29, v4;
	v13 =	vld.idx.msk [tilespmem:v15+s6+$0x0], $0xffff  }
0xfd: {  	v16 =	vor.u32 s29, v3  }
0xfe: {  	v17 =	vor.u32 s29, v5;
	_ =	sdelay $0x1  }
0xff: {  	v10 =	vmul.f32 v10, v11;
	v12 =	vld.idx.msk [tilespmem:v12+s6+$0x0], $0xffff  }
0x100: {  	v11 =	vld.idx.msk [tilespmem:v14+s6+$0x0], $0xffff  }
0x101: {  	v9 =	vmul.f32 v13, v9;
	v14 =	vld.idx.msk [tilespmem:v16+s6+$0x0], $0xffff  }
0x102: {  	v13 =	vld.idx.msk [tilespmem:v17+s6+$0x0], $0xffff  }
0x103: {  	v9 =	vadd.f32 v10, v9;
	_ =	sdelay $0x1  }
0x104: {  	v10 =	vor.u32 s29, v6;
	v9 =	vadd.f32 v9, v12;
	_ =	sdelay $0x1  }
0x105: {  	v12 =	vmul.f32 v9, v14;
	v11 =	vmul.f32 v11, v9  }
0x106: {  	s29 =	sadd.s32 $0x20, s28;
	v13 =	vmul.f32 v13, v9  }
0x107: {  	v14 =	vor.u32 s29, v0;
	v12 =	vsub.f32 $0.0e+00, v12  }
0x108: {  	v11 =	vsub.f32 $0.0e+00, v11;
	v10 =	vld.idx.msk [tilespmem:v10+s6+$0x0], $0xffff  }
0x109: {  	[tilespmem:v15+s14+$0x0] =	vst.idx.msk $0xffff, v12;
	v12 =	vsub.f32 $0.0e+00, v13;
	v13 =	vor.u32 s29, v1  }
0x10a: {  	[tilespmem:v15+s17+$0x0] =	vst.idx.msk $0xffff, v11  }
0x10b: {  	[tilespmem:v15+s19+$0x0] =	vst.idx.msk $0xffff, v12  }
0x10c: {  	v11 =	vld.idx.msk [tilespmem:v14+s6+$0x0], $0xffff  }
0x10d: {  	v12 =	vld.idx.msk [tilespmem:v14+s0+$0x0], $0xffff  }
0x10e: {  	v9 =	vmul.f32 v10, v9;
	v10 =	vld.idx.msk [tilespmem:v13+s6+$0x0], $0xffff;
	v13 =	vor.u32 s29, v2  }
0x10f: {  	v16 =	vor.u32 s29, v4;
	v15 =	vld.idx.msk [tilespmem:v14+s31+$0x0], $0xffff  }
0x110: {  	v17 =	vor.u32 s29, v3  }
0x111: {  	v18 =	vor.u32 s29, v5;
	_ =	sdelay $0x1  }
0x112: {  	v13 =	vld.idx.msk [tilespmem:v13+s6+$0x0], $0xffff  }
0x113: {  	v10 =	vmul.f32 v10, v12;
	v16 =	vld.idx.msk [tilespmem:v16+s6+$0x0], $0xffff  }
0x114: {  	v11 =	vmul.f32 v11, v15;
	v12 =	vld.idx.msk [tilespmem:v17+s6+$0x0], $0xffff  }
0x115: {  	v15 =	vld.idx.msk [tilespmem:v18+s6+$0x0], $0xffff  }
0x116: {  	v10 =	vadd.f32 v10, v11;
	_ =	sdelay $0x1  }
0x117: {  	v11 =	vor.u32 s29, v6;
	v10 =	vadd.f32 v10, v13;
	_ =	sdelay $0x1  }
0x118: {  	v12 =	vmul.f32 v10, v12;
	v13 =	vmul.f32 v16, v10  }
0x119: {  	s28 =	sadd.s32 $0x30, s28;
	v15 =	vmul.f32 v15, v10  }
0x11a: {  	v16 =	vsub.f32 $0.0e+00, v12;
	v12 =	vor.u32 s28, v0  }
0x11b: {  	v17 =	vor.u32 s28, v1;
	v13 =	vsub.f32 $0.0e+00, v13;
	v11 =	vld.idx.msk [tilespmem:v11+s6+$0x0], $0xffff  }
0x11c: {  	v15 =	vsub.f32 $0.0e+00, v15;
	[tilespmem:v14+s14+$0x0] =	vst.idx.msk $0xffff, v16  }
0x11d: {  	[tilespmem:v14+s17+$0x0] =	vst.idx.msk $0xffff, v13  }
0x11e: {  	[tilespmem:v14+s19+$0x0] =	vst.idx.msk $0xffff, v15;
	v14 =	vor.u32 s28, v2  }
0x11f: {  	v15 =	vor.u32 s28, v3;
	v13 =	vld.idx.msk [tilespmem:v12+s31+$0x0], $0xffff  }
0x120: {  	v16 =	vor.u32 s28, v4;
	v19 =	vld.idx.msk [tilespmem:v17+s6+$0x0], $0xffff  }
0x121: {  	v10 =	vmul.f32 v11, v10;
	v11 =	vor.u32 s28, v5;
	v20 =	vld.idx.msk [tilespmem:v12+s0+$0x0], $0xffff  }
0x122: {  	v21 =	vor.u32 s28, v6;
	v18 =	vld.idx.msk [tilespmem:v12+s6+$0x0], $0xffff  }
.Ltmp0:
0x123: {  	v17 =	vld.idx.msk [tilespmem:v14+s6+$0x0], $0xffff;
	(pc) =	sbr.rel @p0 .LBB2_3-.Ltmp0, $4  }
0x124: {  	v14 =	vld.idx.msk [tilespmem:v15+s6+$0x0], $0xffff  }
0x125: {  	v15 =	vld.idx.msk [tilespmem:v16+s6+$0x0], $0xffff  }
0x126: {  	v16 =	vld.idx.msk [tilespmem:v11+s6+$0x0], $0xffff  }
0x127: {  	v19 =	vmul.f32 v19, v20;
	v11 =	vld.idx.msk [tilespmem:v21+s6+$0x0], $0xffff  }
0x128: {  	v13 =	vmul.f32 v18, v13;
	_ =	sdelay $0x1  }
0x129: {  	v13 =	vadd.f32 v19, v13;
	_ =	sdelay $0x1  }
0x12a: {  	v13 =	vadd.f32 v13, v17;
	_ =	sdelay $0x1  }
0x12b: {  	v14 =	vmul.f32 v13, v14  }
0x12c: {  	v15 =	vmul.f32 v15, v13  }
0x12d: {  	v16 =	vmul.f32 v16, v13;
	v14 =	vsub.f32 $0.0e+00, v14  }
0x12e: {  	v15 =	vsub.f32 $0.0e+00, v15  }
0x12f: {  	v16 =	vsub.f32 $0.0e+00, v16;
	[tilespmem:v12+s14+$0x0] =	vst.idx.msk $0xffff, v14  }
0x130: {  	[tilespmem:v12+s17+$0x0] =	vst.idx.msk $0xffff, v15  }
0x131: {  	[tilespmem:v12+s19+$0x0] =	vst.idx.msk $0xffff, v16  }
0x132: {  	[spmem:s1] =	stream.indirect.scatter.add.f32 [tilespmem:s14], [sflag:$0x2], $0x1, s24, s30, $0xb8;
	[tilespmem:$0x6910] =	vst v63  }
0x133: {  	_ = 	snop  }
0x134: {  	[spmem:s2] =	stream.indirect.scatter.add.f32 [tilespmem:s17], [sflag:$0x2], $0x1, s24, s30, $0xb8;
	[tilespmem:$0x6910] =	vst v63  }
0x135: {  	_ = 	snop  }
0x136: {  	[spmem:s3] =	stream.indirect.scatter.add.f32 [tilespmem:s19], [sflag:$0x2], $0x1, s24, s30, $0xb8;
	[tilespmem:$0x6910] =	vst v63  }
0x137: {  	s22 =	simm.s32 $0x2C80  }
0x138: {  	[spmem:s1] =	stream.indirect.scatter.add.f32 [tilespmem:s22], [sflag:$0x2], $0x1, s4, s30, $0xb8;
	[tilespmem:$0x6910] =	vst v63  }
0x139: {  	s28 =	simm.s32 $0x3080  }
0x13a: {  	[spmem:s2] =	stream.indirect.scatter.add.f32 [tilespmem:s28], [sflag:$0x2], $0x1, s4, s30, $0xb8;
	[tilespmem:$0x6910] =	vst v63  }
0x13b: {  	s29 =	simm.s32 $0x3480  }
0x13c: {  	[spmem:s3] =	stream.indirect.scatter.add.f32 [tilespmem:s29], [sflag:$0x2], $0x1, s4, s30, $0xb8;
	[tilespmem:$0x6910] =	vst v63  }
0x13d: {  	s23 =	simm.s32 $0x2D00  }
0x13e: {  	[spmem:s1] =	stream.indirect.scatter.add.f32 [tilespmem:s23], [sflag:$0x2], $0x1, s16, s30, $0xb8;
	[tilespmem:$0x6910] =	vst v63  }
0x13f: {  	s28 =	simm.s32 $0x3100  }
0x140: {  	[spmem:s2] =	stream.indirect.scatter.add.f32 [tilespmem:s28], [sflag:$0x2], $0x1, s16, s30, $0xb8;
	[tilespmem:$0x6910] =	vst v63  }
0x141: {  	s29 =	simm.s32 $0x3500  }
0x142: {  	[spmem:s3] =	stream.indirect.scatter.add.f32 [tilespmem:s29], [sflag:$0x2], $0x1, s16, s30, $0xb8;
	[tilespmem:$0x6910] =	vst v63  }
0x143: {  	s23 =	simm.s32 $0x2D80  }
0x144: {  	[spmem:s1] =	stream.indirect.scatter.add.f32 [tilespmem:s23], [sflag:$0x2], $0x1, s20, s30, $0xb8;
	[tilespmem:$0x6910] =	vst v63  }
0x145: {  	s28 =	simm.s32 $0x3180  }
0x146: {  	[spmem:s2] =	stream.indirect.scatter.add.f32 [tilespmem:s28], [sflag:$0x2], $0x1, s20, s30, $0xb8;
	[tilespmem:$0x6910] =	vst v63  }
0x147: {  	s29 =	simm.s32 $0x3580  }
0x148: {  	[spmem:s3] =	stream.indirect.scatter.add.f32 [tilespmem:s29], [sflag:$0x2], $0x1, s20, s30, $0xb8;
	[tilespmem:$0x6910] =	vst v63  }
0x149: {  	s23 =	simm.s32 $0x2E00  }
0x14a: {  	[spmem:s1] =	stream.indirect.scatter.add.f32 [tilespmem:s23], [sflag:$0x2], $0x1, s11, s30, $0xb8;
	[tilespmem:$0x6910] =	vst v63  }
0x14b: {  	s28 =	simm.s32 $0x3200  }
0x14c: {  	[spmem:s2] =	stream.indirect.scatter.add.f32 [tilespmem:s28], [sflag:$0x2], $0x1, s11, s30, $0xb8;
	[tilespmem:$0x6910] =	vst v63  }
0x14d: {  	s29 =	simm.s32 $0x3600  }
0x14e: {  	[spmem:s3] =	stream.indirect.scatter.add.f32 [tilespmem:s29], [sflag:$0x2], $0x1, s11, s30, $0xb8;
	[tilespmem:$0x6910] =	vst v63  }
0x14f: {  	s23 =	simm.s32 $0x2E80  }
0x150: {  	[spmem:s1] =	stream.indirect.scatter.add.f32 [tilespmem:s23], [sflag:$0x2], $0x1, s12, s30, $0xb8;
	[tilespmem:$0x6910] =	vst v63  }
0x151: {  	s28 =	simm.s32 $0x3280  }
0x152: {  	[spmem:s2] =	stream.indirect.scatter.add.f32 [tilespmem:s28], [sflag:$0x2], $0x1, s12, s30, $0xb8;
	[tilespmem:$0x6910] =	vst v63  }
0x153: {  	s29 =	simm.s32 $0x3680  }
0x154: {  	[spmem:s3] =	stream.indirect.scatter.add.f32 [tilespmem:s29], [sflag:$0x2], $0x1, s12, s30, $0xb8;
	[tilespmem:$0x6910] =	vst v63  }
0x155: {  	s23 =	simm.s32 $0x2F00  }
0x156: {  	[spmem:s1] =	stream.indirect.scatter.add.f32 [tilespmem:s23], [sflag:$0x2], $0x1, s18, s30, $0xb8;
	[tilespmem:$0x6910] =	vst v63  }
0x157: {  	s28 =	simm.s32 $0x3300  }
0x158: {  	[spmem:s2] =	stream.indirect.scatter.add.f32 [tilespmem:s28], [sflag:$0x2], $0x1, s18, s30, $0xb8;
	[tilespmem:$0x6910] =	vst v63  }
0x159: {  	s29 =	simm.s32 $0x3700  }
0x15a: {  	[spmem:s3] =	stream.indirect.scatter.add.f32 [tilespmem:s29], [sflag:$0x2], $0x1, s18, s30, $0xb8;
	[tilespmem:$0x6910] =	vst v63  }
0x15b: {  	s23 =	simm.s32 $0x2F80  }
0x15c: {  	[spmem:s1] =	stream.indirect.scatter.add.f32 [tilespmem:s23], [sflag:$0x2], $0x1, s10, s30, $0xb8;
	[tilespmem:$0x6910] =	vst v63  }
0x15d: {  	s28 =	simm.s32 $0x3380  }
0x15e: {  	[spmem:s2] =	stream.indirect.scatter.add.f32 [tilespmem:s28], [sflag:$0x2], $0x1, s10, s30, $0xb8;
	[tilespmem:$0x6910] =	vst v63  }
0x15f: {  	s29 =	simm.s32 $0x3780  }
0x160: {  	[spmem:s3] =	stream.indirect.scatter.add.f32 [tilespmem:s29], [sflag:$0x2], $0x1, s10, s30, $0xb8;
	[tilespmem:$0x6910] =	vst v63  }
0x161: {  	_ =	swait.ge [sflag:s13], $0x80  }
0x162: {  	[sflag:s13] =	ssyncset.done $0x0  }
0x163: {  	[sflag:s13] =	ssyncadd.s32 $0xFFFFFF80  }
0x164: {  	_ =	swait.ge [sflag:s13], $0x80  }
0x165: {  	[sflag:s13] =	ssyncset.done $0x0  }
0x166: {  	[sflag:s13] =	ssyncadd.s32 $0xFFFFFF80  }
0x167: {  	_ =	swait.ge [sflag:s13], $0x80  }
0x168: {  	[sflag:s13] =	ssyncset.done $0x0  }
0x169: {  	[sflag:s13] =	ssyncadd.s32 $0xFFFFFF80  }
0x16a: {  	_ =	swait.ge [sflag:s13], $0x80  }
0x16b: {  	[sflag:s13] =	ssyncset.done $0x0  }
0x16c: {  	[sflag:s13] =	ssyncadd.s32 $0xFFFFFF80  }
0x16d: {  	_ =	swait.ge [sflag:s13], $0x80  }
0x16e: {  	[sflag:s13] =	ssyncset.done $0x0  }
0x16f: {  	[sflag:s13] =	ssyncadd.s32 $0xFFFFFF80  }
0x170: {  	_ =	swait.ge [sflag:s13], $0x80  }
0x171: {  	[sflag:s13] =	ssyncset.done $0x0  }
0x172: {  	[sflag:s13] =	ssyncadd.s32 $0xFFFFFF80  }
0x173: {  	_ =	swait.ge [sflag:s13], $0x80  }
0x174: {  	[sflag:s13] =	ssyncset.done $0x0  }
0x175: {  	[sflag:s13] =	ssyncadd.s32 $0xFFFFFF80  }
0x176: {  	_ =	swait.ge [sflag:s13], $0x80  }
0x177: {  	[sflag:s13] =	ssyncset.done $0x0  }
0x178: {  	[sflag:s13] =	ssyncadd.s32 $0xFFFFFF80  }
0x179: {  	_ =	swait.ge [sflag:s13], $0x80  }
0x17a: {  	[sflag:s13] =	ssyncset.done $0x0  }
0x17b: {  	[sflag:s13] =	ssyncadd.s32 $0xFFFFFF80  }
0x17c: {  	_ =	swait.ge [sflag:s13], $0x80  }
0x17d: {  	[sflag:s13] =	ssyncset.done $0x0  }
0x17e: {  	[sflag:s13] =	ssyncadd.s32 $0xFFFFFF80  }
0x17f: {  	_ =	swait.ge [sflag:s13], $0x80  }
0x180: {  	[sflag:s13] =	ssyncset.done $0x0  }
0x181: {  	[sflag:s13] =	ssyncadd.s32 $0xFFFFFF80  }
0x182: {  	_ =	swait.ge [sflag:s13], $0x80  }
0x183: {  	[sflag:s13] =	ssyncset.done $0x0  }
0x184: {  	[sflag:s13] =	ssyncadd.s32 $0xFFFFFF80  }
0x185: {  	_ =	swait.ge [sflag:s13], $0x80  }
0x186: {  	[sflag:s13] =	ssyncset.done $0x0  }
0x187: {  	[sflag:s13] =	ssyncadd.s32 $0xFFFFFF80  }
0x188: {  	_ =	swait.ge [sflag:s13], $0x80  }
0x189: {  	[sflag:s13] =	ssyncset.done $0x0  }
0x18a: {  	[sflag:s13] =	ssyncadd.s32 $0xFFFFFF80  }
0x18b: {  	_ =	swait.ge [sflag:s13], $0x80  }
0x18c: {  	[sflag:s13] =	ssyncset.done $0x0  }
0x18d: {  	[sflag:s13] =	ssyncadd.s32 $0xFFFFFF80  }
0x18e: {  	_ =	swait.ge [sflag:s13], $0x80  }
0x18f: {  	[sflag:s13] =	ssyncset.done $0x0  }
0x190: {  	[sflag:s13] =	ssyncadd.s32 $0xFFFFFF80  }
0x191: {  	_ =	swait.ge [sflag:s13], $0x80  }
0x192: {  	[sflag:s13] =	ssyncset.done $0x0  }
0x193: {  	[sflag:s13] =	ssyncadd.s32 $0xFFFFFF80  }
0x194: {  	_ =	swait.ge [sflag:s13], $0x80  }
0x195: {  	[sflag:s13] =	ssyncset.done $0x0  }
0x196: {  	[sflag:s13] =	ssyncadd.s32 $0xFFFFFF80  }
0x197: {  	_ =	swait.ge [sflag:s13], $0x80  }
0x198: {  	[sflag:s13] =	ssyncset.done $0x0  }
0x199: {  	[sflag:s13] =	ssyncadd.s32 $0xFFFFFF80  }
0x19a: {  	_ =	swait.ge [sflag:s13], $0x80  }
0x19b: {  	[sflag:s13] =	ssyncset.done $0x0  }
0x19c: {  	[sflag:s13] =	ssyncadd.s32 $0xFFFFFF80  }
0x19d: {  	_ =	swait.ge [sflag:s13], $0x80  }
0x19e: {  	[sflag:s13] =	ssyncset.done $0x0  }
0x19f: {  	[sflag:s13] =	ssyncadd.s32 $0xFFFFFF80  }
0x1a0: {  	_ =	swait.ge [sflag:s13], $0x80  }
0x1a1: {  	[sflag:s13] =	ssyncset.done $0x0  }
0x1a2: {  	v7 =	vadd.f32 v8, v7;
	s21 =	sadd.s32 $0x1, s21;
	[sflag:s13] =	ssyncadd.s32 $0xFFFFFF80  }
0x1a3: {  	p0 =	sne.s32 s21, $0x31;
	_ =	swait.ge [sflag:s13], $0x80  }
.Ltmp1:
0x1a4: {  	v7 =	vadd.f32 v9, v7;
	[sflag:s13] =	ssyncset.done $0x0;
	(pc) =	sbr.rel @p0 .LBB2_2-.Ltmp1, $4  }
0x1a5: {  	[sflag:s13] =	ssyncadd.s32 $0xFFFFFF80  }
0x1a6: {  	v7 =	vadd.f32 v10, v7;
	v8 =	vmul.f32 v11, v13;
	_ =	swait.ge [sflag:s13], $0x80  }
0x1a7: {  	[sflag:s13] =	ssyncset.done $0x0  }
0x1a8: {  	v7 =	vadd.f32 v8, v7;
	[sflag:s13] =	ssyncadd.s32 $0xFFFFFF80  }
0x1a9: {  	[bflag:$0x0] =	sbarrier.arrive $0xFFFF  }
0x1aa: {  	s22 =	rddreg [dreg:$0x7]  }
0x1ab: {  	s21 =	rddreg [dreg:$0xb]  }
0x1ac: {  	s29 =	simm.s32 $0x3;
	s28 =	rddreg [dreg:$0x10]  }
0x1ad: {  	[hbm:s21], [sflag:s22] =	dma.local [spmem:s28], $0x188  }
0x1ae: {  	_ =	swait.ge [sflag:s29], $0x188  }
0x1af: {  	[sflag:s29] =	ssyncset.done $0x0;
	s21 =	rddreg [dreg:$0xc]  }
0x1b0: {  	s23 =	rddreg [dreg:$0x13];
	[sflag:s29] =	ssyncadd.s32 $0xFFFFFE78  }
0x1b1: {  	[hbm:s21], [sflag:s22] =	dma.local [spmem:s23], $0x188  }
0x1b2: {  	_ =	swait.ge [sflag:s29], $0x188  }
0x1b3: {  	[sflag:s29] =	ssyncset.done $0x0;
	s21 =	rddreg [dreg:$0xd]  }
0x1b4: {  	s23 =	rddreg [dreg:$0x14];
	[sflag:s29] =	ssyncadd.s32 $0xFFFFFE78  }
0x1b5: {  	[hbm:s21], [sflag:s22] =	dma.local [spmem:s23], $0x188  }
0x1b6: {  	_ =	swait.ge [sflag:s29], $0x188  }
0x1b7: {  	[sflag:s29] =	ssyncset.done $0x0  }
0x1b8: {  	[sflag:s29] =	ssyncadd.s32 $0xFFFFFE78  }
0x1b9: {  	s23 =	simm.s32 $0x3800;
	s21 =	rddreg [dreg:$0xe];
	[tilespmem:$0x3800] =	vst v7  }
0x1ba: {  	[hbm4b:s21+s6] =	stream.linear.scatter [tilespmem:s23], [sflag:$0x3], $0x10, $0x38;
	[tilespmem:$0x6910] =	vst v63  }
0x1bb: {  	_ =	swait.ge [sflag:s29], $0x10  }
0x1bc: {  	s21 =	rddreg [dreg:$0x12]  }
0x1bd: {  	s23 =	sadd.s32 $0x1, s21;
	s21 =	rddreg [dreg:$0xf]  }
0x1be: {  	p0 =	sne.s32 s23, s21  }
.Ltmp2:
0x1bf: {  	_ = 	snop;
	(pc) =	sbr.rel @p0 .LBB2_1-.Ltmp2, $3  }
0x1c0: {  	_ =	sdelay $0x1  }
0x1c1: {  	[sflag:s29] =	ssyncset.done $0x0  }
0x1c2: {  	[sflag:s29] =	ssyncadd.s32 $0xFFFFFFF0  }
0x1c3: {  	_ =	sfence.sel $0x180000  }
0x1c4: {  	[bflag:$0x0] =	sbarrier.arrive $0xFFFF  }
0x1c5: {  	_ =	strace $0x90000050  }
0x1c6: {  	s0 =	stileid.u32;
	[bflag:$0x2] =	sbarrier.arrive $0xFFFF  }
0x1c7: {  	p0 =	sne.s32 s0, $0x0;
	s0 =	rddreg [dreg:$0x5]  }
0x1c8: {  	s0 =	sadd.s32 @!p0 $0x100000, s0  }
0x1c9: {  	[sflag:s0] =	ssyncadd.tile.s32 @!p0 $0x1;
	_ =	shalt  }
.Lfunc_end2:
_tile_overlayer_lowered:
.L_overlay_start_2:
0x1ca: {  	(tag) =	ssettag $0x2  }
0x1cb: {  	s0 =	rddreg [dreg:$0x0];
	s2 =	stileid.u32  }
0x1cc: {  	s1 =	rddreg [dreg:$0x1];
	p0 =	sne.s32 s2, $0x0  }
0x1cd: {  	s3 =	rddreg [dreg:$0x2];
	[bflag:$0x3] =	sbarrier.arrive $0xFFFF;
	s2 =	simm.s32 @!p0 $0x1C03  }
0x1ce: {  	[timem:s3], [sflag:s2] =	dma.local @!p0 [hbm:s0], s1  }
0x1cf: {  	s0 =	simm.s32 @!p0 $0x3  }
0x1d0: {  	_ =	swait.ge @!p0 [sflag:s0], s1  }
0x1d1: {  	s1 =	ssub.s32 @!p0 $0x0, s1;
	[sflag:s0] =	ssyncset.done @!p0 $0x0  }
0x1d2: {  	[sflag:s0] =	ssyncadd.s32 @!p0 s1  }
0x1d3: {  	[bflag:$0x3] =	sbarrier.arrive $0xFFFF  }
0x1d4: {  	_ =	shalt  }

// kernel: kernel.7.cloned.1.call-start
scs
__scs_entry_jumppad:
0x0: {  	(pc) =	sbr.rel $0x88, $3  }
0x1: {  	(tag) =	ssettag $0x0;
	lr =	simm.s32 $0x1  }
0x2: {  	[smem:$0x3F94] =	sst lr;
	_ =	strace $0xD0000000  }
0x3: {  	_ = 	snop  }
0x4: {  	_ = 	snop  }
0x5: {  	_ = 	snop  }
0x6: {  	_ = 	snop  }
0x7: {  	_ = 	snop  }
__scs_overlays_trampoline_lowered:
0x8: {  	[smem:$0x3FA3] =	sst s0  }
0x9: {  	[smem:$0x3FA4] =	sst s1  }
0xa: {  	[smem:$0x3FA5] =	sst s2  }
0xb: {  	[smem:$0x3FA6] =	sst s3  }
0xc: {  	[smem:$0x3FA7] =	sst s4  }
0xd: {  	[smem:$0x3FA8] =	sst s5  }
0xe: {  	[smem:$0x3FA9] =	sst s6  }
0xf: {  	[smem:$0x3FAA] =	sst s7  }
0x10: {  	[smem:$0x3FAB] =	sst s8  }
0x11: {  	[smem:$0x3FAC] =	sst s9;
	s0 =	simm.s32 @!p0 $0x0  }
0x12: {  	s1 =	sld [smem:$0x3F92];
	s0 =	simm.s32 @p0 $0x1  }
0x13: {  	[smem:$0x3FAD] =	sst s0;
	s0 =	simm.s32 @!p1 $0x0  }
0x14: {  	s2 =	sld [smem:$0x3F91];
	s0 =	simm.s32 @p1 $0x1  }
0x15: {  	[smem:$0x3FAE] =	sst s0;
	s0 =	simm.s32 @!p2 $0x0  }
0x16: {  	s3 =	sld [smem:$0x3FDB];
	s0 =	simm.s32 @p2 $0x1  }
0x17: {  	s4 =	simm.s32 $0x1BF5;
	[smem:$0x3FB0] =	sst s0  }
0x18: {  	s0 =	sld [smem:$0x3F93];
	_ =	swait.ge [sflag:s4], $0x0  }
0x19: {  	s7 =	sld [smem:$0x3F94]  }
0x1a: {  	s8 =	sadd.s32 $0xFFFFE003, lr  }
0x1b: {  	s9 =	sadd.s32 $0xFFFFFEF7, lr;
	s5 =	simm.s32 $0xFFFFFFFF;
	p2 =	slt.u32 s8, $0xFFFFF086  }
0x1c: {  	p1 =	slt.u32 s9, $0xF7A;
	s5 =	simm.s32 @!p2 $0x0  }
0x1d: {  	s5 =	simm.s32 @p1 $0x1;
	p0 =	seq.s32 s7, s2  }
0x1e: {  	s7 =	smul.u32 @!p0 $0xF7A, s2;
	p2 =	seq.s32 @!p0 s5, $0x0  }
0x1f: {  	s9 =	smul.u32 $0xF7A, s1;
	s8 =	simm.s32 @!p0 $0x1BF5;
	p2 =	por !p2, p0  }
0x20: {  	[sflag:s8] =	ssyncset.s32 @!p0 $0xFFFFF086;
	s6 =	sadd.s32 @!p0 s3, s7;
	s7 =	simm.s32 @!p0 $0x108  }
0x21: {  	s3 =	sadd.s32 s3, s9;
	s6 =	sadd.s32 @!p0 $0x88, s6;
	s7 =	simm.s32 @p2 $0x1082  }
0x22: {  	[simem:s7], [sflag:s8] =	dma.local @!p0 [hbm:s6], $0xF7A  }
0x23: {  	s9 =	sor.u32 $0xD0000000, s2;
	s6 =	simm.s32 $0x108;
	_ =	swait.ge @!p0 [sflag:s8], $0x0  }
0x24: {  	s3 =	sadd.s32 $0x88, s3;
	s6 =	simm.s32 @!p1 $0x1082;
	[sflag:s4] =	ssyncset.s32 $0xFFFFF086  }
0x25: {  	[simem:s6], [sflag:s4] =	dma.local [hbm:s3], $0xF7A  }
0x26: {  	[smem:$0x3F94] =	sst s1;
	(tag) =	ssettag s2;
	_ =	strace s9  }
0x27: {  	s1 =	sld [smem:$0x3FA4]  }
0x28: {  	s2 =	sld [smem:$0x3FA5]  }
0x29: {  	s4 =	sld [smem:$0x3FA7]  }
0x2a: {  	p0 =	seq.s32 s5, $0x0;
	s5 =	sld [smem:$0x3FA8]  }
0x2b: {  	s6 =	sld [smem:$0x3FA9]  }
0x2c: {  	s7 =	sld [smem:$0x3FAA]  }
0x2d: {  	s3 =	simm.s32 $0x108;
	s8 =	sld [smem:$0x3FAB]  }
0x2e: {  	s3 =	simm.s32 @!p0 $0x1082;
	s9 =	sld [smem:$0x3FAC]  }
0x2f: {  	lr =	sadd.s32 s0, s3;
	s0 =	sld [smem:$0x3FA3]  }
0x30: {  	s3 =	sld [smem:$0x3FA6]  }
0x31: {  	[smem:$0x3FAF] =	sst s10  }
0x32: {  	s10 =	sld [smem:$0x3FAD];
	_ =	sdelay $0x3  }
0x33: {  	p0 =	seq.s32 s10, $0x1;
	s10 =	sld [smem:$0x3FAF];
	_ =	sdelay $0x3  }
0x34: {  	[smem:$0x3FAF] =	sst s10  }
0x35: {  	s10 =	sld [smem:$0x3FAE];
	_ =	sdelay $0x3  }
0x36: {  	p1 =	seq.s32 s10, $0x1;
	s10 =	sld [smem:$0x3FAF];
	_ =	sdelay $0x3  }
0x37: {  	[smem:$0x3FAF] =	sst s10  }
0x38: {  	s10 =	sld [smem:$0x3FB0]  }
0x39: {  	_ = 	snop;
	(pc) =	sbr.ind lr, $3  }
0x3a: {  	_ = 	snop  }
0x3b: {  	_ = 	snop  }
0x3c: {  	p2 =	seq.s32 s10, $0x1;
	s10 =	sld [smem:$0x3FAF]  }
0x3d: {  	_ =	shalt  }
0x3e: {  	_ =	shalt  }
0x3f: {  	_ =	shalt  }
0x40: {  	_ =	shalt  }
0x41: {  	_ =	shalt  }
0x42: {  	_ =	shalt  }
0x43: {  	_ =	shalt  }
0x44: {  	_ =	shalt  }
0x45: {  	_ =	shalt  }
0x46: {  	_ =	shalt  }
0x47: {  	_ =	shalt  }
0x48: {  	_ =	shalt  }
0x49: {  	_ =	shalt  }
0x4a: {  	_ =	shalt  }
0x4b: {  	_ =	shalt  }
0x4c: {  	_ =	shalt  }
0x4d: {  	_ =	shalt  }
0x4e: {  	_ =	shalt  }
0x4f: {  	_ =	shalt  }
0x50: {  	_ =	shalt  }
0x51: {  	_ =	shalt  }
0x52: {  	_ =	shalt  }
0x53: {  	_ =	shalt  }
0x54: {  	_ =	shalt  }
0x55: {  	_ =	shalt  }
0x56: {  	_ =	shalt  }
0x57: {  	_ =	shalt  }
0x58: {  	_ =	shalt  }
0x59: {  	_ =	shalt  }
0x5a: {  	_ =	shalt  }
0x5b: {  	_ =	shalt  }
0x5c: {  	_ =	shalt  }
0x5d: {  	_ =	shalt  }
0x5e: {  	_ =	shalt  }
0x5f: {  	_ =	shalt  }
0x60: {  	_ =	shalt  }
0x61: {  	_ =	shalt  }
0x62: {  	_ =	shalt  }
0x63: {  	_ =	shalt  }
0x64: {  	_ =	shalt  }
0x65: {  	_ =	shalt  }
0x66: {  	_ =	shalt  }
0x67: {  	_ =	shalt  }
0x68: {  	_ =	shalt  }
0x69: {  	_ =	shalt  }
0x6a: {  	_ =	shalt  }
0x6b: {  	_ =	shalt  }
0x6c: {  	_ =	shalt  }
0x6d: {  	_ =	shalt  }
0x6e: {  	_ =	shalt  }
0x6f: {  	_ =	shalt  }
0x70: {  	_ =	shalt  }
0x71: {  	_ =	shalt  }
0x72: {  	_ =	shalt  }
0x73: {  	_ =	shalt  }
0x74: {  	_ =	shalt  }
0x75: {  	_ =	shalt  }
0x76: {  	_ =	shalt  }
0x77: {  	_ =	shalt  }
0x78: {  	_ =	shalt  }
0x79: {  	_ =	shalt  }
0x7a: {  	_ =	shalt  }
0x7b: {  	_ =	shalt  }
0x7c: {  	_ =	shalt  }
0x7d: {  	_ =	shalt  }
0x7e: {  	_ =	shalt  }
0x7f: {  	_ =	shalt  }
0x80: {  	_ =	shalt  }
0x81: {  	_ =	shalt  }
0x82: {  	_ =	shalt  }
0x83: {  	_ =	shalt  }
0x84: {  	_ =	shalt  }
0x85: {  	_ =	shalt  }
0x86: {  	_ =	shalt  }
0x87: {  	_ =	shalt  }
.Lfunc_end0:
.L_simem_size_0:
called_computation_lowered:
.L_overlay_start_0:
0x88: {  	s2 =	sld [smem:$0x3FD9]  }
0x89: {  	s3 =	sld [smem:$0x3FFE];
	_ =	sdelay $0x1  }
0x8a: {  	s1 =	srdreg.scid  }
0x8b: {  	s0 =	sand.u32 $0x1, s1  }
0x8c: {  	s14 =	sshll.u32 s0, $0xA;
	s2 =	sadd.s32 s3, s2  }
0x8d: {  	s2 =	sadd.s32 s2, s14  }
0x8e: {  	[smem:$0x3FBB] =	sst s2  }
0x8f: {  	_ = 	snop  }
0x90: {  	s2 =	sld [smem:$0x3FD0];
	_ =	sdelay $0x2  }
0x91: {  	s15 =	simm.s32 $0xA;
	s4 =	simm.s32 $0x10  }
0x92: {  	[smem:s4], [sflag:s15] =	dma.local [hbm:s2], $0x1  }
0x93: {  	_ =	swait.eq [sflag:s15], $0x1  }
0x94: {  	[sflag:s15] =	ssyncset.done $0x0  }
0x95: {  	[sflag:s15] =	ssyncadd.s32 $0xFFFFFFFF  }
0x96: {  	s16 =	sld [smem:$0x10];
	(tm) =	ssettm $0x1  }
0x97: {  	s17 =	sld [smem:$0x3FFB];
	_ =	sdelay $0x3  }
0x98: {  	_ =	strace s17  }
0x99: {  	s3 =	sld [smem:$0x3FFC];
	_ =	sdelay $0x3  }
0x9a: {  	_ =	strace s3  }
0x9b: {  	s3 =	sld [smem:$0x3FFD];
	_ =	sdelay $0x3  }
0x9c: {  	_ =	strace s3  }
0x9d: {  	_ =	strace $0x8FFFFFFF  }
0x9e: {  	s18 =	sld [smem:$0x3FDB];
	_ =	sdelay $0x1  }
0x9f: {  	s19 =	simm.s32 $_scs_section_size  }
0xa0: {  	s5 =	simm.s32 $_size__tile_overlayer_lowered;
	s6 =	simm.s32 $_tile_overlayer_lowered  }
0xa1: {  	s22 =	simm.s32 $0x1BFF;
	s21 =	sshll.u32 s6, $0x1;
	s3 =	sadd.s32 s19, s18  }
0xa2: {  	s7 =	simm.s32 $0x0;
	s20 =	sshll.u32 s5, $0x1;
	s5 =	sadd.s32 s21, s3  }
0xa3: {  	[timem:s7], [sflag:s22] =	dma.local [hbm:s5], s20  }
0xa4: {  	_ =	swait.ge [sflag:s22], s20  }
0xa5: {  	s4 =	ssub.s32 $0x0, s20;
	[sflag:s22] =	ssyncset.done $0x0  }
0xa6: {  	[sflag:s22] =	ssyncadd.s32 s4;
	_ =	sdelay $0x1  }
0xa7: {  	s23 =	simm.s32 $0x1B8B  }
0xa8: {  	_ =	swait.ge [sflag:s23], $0x1  }
0xa9: {  	[sflag:s23] =	ssyncset.done $0x0  }
0xaa: {  	s25 =	simm.s32 $0x1B8E;
	s24 =	sld [smem:$0x3FFE];
	[sflag:s23] =	ssyncadd.s32 $0xFFFFFFFF  }
0xab: {  	s26 =	simm.s32 $execute0_lowered;
	[smem:$0x3FD2] =	sst s25  }
0xac: {  	s5 =	sshll.u32 s26, $0x1;
	_ =	strace $0x80000046;
	[dreg:$0x1] =	wrdreg $0xFFFFFFFF  }
0xad: {  	s28 =	simm.s32 $_size_execute0_lowered;
	s3 =	sadd.s32 s3, s5;
	[dreg:$0x0] =	wrdreg $0x0  }
0xae: {  	s5 =	sshll.u32 s28, $0x1;
	[dreg:$0x2] =	wrdreg s3  }
0xaf: {  	[dreg:$0x3] =	wrdreg s5  }
0xb0: {  	[dreg:$0x4] =	wrdreg $0xC0  }
0xb1: {  	_ =	task [dreg:s7], $0x5FFFF  }
0xb2: {  	[dreg:$0x1] =	wrdreg $0xFFFFFFFF  }
0xb3: {  	[dreg:$0x0] =	wrdreg $0x60  }
0xb4: {  	[dreg:$0x2] =	wrdreg s24  }
0xb5: {  	[dreg:$0x3] =	wrdreg s16  }
0xb6: {  	[dreg:$0x4] =	wrdreg $0x9C400  }
0xb7: {  	[dreg:$0x5] =	wrdreg $0x9  }
0xb8: {  	_ =	task.clear_ibuf [dreg:s7], $0x6FFFF;
	_ =	strace $0x90000046  }
0xb9: {  	s29 =	simm.s32 $0x9;
	_ =	strace $0x80000048  }
0xba: {  	_ =	swait.ge [sflag:s29], $0x1  }
0xbb: {  	[sflag:s29] =	ssyncadd.s32 $0xFFFFFFFF  }
0xbc: {  	_ =	strace $0x90000048  }
0xbd: {  	_ =	sfence  }
0xbe: {  	s30 =	sld [smem:$0x0];
	_ =	sdelay $0x2  }
0xbf: {  	s31 =	sshll.u32 s1, $0xD;
	s1 =	sshrl.u32 s1, $0x2  }
0xc0: {  	s3 =	sand.u32 $0x4000, s31;
	s1 =	sadd.s32 s1, s30  }
0xc1: {  	s0 =	sor.u32 s3, s0;
	s1 =	sshll.u32 s1, $0x11  }
0xc2: {  	s0 =	sor.u32 s1, s0  }
0xc3: {  	s0 =	sadd.s32 $0x8F2B, s0  }
0xc4: {  	[sflag:s0] =	ssyncadd.remote.s32 $0x1  }
0xc5: {  	_ =	sfence.sel $0xFFFF  }
0xc6: {  	[dreg:$0x0] =	wrdreg $0xFFFFFFFF;
	(pc) =	sbr.abs _section_cstart, $3  }
0xc7: {  	[dreg:$0x1] =	wrdreg $0xFFFFFFFF  }
0xc8: {  	_ =	task.clear_ibuf [dreg:s7], $0x2FFFF;
	_ =	strace $0x9FFFFFFF  }
0xc9: {  	(tm) =	ssettm $0x7FFFFFFF  }
tec
execute0_lowered:
.L_overlay_start_1:
0x0: {  	(tag) =	ssettag $0x1  }
0x1: {  	s0 =	rddreg [dreg:$0x0]  }
0x2: {  	s10 =	stileid.u32;
	s3 =	rddreg [dreg:$0x2];
	s4 =	simm.s32 $0x0  }
0x3: {  	s2 =	srdreg.scid;
	s11 =	simm.s32 $0x3;
	s14 =	simm.s32 $0x40  }
0x4: {  	s15 =	simm.s32 $0x440;
	s16 =	simm.s32 $0x1;
	s17 =	simm.s32 $0x80  }
0x5: {  	s18 =	simm.s32 $0x840;
	s19 =	simm.s32 $0x4840;
	s13 =	simm.s32 $0x6C0  }
0x6: {  	s20 =	simm.s32 $0x7040;
	s21 =	simm.s32 $0x340;
	s22 =	simm.s32 $0x3840  }
0x7: {  	s28 =	simm.s32 $0x7C0;
	s29 =	simm.s32 $0x8040;
	s30 =	simm.s32 $0x2  }
0x8: {  	s31 =	simm.s32 $0x8840;
	s1 =	smul.u32 $0xC400, s10;
	[smem:$0x7FF] =	sst s4  }
0x9: {  	s2 =	sand.u32 $0x1, s2;
	s5 =	sadd.s32 $0x2200, s0;
	s6 =	sadd.s32 $0x33200, s0  }
0xa: {  	s7 =	sadd.s32 $0x7CA00, s0;
	s25 =	sshll.u32 s10, $0x6;
	_ =	strace $0x80000047  }
0xb: {  	s8 =	ssub.s32 $0x2, s2;
	s2 =	sshll.u32 s2, $0x4;
	s23 =	sshrl.u32 s1, $0x3  }
0xc: {  	s9 =	sshrl.u32 s8, $0x1;
	s2 =	sor.u32 s10, s2;
	s1 =	sadd.s32 s1, s3  }
0xd: {  	s4 =	sadd.s32 s23, s0;
	s24 =	ssub.s32 s8, s9;
	s9 =	smul.u32 $0xC400, s2  }
0xe: {  	s26 =	sshrl.u32 s1, $0x3;
	s23 =	simm.s32 $0x740;
	s1 =	simm.s32 $0x400  }
0xf: {  	v0 =	vlaneseq.u32;
	v1 =	vimm.f32 $0.0e+00;
	s4 =	sadd.s32 $0x64200, s4;
	s0 =	smax.u32 s24, $0x1;
	[dreg:$0x7] =	wrdreg s26  }
0x10: {  	v6 =	vand.u32 $0x7, v0;
	v7 =	vor.u32 $0xFFFFFFD8, v0;
	v8 =	vor.u32 $0xFFFFFFE8, v0;
	s24 =	simm.s32 $0x7840;
	s26 =	simm.s32 $0x4040;
	[dreg:$0x4] =	wrdreg s4  }
0x11: {  	v9 =	vor.u32 $0xFFFFFFF8, v0;
	v2 =	vor.u32 $0xFFFFFFC8, v6;
	v3 =	vor.u32 $0x400, v6;
	[dreg:$0x5] =	wrdreg s0;
	s0 =	sor.u32 $0x1C03, s25;
	s25 =	simm.s32 $0x3C0  }
0x12: {  	v4 =	vor.u32 $0x800, v6;
	v5 =	vor.u32 $0xC00, v6;
	v6 =	vor.u32 $0x1000, v6;
	s4 =	simm.s32 $0x0;
	[dreg:$0x6] =	wrdreg s0;
	s0 =	simm.s32 $0x188000  }
.LBB2_1:
0x13: {  	[dreg:$0x8] =	wrdreg s4  }
0x14: {  	s2 =	rddreg [dreg:$0x1];
	s8 =	simm.s32 $0x0  }
0x15: {  	[tilespmem:s8], [sflag:$0x3] =	stream.linear.gather [hbm4b:s2+s8], $0x40, $0x38;
	[tilespmem:$0x16040] =	vst v63  }
0x16: {  	_ =	swait.ge [sflag:s11], $0x40  }
0x17: {  	s10 =	rddreg [dreg:$0x4]  }
0x18: {  	[sflag:s11] =	ssyncset.done $0x0;
	s12 =	rddreg [dreg:$0x6]  }
0x19: {  	s8 =	rddreg [dreg:$0x7];
	[sflag:s11] =	ssyncadd.s32 $0xFFFFFFC0  }
0x1a: {  	[spmem:s8], [sflag:s12] =	dma.local [hbm:s10], $0x1880  }
0x1b: {  	_ =	swait.ge [sflag:s11], $0x1880  }
0x1c: {  	[sflag:s11] =	ssyncset.done $0x0  }
0x1d: {  	[sflag:s11] =	ssyncadd.s32 $0xFFFFE780  }
0x1e: {  	[bflag:$0x0] =	sbarrier.arrive $0xFFFF  }
0x1f: {  	v10 =	vld [tilespmem:$0x10];
	_ =	sdelay $0x4  }
0x20: {  	(erf) = vrcp.f32 v10;
	_ =	sdelay $0x8  }
0x21: {  	s2 =	simm.s32 $0x0;
	v11 =	vpop (erf)  }
.LBB2_2:
0x22: {  	s4 =	sshll.u32 s2, $0xA  }
0x23: {  	s4 =	sadd.s32 s9, s4  }
0x24: {  	s4 =	sshrl.u32 s4, $0x3  }
0x25: {  	s8 =	simm.s32 $0x0;
	s10 =	sadd.s32 s5, s4  }
0x26: {  	[tilespmem:s14], [sflag:$0x1] =	stream.linear.gather [hbm4b:s10+s8], $0x400, $0x38;
	[tilespmem:$0x16040] =	vst v63  }
0x27: {  	s12 =	sadd.s32 s6, s4  }
0x28: {  	[tilespmem:s15], [sflag:$0x1] =	stream.linear.gather [hbm4b:s12+s8], $0x400, $0x38;
	[tilespmem:$0x16040] =	vst v63  }
0x29: {  	_ =	swait.ge [sflag:s16], $0x400  }
0x2a: {  	[sflag:s16] =	ssyncset.done $0x0  }
0x2b: {  	[sflag:s16] =	ssyncadd.s32 $0xFFFFFC00  }
0x2c: {  	_ =	swait.ge [sflag:s16], $0x400  }
0x2d: {  	[sflag:s16] =	ssyncset.done $0x0  }
0x2e: {  	[sflag:s16] =	ssyncadd.s32 $0xFFFFFC00  }
0x2f: {  	[tilespmem:s18], [sflag:$0x2] =	stream.indirect.gather [spmem:s3], $0x10, s14, s17, $0xb8;
	[tilespmem:$0x16040] =	vst v63  }
0x30: {  	_ = 	snop  }
0x31: {  	[tilespmem:s19], [sflag:$0x2] =	stream.indirect.gather [spmem:s3], $0x10, s15, s17, $0xb8;
	[tilespmem:$0x16040] =	vst v63  }
0x32: {  	s10 =	simm.s32 $0xC0;
	s12 =	simm.s32 $0x1040  }
0x33: {  	[tilespmem:s12], [sflag:$0x2] =	stream.indirect.gather [spmem:s3], $0x10, s10, s17, $0xb8;
	[tilespmem:$0x16040] =	vst v63  }
0x34: {  	s10 =	simm.s32 $0x4C0;
	s12 =	simm.s32 $0x5040  }
0x35: {  	[tilespmem:s12], [sflag:$0x2] =	stream.indirect.gather [spmem:s3], $0x10, s10, s17, $0xb8;
	[tilespmem:$0x16040] =	vst v63  }
0x36: {  	s10 =	simm.s32 $0x140;
	s12 =	simm.s32 $0x1840  }
0x37: {  	[tilespmem:s12], [sflag:$0x2] =	stream.indirect.gather [spmem:s3], $0x10, s10, s17, $0xb8;
	[tilespmem:$0x16040] =	vst v63  }
0x38: {  	s10 =	simm.s32 $0x540;
	s12 =	simm.s32 $0x5840  }
0x39: {  	[tilespmem:s12], [sflag:$0x2] =	stream.indirect.gather [spmem:s3], $0x10, s10, s17, $0xb8;
	[tilespmem:$0x16040] =	vst v63  }
0x3a: {  	s10 =	simm.s32 $0x1C0;
	s12 =	simm.s32 $0x2040  }
0x3b: {  	[tilespmem:s12], [sflag:$0x2] =	stream.indirect.gather [spmem:s3], $0x10, s10, s17, $0xb8;
	[tilespmem:$0x16040] =	vst v63  }
0x3c: {  	s10 =	simm.s32 $0x5C0;
	s12 =	simm.s32 $0x6040  }
0x3d: {  	[tilespmem:s12], [sflag:$0x2] =	stream.indirect.gather [spmem:s3], $0x10, s10, s17, $0xb8;
	[tilespmem:$0x16040] =	vst v63  }
0x3e: {  	s10 =	simm.s32 $0x240;
	s12 =	simm.s32 $0x2840  }
0x3f: {  	[tilespmem:s12], [sflag:$0x2] =	stream.indirect.gather [spmem:s3], $0x10, s10, s17, $0xb8;
	[tilespmem:$0x16040] =	vst v63  }
0x40: {  	s10 =	simm.s32 $0x640;
	s12 =	simm.s32 $0x6840  }
0x41: {  	[tilespmem:s12], [sflag:$0x2] =	stream.indirect.gather [spmem:s3], $0x10, s10, s17, $0xb8;
	[tilespmem:$0x16040] =	vst v63  }
0x42: {  	s10 =	simm.s32 $0x2C0;
	s12 =	simm.s32 $0x3040  }
0x43: {  	[tilespmem:s12], [sflag:$0x2] =	stream.indirect.gather [spmem:s3], $0x10, s10, s17, $0xb8;
	[tilespmem:$0x16040] =	vst v63  }
0x44: {  	_ = 	snop  }
0x45: {  	[tilespmem:s20], [sflag:$0x2] =	stream.indirect.gather [spmem:s3], $0x10, s13, s17, $0xb8;
	[tilespmem:$0x16040] =	vst v63  }
0x46: {  	_ = 	snop  }
0x47: {  	[tilespmem:s22], [sflag:$0x2] =	stream.indirect.gather [spmem:s3], $0x10, s21, s17, $0xb8;
	[tilespmem:$0x16040] =	vst v63  }
0x48: {  	_ = 	snop  }
0x49: {  	[tilespmem:s24], [sflag:$0x2] =	stream.indirect.gather [spmem:s3], $0x10, s23, s17, $0xb8;
	[tilespmem:$0x16040] =	vst v63  }
0x4a: {  	_ = 	snop  }
0x4b: {  	[tilespmem:s26], [sflag:$0x2] =	stream.indirect.gather [spmem:s3], $0x10, s25, s17, $0xb8;
	[tilespmem:$0x16040] =	vst v63  }
0x4c: {  	_ = 	snop  }
0x4d: {  	[tilespmem:s29], [sflag:$0x2] =	stream.indirect.gather [spmem:s3], $0x10, s28, s17, $0xb8;
	[tilespmem:$0x16040] =	vst v63  }
0x4e: {  	_ =	swait.ge [sflag:s30], $0x800  }
0x4f: {  	[sflag:s30] =	ssyncset.done $0x0  }
0x50: {  	[sflag:s30] =	ssyncadd.s32 $0xFFFFF800  }
0x51: {  	_ =	swait.ge [sflag:s30], $0x800  }
0x52: {  	[sflag:s30] =	ssyncset.done $0x0  }
0x53: {  	[sflag:s30] =	ssyncadd.s32 $0xFFFFF800  }
0x54: {  	_ =	swait.ge [sflag:s30], $0x800  }
0x55: {  	[sflag:s30] =	ssyncset.done $0x0  }
0x56: {  	[sflag:s30] =	ssyncadd.s32 $0xFFFFF800  }
0x57: {  	_ =	swait.ge [sflag:s30], $0x800  }
0x58: {  	[sflag:s30] =	ssyncset.done $0x0  }
0x59: {  	[sflag:s30] =	ssyncadd.s32 $0xFFFFF800  }
0x5a: {  	_ =	swait.ge [sflag:s30], $0x800  }
0x5b: {  	[sflag:s30] =	ssyncset.done $0x0  }
0x5c: {  	[sflag:s30] =	ssyncadd.s32 $0xFFFFF800  }
0x5d: {  	_ =	swait.ge [sflag:s30], $0x800  }
0x5e: {  	[sflag:s30] =	ssyncset.done $0x0  }
0x5f: {  	[sflag:s30] =	ssyncadd.s32 $0xFFFFF800  }
0x60: {  	_ =	swait.ge [sflag:s30], $0x800  }
0x61: {  	[sflag:s30] =	ssyncset.done $0x0  }
0x62: {  	[sflag:s30] =	ssyncadd.s32 $0xFFFFF800  }
0x63: {  	_ =	swait.ge [sflag:s30], $0x800  }
0x64: {  	[sflag:s30] =	ssyncset.done $0x0  }
0x65: {  	[sflag:s30] =	ssyncadd.s32 $0xFFFFF800  }
0x66: {  	_ =	swait.ge [sflag:s30], $0x800  }
0x67: {  	[sflag:s30] =	ssyncset.done $0x0  }
0x68: {  	[sflag:s30] =	ssyncadd.s32 $0xFFFFF800  }
0x69: {  	_ =	swait.ge [sflag:s30], $0x800  }
0x6a: {  	[sflag:s30] =	ssyncset.done $0x0  }
0x6b: {  	[sflag:s30] =	ssyncadd.s32 $0xFFFFF800  }
0x6c: {  	_ =	swait.ge [sflag:s30], $0x800  }
0x6d: {  	[sflag:s30] =	ssyncset.done $0x0  }
0x6e: {  	[sflag:s30] =	ssyncadd.s32 $0xFFFFF800  }
0x6f: {  	_ =	swait.ge [sflag:s30], $0x800  }
0x70: {  	[sflag:s30] =	ssyncset.done $0x0  }
0x71: {  	[sflag:s30] =	ssyncadd.s32 $0xFFFFF800  }
0x72: {  	_ =	swait.ge [sflag:s30], $0x800  }
0x73: {  	[sflag:s30] =	ssyncset.done $0x0  }
0x74: {  	[sflag:s30] =	ssyncadd.s32 $0xFFFFF800  }
0x75: {  	_ =	swait.ge [sflag:s30], $0x800  }
0x76: {  	[sflag:s30] =	ssyncset.done $0x0  }
0x77: {  	[sflag:s30] =	ssyncadd.s32 $0xFFFFF800  }
0x78: {  	v12 =	vor.u32 s8, v0;
	_ =	swait.ge [sflag:s30], $0x800  }
0x79: {  	v13 =	vshll.u32 v12, $0x4;
	[sflag:s30] =	ssyncset.done $0x0  }
0x7a: {  	v14 =	vor.u32 $0x2, v13;
	[sflag:s30] =	ssyncadd.s32 $0xFFFFF800  }
0x7b: {  	_ =	swait.ge [sflag:s30], $0x800  }
0x7c: {  	[sflag:s30] =	ssyncset.done $0x0  }
0x7d: {  	v15 =	vor.u32 $0x1, v13;
	[sflag:s30] =	ssyncadd.s32 $0xFFFFF800  }
0x7e: {  	v16 =	vld.idx.msk [tilespmem:v13+s18+$0x0], $0xffff  }
0x7f: {  	v17 =	vld.idx.msk [tilespmem:v14+s19+$0x0], $0xffff  }
0x80: {  	v18 =	vld.idx.msk [tilespmem:v13+s19+$0x0], $0xffff  }
0x81: {  	v14 =	vld.idx.msk [tilespmem:v14+s18+$0x0], $0xffff  }
0x82: {  	v19 =	vld.idx.msk [tilespmem:v15+s19+$0x0], $0xffff  }
0x83: {  	v15 =	vld.idx.msk [tilespmem:v15+s18+$0x0], $0xffff;
	_ =	sdelay $0x2  }
0x84: {  	v14 =	vsub.f32 v14, v17  }
0x85: {  	v16 =	vsub.f32 v16, v18  }
0x86: {  	v15 =	vsub.f32 v15, v19;
	v17 =	vmul.f32 v14, v11  }
0x87: {  	v13 =	vor.u32 $0x3, v13;
	v18 =	vand.u32 $0x3C8, v12;
	v19 =	vmul.f32 v16, v11  }
0x88: {  	v12 =	vand.u32 v2, v12;
	v20 =	vmul.f32 v15, v11;
	vm0 =	vlt.f32 v17, $-5.000000000e-01  }
0x89: {  	vm1 =	vlt.f32 v19, $-5.000000000e-01;
	vm2 =	vgt.f32 v17, $5.000000000e-01;
	vm13 =	vgt.f32 v19, $5.000000000e-01  }
0x8a: {  	vm14 =	vlt.f32 v20, $-5.000000000e-01;
	vm15 =	vgt.f32 v20, $5.000000000e-01;
	v21 =	vsel vm1, $0xBF800000, v1  }
0x8b: {  	v17 =	vsel vm0, $0xBF800000, v1;
	v20 =	vsel vm14, $0xBF800000, v1;
	v19 =	vsel vm13, $0x3F800000, v21  }
0x8c: {  	v21 =	vor.u32 v3, v18;
	v20 =	vsel vm15, $0x3F800000, v20;
	v19 =	vmul.f32 v19, v10  }
0x8d: {  	v22 =	vor.u32 v4, v18;
	v17 =	vsel vm2, $0x3F800000, v17;
	v20 =	vmul.f32 v20, v10  }
0x8e: {  	s12 =	simm.s32 $0x10;
	v23 =	vld.idx.msk [tilespmem:v13+s18+$0x0], $0xffff;
	v17 =	vmul.f32 v17, v10;
	v16 =	vsub.f32 v16, v19;
	v19 =	vor.u32 v5, v18  }
0x8f: {  	v13 =	vld.idx.msk [tilespmem:v13+s19+$0x0], $0xffff;
	v15 =	vsub.f32 v15, v20;
	v18 =	vor.u32 v6, v18;
	v20 =	vor.u32 s12, v0  }
0x90: {  	v14 =	vsub.f32 v14, v17;
	[tilespmem:v12+s31+$0x0] =	vst.idx.msk $0xffff, v16;
	v12 =	vshll.u32 v20, $0x4  }
0x91: {  	[tilespmem:v21+s31+$0x0] =	vst.idx.msk $0xffff, v15  }
0x92: {  	v15 =	vor.u32 $0x1, v12;
	[tilespmem:v22+s31+$0x0] =	vst.idx.msk $0xffff, v14  }
0x93: {  	[tilespmem:v19+s31+$0x0] =	vst.idx.msk $0xffff, v23  }
0x94: {  	v14 =	vor.u32 $0x2, v12;
	[tilespmem:v18+s31+$0x0] =	vst.idx.msk $0xffff, v13  }
0x95: {  	v13 =	vld.idx.msk [tilespmem:v12+s18+$0x0], $0xffff  }
0x96: {  	v16 =	vld.idx.msk [tilespmem:v12+s19+$0x0], $0xffff  }
0x97: {  	v18 =	vld.idx.msk [tilespmem:v15+s19+$0x0], $0xffff  }
0x98: {  	v15 =	vld.idx.msk [tilespmem:v15+s18+$0x0], $0xffff  }
0x99: {  	v17 =	vld.idx.msk [tilespmem:v14+s18+$0x0], $0xffff  }
0x9a: {  	v14 =	vld.idx.msk [tilespmem:v14+s19+$0x0], $0xffff;
	_ =	sdelay $0x1  }
0x9b: {  	v13 =	vsub.f32 v13, v16;
	_ =	sdelay $0x1  }
0x9c: {  	v19 =	vand.u32 $0x3D8, v20;
	v15 =	vsub.f32 v15, v18;
	v16 =	vmul.f32 v13, v11  }
0x9d: {  	v21 =	vor.u32 v3, v19;
	v12 =	vor.u32 $0x3, v12;
	v14 =	vsub.f32 v17, v14  }
0x9e: {  	v18 =	vand.u32 v7, v20;
	v17 =	vmul.f32 v15, v11;
	vm4 =	vlt.f32 v16, $-5.000000000e-01  }
0x9f: {  	vm5 =	vgt.f32 v16, $5.000000000e-01;
	v20 =	vmul.f32 v14, v11;
	v16 =	vsel vm4, $0xBF800000, v1  }
0xa0: {  	vm6 =	vlt.f32 v17, $-5.000000000e-01;
	vm7 =	vgt.f32 v17, $5.000000000e-01;
	v16 =	vsel vm5, $0x3F800000, v16  }
0xa1: {  	v17 =	vsel vm6, $0xBF800000, v1;
	vm8 =	vlt.f32 v20, $-5.000000000e-01;
	vm9 =	vgt.f32 v20, $5.000000000e-01  }
0xa2: {  	v16 =	vmul.f32 v16, v10;
	v17 =	vsel vm7, $0x3F800000, v17;
	v20 =	vsel vm8, $0xBF800000, v1  }
0xa3: {  	v22 =	vor.u32 v4, v19;
	v17 =	vmul.f32 v17, v10;
	v20 =	vsel vm9, $0x3F800000, v20  }
0xa4: {  	s10 =	simm.s32 $0x20;
	v23 =	vor.u32 v5, v19;
	v13 =	vsub.f32 v13, v16;
	v16 =	vld.idx.msk [tilespmem:v12+s18+$0x0], $0xffff;
	v20 =	vmul.f32 v20, v10  }
0xa5: {  	v12 =	vld.idx.msk [tilespmem:v12+s19+$0x0], $0xffff;
	v15 =	vsub.f32 v15, v17;
	v17 =	vor.u32 v6, v19;
	v19 =	vor.u32 s10, v0  }
0xa6: {  	[tilespmem:v18+s31+$0x0] =	vst.idx.msk $0xffff, v13;
	v13 =	vsub.f32 v14, v20;
	v14 =	vshll.u32 v19, $0x4  }
0xa7: {  	[tilespmem:v21+s31+$0x0] =	vst.idx.msk $0xffff, v15  }
0xa8: {  	[tilespmem:v22+s31+$0x0] =	vst.idx.msk $0xffff, v13;
	v13 =	vor.u32 $0x2, v14  }
0xa9: {  	[tilespmem:v23+s31+$0x0] =	vst.idx.msk $0xffff, v16  }
0xaa: {  	[tilespmem:v17+s31+$0x0] =	vst.idx.msk $0xffff, v12;
	v12 =	vor.u32 $0x1, v14  }
0xab: {  	v15 =	vld.idx.msk [tilespmem:v14+s18+$0x0], $0xffff  }
0xac: {  	v16 =	vld.idx.msk [tilespmem:v14+s19+$0x0], $0xffff  }
0xad: {  	v17 =	vld.idx.msk [tilespmem:v13+s19+$0x0], $0xffff  }
0xae: {  	v13 =	vld.idx.msk [tilespmem:v13+s18+$0x0], $0xffff  }
0xaf: {  	v18 =	vld.idx.msk [tilespmem:v12+s18+$0x0], $0xffff  }
0xb0: {  	v12 =	vld.idx.msk [tilespmem:v12+s19+$0x0], $0xffff;
	_ =	sdelay $0x1  }
0xb1: {  	v15 =	vsub.f32 v15, v16;
	_ =	sdelay $0x1  }
0xb2: {  	v16 =	vmul.f32 v15, v11;
	v13 =	vsub.f32 v13, v17  }
0xb3: {  	v12 =	vsub.f32 v18, v12  }
0xb4: {  	v14 =	vor.u32 $0x3, v14;
	vm10 =	vlt.f32 v16, $-5.000000000e-01;
	v18 =	vmul.f32 v13, v11  }
0xb5: {  	vm11 =	vgt.f32 v16, $5.000000000e-01;
	v16 =	vsel vm10, $0xBF800000, v1;
	v20 =	vmul.f32 v12, v11  }
0xb6: {  	v17 =	vand.u32 $0x3E8, v19;
	v19 =	vand.u32 v8, v19;
	v16 =	vsel vm11, $0x3F800000, v16  }
0xb7: {  	vm12 =	vgt.f32 v18, $5.000000000e-01;
	vm15 =	vlt.f32 v18, $-5.000000000e-01;
	vm13 =	vlt.f32 v20, $-5.000000000e-01  }
0xb8: {  	v16 =	vmul.f32 v16, v10;
	vm14 =	vgt.f32 v20, $5.000000000e-01;
	v20 =	vsel vm13, $0xBF800000, v1  }
0xb9: {  	v21 =	vsel vm15, $0xBF800000, v1;
	v18 =	vsel vm14, $0x3F800000, v20;
	v20 =	vor.u32 v3, v17  }
0xba: {  	v22 =	vor.u32 v4, v17;
	v21 =	vsel vm12, $0x3F800000, v21;
	v18 =	vmul.f32 v18, v10  }
0xbb: {  	s12 =	simm.s32 $0x30;
	v23 =	vor.u32 v5, v17;
	v15 =	vsub.f32 v15, v16;
	v16 =	vld.idx.msk [tilespmem:v14+s18+$0x0], $0xffff;
	v21 =	vmul.f32 v21, v10  }
0xbc: {  	v24 =	vld.idx.msk [tilespmem:v14+s19+$0x0], $0xffff;
	v14 =	vor.u32 s12, v0;
	v17 =	vor.u32 v6, v17;
	v12 =	vsub.f32 v12, v18  }
0xbd: {  	[tilespmem:v19+s31+$0x0] =	vst.idx.msk $0xffff, v15;
	v13 =	vsub.f32 v13, v21;
	v21 =	vshll.u32 v14, $0x4  }
0xbe: {  	[tilespmem:v20+s31+$0x0] =	vst.idx.msk $0xffff, v12  }
0xbf: {  	v12 =	vor.u32 $0x2, v21;
	[tilespmem:v22+s31+$0x0] =	vst.idx.msk $0xffff, v13  }
0xc0: {  	[tilespmem:v23+s31+$0x0] =	vst.idx.msk $0xffff, v16  }
0xc1: {  	v13 =	vor.u32 $0x1, v21;
	[tilespmem:v17+s31+$0x0] =	vst.idx.msk $0xffff, v24  }
0xc2: {  	v16 =	vld.idx.msk [tilespmem:v21+s18+$0x0], $0xffff  }
0xc3: {  	v15 =	vor.u32 $0x3, v21;
	v21 =	vld.idx.msk [tilespmem:v21+s19+$0x0], $0xffff  }
0xc4: {  	v18 =	vld.idx.msk [tilespmem:v12+s19+$0x0], $0xffff  }
0xc5: {  	v19 =	vld.idx.msk [tilespmem:v12+s18+$0x0], $0xffff  }
0xc6: {  	v17 =	vld.idx.msk [tilespmem:v13+s18+$0x0], $0xffff  }
0xc7: {  	v20 =	vld.idx.msk [tilespmem:v13+s19+$0x0], $0xffff  }
0xc8: {  	s8 =	simm.s32 $0x40;
	v12 =	vand.u32 $0x3F8, v14;
	v13 =	vld.idx.msk [tilespmem:v15+s18+$0x0], $0xffff  }
.LBB2_3:
0xc9: {  	p0 =	sne.s32 s8, $0x3C0;
	v15 =	vld.idx.msk [tilespmem:v15+s19+$0x0], $0xffff;
	s10 =	smov.u32 s8;
	s8 =	sadd.s32 $0x40, s8  }
0xca: {  	_ = 	snop  }
0xcb: {  	v18 =	vsub.f32 v19, v18  }
0xcc: {  	v16 =	vsub.f32 v16, v21  }
0xcd: {  	v17 =	vsub.f32 v17, v20;
	v19 =	vmul.f32 v18, v11  }
0xce: {  	v22 =	vor.u32 v6, v12;
	v21 =	vor.u32 v3, v12;
	v20 =	vmul.f32 v16, v11  }
0xcf: {  	v14 =	vand.u32 v9, v14;
	v23 =	vmul.f32 v17, v11;
	vm0 =	vlt.f32 v19, $-5.000000000e-01  }
0xd0: {  	vm2 =	vgt.f32 v19, $5.000000000e-01;
	vm1 =	vlt.f32 v20, $-5.000000000e-01;
	v19 =	vsel vm0, $0xBF800000, v1  }
0xd1: {  	vm0 =	vgt.f32 v20, $5.000000000e-01;
	v20 =	vsel vm1, $0xBF800000, v1;
	vm1 =	vlt.f32 v23, $-5.000000000e-01  }
0xd2: {  	v20 =	vsel vm0, $0x3F800000, v20;
	vm0 =	vgt.f32 v23, $5.000000000e-01;
	v23 =	vsel vm1, $0xBF800000, v1  }
0xd3: {  	v19 =	vsel vm2, $0x3F800000, v19;
	v20 =	vmul.f32 v20, v10;
	v23 =	vsel vm0, $0x3F800000, v23  }
0xd4: {  	v24 =	vor.u32 v4, v12;
	v19 =	vmul.f32 v19, v10;
	v23 =	vmul.f32 v23, v10  }
0xd5: {  	v25 =	vor.u32 s10, v0;
	v12 =	vor.u32 v5, v12;
	v16 =	vsub.f32 v16, v20  }
0xd6: {  	v18 =	vsub.f32 v18, v19;
	v20 =	vshll.u32 v25, $0x4;
	v17 =	vsub.f32 v17, v23  }
0xd7: {  	v26 =	vand.u32 $0x3C8, v25;
	v19 =	vor.u32 $0x1, v20;
	v23 =	vor.u32 $0x2, v20;
	[tilespmem:v14+s31+$0x0] =	vst.idx.msk $0xffff, v16  }
0xd8: {  	[tilespmem:v21+s31+$0x0] =	vst.idx.msk $0xffff, v17  }
0xd9: {  	[tilespmem:v24+s31+$0x0] =	vst.idx.msk $0xffff, v18  }
0xda: {  	[tilespmem:v12+s31+$0x0] =	vst.idx.msk $0xffff, v13  }
0xdb: {  	[tilespmem:v22+s31+$0x0] =	vst.idx.msk $0xffff, v15  }
0xdc: {  	v12 =	vld.idx.msk [tilespmem:v20+s18+$0x0], $0xffff  }
0xdd: {  	v13 =	vld.idx.msk [tilespmem:v23+s19+$0x0], $0xffff  }
0xde: {  	v14 =	vld.idx.msk [tilespmem:v20+s19+$0x0], $0xffff  }
0xdf: {  	v15 =	vld.idx.msk [tilespmem:v23+s18+$0x0], $0xffff  }
0xe0: {  	v16 =	vld.idx.msk [tilespmem:v19+s19+$0x0], $0xffff  }
0xe1: {  	v17 =	vld.idx.msk [tilespmem:v19+s18+$0x0], $0xffff;
	_ =	sdelay $0x3  }
0xe2: {  	v13 =	vsub.f32 v15, v13  }
0xe3: {  	v12 =	vsub.f32 v12, v14  }
0xe4: {  	v14 =	vsub.f32 v17, v16;
	v15 =	vmul.f32 v13, v11  }
0xe5: {  	v16 =	vmul.f32 v12, v11;
	v17 =	vand.u32 v2, v25  }
0xe6: {  	v18 =	vor.u32 $0x3, v20;
	v19 =	vmul.f32 v14, v11;
	vm0 =	vlt.f32 v15, $-5.000000000e-01  }
0xe7: {  	vm1 =	vlt.f32 v16, $-5.000000000e-01;
	vm2 =	vgt.f32 v15, $5.000000000e-01;
	v15 =	vsel vm0, $0xBF800000, v1  }
0xe8: {  	v20 =	vsel vm1, $0xBF800000, v1;
	vm0 =	vgt.f32 v19, $5.000000000e-01;
	v15 =	vsel vm2, $0x3F800000, v15  }
0xe9: {  	vm1 =	vgt.f32 v16, $5.000000000e-01;
	vm2 =	vlt.f32 v19, $-5.000000000e-01;
	v15 =	vmul.f32 v15, v10  }
0xea: {  	v16 =	vsel vm1, $0x3F800000, v20;
	v20 =	vor.u32 v3, v26;
	v19 =	vsel vm2, $0xBF800000, v1  }
0xeb: {  	v16 =	vmul.f32 v16, v10;
	v19 =	vsel vm0, $0x3F800000, v19;
	v13 =	vsub.f32 v13, v15  }
0xec: {  	v21 =	vor.u32 v4, v26;
	v19 =	vmul.f32 v19, v10;
	v15 =	vld.idx.msk [tilespmem:v18+s18+$0x0], $0xffff  }
0xed: {  	s12 =	sadd.s32 $0x10, s10;
	v12 =	vsub.f32 v12, v16;
	v16 =	vor.u32 v5, v26;
	v18 =	vld.idx.msk [tilespmem:v18+s19+$0x0], $0xffff  }
0xee: {  	v22 =	vor.u32 s12, v0;
	v14 =	vsub.f32 v14, v19;
	v19 =	vor.u32 v6, v26  }
0xef: {  	[tilespmem:v17+s31+$0x0] =	vst.idx.msk $0xffff, v12;
	v12 =	vshll.u32 v22, $0x4;
	v17 =	vand.u32 $0x3D8, v22  }
0xf0: {  	[tilespmem:v20+s31+$0x0] =	vst.idx.msk $0xffff, v14  }
0xf1: {  	[tilespmem:v21+s31+$0x0] =	vst.idx.msk $0xffff, v13;
	v13 =	vor.u32 $0x2, v12  }
0xf2: {  	v14 =	vor.u32 $0x1, v12;
	[tilespmem:v16+s31+$0x0] =	vst.idx.msk $0xffff, v15  }
0xf3: {  	[tilespmem:v19+s31+$0x0] =	vst.idx.msk $0xffff, v18  }
0xf4: {  	v15 =	vld.idx.msk [tilespmem:v12+s18+$0x0], $0xffff  }
0xf5: {  	v16 =	vld.idx.msk [tilespmem:v12+s19+$0x0], $0xffff  }
0xf6: {  	v18 =	vld.idx.msk [tilespmem:v13+s18+$0x0], $0xffff  }
0xf7: {  	v19 =	vld.idx.msk [tilespmem:v14+s19+$0x0], $0xffff  }
0xf8: {  	v14 =	vld.idx.msk [tilespmem:v14+s18+$0x0], $0xffff  }
0xf9: {  	v13 =	vld.idx.msk [tilespmem:v13+s19+$0x0], $0xffff;
	_ =	sdelay $0x1  }
0xfa: {  	v15 =	vsub.f32 v15, v16;
	_ =	sdelay $0x1  }
0xfb: {  	v16 =	vmul.f32 v15, v11  }
0xfc: {  	v14 =	vsub.f32 v14, v19  }
0xfd: {  	v12 =	vor.u32 $0x3, v12;
	vm0 =	vlt.f32 v16, $-5.000000000e-01;
	v13 =	vsub.f32 v18, v13  }
0xfe: {  	vm1 =	vgt.f32 v16, $5.000000000e-01;
	v16 =	vsel vm0, $0xBF800000, v1;
	v18 =	vmul.f32 v14, v11  }
0xff: {  	v19 =	vand.u32 v7, v22;
	v16 =	vsel vm1, $0x3F800000, v16;
	v20 =	vmul.f32 v13, v11  }
0x100: {  	v21 =	vor.u32 v3, v17;
	v16 =	vmul.f32 v16, v10;
	vm0 =	vlt.f32 v18, $-5.000000000e-01  }
0x101: {  	vm1 =	vgt.f32 v18, $5.000000000e-01;
	v18 =	vsel vm0, $0xBF800000, v1;
	vm0 =	vgt.f32 v20, $5.000000000e-01  }
0x102: {  	v15 =	vsub.f32 v15, v16;
	v16 =	vsel vm1, $0x3F800000, v18;
	vm1 =	vlt.f32 v20, $-5.000000000e-01;
	v22 =	vld.idx.msk [tilespmem:v12+s19+$0x0], $0xffff  }
0x103: {  	v16 =	vmul.f32 v16, v10;
	v18 =	vsel vm1, $0xBF800000, v1;
	v12 =	vld.idx.msk [tilespmem:v12+s18+$0x0], $0xffff  }
0x104: {  	[tilespmem:v19+s31+$0x0] =	vst.idx.msk $0xffff, v15;
	v15 =	vsel vm0, $0x3F800000, v18;
	v18 =	vor.u32 v4, v17  }
0x105: {  	s12 =	sadd.s32 $0x20, s10;
	v14 =	vsub.f32 v14, v16;
	v16 =	vor.u32 v5, v17;
	v15 =	vmul.f32 v15, v10  }
0x106: {  	v17 =	vor.u32 v6, v17;
	v19 =	vor.u32 s12, v0  }
0x107: {  	[tilespmem:v21+s31+$0x0] =	vst.idx.msk $0xffff, v14;
	v13 =	vsub.f32 v13, v15;
	v14 =	vshll.u32 v19, $0x4;
	v15 =	vand.u32 $0x3E8, v19;
	_ =	sdelay $0x1  }
0x108: {  	[tilespmem:v18+s31+$0x0] =	vst.idx.msk $0xffff, v13;
	v13 =	vor.u32 $0x2, v14  }
0x109: {  	[tilespmem:v16+s31+$0x0] =	vst.idx.msk $0xffff, v12  }
0x10a: {  	v12 =	vor.u32 $0x1, v14;
	[tilespmem:v17+s31+$0x0] =	vst.idx.msk $0xffff, v22  }
0x10b: {  	v16 =	vld.idx.msk [tilespmem:v14+s18+$0x0], $0xffff  }
0x10c: {  	v17 =	vld.idx.msk [tilespmem:v14+s19+$0x0], $0xffff  }
0x10d: {  	v18 =	vld.idx.msk [tilespmem:v13+s19+$0x0], $0xffff  }
0x10e: {  	v13 =	vld.idx.msk [tilespmem:v13+s18+$0x0], $0xffff  }
0x10f: {  	v20 =	vld.idx.msk [tilespmem:v12+s18+$0x0], $0xffff  }
0x110: {  	v12 =	vld.idx.msk [tilespmem:v12+s19+$0x0], $0xffff;
	_ =	sdelay $0x1  }
0x111: {  	v16 =	vsub.f32 v16, v17;
	_ =	sdelay $0x1  }
0x112: {  	v17 =	vmul.f32 v16, v11;
	v13 =	vsub.f32 v13, v18  }
0x113: {  	v14 =	vor.u32 $0x3, v14  }
0x114: {  	vm0 =	vlt.f32 v17, $-5.000000000e-01;
	v12 =	vsub.f32 v20, v12;
	v18 =	vmul.f32 v13, v11  }
0x115: {  	v19 =	vand.u32 v8, v19;
	vm1 =	vgt.f32 v17, $5.000000000e-01;
	v17 =	vsel vm0, $0xBF800000, v1  }
0x116: {  	v17 =	vsel vm1, $0x3F800000, v17;
	v20 =	vmul.f32 v12, v11;
	vm0 =	vgt.f32 v18, $5.000000000e-01  }
0x117: {  	v17 =	vmul.f32 v17, v10  }
0x118: {  	vm1 =	vgt.f32 v20, $5.000000000e-01;
	vm2 =	vlt.f32 v20, $-5.000000000e-01  }
0x119: {  	v16 =	vsub.f32 v16, v17;
	v17 =	vsel vm2, $0xBF800000, v1;
	vm2 =	vlt.f32 v18, $-5.000000000e-01;
	v20 =	vld.idx.msk [tilespmem:v14+s19+$0x0], $0xffff  }
0x11a: {  	v21 =	vsel vm2, $0xBF800000, v1;
	v18 =	vld.idx.msk [tilespmem:v14+s18+$0x0], $0xffff;
	v14 =	vsel vm1, $0x3F800000, v17;
	v17 =	vor.u32 v3, v15  }
0x11b: {  	[tilespmem:v19+s31+$0x0] =	vst.idx.msk $0xffff, v16;
	v14 =	vmul.f32 v14, v10;
	v16 =	vsel vm0, $0x3F800000, v21;
	v19 =	vor.u32 v4, v15  }
0x11c: {  	s10 =	sadd.s32 $0x30, s10;
	v21 =	vor.u32 v5, v15;
	v16 =	vmul.f32 v16, v10  }
0x11d: {  	v15 =	vor.u32 v6, v15;
	v22 =	vsub.f32 v12, v14;
	v14 =	vor.u32 s10, v0  }
0x11e: {  	v13 =	vsub.f32 v13, v16;
	v23 =	vshll.u32 v14, $0x4;
	v12 =	vand.u32 $0x3F8, v14  }
0x11f: {  	[tilespmem:v17+s31+$0x0] =	vst.idx.msk $0xffff, v22;
	v22 =	vor.u32 $0x2, v23  }
0x120: {  	[tilespmem:v19+s31+$0x0] =	vst.idx.msk $0xffff, v13;
	v13 =	vor.u32 $0x1, v23  }
0x121: {  	[tilespmem:v21+s31+$0x0] =	vst.idx.msk $0xffff, v18  }
0x122: {  	[tilespmem:v15+s31+$0x0] =	vst.idx.msk $0xffff, v20  }
0x123: {  	v16 =	vld.idx.msk [tilespmem:v23+s18+$0x0], $0xffff  }
0x124: {  	v15 =	vor.u32 $0x3, v23;
	v18 =	vld.idx.msk [tilespmem:v22+s19+$0x0], $0xffff  }
.Ltmp0:
0x125: {  	v17 =	vld.idx.msk [tilespmem:v13+s18+$0x0], $0xffff;
	(pc) =	sbr.rel @p0 .LBB2_3-.Ltmp0, $4  }
0x126: {  	v19 =	vld.idx.msk [tilespmem:v22+s18+$0x0], $0xffff  }
0x127: {  	v21 =	vld.idx.msk [tilespmem:v23+s19+$0x0], $0xffff  }
0x128: {  	v20 =	vld.idx.msk [tilespmem:v13+s19+$0x0], $0xffff  }
0x129: {  	v13 =	vld.idx.msk [tilespmem:v15+s18+$0x0], $0xffff  }
0x12a: {  	_ =	sdelay $0x1  }
0x12b: {  	v18 =	vsub.f32 v19, v18;
	v16 =	vsub.f32 v16, v21  }
0x12c: {  	v17 =	vsub.f32 v17, v20  }
0x12d: {  	v57 =	vmul.f32 v18, v11;
	v56 =	vmul.f32 v16, v11  }
0x12e: {  	v58 =	vor.u32 v3, v12;
	v14 =	vand.u32 v9, v14;
	v22 =	vmul.f32 v17, v11  }
0x12f: {  	vm13 =	vlt.f32 v57, $-5.000000000e-01;
	vm14 =	vgt.f32 v57, $5.000000000e-01;
	vm0 =	vlt.f32 v56, $-5.000000000e-01  }
0x130: {  	vm1 =	vgt.f32 v56, $5.000000000e-01;
	v59 =	vsel vm0, $0xBF800000, v1;
	vm2 =	vlt.f32 v22, $-5.000000000e-01  }
0x131: {  	vm15 =	vgt.f32 v22, $5.000000000e-01;
	v19 =	vsel vm1, $0x3F800000, v59;
	v60 =	vsel vm2, $0xBF800000, v1  }
0x132: {  	v61 =	vsel vm13, $0xBF800000, v1;
	v19 =	vmul.f32 v19, v10;
	v20 =	vsel vm15, $0x3F800000, v60  }
0x133: {  	v23 =	vor.u32 v4, v12;
	v22 =	vsel vm14, $0x3F800000, v61;
	v20 =	vmul.f32 v20, v10  }
0x134: {  	v62 =	vor.u32 v5, v12;
	v22 =	vmul.f32 v22, v10;
	v16 =	vsub.f32 v16, v19  }
0x135: {  	v15 =	vld.idx.msk [tilespmem:v15+s19+$0x0], $0xffff;
	v63 =	vor.u32 v6, v12;
	v17 =	vsub.f32 v17, v20  }
0x136: {  	v18 =	vsub.f32 v18, v22;
	[tilespmem:v14+s31+$0x0] =	vst.idx.msk $0xffff, v16  }
0x137: {  	[tilespmem:v58+s31+$0x0] =	vst.idx.msk $0xffff, v17  }
0x138: {  	s2 =	sadd.s32 $0x1, s2;
	[tilespmem:v23+s31+$0x0] =	vst.idx.msk $0xffff, v18  }
0x139: {  	p0 =	sne.s32 s2, $0x31;
	[tilespmem:v62+s31+$0x0] =	vst.idx.msk $0xffff, v13  }
.Ltmp1:
0x13a: {  	s4 =	sadd.s32 s7, s4;
	[tilespmem:v63+s31+$0x0] =	vst.idx.msk $0xffff, v15;
	(pc) =	sbr.rel @p0 .LBB2_2-.Ltmp1, $4  }
0x13b: {  	[hbm4b:s4+s1] =	stream.strided.scatter [tilespmem:s31], [sflag:$0x3], $0x1400, s0, s1, $0x38;
	[tilespmem:$0x16040] =	vst v63  }
0x13c: {  	_ =	swait.ge [sflag:s11], $0x1400  }
0x13d: {  	[sflag:s11] =	ssyncset.done $0x0  }
0x13e: {  	[sflag:s11] =	ssyncadd.s32 $0xFFFFEC00  }
0x13f: {  	s4 =	rddreg [dreg:$0x8]  }
0x140: {  	s2 =	rddreg [dreg:$0x5];
	s4 =	sadd.s32 $0x1, s4  }
0x141: {  	p0 =	sne.s32 s4, s2  }
.Ltmp2:
0x142: {  	_ = 	snop;
	(pc) =	sbr.rel @p0 .LBB2_1-.Ltmp2, $1  }
0x143: {  	_ =	sdelay $0x3  }
0x144: {  	_ =	sfence.sel $0x180000  }
0x145: {  	[bflag:$0x0] =	sbarrier.arrive $0xFFFF  }
0x146: {  	_ =	strace $0x90000047  }
0x147: {  	s0 =	stileid.u32;
	[bflag:$0x2] =	sbarrier.arrive $0xFFFF  }
0x148: {  	p0 =	sne.s32 s0, $0x0;
	s0 =	rddreg [dreg:$0x3]  }
0x149: {  	s0 =	sadd.s32 @!p0 $0x100000, s0  }
0x14a: {  	[sflag:s0] =	ssyncadd.tile.s32 @!p0 $0x1;
	_ =	shalt  }
.Lfunc_end2:
_tile_overlayer_lowered:
.L_overlay_start_2:
0x14b: {  	(tag) =	ssettag $0x2  }
0x14c: {  	s0 =	rddreg [dreg:$0x0];
	s2 =	stileid.u32  }
0x14d: {  	s1 =	rddreg [dreg:$0x1];
	p0 =	sne.s32 s2, $0x0  }
0x14e: {  	s3 =	rddreg [dreg:$0x2];
	[bflag:$0x3] =	sbarrier.arrive $0xFFFF;
	s2 =	simm.s32 @!p0 $0x1C03  }
0x14f: {  	[timem:s3], [sflag:s2] =	dma.local @!p0 [hbm:s0], s1  }
0x150: {  	s0 =	simm.s32 @!p0 $0x3  }
0x151: {  	_ =	swait.ge @!p0 [sflag:s0], s1  }
0x152: {  	s1 =	ssub.s32 @!p0 $0x0, s1;
	[sflag:s0] =	ssyncset.done @!p0 $0x0  }
0x153: {  	[sflag:s0] =	ssyncadd.s32 @!p0 s1  }
0x154: {  	[bflag:$0x3] =	sbarrier.arrive $0xFFFF  }
0x155: {  	_ =	shalt  }

</sc_bundles>
